<compile_context>
chip_gen: v7x
topology: tpu7x:2x2x1
jax: 0.10.2.dev20260603
libtpu: 0.0.44.dev20260713+nightly
codegen_flags: <defaults>
</compile_context>

<pallas_src>
import functools

import jax
import jax.numpy as jnp
from jax import lax
from jax.experimental import pallas as pl
from jax.experimental.pallas import tpu as pltpu
from jax.experimental.pallas import tpu_sc as plsc

_N = 10000
_E = 320000
_D = 128
_DH = _D // 2
_NC = 2
_NS = 16
_NW = _NC * _NS
_C = 128
_EP = 327680
_ROWS = _EP // _C
_RPT = _ROWS // _NS
_GRP = 16
_NGRP = _RPT // _GRP
_NPAD = 10240
_WB = _NPAD // _NS
_BN = 1000



def _deg_body(dst_hbm, out_hbm, hist, idx, ones, zbuf):
    c = lax.axis_index("c")
    s = lax.axis_index("s")
    wid = s * _NC + c

    def fill_ones(i, carry):
        ones[pl.ds(i * 16, 16)] = jnp.ones((16,), jnp.float32)
        return carry

    lax.fori_loop(0, _C // 16, fill_ones, 0)

    @pl.when(s == 0)
    def _init():
        def fill_z(i, carry):
            zbuf[pl.ds(i * 16, 16)] = jnp.zeros((16,), jnp.float32)
            return carry

        lax.fori_loop(0, 128, fill_z, 0)
        for j in range(_NPAD // 2048):
            pltpu.sync_copy(zbuf, hist.at[pl.ds(j * 2048, 2048)])

    plsc.subcore_barrier()

    base_row = wid * (_ROWS // _NW)

    def group(g, carry):
        pltpu.sync_copy(dst_hbm.at[pl.ds(base_row + g * _GRP, _GRP), :], idx)
        for j in range(_GRP):
            pltpu.sync_copy(ones, hist.at[idx.at[j]], add=True)
        return carry

    lax.fori_loop(0, (_ROWS // _NW) // _GRP, group, 0)

    plsc.subcore_barrier()
    nb = s * _WB
    pltpu.sync_copy(hist.at[pl.ds(nb, _WB)], out_hbm.at[c, pl.ds(nb, _WB)])


def _agg_body(hsL_hbm, hsR_hbm, src_hbm, dst_hbm, out_hbm,
              table, acc, sidx, didx, rows, semg, sems):
    c = lax.axis_index("c")
    s = lax.axis_index("s")
    nb = s * _WB

    @pl.when(c == 0)
    def _stage0():
        pltpu.sync_copy(hsL_hbm.at[pl.ds(nb, _WB), :], table.at[pl.ds(nb, _WB), :])
        pltpu.sync_copy(hsL_hbm.at[pl.ds(nb, _WB), :], acc.at[pl.ds(nb, _WB), :])

    @pl.when(c == 1)
    def _stage1():
        pltpu.sync_copy(hsR_hbm.at[pl.ds(nb, _WB), :], table.at[pl.ds(nb, _WB), :])
        pltpu.sync_copy(hsR_hbm.at[pl.ds(nb, _WB), :], acc.at[pl.ds(nb, _WB), :])

    plsc.subcore_barrier()

    base_row = s * _RPT

    def group(g, carry):
        pltpu.sync_copy(src_hbm.at[pl.ds(base_row + g * _GRP, _GRP), :], sidx)
        pltpu.sync_copy(dst_hbm.at[pl.ds(base_row + g * _GRP, _GRP), :], didx)
        gd = [None] * _GRP
        sd = [None] * _GRP
        for k in range(3):
            gd[k] = pltpu.async_copy(table.at[sidx.at[k]], rows.at[k], semg)
        for j in range(_GRP):
            gd[j].wait()
            sd[j] = pltpu.async_copy(rows.at[j % 4], acc.at[didx.at[j]],
                                     sems, add=True)
            if j >= 1:
                sd[j - 1].wait()
            if j + 3 < _GRP:
                gd[j + 3] = pltpu.async_copy(table.at[sidx.at[j + 3]],
                                             rows.at[(j + 3) % 4], semg)
        sd[_GRP - 1].wait()
        return carry

    lax.fori_loop(0, _NGRP, group, 0)

    plsc.subcore_barrier()
    pltpu.sync_copy(acc.at[pl.ds(nb, _WB), :], out_hbm.at[c, pl.ds(nb, _WB), :])


@functools.lru_cache(maxsize=None)
def _make_sc_kernels():
    mesh = plsc.VectorSubcoreMesh(
        core_axis_name="c", subcore_axis_name="s",
        num_cores=_NC, num_subcores=_NS)
    params = pltpu.CompilerParams(use_tc_tiling_on_sc=False)
    deg = pl.kernel(
        _deg_body,
        out_type=jax.ShapeDtypeStruct((_NC, _NPAD), jnp.float32),
        mesh=mesh,
        compiler_params=params,
        scratch_types=[
            pltpu.VMEM_SHARED((_NPAD,), jnp.float32),
            pltpu.VMEM((_GRP, _C), jnp.int32),
            pltpu.VMEM((_C,), jnp.float32),
            pltpu.VMEM((2048,), jnp.float32),
        ],
    )
    agg = pl.kernel(
        _agg_body,
        out_type=jax.ShapeDtypeStruct((_NC, _NPAD, _DH), jnp.float32),
        mesh=mesh,
        compiler_params=params,
        scratch_types=[
            pltpu.VMEM_SHARED((_NPAD, _DH), jnp.float32),
            pltpu.VMEM_SHARED((_NPAD, _DH), jnp.float32),
            pltpu.VMEM((_GRP, _C), jnp.int32),
            pltpu.VMEM((_GRP, _C), jnp.int32),
            pltpu.VMEM((4, _C, _DH), jnp.float32),
            pltpu.SemaphoreType.DMA,
            pltpu.SemaphoreType.DMA,
        ],
    )
    return deg, agg



def _tc1_body(x_ref, p0_ref, p1_ref, w0_ref, b0_ref, w1_ref, b1_ref,
              wg0_ref, outl_ref, outr_ref):
    x = x_ref[...]
    h = jnp.maximum(
        jnp.dot(x, w0_ref[...], preferred_element_type=jnp.float32)
        + b0_ref[...], 0.0)
    h = jnp.maximum(
        jnp.dot(h, w1_ref[...], preferred_element_type=jnp.float32)
        + b1_ref[...], 0.0)
    y = jnp.dot(h, wg0_ref[...], preferred_element_type=jnp.float32)
    dinv = 1.0 / jnp.sqrt(p0_ref[...] + p1_ref[...] + 1.0)
    hs = y * dinv
    outl_ref[...] = hs[:, :_DH]
    outr_ref[...] = hs[:, _DH:]


def _tc2_body(al_ref, ar_ref, p0_ref, p1_ref, bg_ref, g_ref, bl_ref,
              wg1_ref, outl_ref, outr_ref):
    dinv = 1.0 / jnp.sqrt(p0_ref[...] + p1_ref[...] + 1.0)
    a = jnp.concatenate([al_ref[...], ar_ref[...]], axis=-1)
    t = a * dinv + bg_ref[...]
    t = jnp.maximum(t, 0.0)
    mu = jnp.mean(t, axis=-1, keepdims=True)
    d = t - mu
    var = jnp.mean(d * d, axis=-1, keepdims=True)
    t = d / jnp.sqrt(var + 1e-5) * g_ref[...] + bl_ref[...]
    y = jnp.dot(t, wg1_ref[...], preferred_element_type=jnp.float32)
    hs = y * dinv
    outl_ref[...] = hs[:, :_DH]
    outr_ref[...] = hs[:, _DH:]


def _tc3_body(al_ref, ar_ref, p0_ref, p1_ref, bg_ref, g_ref, bl_ref,
              wp_ref, bp_ref, wo_ref, bo_ref, out_ref):
    dinv = 1.0 / jnp.sqrt(p0_ref[...] + p1_ref[...] + 1.0)
    a = jnp.concatenate([al_ref[...], ar_ref[...]], axis=-1)
    t = a * dinv + bg_ref[...]
    t = jnp.maximum(t, 0.0)
    mu = jnp.mean(t, axis=-1, keepdims=True)
    d = t - mu
    var = jnp.mean(d * d, axis=-1, keepdims=True)
    t = d / jnp.sqrt(var + 1e-5) * g_ref[...] + bl_ref[...]
    h = jnp.maximum(
        jnp.dot(t, wp_ref[...], preferred_element_type=jnp.float32)
        + bp_ref[...], 0.0)
    out_ref[...] = (
        jnp.dot(h, wo_ref[...], preferred_element_type=jnp.float32)
        + bo_ref[...])


def _row_spec(width):
    return pl.BlockSpec((_BN, width), lambda i: (i, 0))


def _full_spec(r, c):
    return pl.BlockSpec((r, c), lambda i: (0, 0))


_GRID = (_N // _BN,)

_half_out = [jax.ShapeDtypeStruct((_NPAD, _DH), jnp.float32)] * 2
_half_out_specs = [_row_spec(_DH), _row_spec(_DH)]

_tc1_call = pl.pallas_call(
    _tc1_body,
    grid=_GRID,
    in_specs=[_row_spec(_D), _row_spec(1), _row_spec(1),
              _full_spec(_D, _D), _full_spec(1, _D),
              _full_spec(_D, _D), _full_spec(1, _D),
              _full_spec(_D, _D)],
    out_specs=_half_out_specs,
    out_shape=_half_out,
)

_tc2_call = pl.pallas_call(
    _tc2_body,
    grid=_GRID,
    in_specs=[_row_spec(_DH), _row_spec(_DH),
              _row_spec(1), _row_spec(1),
              _full_spec(1, _D), _full_spec(1, _D), _full_spec(1, _D),
              _full_spec(_D, _D)],
    out_specs=_half_out_specs,
    out_shape=_half_out,
)

_tc3_call = pl.pallas_call(
    _tc3_body,
    grid=_GRID,
    in_specs=[_row_spec(_DH), _row_spec(_DH),
              _row_spec(1), _row_spec(1),
              _full_spec(1, _D), _full_spec(1, _D), _full_spec(1, _D),
              _full_spec(_D, _D), _full_spec(1, _D),
              _full_spec(_D, 1), _full_spec(1, 1)],
    out_specs=pl.BlockSpec((_BN, 1), lambda i: (i, 0)),
    out_shape=jax.ShapeDtypeStruct((_N, 1), jnp.float32),
)


def kernel(x, edge_index, W_pre0, b_pre0, W_pre1, b_pre1, W_g0, b_g0,
           W_g1, b_g1, ln0_g, ln0_b, ln1_g, ln1_b, W_post, b_post,
           W_out, b_out):
    npad_e = _EP - _E
    pad_src = jnp.zeros((npad_e,), jnp.int32)
    pad_dst = _N + (jnp.arange(npad_e, dtype=jnp.int32) % (_NPAD - _N))
    src2 = jnp.concatenate([edge_index[0], pad_src]).reshape(_ROWS, _C)
    dst2 = jnp.concatenate([edge_index[1], pad_dst]).reshape(_ROWS, _C)
    b_pre0r = b_pre0.reshape(1, _D)
    b_pre1r = b_pre1.reshape(1, _D)
    b_g0r = b_g0.reshape(1, _D)
    b_g1r = b_g1.reshape(1, _D)
    ln0_gr = ln0_g.reshape(1, _D)
    ln0_br = ln0_b.reshape(1, _D)
    ln1_gr = ln1_g.reshape(1, _D)
    ln1_br = ln1_b.reshape(1, _D)
    b_postr = b_post.reshape(1, _D)
    b_outr = b_out.reshape(1, 1)

    _deg_call, _agg_call = _make_sc_kernels()

    degp = _deg_call(dst2)
    p0 = degp[0, :_N].reshape(_N, 1)
    p1 = degp[1, :_N].reshape(_N, 1)

    hs1l, hs1r = _tc1_call(x, p0, p1, W_pre0, b_pre0r, W_pre1, b_pre1r, W_g0)
    aggp1 = _agg_call(hs1l, hs1r, src2, dst2)
    hs2l, hs2r = _tc2_call(aggp1[0, :_N], aggp1[1, :_N], p0, p1, b_g0r,
                           ln0_gr, ln0_br, W_g1)
    aggp2 = _agg_call(hs2l, hs2r, src2, dst2)
    out = _tc3_call(aggp2[0, :_N], aggp2[1, :_N], p0, p1, b_g1r,
                    ln1_gr, ln1_br, W_post, b_postr, W_out, b_outr)
    return out

# --- scband reference (transcript-rebuilt; emitter-appended) ---
"""Pipeline reference for scband-gene-network-84456236908940 (READ-ONLY COPY).

The authoritative reference and input builder live on the scoring server;
editing this copy changes nothing except your own understanding.
"""

import jax, jax.numpy as jnp
import numpy as np

N = 10000
E = 320000
D = 128


def _layernorm(h, gamma, beta):
    mu = jnp.mean(h, axis=-1, keepdims=True)
    var = jnp.var(h, axis=-1, keepdims=True)
    return (h - mu) / jnp.sqrt(var + 1e-5) * gamma + beta


def _gcn_conv(x, edge_index, W, b, n_nodes):
    # GCNConv: add self loops, symmetric normalization, scatter-add aggregation
    src = edge_index[0]
    dst = edge_index[1]
    loop = jnp.arange(n_nodes, dtype=src.dtype)
    src = jnp.concatenate([src, loop])
    dst = jnp.concatenate([dst, loop])
    deg = jnp.zeros((n_nodes,), dtype=x.dtype).at[dst].add(1.0)
    dinv = jnp.where(deg > 0, 1.0 / jnp.sqrt(deg), 0.0)
    norm = dinv[src] * dinv[dst]
    h = x @ W
    msg = h[src] * norm[:, None]
    out = jnp.zeros_like(h).at[dst].add(msg)
    return out + b


def setup_inputs(seed: int = 0) -> dict:
    key = jax.random.key(seed)
    ks = jax.random.split(key, 16)

    def w(k, shape):
        return (jax.random.normal(k, shape, dtype=jnp.float32) * 0.05)

    inp = {
        "x": jax.random.normal(ks[0], (N, D), dtype=jnp.float32),
        "edge_index": jax.random.randint(ks[1], (2, E), 0, N, dtype=jnp.int32),
        "W_pre0": w(ks[2], (D, D)), "b_pre0": jnp.zeros((D,), jnp.float32),
        "W_pre1": w(ks[3], (D, D)), "b_pre1": jnp.zeros((D,), jnp.float32),
        "W_g0": w(ks[4], (D, D)), "b_g0": jnp.zeros((D,), jnp.float32),
        "W_g1": w(ks[5], (D, D)), "b_g1": jnp.zeros((D,), jnp.float32),
        "ln0_g": jnp.ones((D,), jnp.float32), "ln0_b": jnp.zeros((D,), jnp.float32),
        "ln1_g": jnp.ones((D,), jnp.float32), "ln1_b": jnp.zeros((D,), jnp.float32),
        "W_post": w(ks[6], (D, D)), "b_post": jnp.zeros((D,), jnp.float32),
        "W_out": w(ks[7], (D, 1)), "b_out": jnp.zeros((1,), jnp.float32),
    }
    return inp


def reference(x, edge_index, W_pre0, b_pre0, W_pre1, b_pre1, W_g0, b_g0,
              W_g1, b_g1, ln0_g, ln0_b, ln1_g, ln1_b, W_post, b_post,
              W_out, b_out):
    n = x.shape[0]
    # pre_mp: Linear + ReLU, then npremp=1 extra (Linear + ReLU)
    h = jax.nn.relu(x @ W_pre0 + b_pre0)
    h = jax.nn.relu(h @ W_pre1 + b_pre1)
    # mp: 2 x (GCNConv -> ReLU -> LayerNorm)
    h = _gcn_conv(h, edge_index, W_g0, b_g0, n)
    h = jax.nn.relu(h)
    h = _layernorm(h, ln0_g, ln0_b)
    h = _gcn_conv(h, edge_index, W_g1, b_g1, n)
    h = jax.nn.relu(h)
    h = _layernorm(h, ln1_g, ln1_b)
    # post_mp: npostmp=1 Linear + ReLU, then output head to dim 1
    h = jax.nn.relu(h @ W_post + b_post)
    out = h @ W_out + b_out
    return out

if __name__ == "__main__":
    import jax
    _d = setup_inputs()
    print(jax.jit(kernel)(*tuple(_d.values())))

</pallas_src>

<mosaic_0001>
#map = affine_map<(d0, d1) -> (0, 0)>
#map1 = affine_map<(d0, d1) -> (0, 0, 0)>
module attributes {stable_mosaic.version = 14 : i64} {
  func.func @_agg_body(%arg0: i32, %arg1: i32, %arg2: memref<10240x64xf32, #tpu.memory_space<hbm>>, %arg3: memref<10240x64xf32, #tpu.memory_space<hbm>>, %arg4: memref<2560x128xi32, #tpu.memory_space<hbm>>, %arg5: memref<2560x128xi32, #tpu.memory_space<hbm>>, %arg6: memref<2x10240x64xf32, #tpu.memory_space<hbm>>, %arg7: memref<10240x64xf32, #tpu.memory_space<vmem_shared>>, %arg8: memref<10240x64xf32, #tpu.memory_space<vmem_shared>>, %arg9: memref<16x128xi32, #tpu.memory_space<vmem>>, %arg10: memref<16x128xi32, #tpu.memory_space<vmem>>, %arg11: memref<4x128x64xf32, #tpu.memory_space<vmem>>, %arg12: memref<!tpu.dma_semaphore, #tpu.memory_space<semaphore_mem>>, %arg13: memref<!tpu.dma_semaphore, #tpu.memory_space<semaphore_mem>>) attributes {dimension_semantics = [#tpu.dimension_semantics<core_parallel>, #tpu.dimension_semantics<subcore_parallel>], iteration_bounds = array<i64: 2, 16>, scalar_prefetch = 0 : i64, scratch_operands = 7 : i64, tpu.core_type = #tpu.core_type<sc_vector_subcore>, window_params = [{transform_indices = #map}, {transform_indices = #map}, {transform_indices = #map}, {transform_indices = #map}, {transform_indices = #map1}]} {
    %mul3A = arith.constant 640 : i32
    %mul3A_0 = arith.muli %arg1, %mul3A : i32
    %eq3A = arith.constant 0 : i32
    %eq3A_1 = arith.cmpi eq, %arg0, %eq3A : i32
    %convert_element_type3A = arith.extui %eq3A_1 : i1 to i32
    %cond3A = arith.constant 0 : i32
    %cond3A_2 = arith.cmpi ne, %convert_element_type3A, %cond3A : i32
    scf.if %cond3A_2 {
      "tpu.region"() ({
        %run_scoped3A = tpu.sem_alloc : memref<!tpu.dma_semaphore, #tpu.memory_space<semaphore_mem>>
        %dma_start3A = arith.constant 0 : i32
        %dma_start3A_16 = tpu.memref_slice %arg7[%mul3A_0, %dma_start3A] : memref<10240x64xf32, #tpu.memory_space<vmem_shared>> -> memref<640x64xf32, #tpu.memory_space<vmem_shared>>
        %dma_start3A_17 = arith.constant 0 : i32
        %dma_start3A_18 = tpu.memref_slice %arg2[%mul3A_0, %dma_start3A_17] : memref<10240x64xf32, #tpu.memory_space<hbm>> -> memref<640x64xf32, #tpu.memory_space<hbm>>
        tpu.enqueue_dma source(%dma_start3A_18 : memref<640x64xf32, #tpu.memory_space<hbm>>) target(%dma_start3A_16 : memref<640x64xf32, #tpu.memory_space<vmem_shared>>) target_semaphore(%run_scoped3A : memref<!tpu.dma_semaphore, #tpu.memory_space<semaphore_mem>>)
        %dma_wait3A = arith.constant 0 : i32
        %dma_wait3A_19 = tpu.memref_slice %arg7[%mul3A_0, %dma_wait3A] : memref<10240x64xf32, #tpu.memory_space<vmem_shared>> -> memref<640x64xf32, #tpu.memory_space<vmem_shared>>
        %dma_wait3A_20 = arith.constant 0 : i32
        %dma_wait3A_21 = tpu.memref_slice %arg2[%mul3A_0, %dma_wait3A_20] : memref<10240x64xf32, #tpu.memory_space<hbm>> -> memref<640x64xf32, #tpu.memory_space<hbm>>
        tpu.wait_dma2 semaphore(%run_scoped3A : memref<!tpu.dma_semaphore, #tpu.memory_space<semaphore_mem>>) src(%dma_wait3A_21 : memref<640x64xf32, #tpu.memory_space<hbm>>) dst(%dma_wait3A_19 : memref<640x64xf32, #tpu.memory_space<vmem_shared>>)
        tpu.yield
      }) : () -> ()
      "tpu.region"() ({
        %run_scoped3A = tpu.sem_alloc : memref<!tpu.dma_semaphore, #tpu.memory_space<semaphore_mem>>
        %dma_start3A = arith.constant 0 : i32
        %dma_start3A_16 = tpu.memref_slice %arg8[%mul3A_0, %dma_start3A] : memref<10240x64xf32, #tpu.memory_space<vmem_shared>> -> memref<640x64xf32, #tpu.memory_space<vmem_shared>>
        %dma_start3A_17 = arith.constant 0 : i32
        %dma_start3A_18 = tpu.memref_slice %arg2[%mul3A_0, %dma_start3A_17] : memref<10240x64xf32, #tpu.memory_space<hbm>> -> memref<640x64xf32, #tpu.memory_space<hbm>>
        tpu.enqueue_dma source(%dma_start3A_18 : memref<640x64xf32, #tpu.memory_space<hbm>>) target(%dma_start3A_16 : memref<640x64xf32, #tpu.memory_space<vmem_shared>>) target_semaphore(%run_scoped3A : memref<!tpu.dma_semaphore, #tpu.memory_space<semaphore_mem>>)
        %dma_wait3A = arith.constant 0 : i32
        %dma_wait3A_19 = tpu.memref_slice %arg8[%mul3A_0, %dma_wait3A] : memref<10240x64xf32, #tpu.memory_space<vmem_shared>> -> memref<640x64xf32, #tpu.memory_space<vmem_shared>>
        %dma_wait3A_20 = arith.constant 0 : i32
        %dma_wait3A_21 = tpu.memref_slice %arg2[%mul3A_0, %dma_wait3A_20] : memref<10240x64xf32, #tpu.memory_space<hbm>> -> memref<640x64xf32, #tpu.memory_space<hbm>>
        tpu.wait_dma2 semaphore(%run_scoped3A : memref<!tpu.dma_semaphore, #tpu.memory_space<semaphore_mem>>) src(%dma_wait3A_21 : memref<640x64xf32, #tpu.memory_space<hbm>>) dst(%dma_wait3A_19 : memref<640x64xf32, #tpu.memory_space<vmem_shared>>)
        tpu.yield
      }) : () -> ()
    } else {
    }
    %eq3A_3 = arith.constant 1 : i32
    %eq3A_4 = arith.cmpi eq, %arg0, %eq3A_3 : i32
    %convert_element_type3A_5 = arith.extui %eq3A_4 : i1 to i32
    %cond3A_6 = arith.constant 0 : i32
    %cond3A_7 = arith.cmpi ne, %convert_element_type3A_5, %cond3A_6 : i32
    scf.if %cond3A_7 {
      "tpu.region"() ({
        %run_scoped3A = tpu.sem_alloc : memref<!tpu.dma_semaphore, #tpu.memory_space<semaphore_mem>>
        %dma_start3A = arith.constant 0 : i32
        %dma_start3A_16 = tpu.memref_slice %arg7[%mul3A_0, %dma_start3A] : memref<10240x64xf32, #tpu.memory_space<vmem_shared>> -> memref<640x64xf32, #tpu.memory_space<vmem_shared>>
        %dma_start3A_17 = arith.constant 0 : i32
        %dma_start3A_18 = tpu.memref_slice %arg3[%mul3A_0, %dma_start3A_17] : memref<10240x64xf32, #tpu.memory_space<hbm>> -> memref<640x64xf32, #tpu.memory_space<hbm>>
        tpu.enqueue_dma source(%dma_start3A_18 : memref<640x64xf32, #tpu.memory_space<hbm>>) target(%dma_start3A_16 : memref<640x64xf32, #tpu.memory_space<vmem_shared>>) target_semaphore(%run_scoped3A : memref<!tpu.dma_semaphore, #tpu.memory_space<semaphore_mem>>)
        %dma_wait3A = arith.constant 0 : i32
        %dma_wait3A_19 = tpu.memref_slice %arg7[%mul3A_0, %dma_wait3A] : memref<10240x64xf32, #tpu.memory_space<vmem_shared>> -> memref<640x64xf32, #tpu.memory_space<vmem_shared>>
        %dma_wait3A_20 = arith.constant 0 : i32
        %dma_wait3A_21 = tpu.memref_slice %arg3[%mul3A_0, %dma_wait3A_20] : memref<10240x64xf32, #tpu.memory_space<hbm>> -> memref<640x64xf32, #tpu.memory_space<hbm>>
        tpu.wait_dma2 semaphore(%run_scoped3A : memref<!tpu.dma_semaphore, #tpu.memory_space<semaphore_mem>>) src(%dma_wait3A_21 : memref<640x64xf32, #tpu.memory_space<hbm>>) dst(%dma_wait3A_19 : memref<640x64xf32, #tpu.memory_space<vmem_shared>>)
        tpu.yield
      }) : () -> ()
      "tpu.region"() ({
        %run_scoped3A = tpu.sem_alloc : memref<!tpu.dma_semaphore, #tpu.memory_space<semaphore_mem>>
        %dma_start3A = arith.constant 0 : i32
        %dma_start3A_16 = tpu.memref_slice %arg8[%mul3A_0, %dma_start3A] : memref<10240x64xf32, #tpu.memory_space<vmem_shared>> -> memref<640x64xf32, #tpu.memory_space<vmem_shared>>
        %dma_start3A_17 = arith.constant 0 : i32
        %dma_start3A_18 = tpu.memref_slice %arg3[%mul3A_0, %dma_start3A_17] : memref<10240x64xf32, #tpu.memory_space<hbm>> -> memref<640x64xf32, #tpu.memory_space<hbm>>
        tpu.enqueue_dma source(%dma_start3A_18 : memref<640x64xf32, #tpu.memory_space<hbm>>) target(%dma_start3A_16 : memref<640x64xf32, #tpu.memory_space<vmem_shared>>) target_semaphore(%run_scoped3A : memref<!tpu.dma_semaphore, #tpu.memory_space<semaphore_mem>>)
        %dma_wait3A = arith.constant 0 : i32
        %dma_wait3A_19 = tpu.memref_slice %arg8[%mul3A_0, %dma_wait3A] : memref<10240x64xf32, #tpu.memory_space<vmem_shared>> -> memref<640x64xf32, #tpu.memory_space<vmem_shared>>
        %dma_wait3A_20 = arith.constant 0 : i32
        %dma_wait3A_21 = tpu.memref_slice %arg3[%mul3A_0, %dma_wait3A_20] : memref<10240x64xf32, #tpu.memory_space<hbm>> -> memref<640x64xf32, #tpu.memory_space<hbm>>
        tpu.wait_dma2 semaphore(%run_scoped3A : memref<!tpu.dma_semaphore, #tpu.memory_space<semaphore_mem>>) src(%dma_wait3A_21 : memref<640x64xf32, #tpu.memory_space<hbm>>) dst(%dma_wait3A_19 : memref<640x64xf32, #tpu.memory_space<vmem_shared>>)
        tpu.yield
      }) : () -> ()
    } else {
    }
    %barrier3A = arith.constant 0 : index
    tpu.barrier barrier_id(%barrier3A)
    %mul3A_8 = arith.constant 160 : i32
    %mul3A_9 = arith.muli %arg1, %mul3A_8 : i32
    %scan3A = arith.constant 0 : i32
    %scan3A_10 = arith.constant 0 : i32
    %scan3A_11 = arith.constant 10 : i32
    %scan3A_12 = arith.addi %scan3A_10, %scan3A_11 : i32
    %scan3A_13 = arith.constant 1 : i32
    scf.for %scan3A_16 = %scan3A_10 to %scan3A_12 step %scan3A_13  : i32 {
      %mul3A_17 = arith.constant 16 : i32
      %mul3A_18 = arith.muli %scan3A_16, %mul3A_17 : i32
      %add3A = arith.addi %mul3A_9, %mul3A_18 : i32
      "tpu.region"() ({
        %run_scoped3A = tpu.sem_alloc : memref<!tpu.dma_semaphore, #tpu.memory_space<semaphore_mem>>
        %dma_start3A_788 = arith.constant 0 : i32
        %dma_start3A_789 = tpu.memref_slice %arg4[%add3A, %dma_start3A_788] : memref<2560x128xi32, #tpu.memory_space<hbm>> -> memref<16x128xi32, #tpu.memory_space<hbm>>
        %dma_start3A_790 = arith.constant 0 : i32
        %dma_start3A_791 = tpu.memref_slice %arg4[%add3A, %dma_start3A_790] : memref<2560x128xi32, #tpu.memory_space<hbm>> -> memref<16x128xi32, #tpu.memory_space<hbm>>
        tpu.enqueue_dma source(%dma_start3A_791 : memref<16x128xi32, #tpu.memory_space<hbm>>) target(%arg9 : memref<16x128xi32, #tpu.memory_space<vmem>>) target_semaphore(%run_scoped3A : memref<!tpu.dma_semaphore, #tpu.memory_space<semaphore_mem>>)
        %dma_wait3A_792 = arith.constant 0 : i32
        %dma_wait3A_793 = tpu.memref_slice %arg4[%add3A, %dma_wait3A_792] : memref<2560x128xi32, #tpu.memory_space<hbm>> -> memref<16x128xi32, #tpu.memory_space<hbm>>
        %dma_wait3A_794 = arith.constant 0 : i32
        %dma_wait3A_795 = tpu.memref_slice %arg4[%add3A, %dma_wait3A_794] : memref<2560x128xi32, #tpu.memory_space<hbm>> -> memref<16x128xi32, #tpu.memory_space<hbm>>
        tpu.wait_dma2 semaphore(%run_scoped3A : memref<!tpu.dma_semaphore, #tpu.memory_space<semaphore_mem>>) src(%dma_wait3A_795 : memref<16x128xi32, #tpu.memory_space<hbm>>) dst(%arg9 : memref<16x128xi32, #tpu.memory_space<vmem>>)
        tpu.yield
      }) : () -> ()
      %mul3A_19 = arith.constant 16 : i32
      %mul3A_20 = arith.muli %scan3A_16, %mul3A_19 : i32
      %add3A_21 = arith.addi %mul3A_9, %mul3A_20 : i32
      "tpu.region"() ({
        %run_scoped3A = tpu.sem_alloc : memref<!tpu.dma_semaphore, #tpu.memory_space<semaphore_mem>>
        %dma_start3A_788 = arith.constant 0 : i32
        %dma_start3A_789 = tpu.memref_slice %arg5[%add3A_21, %dma_start3A_788] : memref<2560x128xi32, #tpu.memory_space<hbm>> -> memref<16x128xi32, #tpu.memory_space<hbm>>
        %dma_start3A_790 = arith.constant 0 : i32
        %dma_start3A_791 = tpu.memref_slice %arg5[%add3A_21, %dma_start3A_790] : memref<2560x128xi32, #tpu.memory_space<hbm>> -> memref<16x128xi32, #tpu.memory_space<hbm>>
        tpu.enqueue_dma source(%dma_start3A_791 : memref<16x128xi32, #tpu.memory_space<hbm>>) target(%arg10 : memref<16x128xi32, #tpu.memory_space<vmem>>) target_semaphore(%run_scoped3A : memref<!tpu.dma_semaphore, #tpu.memory_space<semaphore_mem>>)
        %dma_wait3A_792 = arith.constant 0 : i32
        %dma_wait3A_793 = tpu.memref_slice %arg5[%add3A_21, %dma_wait3A_792] : memref<2560x128xi32, #tpu.memory_space<hbm>> -> memref<16x128xi32, #tpu.memory_space<hbm>>
        %dma_wait3A_794 = arith.constant 0 : i32
        %dma_wait3A_795 = tpu.memref_slice %arg5[%add3A_21, %dma_wait3A_794] : memref<2560x128xi32, #tpu.memory_space<hbm>> -> memref<16x128xi32, #tpu.memory_space<hbm>>
        tpu.wait_dma2 semaphore(%run_scoped3A : memref<!tpu.dma_semaphore, #tpu.memory_space<semaphore_mem>>) src(%dma_wait3A_795 : memref<16x128xi32, #tpu.memory_space<hbm>>) dst(%arg10 : memref<16x128xi32, #tpu.memory_space<vmem>>)
        tpu.yield
      }) : () -> ()
      %dma_start3A = arith.constant 0 : i32
      %dma_start3A_22 = arith.constant 0 : i32
      %dma_start3A_23 = arith.constant 0 : i32
      %dma_start3A_24 = arith.constant 0 : i32
      %dma_start3A_25 = tpu.memref_slice %arg11[%dma_start3A_22, %dma_start3A_23, %dma_start3A_24] : memref<4x128x64xf32, #tpu.memory_space<vmem>> -> memref<1x128x64xf32, #tpu.memory_space<vmem>>
      %dma_start3A_26 = tpu.memref_squeeze %dma_start3A_25 : memref<1x128x64xf32, #tpu.memory_space<vmem>> -> memref<128x64xf32, #tpu.memory_space<vmem>>
      %dma_start3A_27 = arith.constant 0 : i32
      %dma_start3A_28 = tpu.memref_slice %arg9[%dma_start3A, %dma_start3A_27] : memref<16x128xi32, #tpu.memory_space<vmem>> -> memref<1x128xi32, #tpu.memory_space<vmem>>
      %dma_start3A_29 = tpu.memref_squeeze %dma_start3A_28 : memref<1x128xi32, #tpu.memory_space<vmem>> -> memref<128xi32, #tpu.memory_space<vmem>>
      %dma_start3A_30 = arith.constant 0 : i32
      %dma_start3A_31 = arith.constant 0 : i32
      %dma_start3A_32 = tpu.memref_slice %arg7[%dma_start3A_30, %dma_start3A_31] : memref<10240x64xf32, #tpu.memory_space<vmem_shared>> -> memref<10240x64xf32, #tpu.memory_space<vmem_shared>>
      tpu.enqueue_indirect_dma source(%dma_start3A_32 : memref<10240x64xf32, #tpu.memory_space<vmem_shared>>) target(%dma_start3A_26 : memref<128x64xf32, #tpu.memory_space<vmem>>) offsets(%dma_start3A_29 : memref<128xi32, #tpu.memory_space<vmem>>) semaphore(%arg12 : memref<!tpu.dma_semaphore, #tpu.memory_space<semaphore_mem>>)
      %dma_start3A_33 = arith.constant 1 : i32
      %dma_start3A_34 = arith.constant 1 : i32
      %dma_start3A_35 = arith.constant 0 : i32
      %dma_start3A_36 = arith.constant 0 : i32
      %dma_start3A_37 = tpu.memref_slice %arg11[%dma_start3A_34, %dma_start3A_35, %dma_start3A_36] : memref<4x128x64xf32, #tpu.memory_space<vmem>> -> memref<1x128x64xf32, #tpu.memory_space<vmem>>
      %dma_start3A_38 = tpu.memref_squeeze %dma_start3A_37 : memref<1x128x64xf32, #tpu.memory_space<vmem>> -> memref<128x64xf32, #tpu.memory_space<vmem>>
      %dma_start3A_39 = arith.constant 0 : i32
      %dma_start3A_40 = tpu.memref_slice %arg9[%dma_start3A_33, %dma_start3A_39] : memref<16x128xi32, #tpu.memory_space<vmem>> -> memref<1x128xi32, #tpu.memory_space<vmem>>
      %dma_start3A_41 = tpu.memref_squeeze %dma_start3A_40 : memref<1x128xi32, #tpu.memory_space<vmem>> -> memref<128xi32, #tpu.memory_space<vmem>>
      %dma_start3A_42 = arith.constant 0 : i32
      %dma_start3A_43 = arith.constant 0 : i32
      %dma_start3A_44 = tpu.memref_slice %arg7[%dma_start3A_42, %dma_start3A_43] : memref<10240x64xf32, #tpu.memory_space<vmem_shared>> -> memref<10240x64xf32, #tpu.memory_space<vmem_shared>>
      tpu.enqueue_indirect_dma source(%dma_start3A_44 : memref<10240x64xf32, #tpu.memory_space<vmem_shared>>) target(%dma_start3A_38 : memref<128x64xf32, #tpu.memory_space<vmem>>) offsets(%dma_start3A_41 : memref<128xi32, #tpu.memory_space<vmem>>) semaphore(%arg12 : memref<!tpu.dma_semaphore, #tpu.memory_space<semaphore_mem>>)
      %dma_start3A_45 = arith.constant 2 : i32
      %dma_start3A_46 = arith.constant 2 : i32
      %dma_start3A_47 = arith.constant 0 : i32
      %dma_start3A_48 = arith.constant 0 : i32
      %dma_start3A_49 = tpu.memref_slice %arg11[%dma_start3A_46, %dma_start3A_47, %dma_start3A_48] : memref<4x128x64xf32, #tpu.memory_space<vmem>> -> memref<1x128x64xf32, #tpu.memory_space<vmem>>
      %dma_start3A_50 = tpu.memref_squeeze %dma_start3A_49 : memref<1x128x64xf32, #tpu.memory_space<vmem>> -> memref<128x64xf32, #tpu.memory_space<vmem>>
      %dma_start3A_51 = arith.constant 0 : i32
      %dma_start3A_52 = tpu.memref_slice %arg9[%dma_start3A_45, %dma_start3A_51] : memref<16x128xi32, #tpu.memory_space<vmem>> -> memref<1x128xi32, #tpu.memory_space<vmem>>
      %dma_start3A_53 = tpu.memref_squeeze %dma_start3A_52 : memref<1x128xi32, #tpu.memory_space<vmem>> -> memref<128xi32, #tpu.memory_space<vmem>>
      %dma_start3A_54 = arith.constant 0 : i32
      %dma_start3A_55 = arith.constant 0 : i32
      %dma_start3A_56 = tpu.memref_slice %arg7[%dma_start3A_54, %dma_start3A_55] : memref<10240x64xf32, #tpu.memory_space<vmem_shared>> -> memref<10240x64xf32, #tpu.memory_space<vmem_shared>>
      tpu.enqueue_indirect_dma source(%dma_start3A_56 : memref<10240x64xf32, #tpu.memory_space<vmem_shared>>) target(%dma_start3A_50 : memref<128x64xf32, #tpu.memory_space<vmem>>) offsets(%dma_start3A_53 : memref<128xi32, #tpu.memory_space<vmem>>) semaphore(%arg12 : memref<!tpu.dma_semaphore, #tpu.memory_space<semaphore_mem>>)
      %dma_wait3A = arith.constant 0 : i32
      %dma_wait3A_57 = arith.constant 0 : i32
      %dma_wait3A_58 = arith.constant 0 : i32
      %dma_wait3A_59 = arith.constant 0 : i32
      %dma_wait3A_60 = tpu.memref_slice %arg11[%dma_wait3A_57, %dma_wait3A_58, %dma_wait3A_59] : memref<4x128x64xf32, #tpu.memory_space<vmem>> -> memref<1x128x64xf32, #tpu.memory_space<vmem>>
      %dma_wait3A_61 = tpu.memref_squeeze %dma_wait3A_60 : memref<1x128x64xf32, #tpu.memory_space<vmem>> -> memref<128x64xf32, #tpu.memory_space<vmem>>
      %dma_wait3A_62 = arith.constant 0 : i32
      %dma_wait3A_63 = tpu.memref_slice %arg9[%dma_wait3A, %dma_wait3A_62] : memref<16x128xi32, #tpu.memory_space<vmem>> -> memref<1x128xi32, #tpu.memory_space<vmem>>
      %dma_wait3A_64 = tpu.memref_squeeze %dma_wait3A_63 : memref<1x128xi32, #tpu.memory_space<vmem>> -> memref<128xi32, #tpu.memory_space<vmem>>
      %dma_wait3A_65 = arith.constant 0 : i32
      %dma_wait3A_66 = arith.constant 0 : i32
      %dma_wait3A_67 = tpu.memref_slice %arg7[%dma_wait3A_65, %dma_wait3A_66] : memref<10240x64xf32, #tpu.memory_space<vmem_shared>> -> memref<10240x64xf32, #tpu.memory_space<vmem_shared>>
      tpu.wait_indirect_dma semaphore(%arg12 : memref<!tpu.dma_semaphore, #tpu.memory_space<semaphore_mem>>) src(%dma_wait3A_67 : memref<10240x64xf32, #tpu.memory_space<vmem_shared>>) dst(%dma_wait3A_61 : memref<128x64xf32, #tpu.memory_space<vmem>>)
      %dma_start3A_68 = arith.constant 0 : i32
      %dma_start3A_69 = arith.constant 0 : i32
      %dma_start3A_70 = arith.constant 0 : i32
      %dma_start3A_71 = arith.constant 0 : i32
      %dma_start3A_72 = tpu.memref_slice %arg11[%dma_start3A_68, %dma_start3A_70, %dma_start3A_71] : memref<4x128x64xf32, #tpu.memory_space<vmem>> -> memref<1x128x64xf32, #tpu.memory_space<vmem>>
      %dma_start3A_73 = tpu.memref_squeeze %dma_start3A_72 : memref<1x128x64xf32, #tpu.memory_space<vmem>> -> memref<128x64xf32, #tpu.memory_space<vmem>>
      %dma_start3A_74 = arith.constant 0 : i32
      %dma_start3A_75 = tpu.memref_slice %arg10[%dma_start3A_69, %dma_start3A_74] : memref<16x128xi32, #tpu.memory_space<vmem>> -> memref<1x128xi32, #tpu.memory_space<vmem>>
      %dma_start3A_76 = tpu.memref_squeeze %dma_start3A_75 : memref<1x128xi32, #tpu.memory_space<vmem>> -> memref<128xi32, #tpu.memory_space<vmem>>
      %dma_start3A_77 = arith.constant 0 : i32
      %dma_start3A_78 = arith.constant 0 : i32
      %dma_start3A_79 = tpu.memref_slice %arg8[%dma_start3A_77, %dma_start3A_78] : memref<10240x64xf32, #tpu.memory_space<vmem_shared>> -> memref<10240x64xf32, #tpu.memory_space<vmem_shared>>
      tpu.enqueue_indirect_dma source(%dma_start3A_73 : memref<128x64xf32, #tpu.memory_space<vmem>>) target(%dma_start3A_79 : memref<10240x64xf32, #tpu.memory_space<vmem_shared>>) offsets(%dma_start3A_76 : memref<128xi32, #tpu.memory_space<vmem>>) semaphore(%arg13 : memref<!tpu.dma_semaphore, #tpu.memory_space<semaphore_mem>>) {add = true}
      %dma_start3A_80 = arith.constant 3 : i32
      %dma_start3A_81 = arith.constant 3 : i32
      %dma_start3A_82 = arith.constant 0 : i32
      %dma_start3A_83 = arith.constant 0 : i32
      %dma_start3A_84 = tpu.memref_slice %arg11[%dma_start3A_81, %dma_start3A_82, %dma_start3A_83] : memref<4x128x64xf32, #tpu.memory_space<vmem>> -> memref<1x128x64xf32, #tpu.memory_space<vmem>>
      %dma_start3A_85 = tpu.memref_squeeze %dma_start3A_84 : memref<1x128x64xf32, #tpu.memory_space<vmem>> -> memref<128x64xf32, #tpu.memory_space<vmem>>
      %dma_start3A_86 = arith.constant 0 : i32
      %dma_start3A_87 = tpu.memref_slice %arg9[%dma_start3A_80, %dma_start3A_86] : memref<16x128xi32, #tpu.memory_space<vmem>> -> memref<1x128xi32, #tpu.memory_space<vmem>>
      %dma_start3A_88 = tpu.memref_squeeze %dma_start3A_87 : memref<1x128xi32, #tpu.memory_space<vmem>> -> memref<128xi32, #tpu.memory_space<vmem>>
      %dma_start3A_89 = arith.constant 0 : i32
      %dma_start3A_90 = arith.constant 0 : i32
      %dma_start3A_91 = tpu.memref_slice %arg7[%dma_start3A_89, %dma_start3A_90] : memref<10240x64xf32, #tpu.memory_space<vmem_shared>> -> memref<10240x64xf32, #tpu.memory_space<vmem_shared>>
      tpu.enqueue_indirect_dma source(%dma_start3A_91 : memref<10240x64xf32, #tpu.memory_space<vmem_shared>>) target(%dma_start3A_85 : memref<128x64xf32, #tpu.memory_space<vmem>>) offsets(%dma_start3A_88 : memref<128xi32, #tpu.memory_space<vmem>>) semaphore(%arg12 : memref<!tpu.dma_semaphore, #tpu.memory_space<semaphore_mem>>)
      %dma_wait3A_92 = arith.constant 1 : i32
      %dma_wait3A_93 = arith.constant 1 : i32
      %dma_wait3A_94 = arith.constant 0 : i32
      %dma_wait3A_95 = arith.constant 0 : i32
      %dma_wait3A_96 = tpu.memref_slice %arg11[%dma_wait3A_93, %dma_wait3A_94, %dma_wait3A_95] : memref<4x128x64xf32, #tpu.memory_space<vmem>> -> memref<1x128x64xf32, #tpu.memory_space<vmem>>
      %dma_wait3A_97 = tpu.memref_squeeze %dma_wait3A_96 : memref<1x128x64xf32, #tpu.memory_space<vmem>> -> memref<128x64xf32, #tpu.memory_space<vmem>>
      %dma_wait3A_98 = arith.constant 0 : i32
      %dma_wait3A_99 = tpu.memref_slice %arg9[%dma_wait3A_92, %dma_wait3A_98] : memref<16x128xi32, #tpu.memory_space<vmem>> -> memref<1x128xi32, #tpu.memory_space<vmem>>
      %dma_wait3A_100 = tpu.memref_squeeze %dma_wait3A_99 : memref<1x128xi32, #tpu.memory_space<vmem>> -> memref<128xi32, #tpu.memory_space<vmem>>
      %dma_wait3A_101 = arith.constant 0 : i32
      %dma_wait3A_102 = arith.constant 0 : i32
      %dma_wait3A_103 = tpu.memref_slice %arg7[%dma_wait3A_101, %dma_wait3A_102] : memref<10240x64xf32, #tpu.memory_space<vmem_shared>> -> memref<10240x64xf32, #tpu.memory_space<vmem_shared>>
      tpu.wait_indirect_dma semaphore(%arg12 : memref<!tpu.dma_semaphore, #tpu.memory_space<semaphore_mem>>) src(%dma_wait3A_103 : memref<10240x64xf32, #tpu.memory_space<vmem_shared>>) dst(%dma_wait3A_97 : memref<128x64xf32, #tpu.memory_space<vmem>>)
      %dma_start3A_104 = arith.constant 1 : i32
      %dma_start3A_105 = arith.constant 1 : i32
      %dma_start3A_106 = arith.constant 0 : i32
      %dma_start3A_107 = arith.constant 0 : i32
      %dma_start3A_108 = tpu.memref_slice %arg11[%dma_start3A_104, %dma_start3A_106, %dma_start3A_107] : memref<4x128x64xf32, #tpu.memory_space<vmem>> -> memref<1x128x64xf32, #tpu.memory_space<vmem>>
      %dma_start3A_109 = tpu.memref_squeeze %dma_start3A_108 : memref<1x128x64xf32, #tpu.memory_space<vmem>> -> memref<128x64xf32, #tpu.memory_space<vmem>>
      %dma_start3A_110 = arith.constant 0 : i32
      %dma_start3A_111 = tpu.memref_slice %arg10[%dma_start3A_105, %dma_start3A_110] : memref<16x128xi32, #tpu.memory_space<vmem>> -> memref<1x128xi32, #tpu.memory_space<vmem>>
      %dma_start3A_112 = tpu.memref_squeeze %dma_start3A_111 : memref<1x128xi32, #tpu.memory_space<vmem>> -> memref<128xi32, #tpu.memory_space<vmem>>
      %dma_start3A_113 = arith.constant 0 : i32
      %dma_start3A_114 = arith.constant 0 : i32
      %dma_start3A_115 = tpu.memref_slice %arg8[%dma_start3A_113, %dma_start3A_114] : memref<10240x64xf32, #tpu.memory_space<vmem_shared>> -> memref<10240x64xf32, #tpu.memory_space<vmem_shared>>
      tpu.enqueue_indirect_dma source(%dma_start3A_109 : memref<128x64xf32, #tpu.memory_space<vmem>>) target(%dma_start3A_115 : memref<10240x64xf32, #tpu.memory_space<vmem_shared>>) offsets(%dma_start3A_112 : memref<128xi32, #tpu.memory_space<vmem>>) semaphore(%arg13 : memref<!tpu.dma_semaphore, #tpu.memory_space<semaphore_mem>>) {add = true}
      %dma_wait3A_116 = arith.constant 0 : i32
      %dma_wait3A_117 = arith.constant 0 : i32
      %dma_wait3A_118 = arith.constant 0 : i32
      %dma_wait3A_119 = arith.constant 0 : i32
      %dma_wait3A_120 = tpu.memref_slice %arg11[%dma_wait3A_116, %dma_wait3A_118, %dma_wait3A_119] : memref<4x128x64xf32, #tpu.memory_space<vmem>> -> memref<1x128x64xf32, #tpu.memory_space<vmem>>
      %dma_wait3A_121 = tpu.memref_squeeze %dma_wait3A_120 : memref<1x128x64xf32, #tpu.memory_space<vmem>> -> memref<128x64xf32, #tpu.memory_space<vmem>>
      %dma_wait3A_122 = arith.constant 0 : i32
      %dma_wait3A_123 = tpu.memref_slice %arg10[%dma_wait3A_117, %dma_wait3A_122] : memref<16x128xi32, #tpu.memory_space<vmem>> -> memref<1x128xi32, #tpu.memory_space<vmem>>
      %dma_wait3A_124 = tpu.memref_squeeze %dma_wait3A_123 : memref<1x128xi32, #tpu.memory_space<vmem>> -> memref<128xi32, #tpu.memory_space<vmem>>
      %dma_wait3A_125 = arith.constant 0 : i32
      %dma_wait3A_126 = arith.constant 0 : i32
      %dma_wait3A_127 = tpu.memref_slice %arg8[%dma_wait3A_125, %dma_wait3A_126] : memref<10240x64xf32, #tpu.memory_space<vmem_shared>> -> memref<10240x64xf32, #tpu.memory_space<vmem_shared>>
      tpu.wait_indirect_dma semaphore(%arg13 : memref<!tpu.dma_semaphore, #tpu.memory_space<semaphore_mem>>) src(%dma_wait3A_121 : memref<128x64xf32, #tpu.memory_space<vmem>>) dst(%dma_wait3A_127 : memref<10240x64xf32, #tpu.memory_space<vmem_shared>>)
      %dma_start3A_128 = arith.constant 4 : i32
      %dma_start3A_129 = arith.constant 0 : i32
      %dma_start3A_130 = arith.constant 0 : i32
      %dma_start3A_131 = arith.constant 0 : i32
      %dma_start3A_132 = tpu.memref_slice %arg11[%dma_start3A_129, %dma_start3A_130, %dma_start3A_131] : memref<4x128x64xf32, #tpu.memory_space<vmem>> -> memref<1x128x64xf32, #tpu.memory_space<vmem>>
      %dma_start3A_133 = tpu.memref_squeeze %dma_start3A_132 : memref<1x128x64xf32, #tpu.memory_space<vmem>> -> memref<128x64xf32, #tpu.memory_space<vmem>>
      %dma_start3A_134 = arith.constant 0 : i32
      %dma_start3A_135 = tpu.memref_slice %arg9[%dma_start3A_128, %dma_start3A_134] : memref<16x128xi32, #tpu.memory_space<vmem>> -> memref<1x128xi32, #tpu.memory_space<vmem>>
      %dma_start3A_136 = tpu.memref_squeeze %dma_start3A_135 : memref<1x128xi32, #tpu.memory_space<vmem>> -> memref<128xi32, #tpu.memory_space<vmem>>
      %dma_start3A_137 = arith.constant 0 : i32
      %dma_start3A_138 = arith.constant 0 : i32
      %dma_start3A_139 = tpu.memref_slice %arg7[%dma_start3A_137, %dma_start3A_138] : memref<10240x64xf32, #tpu.memory_space<vmem_shared>> -> memref<10240x64xf32, #tpu.memory_space<vmem_shared>>
      tpu.enqueue_indirect_dma source(%dma_start3A_139 : memref<10240x64xf32, #tpu.memory_space<vmem_shared>>) target(%dma_start3A_133 : memref<128x64xf32, #tpu.memory_space<vmem>>) offsets(%dma_start3A_136 : memref<128xi32, #tpu.memory_space<vmem>>) semaphore(%arg12 : memref<!tpu.dma_semaphore, #tpu.memory_space<semaphore_mem>>)
      %dma_wait3A_140 = arith.constant 2 : i32
      %dma_wait3A_141 = arith.constant 2 : i32
      %dma_wait3A_142 = arith.constant 0 : i32
      %dma_wait3A_143 = arith.constant 0 : i32
      %dma_wait3A_144 = tpu.memref_slice %arg11[%dma_wait3A_141, %dma_wait3A_142, %dma_wait3A_143] : memref<4x128x64xf32, #tpu.memory_space<vmem>> -> memref<1x128x64xf32, #tpu.memory_space<vmem>>
      %dma_wait3A_145 = tpu.memref_squeeze %dma_wait3A_144 : memref<1x128x64xf32, #tpu.memory_space<vmem>> -> memref<128x64xf32, #tpu.memory_space<vmem>>
      %dma_wait3A_146 = arith.constant 0 : i32
      %dma_wait3A_147 = tpu.memref_slice %arg9[%dma_wait3A_140, %dma_wait3A_146] : memref<16x128xi32, #tpu.memory_space<vmem>> -> memref<1x128xi32, #tpu.memory_space<vmem>>
      %dma_wait3A_148 = tpu.memref_squeeze %dma_wait3A_147 : memref<1x128xi32, #tpu.memory_space<vmem>> -> memref<128xi32, #tpu.memory_space<vmem>>
      %dma_wait3A_149 = arith.constant 0 : i32
      %dma_wait3A_150 = arith.constant 0 : i32
      %dma_wait3A_151 = tpu.memref_slice %arg7[%dma_wait3A_149, %dma_wait3A_150] : memref<10240x64xf32, #tpu.memory_space<vmem_shared>> -> memref<10240x64xf32, #tpu.memory_space<vmem_shared>>
      tpu.wait_indirect_dma semaphore(%arg12 : memref<!tpu.dma_semaphore, #tpu.memory_space<semaphore_mem>>) src(%dma_wait3A_151 : memref<10240x64xf32, #tpu.memory_space<vmem_shared>>) dst(%dma_wait3A_145 : memref<128x64xf32, #tpu.memory_space<vmem>>)
      %dma_start3A_152 = arith.constant 2 : i32
      %dma_start3A_153 = arith.constant 2 : i32
      %dma_start3A_154 = arith.constant 0 : i32
      %dma_start3A_155 = arith.constant 0 : i32
      %dma_start3A_156 = tpu.memref_slice %arg11[%dma_start3A_152, %dma_start3A_154, %dma_start3A_155] : memref<4x128x64xf32, #tpu.memory_space<vmem>> -> memref<1x128x64xf32, #tpu.memory_space<vmem>>
      %dma_start3A_157 = tpu.memref_squeeze %dma_start3A_156 : memref<1x128x64xf32, #tpu.memory_space<vmem>> -> memref<128x64xf32, #tpu.memory_space<vmem>>
      %dma_start3A_158 = arith.constant 0 : i32
      %dma_start3A_159 = tpu.memref_slice %arg10[%dma_start3A_153, %dma_start3A_158] : memref<16x128xi32, #tpu.memory_space<vmem>> -> memref<1x128xi32, #tpu.memory_space<vmem>>
      %dma_start3A_160 = tpu.memref_squeeze %dma_start3A_159 : memref<1x128xi32, #tpu.memory_space<vmem>> -> memref<128xi32, #tpu.memory_space<vmem>>
      %dma_start3A_161 = arith.constant 0 : i32
      %dma_start3A_162 = arith.constant 0 : i32
      %dma_start3A_163 = tpu.memref_slice %arg8[%dma_start3A_161, %dma_start3A_162] : memref<10240x64xf32, #tpu.memory_space<vmem_shared>> -> memref<10240x64xf32, #tpu.memory_space<vmem_shared>>
      tpu.enqueue_indirect_dma source(%dma_start3A_157 : memref<128x64xf32, #tpu.memory_space<vmem>>) target(%dma_start3A_163 : memref<10240x64xf32, #tpu.memory_space<vmem_shared>>) offsets(%dma_start3A_160 : memref<128xi32, #tpu.memory_space<vmem>>) semaphore(%arg13 : memref<!tpu.dma_semaphore, #tpu.memory_space<semaphore_mem>>) {add = true}
      %dma_wait3A_164 = arith.constant 1 : i32
      %dma_wait3A_165 = arith.constant 1 : i32
      %dma_wait3A_166 = arith.constant 0 : i32
      %dma_wait3A_167 = arith.constant 0 : i32
      %dma_wait3A_168 = tpu.memref_slice %arg11[%dma_wait3A_164, %dma_wait3A_166, %dma_wait3A_167] : memref<4x128x64xf32, #tpu.memory_space<vmem>> -> memref<1x128x64xf32, #tpu.memory_space<vmem>>
      %dma_wait3A_169 = tpu.memref_squeeze %dma_wait3A_168 : memref<1x128x64xf32, #tpu.memory_space<vmem>> -> memref<128x64xf32, #tpu.memory_space<vmem>>
      %dma_wait3A_170 = arith.constant 0 : i32
      %dma_wait3A_171 = tpu.memref_slice %arg10[%dma_wait3A_165, %dma_wait3A_170] : memref<16x128xi32, #tpu.memory_space<vmem>> -> memref<1x128xi32, #tpu.memory_space<vmem>>
      %dma_wait3A_172 = tpu.memref_squeeze %dma_wait3A_171 : memref<1x128xi32, #tpu.memory_space<vmem>> -> memref<128xi32, #tpu.memory_space<vmem>>
      %dma_wait3A_173 = arith.constant 0 : i32
      %dma_wait3A_174 = arith.constant 0 : i32
      %dma_wait3A_175 = tpu.memref_slice %arg8[%dma_wait3A_173, %dma_wait3A_174] : memref<10240x64xf32, #tpu.memory_space<vmem_shared>> -> memref<10240x64xf32, #tpu.memory_space<vmem_shared>>
      tpu.wait_indirect_dma semaphore(%arg13 : memref<!tpu.dma_semaphore, #tpu.memory_space<semaphore_mem>>) src(%dma_wait3A_169 : memref<128x64xf32, #tpu.memory_space<vmem>>) dst(%dma_wait3A_175 : memref<10240x64xf32, #tpu.memory_space<vmem_shared>>)
      %dma_start3A_176 = arith.constant 5 : i32
      %dma_start3A_177 = arith.constant 1 : i32
      %dma_start3A_178 = arith.constant 0 : i32
      %dma_start3A_179 = arith.constant 0 : i32
      %dma_start3A_180 = tpu.memref_slice %arg11[%dma_start3A_177, %dma_start3A_178, %dma_start3A_179] : memref<4x128x64xf32, #tpu.memory_space<vmem>> -> memref<1x128x64xf32, #tpu.memory_space<vmem>>
      %dma_start3A_181 = tpu.memref_squeeze %dma_start3A_180 : memref<1x128x64xf32, #tpu.memory_space<vmem>> -> memref<128x64xf32, #tpu.memory_space<vmem>>
      %dma_start3A_182 = arith.constant 0 : i32
      %dma_start3A_183 = tpu.memref_slice %arg9[%dma_start3A_176, %dma_start3A_182] : memref<16x128xi32, #tpu.memory_space<vmem>> -> memref<1x128xi32, #tpu.memory_space<vmem>>
      %dma_start3A_184 = tpu.memref_squeeze %dma_start3A_183 : memref<1x128xi32, #tpu.memory_space<vmem>> -> memref<128xi32, #tpu.memory_space<vmem>>
      %dma_start3A_185 = arith.constant 0 : i32
      %dma_start3A_186 = arith.constant 0 : i32
      %dma_start3A_187 = tpu.memref_slice %arg7[%dma_start3A_185, %dma_start3A_186] : memref<10240x64xf32, #tpu.memory_space<vmem_shared>> -> memref<10240x64xf32, #tpu.memory_space<vmem_shared>>
      tpu.enqueue_indirect_dma source(%dma_start3A_187 : memref<10240x64xf32, #tpu.memory_space<vmem_shared>>) target(%dma_start3A_181 : memref<128x64xf32, #tpu.memory_space<vmem>>) offsets(%dma_start3A_184 : memref<128xi32, #tpu.memory_space<vmem>>) semaphore(%arg12 : memref<!tpu.dma_semaphore, #tpu.memory_space<semaphore_mem>>)
      %dma_wait3A_188 = arith.constant 3 : i32
      %dma_wait3A_189 = arith.constant 3 : i32
      %dma_wait3A_190 = arith.constant 0 : i32
      %dma_wait3A_191 = arith.constant 0 : i32
      %dma_wait3A_192 = tpu.memref_slice %arg11[%dma_wait3A_189, %dma_wait3A_190, %dma_wait3A_191] : memref<4x128x64xf32, #tpu.memory_space<vmem>> -> memref<1x128x64xf32, #tpu.memory_space<vmem>>
      %dma_wait3A_193 = tpu.memref_squeeze %dma_wait3A_192 : memref<1x128x64xf32, #tpu.memory_space<vmem>> -> memref<128x64xf32, #tpu.memory_space<vmem>>
      %dma_wait3A_194 = arith.constant 0 : i32
      %dma_wait3A_195 = tpu.memref_slice %arg9[%dma_wait3A_188, %dma_wait3A_194] : memref<16x128xi32, #tpu.memory_space<vmem>> -> memref<1x128xi32, #tpu.memory_space<vmem>>
      %dma_wait3A_196 = tpu.memref_squeeze %dma_wait3A_195 : memref<1x128xi32, #tpu.memory_space<vmem>> -> memref<128xi32, #tpu.memory_space<vmem>>
      %dma_wait3A_197 = arith.constant 0 : i32
      %dma_wait3A_198 = arith.constant 0 : i32
      %dma_wait3A_199 = tpu.memref_slice %arg7[%dma_wait3A_197, %dma_wait3A_198] : memref<10240x64xf32, #tpu.memory_space<vmem_shared>> -> memref<10240x64xf32, #tpu.memory_space<vmem_shared>>
      tpu.wait_indirect_dma semaphore(%arg12 : memref<!tpu.dma_semaphore, #tpu.memory_space<semaphore_mem>>) src(%dma_wait3A_199 : memref<10240x64xf32, #tpu.memory_space<vmem_shared>>) dst(%dma_wait3A_193 : memref<128x64xf32, #tpu.memory_space<vmem>>)
      %dma_start3A_200 = arith.constant 3 : i32
      %dma_start3A_201 = arith.constant 3 : i32
      %dma_start3A_202 = arith.constant 0 : i32
      %dma_start3A_203 = arith.constant 0 : i32
      %dma_start3A_204 = tpu.memref_slice %arg11[%dma_start3A_200, %dma_start3A_202, %dma_start3A_203] : memref<4x128x64xf32, #tpu.memory_space<vmem>> -> memref<1x128x64xf32, #tpu.memory_space<vmem>>
      %dma_start3A_205 = tpu.memref_squeeze %dma_start3A_204 : memref<1x128x64xf32, #tpu.memory_space<vmem>> -> memref<128x64xf32, #tpu.memory_space<vmem>>
      %dma_start3A_206 = arith.constant 0 : i32
      %dma_start3A_207 = tpu.memref_slice %arg10[%dma_start3A_201, %dma_start3A_206] : memref<16x128xi32, #tpu.memory_space<vmem>> -> memref<1x128xi32, #tpu.memory_space<vmem>>
      %dma_start3A_208 = tpu.memref_squeeze %dma_start3A_207 : memref<1x128xi32, #tpu.memory_space<vmem>> -> memref<128xi32, #tpu.memory_space<vmem>>
      %dma_start3A_209 = arith.constant 0 : i32
      %dma_start3A_210 = arith.constant 0 : i32
      %dma_start3A_211 = tpu.memref_slice %arg8[%dma_start3A_209, %dma_start3A_210] : memref<10240x64xf32, #tpu.memory_space<vmem_shared>> -> memref<10240x64xf32, #tpu.memory_space<vmem_shared>>
      tpu.enqueue_indirect_dma source(%dma_start3A_205 : memref<128x64xf32, #tpu.memory_space<vmem>>) target(%dma_start3A_211 : memref<10240x64xf32, #tpu.memory_space<vmem_shared>>) offsets(%dma_start3A_208 : memref<128xi32, #tpu.memory_space<vmem>>) semaphore(%arg13 : memref<!tpu.dma_semaphore, #tpu.memory_space<semaphore_mem>>) {add = true}
      %dma_wait3A_212 = arith.constant 2 : i32
      %dma_wait3A_213 = arith.constant 2 : i32
      %dma_wait3A_214 = arith.constant 0 : i32
      %dma_wait3A_215 = arith.constant 0 : i32
      %dma_wait3A_216 = tpu.memref_slice %arg11[%dma_wait3A_212, %dma_wait3A_214, %dma_wait3A_215] : memref<4x128x64xf32, #tpu.memory_space<vmem>> -> memref<1x128x64xf32, #tpu.memory_space<vmem>>
      %dma_wait3A_217 = tpu.memref_squeeze %dma_wait3A_216 : memref<1x128x64xf32, #tpu.memory_space<vmem>> -> memref<128x64xf32, #tpu.memory_space<vmem>>
      %dma_wait3A_218 = arith.constant 0 : i32
      %dma_wait3A_219 = tpu.memref_slice %arg10[%dma_wait3A_213, %dma_wait3A_218] : memref<16x128xi32, #tpu.memory_space<vmem>> -> memref<1x128xi32, #tpu.memory_space<vmem>>
      %dma_wait3A_220 = tpu.memref_squeeze %dma_wait3A_219 : memref<1x128xi32, #tpu.memory_space<vmem>> -> memref<128xi32, #tpu.memory_space<vmem>>
      %dma_wait3A_221 = arith.constant 0 : i32
      %dma_wait3A_222 = arith.constant 0 : i32
      %dma_wait3A_223 = tpu.memref_slice %arg8[%dma_wait3A_221, %dma_wait3A_222] : memref<10240x64xf32, #tpu.memory_space<vmem_shared>> -> memref<10240x64xf32, #tpu.memory_space<vmem_shared>>
      tpu.wait_indirect_dma semaphore(%arg13 : memref<!tpu.dma_semaphore, #tpu.memory_space<semaphore_mem>>) src(%dma_wait3A_217 : memref<128x64xf32, #tpu.memory_space<vmem>>) dst(%dma_wait3A_223 : memref<10240x64xf32, #tpu.memory_space<vmem_shared>>)
      %dma_start3A_224 = arith.constant 6 : i32
      %dma_start3A_225 = arith.constant 2 : i32
      %dma_start3A_226 = arith.constant 0 : i32
      %dma_start3A_227 = arith.constant 0 : i32
      %dma_start3A_228 = tpu.memref_slice %arg11[%dma_start3A_225, %dma_start3A_226, %dma_start3A_227] : memref<4x128x64xf32, #tpu.memory_space<vmem>> -> memref<1x128x64xf32, #tpu.memory_space<vmem>>
      %dma_start3A_229 = tpu.memref_squeeze %dma_start3A_228 : memref<1x128x64xf32, #tpu.memory_space<vmem>> -> memref<128x64xf32, #tpu.memory_space<vmem>>
      %dma_start3A_230 = arith.constant 0 : i32
      %dma_start3A_231 = tpu.memref_slice %arg9[%dma_start3A_224, %dma_start3A_230] : memref<16x128xi32, #tpu.memory_space<vmem>> -> memref<1x128xi32, #tpu.memory_space<vmem>>
      %dma_start3A_232 = tpu.memref_squeeze %dma_start3A_231 : memref<1x128xi32, #tpu.memory_space<vmem>> -> memref<128xi32, #tpu.memory_space<vmem>>
      %dma_start3A_233 = arith.constant 0 : i32
      %dma_start3A_234 = arith.constant 0 : i32
      %dma_start3A_235 = tpu.memref_slice %arg7[%dma_start3A_233, %dma_start3A_234] : memref<10240x64xf32, #tpu.memory_space<vmem_shared>> -> memref<10240x64xf32, #tpu.memory_space<vmem_shared>>
      tpu.enqueue_indirect_dma source(%dma_start3A_235 : memref<10240x64xf32, #tpu.memory_space<vmem_shared>>) target(%dma_start3A_229 : memref<128x64xf32, #tpu.memory_space<vmem>>) offsets(%dma_start3A_232 : memref<128xi32, #tpu.memory_space<vmem>>) semaphore(%arg12 : memref<!tpu.dma_semaphore, #tpu.memory_space<semaphore_mem>>)
      %dma_wait3A_236 = arith.constant 4 : i32
      %dma_wait3A_237 = arith.constant 0 : i32
      %dma_wait3A_238 = arith.constant 0 : i32
      %dma_wait3A_239 = arith.constant 0 : i32
      %dma_wait3A_240 = tpu.memref_slice %arg11[%dma_wait3A_237, %dma_wait3A_238, %dma_wait3A_239] : memref<4x128x64xf32, #tpu.memory_space<vmem>> -> memref<1x128x64xf32, #tpu.memory_space<vmem>>
      %dma_wait3A_241 = tpu.memref_squeeze %dma_wait3A_240 : memref<1x128x64xf32, #tpu.memory_space<vmem>> -> memref<128x64xf32, #tpu.memory_space<vmem>>
      %dma_wait3A_242 = arith.constant 0 : i32
      %dma_wait3A_243 = tpu.memref_slice %arg9[%dma_wait3A_236, %dma_wait3A_242] : memref<16x128xi32, #tpu.memory_space<vmem>> -> memref<1x128xi32, #tpu.memory_space<vmem>>
      %dma_wait3A_244 = tpu.memref_squeeze %dma_wait3A_243 : memref<1x128xi32, #tpu.memory_space<vmem>> -> memref<128xi32, #tpu.memory_space<vmem>>
      %dma_wait3A_245 = arith.constant 0 : i32
      %dma_wait3A_246 = arith.constant 0 : i32
      %dma_wait3A_247 = tpu.memref_slice %arg7[%dma_wait3A_245, %dma_wait3A_246] : memref<10240x64xf32, #tpu.memory_space<vmem_shared>> -> memref<10240x64xf32, #tpu.memory_space<vmem_shared>>
      tpu.wait_indirect_dma semaphore(%arg12 : memref<!tpu.dma_semaphore, #tpu.memory_space<semaphore_mem>>) src(%dma_wait3A_247 : memref<10240x64xf32, #tpu.memory_space<vmem_shared>>) dst(%dma_wait3A_241 : memref<128x64xf32, #tpu.memory_space<vmem>>)
      %dma_start3A_248 = arith.constant 0 : i32
      %dma_start3A_249 = arith.constant 4 : i32
      %dma_start3A_250 = arith.constant 0 : i32
      %dma_start3A_251 = arith.constant 0 : i32
      %dma_start3A_252 = tpu.memref_slice %arg11[%dma_start3A_248, %dma_start3A_250, %dma_start3A_251] : memref<4x128x64xf32, #tpu.memory_space<vmem>> -> memref<1x128x64xf32, #tpu.memory_space<vmem>>
      %dma_start3A_253 = tpu.memref_squeeze %dma_start3A_252 : memref<1x128x64xf32, #tpu.memory_space<vmem>> -> memref<128x64xf32, #tpu.memory_space<vmem>>
      %dma_start3A_254 = arith.constant 0 : i32
      %dma_start3A_255 = tpu.memref_slice %arg10[%dma_start3A_249, %dma_start3A_254] : memref<16x128xi32, #tpu.memory_space<vmem>> -> memref<1x128xi32, #tpu.memory_space<vmem>>
      %dma_start3A_256 = tpu.memref_squeeze %dma_start3A_255 : memref<1x128xi32, #tpu.memory_space<vmem>> -> memref<128xi32, #tpu.memory_space<vmem>>
      %dma_start3A_257 = arith.constant 0 : i32
      %dma_start3A_258 = arith.constant 0 : i32
      %dma_start3A_259 = tpu.memref_slice %arg8[%dma_start3A_257, %dma_start3A_258] : memref<10240x64xf32, #tpu.memory_space<vmem_shared>> -> memref<10240x64xf32, #tpu.memory_space<vmem_shared>>
      tpu.enqueue_indirect_dma source(%dma_start3A_253 : memref<128x64xf32, #tpu.memory_space<vmem>>) target(%dma_start3A_259 : memref<10240x64xf32, #tpu.memory_space<vmem_shared>>) offsets(%dma_start3A_256 : memref<128xi32, #tpu.memory_space<vmem>>) semaphore(%arg13 : memref<!tpu.dma_semaphore, #tpu.memory_space<semaphore_mem>>) {add = true}
      %dma_wait3A_260 = arith.constant 3 : i32
      %dma_wait3A_261 = arith.constant 3 : i32
      %dma_wait3A_262 = arith.constant 0 : i32
      %dma_wait3A_263 = arith.constant 0 : i32
      %dma_wait3A_264 = tpu.memref_slice %arg11[%dma_wait3A_260, %dma_wait3A_262, %dma_wait3A_263] : memref<4x128x64xf32, #tpu.memory_space<vmem>> -> memref<1x128x64xf32, #tpu.memory_space<vmem>>
      %dma_wait3A_265 = tpu.memref_squeeze %dma_wait3A_264 : memref<1x128x64xf32, #tpu.memory_space<vmem>> -> memref<128x64xf32, #tpu.memory_space<vmem>>
      %dma_wait3A_266 = arith.constant 0 : i32
      %dma_wait3A_267 = tpu.memref_slice %arg10[%dma_wait3A_261, %dma_wait3A_266] : memref<16x128xi32, #tpu.memory_space<vmem>> -> memref<1x128xi32, #tpu.memory_space<vmem>>
      %dma_wait3A_268 = tpu.memref_squeeze %dma_wait3A_267 : memref<1x128xi32, #tpu.memory_space<vmem>> -> memref<128xi32, #tpu.memory_space<vmem>>
      %dma_wait3A_269 = arith.constant 0 : i32
      %dma_wait3A_270 = arith.constant 0 : i32
      %dma_wait3A_271 = tpu.memref_slice %arg8[%dma_wait3A_269, %dma_wait3A_270] : memref<10240x64xf32, #tpu.memory_space<vmem_shared>> -> memref<10240x64xf32, #tpu.memory_space<vmem_shared>>
      tpu.wait_indirect_dma semaphore(%arg13 : memref<!tpu.dma_semaphore, #tpu.memory_space<semaphore_mem>>) src(%dma_wait3A_265 : memref<128x64xf32, #tpu.memory_space<vmem>>) dst(%dma_wait3A_271 : memref<10240x64xf32, #tpu.memory_space<vmem_shared>>)
      %dma_start3A_272 = arith.constant 7 : i32
      %dma_start3A_273 = arith.constant 3 : i32
      %dma_start3A_274 = arith.constant 0 : i32
      %dma_start3A_275 = arith.constant 0 : i32
      %dma_start3A_276 = tpu.memref_slice %arg11[%dma_start3A_273, %dma_start3A_274, %dma_start3A_275] : memref<4x128x64xf32, #tpu.memory_space<vmem>> -> memref<1x128x64xf32, #tpu.memory_space<vmem>>
      %dma_start3A_277 = tpu.memref_squeeze %dma_start3A_276 : memref<1x128x64xf32, #tpu.memory_space<vmem>> -> memref<128x64xf32, #tpu.memory_space<vmem>>
      %dma_start3A_278 = arith.constant 0 : i32
      %dma_start3A_279 = tpu.memref_slice %arg9[%dma_start3A_272, %dma_start3A_278] : memref<16x128xi32, #tpu.memory_space<vmem>> -> memref<1x128xi32, #tpu.memory_space<vmem>>
      %dma_start3A_280 = tpu.memref_squeeze %dma_start3A_279 : memref<1x128xi32, #tpu.memory_space<vmem>> -> memref<128xi32, #tpu.memory_space<vmem>>
      %dma_start3A_281 = arith.constant 0 : i32
      %dma_start3A_282 = arith.constant 0 : i32
      %dma_start3A_283 = tpu.memref_slice %arg7[%dma_start3A_281, %dma_start3A_282] : memref<10240x64xf32, #tpu.memory_space<vmem_shared>> -> memref<10240x64xf32, #tpu.memory_space<vmem_shared>>
      tpu.enqueue_indirect_dma source(%dma_start3A_283 : memref<10240x64xf32, #tpu.memory_space<vmem_shared>>) target(%dma_start3A_277 : memref<128x64xf32, #tpu.memory_space<vmem>>) offsets(%dma_start3A_280 : memref<128xi32, #tpu.memory_space<vmem>>) semaphore(%arg12 : memref<!tpu.dma_semaphore, #tpu.memory_space<semaphore_mem>>)
      %dma_wait3A_284 = arith.constant 5 : i32
      %dma_wait3A_285 = arith.constant 1 : i32
      %dma_wait3A_286 = arith.constant 0 : i32
      %dma_wait3A_287 = arith.constant 0 : i32
      %dma_wait3A_288 = tpu.memref_slice %arg11[%dma_wait3A_285, %dma_wait3A_286, %dma_wait3A_287] : memref<4x128x64xf32, #tpu.memory_space<vmem>> -> memref<1x128x64xf32, #tpu.memory_space<vmem>>
      %dma_wait3A_289 = tpu.memref_squeeze %dma_wait3A_288 : memref<1x128x64xf32, #tpu.memory_space<vmem>> -> memref<128x64xf32, #tpu.memory_space<vmem>>
      %dma_wait3A_290 = arith.constant 0 : i32
      %dma_wait3A_291 = tpu.memref_slice %arg9[%dma_wait3A_284, %dma_wait3A_290] : memref<16x128xi32, #tpu.memory_space<vmem>> -> memref<1x128xi32, #tpu.memory_space<vmem>>
      %dma_wait3A_292 = tpu.memref_squeeze %dma_wait3A_291 : memref<1x128xi32, #tpu.memory_space<vmem>> -> memref<128xi32, #tpu.memory_space<vmem>>
      %dma_wait3A_293 = arith.constant 0 : i32
      %dma_wait3A_294 = arith.constant 0 : i32
      %dma_wait3A_295 = tpu.memref_slice %arg7[%dma_wait3A_293, %dma_wait3A_294] : memref<10240x64xf32, #tpu.memory_space<vmem_shared>> -> memref<10240x64xf32, #tpu.memory_space<vmem_shared>>
      tpu.wait_indirect_dma semaphore(%arg12 : memref<!tpu.dma_semaphore, #tpu.memory_space<semaphore_mem>>) src(%dma_wait3A_295 : memref<10240x64xf32, #tpu.memory_space<vmem_shared>>) dst(%dma_wait3A_289 : memref<128x64xf32, #tpu.memory_space<vmem>>)
      %dma_start3A_296 = arith.constant 1 : i32
      %dma_start3A_297 = arith.constant 5 : i32
      %dma_start3A_298 = arith.constant 0 : i32
      %dma_start3A_299 = arith.constant 0 : i32
      %dma_start3A_300 = tpu.memref_slice %arg11[%dma_start3A_296, %dma_start3A_298, %dma_start3A_299] : memref<4x128x64xf32, #tpu.memory_space<vmem>> -> memref<1x128x64xf32, #tpu.memory_space<vmem>>
      %dma_start3A_301 = tpu.memref_squeeze %dma_start3A_300 : memref<1x128x64xf32, #tpu.memory_space<vmem>> -> memref<128x64xf32, #tpu.memory_space<vmem>>
      %dma_start3A_302 = arith.constant 0 : i32
      %dma_start3A_303 = tpu.memref_slice %arg10[%dma_start3A_297, %dma_start3A_302] : memref<16x128xi32, #tpu.memory_space<vmem>> -> memref<1x128xi32, #tpu.memory_space<vmem>>
      %dma_start3A_304 = tpu.memref_squeeze %dma_start3A_303 : memref<1x128xi32, #tpu.memory_space<vmem>> -> memref<128xi32, #tpu.memory_space<vmem>>
      %dma_start3A_305 = arith.constant 0 : i32
      %dma_start3A_306 = arith.constant 0 : i32
      %dma_start3A_307 = tpu.memref_slice %arg8[%dma_start3A_305, %dma_start3A_306] : memref<10240x64xf32, #tpu.memory_space<vmem_shared>> -> memref<10240x64xf32, #tpu.memory_space<vmem_shared>>
      tpu.enqueue_indirect_dma source(%dma_start3A_301 : memref<128x64xf32, #tpu.memory_space<vmem>>) target(%dma_start3A_307 : memref<10240x64xf32, #tpu.memory_space<vmem_shared>>) offsets(%dma_start3A_304 : memref<128xi32, #tpu.memory_space<vmem>>) semaphore(%arg13 : memref<!tpu.dma_semaphore, #tpu.memory_space<semaphore_mem>>) {add = true}
      %dma_wait3A_308 = arith.constant 0 : i32
      %dma_wait3A_309 = arith.constant 4 : i32
      %dma_wait3A_310 = arith.constant 0 : i32
      %dma_wait3A_311 = arith.constant 0 : i32
      %dma_wait3A_312 = tpu.memref_slice %arg11[%dma_wait3A_308, %dma_wait3A_310, %dma_wait3A_311] : memref<4x128x64xf32, #tpu.memory_space<vmem>> -> memref<1x128x64xf32, #tpu.memory_space<vmem>>
      %dma_wait3A_313 = tpu.memref_squeeze %dma_wait3A_312 : memref<1x128x64xf32, #tpu.memory_space<vmem>> -> memref<128x64xf32, #tpu.memory_space<vmem>>
      %dma_wait3A_314 = arith.constant 0 : i32
      %dma_wait3A_315 = tpu.memref_slice %arg10[%dma_wait3A_309, %dma_wait3A_314] : memref<16x128xi32, #tpu.memory_space<vmem>> -> memref<1x128xi32, #tpu.memory_space<vmem>>
      %dma_wait3A_316 = tpu.memref_squeeze %dma_wait3A_315 : memref<1x128xi32, #tpu.memory_space<vmem>> -> memref<128xi32, #tpu.memory_space<vmem>>
      %dma_wait3A_317 = arith.constant 0 : i32
      %dma_wait3A_318 = arith.constant 0 : i32
      %dma_wait3A_319 = tpu.memref_slice %arg8[%dma_wait3A_317, %dma_wait3A_318] : memref<10240x64xf32, #tpu.memory_space<vmem_shared>> -> memref<10240x64xf32, #tpu.memory_space<vmem_shared>>
      tpu.wait_indirect_dma semaphore(%arg13 : memref<!tpu.dma_semaphore, #tpu.memory_space<semaphore_mem>>) src(%dma_wait3A_313 : memref<128x64xf32, #tpu.memory_space<vmem>>) dst(%dma_wait3A_319 : memref<10240x64xf32, #tpu.memory_space<vmem_shared>>)
      %dma_start3A_320 = arith.constant 8 : i32
      %dma_start3A_321 = arith.constant 0 : i32
      %dma_start3A_322 = arith.constant 0 : i32
      %dma_start3A_323 = arith.constant 0 : i32
      %dma_start3A_324 = tpu.memref_slice %arg11[%dma_start3A_321, %dma_start3A_322, %dma_start3A_323] : memref<4x128x64xf32, #tpu.memory_space<vmem>> -> memref<1x128x64xf32, #tpu.memory_space<vmem>>
      %dma_start3A_325 = tpu.memref_squeeze %dma_start3A_324 : memref<1x128x64xf32, #tpu.memory_space<vmem>> -> memref<128x64xf32, #tpu.memory_space<vmem>>
      %dma_start3A_326 = arith.constant 0 : i32
      %dma_start3A_327 = tpu.memref_slice %arg9[%dma_start3A_320, %dma_start3A_326] : memref<16x128xi32, #tpu.memory_space<vmem>> -> memref<1x128xi32, #tpu.memory_space<vmem>>
      %dma_start3A_328 = tpu.memref_squeeze %dma_start3A_327 : memref<1x128xi32, #tpu.memory_space<vmem>> -> memref<128xi32, #tpu.memory_space<vmem>>
      %dma_start3A_329 = arith.constant 0 : i32
      %dma_start3A_330 = arith.constant 0 : i32
      %dma_start3A_331 = tpu.memref_slice %arg7[%dma_start3A_329, %dma_start3A_330] : memref<10240x64xf32, #tpu.memory_space<vmem_shared>> -> memref<10240x64xf32, #tpu.memory_space<vmem_shared>>
      tpu.enqueue_indirect_dma source(%dma_start3A_331 : memref<10240x64xf32, #tpu.memory_space<vmem_shared>>) target(%dma_start3A_325 : memref<128x64xf32, #tpu.memory_space<vmem>>) offsets(%dma_start3A_328 : memref<128xi32, #tpu.memory_space<vmem>>) semaphore(%arg12 : memref<!tpu.dma_semaphore, #tpu.memory_space<semaphore_mem>>)
      %dma_wait3A_332 = arith.constant 6 : i32
      %dma_wait3A_333 = arith.constant 2 : i32
      %dma_wait3A_334 = arith.constant 0 : i32
      %dma_wait3A_335 = arith.constant 0 : i32
      %dma_wait3A_336 = tpu.memref_slice %arg11[%dma_wait3A_333, %dma_wait3A_334, %dma_wait3A_335] : memref<4x128x64xf32, #tpu.memory_space<vmem>> -> memref<1x128x64xf32, #tpu.memory_space<vmem>>
      %dma_wait3A_337 = tpu.memref_squeeze %dma_wait3A_336 : memref<1x128x64xf32, #tpu.memory_space<vmem>> -> memref<128x64xf32, #tpu.memory_space<vmem>>
      %dma_wait3A_338 = arith.constant 0 : i32
      %dma_wait3A_339 = tpu.memref_slice %arg9[%dma_wait3A_332, %dma_wait3A_338] : memref<16x128xi32, #tpu.memory_space<vmem>> -> memref<1x128xi32, #tpu.memory_space<vmem>>
      %dma_wait3A_340 = tpu.memref_squeeze %dma_wait3A_339 : memref<1x128xi32, #tpu.memory_space<vmem>> -> memref<128xi32, #tpu.memory_space<vmem>>
      %dma_wait3A_341 = arith.constant 0 : i32
      %dma_wait3A_342 = arith.constant 0 : i32
      %dma_wait3A_343 = tpu.memref_slice %arg7[%dma_wait3A_341, %dma_wait3A_342] : memref<10240x64xf32, #tpu.memory_space<vmem_shared>> -> memref<10240x64xf32, #tpu.memory_space<vmem_shared>>
      tpu.wait_indirect_dma semaphore(%arg12 : memref<!tpu.dma_semaphore, #tpu.memory_space<semaphore_mem>>) src(%dma_wait3A_343 : memref<10240x64xf32, #tpu.memory_space<vmem_shared>>) dst(%dma_wait3A_337 : memref<128x64xf32, #tpu.memory_space<vmem>>)
      %dma_start3A_344 = arith.constant 2 : i32
      %dma_start3A_345 = arith.constant 6 : i32
      %dma_start3A_346 = arith.constant 0 : i32
      %dma_start3A_347 = arith.constant 0 : i32
      %dma_start3A_348 = tpu.memref_slice %arg11[%dma_start3A_344, %dma_start3A_346, %dma_start3A_347] : memref<4x128x64xf32, #tpu.memory_space<vmem>> -> memref<1x128x64xf32, #tpu.memory_space<vmem>>
      %dma_start3A_349 = tpu.memref_squeeze %dma_start3A_348 : memref<1x128x64xf32, #tpu.memory_space<vmem>> -> memref<128x64xf32, #tpu.memory_space<vmem>>
      %dma_start3A_350 = arith.constant 0 : i32
      %dma_start3A_351 = tpu.memref_slice %arg10[%dma_start3A_345, %dma_start3A_350] : memref<16x128xi32, #tpu.memory_space<vmem>> -> memref<1x128xi32, #tpu.memory_space<vmem>>
      %dma_start3A_352 = tpu.memref_squeeze %dma_start3A_351 : memref<1x128xi32, #tpu.memory_space<vmem>> -> memref<128xi32, #tpu.memory_space<vmem>>
      %dma_start3A_353 = arith.constant 0 : i32
      %dma_start3A_354 = arith.constant 0 : i32
      %dma_start3A_355 = tpu.memref_slice %arg8[%dma_start3A_353, %dma_start3A_354] : memref<10240x64xf32, #tpu.memory_space<vmem_shared>> -> memref<10240x64xf32, #tpu.memory_space<vmem_shared>>
      tpu.enqueue_indirect_dma source(%dma_start3A_349 : memref<128x64xf32, #tpu.memory_space<vmem>>) target(%dma_start3A_355 : memref<10240x64xf32, #tpu.memory_space<vmem_shared>>) offsets(%dma_start3A_352 : memref<128xi32, #tpu.memory_space<vmem>>) semaphore(%arg13 : memref<!tpu.dma_semaphore, #tpu.memory_space<semaphore_mem>>) {add = true}
      %dma_wait3A_356 = arith.constant 1 : i32
      %dma_wait3A_357 = arith.constant 5 : i32
      %dma_wait3A_358 = arith.constant 0 : i32
      %dma_wait3A_359 = arith.constant 0 : i32
      %dma_wait3A_360 = tpu.memref_slice %arg11[%dma_wait3A_356, %dma_wait3A_358, %dma_wait3A_359] : memref<4x128x64xf32, #tpu.memory_space<vmem>> -> memref<1x128x64xf32, #tpu.memory_space<vmem>>
      %dma_wait3A_361 = tpu.memref_squeeze %dma_wait3A_360 : memref<1x128x64xf32, #tpu.memory_space<vmem>> -> memref<128x64xf32, #tpu.memory_space<vmem>>
      %dma_wait3A_362 = arith.constant 0 : i32
      %dma_wait3A_363 = tpu.memref_slice %arg10[%dma_wait3A_357, %dma_wait3A_362] : memref<16x128xi32, #tpu.memory_space<vmem>> -> memref<1x128xi32, #tpu.memory_space<vmem>>
      %dma_wait3A_364 = tpu.memref_squeeze %dma_wait3A_363 : memref<1x128xi32, #tpu.memory_space<vmem>> -> memref<128xi32, #tpu.memory_space<vmem>>
      %dma_wait3A_365 = arith.constant 0 : i32
      %dma_wait3A_366 = arith.constant 0 : i32
      %dma_wait3A_367 = tpu.memref_slice %arg8[%dma_wait3A_365, %dma_wait3A_366] : memref<10240x64xf32, #tpu.memory_space<vmem_shared>> -> memref<10240x64xf32, #tpu.memory_space<vmem_shared>>
      tpu.wait_indirect_dma semaphore(%arg13 : memref<!tpu.dma_semaphore, #tpu.memory_space<semaphore_mem>>) src(%dma_wait3A_361 : memref<128x64xf32, #tpu.memory_space<vmem>>) dst(%dma_wait3A_367 : memref<10240x64xf32, #tpu.memory_space<vmem_shared>>)
      %dma_start3A_368 = arith.constant 9 : i32
      %dma_start3A_369 = arith.constant 1 : i32
      %dma_start3A_370 = arith.constant 0 : i32
      %dma_start3A_371 = arith.constant 0 : i32
      %dma_start3A_372 = tpu.memref_slice %arg11[%dma_start3A_369, %dma_start3A_370, %dma_start3A_371] : memref<4x128x64xf32, #tpu.memory_space<vmem>> -> memref<1x128x64xf32, #tpu.memory_space<vmem>>
      %dma_start3A_373 = tpu.memref_squeeze %dma_start3A_372 : memref<1x128x64xf32, #tpu.memory_space<vmem>> -> memref<128x64xf32, #tpu.memory_space<vmem>>
      %dma_start3A_374 = arith.constant 0 : i32
      %dma_start3A_375 = tpu.memref_slice %arg9[%dma_start3A_368, %dma_start3A_374] : memref<16x128xi32, #tpu.memory_space<vmem>> -> memref<1x128xi32, #tpu.memory_space<vmem>>
      %dma_start3A_376 = tpu.memref_squeeze %dma_start3A_375 : memref<1x128xi32, #tpu.memory_space<vmem>> -> memref<128xi32, #tpu.memory_space<vmem>>
      %dma_start3A_377 = arith.constant 0 : i32
      %dma_start3A_378 = arith.constant 0 : i32
      %dma_start3A_379 = tpu.memref_slice %arg7[%dma_start3A_377, %dma_start3A_378] : memref<10240x64xf32, #tpu.memory_space<vmem_shared>> -> memref<10240x64xf32, #tpu.memory_space<vmem_shared>>
      tpu.enqueue_indirect_dma source(%dma_start3A_379 : memref<10240x64xf32, #tpu.memory_space<vmem_shared>>) target(%dma_start3A_373 : memref<128x64xf32, #tpu.memory_space<vmem>>) offsets(%dma_start3A_376 : memref<128xi32, #tpu.memory_space<vmem>>) semaphore(%arg12 : memref<!tpu.dma_semaphore, #tpu.memory_space<semaphore_mem>>)
      %dma_wait3A_380 = arith.constant 7 : i32
      %dma_wait3A_381 = arith.constant 3 : i32
      %dma_wait3A_382 = arith.constant 0 : i32
      %dma_wait3A_383 = arith.constant 0 : i32
      %dma_wait3A_384 = tpu.memref_slice %arg11[%dma_wait3A_381, %dma_wait3A_382, %dma_wait3A_383] : memref<4x128x64xf32, #tpu.memory_space<vmem>> -> memref<1x128x64xf32, #tpu.memory_space<vmem>>
      %dma_wait3A_385 = tpu.memref_squeeze %dma_wait3A_384 : memref<1x128x64xf32, #tpu.memory_space<vmem>> -> memref<128x64xf32, #tpu.memory_space<vmem>>
      %dma_wait3A_386 = arith.constant 0 : i32
      %dma_wait3A_387 = tpu.memref_slice %arg9[%dma_wait3A_380, %dma_wait3A_386] : memref<16x128xi32, #tpu.memory_space<vmem>> -> memref<1x128xi32, #tpu.memory_space<vmem>>
      %dma_wait3A_388 = tpu.memref_squeeze %dma_wait3A_387 : memref<1x128xi32, #tpu.memory_space<vmem>> -> memref<128xi32, #tpu.memory_space<vmem>>
      %dma_wait3A_389 = arith.constant 0 : i32
      %dma_wait3A_390 = arith.constant 0 : i32
      %dma_wait3A_391 = tpu.memref_slice %arg7[%dma_wait3A_389, %dma_wait3A_390] : memref<10240x64xf32, #tpu.memory_space<vmem_shared>> -> memref<10240x64xf32, #tpu.memory_space<vmem_shared>>
      tpu.wait_indirect_dma semaphore(%arg12 : memref<!tpu.dma_semaphore, #tpu.memory_space<semaphore_mem>>) src(%dma_wait3A_391 : memref<10240x64xf32, #tpu.memory_space<vmem_shared>>) dst(%dma_wait3A_385 : memref<128x64xf32, #tpu.memory_space<vmem>>)
      %dma_start3A_392 = arith.constant 3 : i32
      %dma_start3A_393 = arith.constant 7 : i32
      %dma_start3A_394 = arith.constant 0 : i32
      %dma_start3A_395 = arith.constant 0 : i32
      %dma_start3A_396 = tpu.memref_slice %arg11[%dma_start3A_392, %dma_start3A_394, %dma_start3A_395] : memref<4x128x64xf32, #tpu.memory_space<vmem>> -> memref<1x128x64xf32, #tpu.memory_space<vmem>>
      %dma_start3A_397 = tpu.memref_squeeze %dma_start3A_396 : memref<1x128x64xf32, #tpu.memory_space<vmem>> -> memref<128x64xf32, #tpu.memory_space<vmem>>
      %dma_start3A_398 = arith.constant 0 : i32
      %dma_start3A_399 = tpu.memref_slice %arg10[%dma_start3A_393, %dma_start3A_398] : memref<16x128xi32, #tpu.memory_space<vmem>> -> memref<1x128xi32, #tpu.memory_space<vmem>>
      %dma_start3A_400 = tpu.memref_squeeze %dma_start3A_399 : memref<1x128xi32, #tpu.memory_space<vmem>> -> memref<128xi32, #tpu.memory_space<vmem>>
      %dma_start3A_401 = arith.constant 0 : i32
      %dma_start3A_402 = arith.constant 0 : i32
      %dma_start3A_403 = tpu.memref_slice %arg8[%dma_start3A_401, %dma_start3A_402] : memref<10240x64xf32, #tpu.memory_space<vmem_shared>> -> memref<10240x64xf32, #tpu.memory_space<vmem_shared>>
      tpu.enqueue_indirect_dma source(%dma_start3A_397 : memref<128x64xf32, #tpu.memory_space<vmem>>) target(%dma_start3A_403 : memref<10240x64xf32, #tpu.memory_space<vmem_shared>>) offsets(%dma_start3A_400 : memref<128xi32, #tpu.memory_space<vmem>>) semaphore(%arg13 : memref<!tpu.dma_semaphore, #tpu.memory_space<semaphore_mem>>) {add = true}
      %dma_wait3A_404 = arith.constant 2 : i32
      %dma_wait3A_405 = arith.constant 6 : i32
      %dma_wait3A_406 = arith.constant 0 : i32
      %dma_wait3A_407 = arith.constant 0 : i32
      %dma_wait3A_408 = tpu.memref_slice %arg11[%dma_wait3A_404, %dma_wait3A_406, %dma_wait3A_407] : memref<4x128x64xf32, #tpu.memory_space<vmem>> -> memref<1x128x64xf32, #tpu.memory_space<vmem>>
      %dma_wait3A_409 = tpu.memref_squeeze %dma_wait3A_408 : memref<1x128x64xf32, #tpu.memory_space<vmem>> -> memref<128x64xf32, #tpu.memory_space<vmem>>
      %dma_wait3A_410 = arith.constant 0 : i32
      %dma_wait3A_411 = tpu.memref_slice %arg10[%dma_wait3A_405, %dma_wait3A_410] : memref<16x128xi32, #tpu.memory_space<vmem>> -> memref<1x128xi32, #tpu.memory_space<vmem>>
      %dma_wait3A_412 = tpu.memref_squeeze %dma_wait3A_411 : memref<1x128xi32, #tpu.memory_space<vmem>> -> memref<128xi32, #tpu.memory_space<vmem>>
      %dma_wait3A_413 = arith.constant 0 : i32
      %dma_wait3A_414 = arith.constant 0 : i32
      %dma_wait3A_415 = tpu.memref_slice %arg8[%dma_wait3A_413, %dma_wait3A_414] : memref<10240x64xf32, #tpu.memory_space<vmem_shared>> -> memref<10240x64xf32, #tpu.memory_space<vmem_shared>>
      tpu.wait_indirect_dma semaphore(%arg13 : memref<!tpu.dma_semaphore, #tpu.memory_space<semaphore_mem>>) src(%dma_wait3A_409 : memref<128x64xf32, #tpu.memory_space<vmem>>) dst(%dma_wait3A_415 : memref<10240x64xf32, #tpu.memory_space<vmem_shared>>)
      %dma_start3A_416 = arith.constant 10 : i32
      %dma_start3A_417 = arith.constant 2 : i32
      %dma_start3A_418 = arith.constant 0 : i32
      %dma_start3A_419 = arith.constant 0 : i32
      %dma_start3A_420 = tpu.memref_slice %arg11[%dma_start3A_417, %dma_start3A_418, %dma_start3A_419] : memref<4x128x64xf32, #tpu.memory_space<vmem>> -> memref<1x128x64xf32, #tpu.memory_space<vmem>>
      %dma_start3A_421 = tpu.memref_squeeze %dma_start3A_420 : memref<1x128x64xf32, #tpu.memory_space<vmem>> -> memref<128x64xf32, #tpu.memory_space<vmem>>
      %dma_start3A_422 = arith.constant 0 : i32
      %dma_start3A_423 = tpu.memref_slice %arg9[%dma_start3A_416, %dma_start3A_422] : memref<16x128xi32, #tpu.memory_space<vmem>> -> memref<1x128xi32, #tpu.memory_space<vmem>>
      %dma_start3A_424 = tpu.memref_squeeze %dma_start3A_423 : memref<1x128xi32, #tpu.memory_space<vmem>> -> memref<128xi32, #tpu.memory_space<vmem>>
      %dma_start3A_425 = arith.constant 0 : i32
      %dma_start3A_426 = arith.constant 0 : i32
      %dma_start3A_427 = tpu.memref_slice %arg7[%dma_start3A_425, %dma_start3A_426] : memref<10240x64xf32, #tpu.memory_space<vmem_shared>> -> memref<10240x64xf32, #tpu.memory_space<vmem_shared>>
      tpu.enqueue_indirect_dma source(%dma_start3A_427 : memref<10240x64xf32, #tpu.memory_space<vmem_shared>>) target(%dma_start3A_421 : memref<128x64xf32, #tpu.memory_space<vmem>>) offsets(%dma_start3A_424 : memref<128xi32, #tpu.memory_space<vmem>>) semaphore(%arg12 : memref<!tpu.dma_semaphore, #tpu.memory_space<semaphore_mem>>)
      %dma_wait3A_428 = arith.constant 8 : i32
      %dma_wait3A_429 = arith.constant 0 : i32
      %dma_wait3A_430 = arith.constant 0 : i32
      %dma_wait3A_431 = arith.constant 0 : i32
      %dma_wait3A_432 = tpu.memref_slice %arg11[%dma_wait3A_429, %dma_wait3A_430, %dma_wait3A_431] : memref<4x128x64xf32, #tpu.memory_space<vmem>> -> memref<1x128x64xf32, #tpu.memory_space<vmem>>
      %dma_wait3A_433 = tpu.memref_squeeze %dma_wait3A_432 : memref<1x128x64xf32, #tpu.memory_space<vmem>> -> memref<128x64xf32, #tpu.memory_space<vmem>>
      %dma_wait3A_434 = arith.constant 0 : i32
      %dma_wait3A_435 = tpu.memref_slice %arg9[%dma_wait3A_428, %dma_wait3A_434] : memref<16x128xi32, #tpu.memory_space<vmem>> -> memref<1x128xi32, #tpu.memory_space<vmem>>
      %dma_wait3A_436 = tpu.memref_squeeze %dma_wait3A_435 : memref<1x128xi32, #tpu.memory_space<vmem>> -> memref<128xi32, #tpu.memory_space<vmem>>
      %dma_wait3A_437 = arith.constant 0 : i32
      %dma_wait3A_438 = arith.constant 0 : i32
      %dma_wait3A_439 = tpu.memref_slice %arg7[%dma_wait3A_437, %dma_wait3A_438] : memref<10240x64xf32, #tpu.memory_space<vmem_shared>> -> memref<10240x64xf32, #tpu.memory_space<vmem_shared>>
      tpu.wait_indirect_dma semaphore(%arg12 : memref<!tpu.dma_semaphore, #tpu.memory_space<semaphore_mem>>) src(%dma_wait3A_439 : memref<10240x64xf32, #tpu.memory_space<vmem_shared>>) dst(%dma_wait3A_433 : memref<128x64xf32, #tpu.memory_space<vmem>>)
      %dma_start3A_440 = arith.constant 0 : i32
      %dma_start3A_441 = arith.constant 8 : i32
      %dma_start3A_442 = arith.constant 0 : i32
      %dma_start3A_443 = arith.constant 0 : i32
      %dma_start3A_444 = tpu.memref_slice %arg11[%dma_start3A_440, %dma_start3A_442, %dma_start3A_443] : memref<4x128x64xf32, #tpu.memory_space<vmem>> -> memref<1x128x64xf32, #tpu.memory_space<vmem>>
      %dma_start3A_445 = tpu.memref_squeeze %dma_start3A_444 : memref<1x128x64xf32, #tpu.memory_space<vmem>> -> memref<128x64xf32, #tpu.memory_space<vmem>>
      %dma_start3A_446 = arith.constant 0 : i32
      %dma_start3A_447 = tpu.memref_slice %arg10[%dma_start3A_441, %dma_start3A_446] : memref<16x128xi32, #tpu.memory_space<vmem>> -> memref<1x128xi32, #tpu.memory_space<vmem>>
      %dma_start3A_448 = tpu.memref_squeeze %dma_start3A_447 : memref<1x128xi32, #tpu.memory_space<vmem>> -> memref<128xi32, #tpu.memory_space<vmem>>
      %dma_start3A_449 = arith.constant 0 : i32
      %dma_start3A_450 = arith.constant 0 : i32
      %dma_start3A_451 = tpu.memref_slice %arg8[%dma_start3A_449, %dma_start3A_450] : memref<10240x64xf32, #tpu.memory_space<vmem_shared>> -> memref<10240x64xf32, #tpu.memory_space<vmem_shared>>
      tpu.enqueue_indirect_dma source(%dma_start3A_445 : memref<128x64xf32, #tpu.memory_space<vmem>>) target(%dma_start3A_451 : memref<10240x64xf32, #tpu.memory_space<vmem_shared>>) offsets(%dma_start3A_448 : memref<128xi32, #tpu.memory_space<vmem>>) semaphore(%arg13 : memref<!tpu.dma_semaphore, #tpu.memory_space<semaphore_mem>>) {add = true}
      %dma_wait3A_452 = arith.constant 3 : i32
      %dma_wait3A_453 = arith.constant 7 : i32
      %dma_wait3A_454 = arith.constant 0 : i32
      %dma_wait3A_455 = arith.constant 0 : i32
      %dma_wait3A_456 = tpu.memref_slice %arg11[%dma_wait3A_452, %dma_wait3A_454, %dma_wait3A_455] : memref<4x128x64xf32, #tpu.memory_space<vmem>> -> memref<1x128x64xf32, #tpu.memory_space<vmem>>
      %dma_wait3A_457 = tpu.memref_squeeze %dma_wait3A_456 : memref<1x128x64xf32, #tpu.memory_space<vmem>> -> memref<128x64xf32, #tpu.memory_space<vmem>>
      %dma_wait3A_458 = arith.constant 0 : i32
      %dma_wait3A_459 = tpu.memref_slice %arg10[%dma_wait3A_453, %dma_wait3A_458] : memref<16x128xi32, #tpu.memory_space<vmem>> -> memref<1x128xi32, #tpu.memory_space<vmem>>
      %dma_wait3A_460 = tpu.memref_squeeze %dma_wait3A_459 : memref<1x128xi32, #tpu.memory_space<vmem>> -> memref<128xi32, #tpu.memory_space<vmem>>
      %dma_wait3A_461 = arith.constant 0 : i32
      %dma_wait3A_462 = arith.constant 0 : i32
      %dma_wait3A_463 = tpu.memref_slice %arg8[%dma_wait3A_461, %dma_wait3A_462] : memref<10240x64xf32, #tpu.memory_space<vmem_shared>> -> memref<10240x64xf32, #tpu.memory_space<vmem_shared>>
      tpu.wait_indirect_dma semaphore(%arg13 : memref<!tpu.dma_semaphore, #tpu.memory_space<semaphore_mem>>) src(%dma_wait3A_457 : memref<128x64xf32, #tpu.memory_space<vmem>>) dst(%dma_wait3A_463 : memref<10240x64xf32, #tpu.memory_space<vmem_shared>>)
      %dma_start3A_464 = arith.constant 11 : i32
      %dma_start3A_465 = arith.constant 3 : i32
      %dma_start3A_466 = arith.constant 0 : i32
      %dma_start3A_467 = arith.constant 0 : i32
      %dma_start3A_468 = tpu.memref_slice %arg11[%dma_start3A_465, %dma_start3A_466, %dma_start3A_467] : memref<4x128x64xf32, #tpu.memory_space<vmem>> -> memref<1x128x64xf32, #tpu.memory_space<vmem>>
      %dma_start3A_469 = tpu.memref_squeeze %dma_start3A_468 : memref<1x128x64xf32, #tpu.memory_space<vmem>> -> memref<128x64xf32, #tpu.memory_space<vmem>>
      %dma_start3A_470 = arith.constant 0 : i32
      %dma_start3A_471 = tpu.memref_slice %arg9[%dma_start3A_464, %dma_start3A_470] : memref<16x128xi32, #tpu.memory_space<vmem>> -> memref<1x128xi32, #tpu.memory_space<vmem>>
      %dma_start3A_472 = tpu.memref_squeeze %dma_start3A_471 : memref<1x128xi32, #tpu.memory_space<vmem>> -> memref<128xi32, #tpu.memory_space<vmem>>
      %dma_start3A_473 = arith.constant 0 : i32
      %dma_start3A_474 = arith.constant 0 : i32
      %dma_start3A_475 = tpu.memref_slice %arg7[%dma_start3A_473, %dma_start3A_474] : memref<10240x64xf32, #tpu.memory_space<vmem_shared>> -> memref<10240x64xf32, #tpu.memory_space<vmem_shared>>
      tpu.enqueue_indirect_dma source(%dma_start3A_475 : memref<10240x64xf32, #tpu.memory_space<vmem_shared>>) target(%dma_start3A_469 : memref<128x64xf32, #tpu.memory_space<vmem>>) offsets(%dma_start3A_472 : memref<128xi32, #tpu.memory_space<vmem>>) semaphore(%arg12 : memref<!tpu.dma_semaphore, #tpu.memory_space<semaphore_mem>>)
      %dma_wait3A_476 = arith.constant 9 : i32
      %dma_wait3A_477 = arith.constant 1 : i32
      %dma_wait3A_478 = arith.constant 0 : i32
      %dma_wait3A_479 = arith.constant 0 : i32
      %dma_wait3A_480 = tpu.memref_slice %arg11[%dma_wait3A_477, %dma_wait3A_478, %dma_wait3A_479] : memref<4x128x64xf32, #tpu.memory_space<vmem>> -> memref<1x128x64xf32, #tpu.memory_space<vmem>>
      %dma_wait3A_481 = tpu.memref_squeeze %dma_wait3A_480 : memref<1x128x64xf32, #tpu.memory_space<vmem>> -> memref<128x64xf32, #tpu.memory_space<vmem>>
      %dma_wait3A_482 = arith.constant 0 : i32
      %dma_wait3A_483 = tpu.memref_slice %arg9[%dma_wait3A_476, %dma_wait3A_482] : memref<16x128xi32, #tpu.memory_space<vmem>> -> memref<1x128xi32, #tpu.memory_space<vmem>>
      %dma_wait3A_484 = tpu.memref_squeeze %dma_wait3A_483 : memref<1x128xi32, #tpu.memory_space<vmem>> -> memref<128xi32, #tpu.memory_space<vmem>>
      %dma_wait3A_485 = arith.constant 0 : i32
      %dma_wait3A_486 = arith.constant 0 : i32
      %dma_wait3A_487 = tpu.memref_slice %arg7[%dma_wait3A_485, %dma_wait3A_486] : memref<10240x64xf32, #tpu.memory_space<vmem_shared>> -> memref<10240x64xf32, #tpu.memory_space<vmem_shared>>
      tpu.wait_indirect_dma semaphore(%arg12 : memref<!tpu.dma_semaphore, #tpu.memory_space<semaphore_mem>>) src(%dma_wait3A_487 : memref<10240x64xf32, #tpu.memory_space<vmem_shared>>) dst(%dma_wait3A_481 : memref<128x64xf32, #tpu.memory_space<vmem>>)
      %dma_start3A_488 = arith.constant 1 : i32
      %dma_start3A_489 = arith.constant 9 : i32
      %dma_start3A_490 = arith.constant 0 : i32
      %dma_start3A_491 = arith.constant 0 : i32
      %dma_start3A_492 = tpu.memref_slice %arg11[%dma_start3A_488, %dma_start3A_490, %dma_start3A_491] : memref<4x128x64xf32, #tpu.memory_space<vmem>> -> memref<1x128x64xf32, #tpu.memory_space<vmem>>
      %dma_start3A_493 = tpu.memref_squeeze %dma_start3A_492 : memref<1x128x64xf32, #tpu.memory_space<vmem>> -> memref<128x64xf32, #tpu.memory_space<vmem>>
      %dma_start3A_494 = arith.constant 0 : i32
      %dma_start3A_495 = tpu.memref_slice %arg10[%dma_start3A_489, %dma_start3A_494] : memref<16x128xi32, #tpu.memory_space<vmem>> -> memref<1x128xi32, #tpu.memory_space<vmem>>
      %dma_start3A_496 = tpu.memref_squeeze %dma_start3A_495 : memref<1x128xi32, #tpu.memory_space<vmem>> -> memref<128xi32, #tpu.memory_space<vmem>>
      %dma_start3A_497 = arith.constant 0 : i32
      %dma_start3A_498 = arith.constant 0 : i32
      %dma_start3A_499 = tpu.memref_slice %arg8[%dma_start3A_497, %dma_start3A_498] : memref<10240x64xf32, #tpu.memory_space<vmem_shared>> -> memref<10240x64xf32, #tpu.memory_space<vmem_shared>>
      tpu.enqueue_indirect_dma source(%dma_start3A_493 : memref<128x64xf32, #tpu.memory_space<vmem>>) target(%dma_start3A_499 : memref<10240x64xf32, #tpu.memory_space<vmem_shared>>) offsets(%dma_start3A_496 : memref<128xi32, #tpu.memory_space<vmem>>) semaphore(%arg13 : memref<!tpu.dma_semaphore, #tpu.memory_space<semaphore_mem>>) {add = true}
      %dma_wait3A_500 = arith.constant 0 : i32
      %dma_wait3A_501 = arith.constant 8 : i32
      %dma_wait3A_502 = arith.constant 0 : i32
      %dma_wait3A_503 = arith.constant 0 : i32
      %dma_wait3A_504 = tpu.memref_slice %arg11[%dma_wait3A_500, %dma_wait3A_502, %dma_wait3A_503] : memref<4x128x64xf32, #tpu.memory_space<vmem>> -> memref<1x128x64xf32, #tpu.memory_space<vmem>>
      %dma_wait3A_505 = tpu.memref_squeeze %dma_wait3A_504 : memref<1x128x64xf32, #tpu.memory_space<vmem>> -> memref<128x64xf32, #tpu.memory_space<vmem>>
      %dma_wait3A_506 = arith.constant 0 : i32
      %dma_wait3A_507 = tpu.memref_slice %arg10[%dma_wait3A_501, %dma_wait3A_506] : memref<16x128xi32, #tpu.memory_space<vmem>> -> memref<1x128xi32, #tpu.memory_space<vmem>>
      %dma_wait3A_508 = tpu.memref_squeeze %dma_wait3A_507 : memref<1x128xi32, #tpu.memory_space<vmem>> -> memref<128xi32, #tpu.memory_space<vmem>>
      %dma_wait3A_509 = arith.constant 0 : i32
      %dma_wait3A_510 = arith.constant 0 : i32
      %dma_wait3A_511 = tpu.memref_slice %arg8[%dma_wait3A_509, %dma_wait3A_510] : memref<10240x64xf32, #tpu.memory_space<vmem_shared>> -> memref<10240x64xf32, #tpu.memory_space<vmem_shared>>
      tpu.wait_indirect_dma semaphore(%arg13 : memref<!tpu.dma_semaphore, #tpu.memory_space<semaphore_mem>>) src(%dma_wait3A_505 : memref<128x64xf32, #tpu.memory_space<vmem>>) dst(%dma_wait3A_511 : memref<10240x64xf32, #tpu.memory_space<vmem_shared>>)
      %dma_start3A_512 = arith.constant 12 : i32
      %dma_start3A_513 = arith.constant 0 : i32
      %dma_start3A_514 = arith.constant 0 : i32
      %dma_start3A_515 = arith.constant 0 : i32
      %dma_start3A_516 = tpu.memref_slice %arg11[%dma_start3A_513, %dma_start3A_514, %dma_start3A_515] : memref<4x128x64xf32, #tpu.memory_space<vmem>> -> memref<1x128x64xf32, #tpu.memory_space<vmem>>
      %dma_start3A_517 = tpu.memref_squeeze %dma_start3A_516 : memref<1x128x64xf32, #tpu.memory_space<vmem>> -> memref<128x64xf32, #tpu.memory_space<vmem>>
      %dma_start3A_518 = arith.constant 0 : i32
      %dma_start3A_519 = tpu.memref_slice %arg9[%dma_start3A_512, %dma_start3A_518] : memref<16x128xi32, #tpu.memory_space<vmem>> -> memref<1x128xi32, #tpu.memory_space<vmem>>
      %dma_start3A_520 = tpu.memref_squeeze %dma_start3A_519 : memref<1x128xi32, #tpu.memory_space<vmem>> -> memref<128xi32, #tpu.memory_space<vmem>>
      %dma_start3A_521 = arith.constant 0 : i32
      %dma_start3A_522 = arith.constant 0 : i32
      %dma_start3A_523 = tpu.memref_slice %arg7[%dma_start3A_521, %dma_start3A_522] : memref<10240x64xf32, #tpu.memory_space<vmem_shared>> -> memref<10240x64xf32, #tpu.memory_space<vmem_shared>>
      tpu.enqueue_indirect_dma source(%dma_start3A_523 : memref<10240x64xf32, #tpu.memory_space<vmem_shared>>) target(%dma_start3A_517 : memref<128x64xf32, #tpu.memory_space<vmem>>) offsets(%dma_start3A_520 : memref<128xi32, #tpu.memory_space<vmem>>) semaphore(%arg12 : memref<!tpu.dma_semaphore, #tpu.memory_space<semaphore_mem>>)
      %dma_wait3A_524 = arith.constant 10 : i32
      %dma_wait3A_525 = arith.constant 2 : i32
      %dma_wait3A_526 = arith.constant 0 : i32
      %dma_wait3A_527 = arith.constant 0 : i32
      %dma_wait3A_528 = tpu.memref_slice %arg11[%dma_wait3A_525, %dma_wait3A_526, %dma_wait3A_527] : memref<4x128x64xf32, #tpu.memory_space<vmem>> -> memref<1x128x64xf32, #tpu.memory_space<vmem>>
      %dma_wait3A_529 = tpu.memref_squeeze %dma_wait3A_528 : memref<1x128x64xf32, #tpu.memory_space<vmem>> -> memref<128x64xf32, #tpu.memory_space<vmem>>
      %dma_wait3A_530 = arith.constant 0 : i32
      %dma_wait3A_531 = tpu.memref_slice %arg9[%dma_wait3A_524, %dma_wait3A_530] : memref<16x128xi32, #tpu.memory_space<vmem>> -> memref<1x128xi32, #tpu.memory_space<vmem>>
      %dma_wait3A_532 = tpu.memref_squeeze %dma_wait3A_531 : memref<1x128xi32, #tpu.memory_space<vmem>> -> memref<128xi32, #tpu.memory_space<vmem>>
      %dma_wait3A_533 = arith.constant 0 : i32
      %dma_wait3A_534 = arith.constant 0 : i32
      %dma_wait3A_535 = tpu.memref_slice %arg7[%dma_wait3A_533, %dma_wait3A_534] : memref<10240x64xf32, #tpu.memory_space<vmem_shared>> -> memref<10240x64xf32, #tpu.memory_space<vmem_shared>>
      tpu.wait_indirect_dma semaphore(%arg12 : memref<!tpu.dma_semaphore, #tpu.memory_space<semaphore_mem>>) src(%dma_wait3A_535 : memref<10240x64xf32, #tpu.memory_space<vmem_shared>>) dst(%dma_wait3A_529 : memref<128x64xf32, #tpu.memory_space<vmem>>)
      %dma_start3A_536 = arith.constant 2 : i32
      %dma_start3A_537 = arith.constant 10 : i32
      %dma_start3A_538 = arith.constant 0 : i32
      %dma_start3A_539 = arith.constant 0 : i32
      %dma_start3A_540 = tpu.memref_slice %arg11[%dma_start3A_536, %dma_start3A_538, %dma_start3A_539] : memref<4x128x64xf32, #tpu.memory_space<vmem>> -> memref<1x128x64xf32, #tpu.memory_space<vmem>>
      %dma_start3A_541 = tpu.memref_squeeze %dma_start3A_540 : memref<1x128x64xf32, #tpu.memory_space<vmem>> -> memref<128x64xf32, #tpu.memory_space<vmem>>
      %dma_start3A_542 = arith.constant 0 : i32
      %dma_start3A_543 = tpu.memref_slice %arg10[%dma_start3A_537, %dma_start3A_542] : memref<16x128xi32, #tpu.memory_space<vmem>> -> memref<1x128xi32, #tpu.memory_space<vmem>>
      %dma_start3A_544 = tpu.memref_squeeze %dma_start3A_543 : memref<1x128xi32, #tpu.memory_space<vmem>> -> memref<128xi32, #tpu.memory_space<vmem>>
      %dma_start3A_545 = arith.constant 0 : i32
      %dma_start3A_546 = arith.constant 0 : i32
      %dma_start3A_547 = tpu.memref_slice %arg8[%dma_start3A_545, %dma_start3A_546] : memref<10240x64xf32, #tpu.memory_space<vmem_shared>> -> memref<10240x64xf32, #tpu.memory_space<vmem_shared>>
      tpu.enqueue_indirect_dma source(%dma_start3A_541 : memref<128x64xf32, #tpu.memory_space<vmem>>) target(%dma_start3A_547 : memref<10240x64xf32, #tpu.memory_space<vmem_shared>>) offsets(%dma_start3A_544 : memref<128xi32, #tpu.memory_space<vmem>>) semaphore(%arg13 : memref<!tpu.dma_semaphore, #tpu.memory_space<semaphore_mem>>) {add = true}
      %dma_wait3A_548 = arith.constant 1 : i32
      %dma_wait3A_549 = arith.constant 9 : i32
      %dma_wait3A_550 = arith.constant 0 : i32
      %dma_wait3A_551 = arith.constant 0 : i32
      %dma_wait3A_552 = tpu.memref_slice %arg11[%dma_wait3A_548, %dma_wait3A_550, %dma_wait3A_551] : memref<4x128x64xf32, #tpu.memory_space<vmem>> -> memref<1x128x64xf32, #tpu.memory_space<vmem>>
      %dma_wait3A_553 = tpu.memref_squeeze %dma_wait3A_552 : memref<1x128x64xf32, #tpu.memory_space<vmem>> -> memref<128x64xf32, #tpu.memory_space<vmem>>
      %dma_wait3A_554 = arith.constant 0 : i32
      %dma_wait3A_555 = tpu.memref_slice %arg10[%dma_wait3A_549, %dma_wait3A_554] : memref<16x128xi32, #tpu.memory_space<vmem>> -> memref<1x128xi32, #tpu.memory_space<vmem>>
      %dma_wait3A_556 = tpu.memref_squeeze %dma_wait3A_555 : memref<1x128xi32, #tpu.memory_space<vmem>> -> memref<128xi32, #tpu.memory_space<vmem>>
      %dma_wait3A_557 = arith.constant 0 : i32
      %dma_wait3A_558 = arith.constant 0 : i32
      %dma_wait3A_559 = tpu.memref_slice %arg8[%dma_wait3A_557, %dma_wait3A_558] : memref<10240x64xf32, #tpu.memory_space<vmem_shared>> -> memref<10240x64xf32, #tpu.memory_space<vmem_shared>>
      tpu.wait_indirect_dma semaphore(%arg13 : memref<!tpu.dma_semaphore, #tpu.memory_space<semaphore_mem>>) src(%dma_wait3A_553 : memref<128x64xf32, #tpu.memory_space<vmem>>) dst(%dma_wait3A_559 : memref<10240x64xf32, #tpu.memory_space<vmem_shared>>)
      %dma_start3A_560 = arith.constant 13 : i32
      %dma_start3A_561 = arith.constant 1 : i32
      %dma_start3A_562 = arith.constant 0 : i32
      %dma_start3A_563 = arith.constant 0 : i32
      %dma_start3A_564 = tpu.memref_slice %arg11[%dma_start3A_561, %dma_start3A_562, %dma_start3A_563] : memref<4x128x64xf32, #tpu.memory_space<vmem>> -> memref<1x128x64xf32, #tpu.memory_space<vmem>>
      %dma_start3A_565 = tpu.memref_squeeze %dma_start3A_564 : memref<1x128x64xf32, #tpu.memory_space<vmem>> -> memref<128x64xf32, #tpu.memory_space<vmem>>
      %dma_start3A_566 = arith.constant 0 : i32
      %dma_start3A_567 = tpu.memref_slice %arg9[%dma_start3A_560, %dma_start3A_566] : memref<16x128xi32, #tpu.memory_space<vmem>> -> memref<1x128xi32, #tpu.memory_space<vmem>>
      %dma_start3A_568 = tpu.memref_squeeze %dma_start3A_567 : memref<1x128xi32, #tpu.memory_space<vmem>> -> memref<128xi32, #tpu.memory_space<vmem>>
      %dma_start3A_569 = arith.constant 0 : i32
      %dma_start3A_570 = arith.constant 0 : i32
      %dma_start3A_571 = tpu.memref_slice %arg7[%dma_start3A_569, %dma_start3A_570] : memref<10240x64xf32, #tpu.memory_space<vmem_shared>> -> memref<10240x64xf32, #tpu.memory_space<vmem_shared>>
      tpu.enqueue_indirect_dma source(%dma_start3A_571 : memref<10240x64xf32, #tpu.memory_space<vmem_shared>>) target(%dma_start3A_565 : memref<128x64xf32, #tpu.memory_space<vmem>>) offsets(%dma_start3A_568 : memref<128xi32, #tpu.memory_space<vmem>>) semaphore(%arg12 : memref<!tpu.dma_semaphore, #tpu.memory_space<semaphore_mem>>)
      %dma_wait3A_572 = arith.constant 11 : i32
      %dma_wait3A_573 = arith.constant 3 : i32
      %dma_wait3A_574 = arith.constant 0 : i32
      %dma_wait3A_575 = arith.constant 0 : i32
      %dma_wait3A_576 = tpu.memref_slice %arg11[%dma_wait3A_573, %dma_wait3A_574, %dma_wait3A_575] : memref<4x128x64xf32, #tpu.memory_space<vmem>> -> memref<1x128x64xf32, #tpu.memory_space<vmem>>
      %dma_wait3A_577 = tpu.memref_squeeze %dma_wait3A_576 : memref<1x128x64xf32, #tpu.memory_space<vmem>> -> memref<128x64xf32, #tpu.memory_space<vmem>>
      %dma_wait3A_578 = arith.constant 0 : i32
      %dma_wait3A_579 = tpu.memref_slice %arg9[%dma_wait3A_572, %dma_wait3A_578] : memref<16x128xi32, #tpu.memory_space<vmem>> -> memref<1x128xi32, #tpu.memory_space<vmem>>
      %dma_wait3A_580 = tpu.memref_squeeze %dma_wait3A_579 : memref<1x128xi32, #tpu.memory_space<vmem>> -> memref<128xi32, #tpu.memory_space<vmem>>
      %dma_wait3A_581 = arith.constant 0 : i32
      %dma_wait3A_582 = arith.constant 0 : i32
      %dma_wait3A_583 = tpu.memref_slice %arg7[%dma_wait3A_581, %dma_wait3A_582] : memref<10240x64xf32, #tpu.memory_space<vmem_shared>> -> memref<10240x64xf32, #tpu.memory_space<vmem_shared>>
      tpu.wait_indirect_dma semaphore(%arg12 : memref<!tpu.dma_semaphore, #tpu.memory_space<semaphore_mem>>) src(%dma_wait3A_583 : memref<10240x64xf32, #tpu.memory_space<vmem_shared>>) dst(%dma_wait3A_577 : memref<128x64xf32, #tpu.memory_space<vmem>>)
      %dma_start3A_584 = arith.constant 3 : i32
      %dma_start3A_585 = arith.constant 11 : i32
      %dma_start3A_586 = arith.constant 0 : i32
      %dma_start3A_587 = arith.constant 0 : i32
      %dma_start3A_588 = tpu.memref_slice %arg11[%dma_start3A_584, %dma_start3A_586, %dma_start3A_587] : memref<4x128x64xf32, #tpu.memory_space<vmem>> -> memref<1x128x64xf32, #tpu.memory_space<vmem>>
      %dma_start3A_589 = tpu.memref_squeeze %dma_start3A_588 : memref<1x128x64xf32, #tpu.memory_space<vmem>> -> memref<128x64xf32, #tpu.memory_space<vmem>>
      %dma_start3A_590 = arith.constant 0 : i32
      %dma_start3A_591 = tpu.memref_slice %arg10[%dma_start3A_585, %dma_start3A_590] : memref<16x128xi32, #tpu.memory_space<vmem>> -> memref<1x128xi32, #tpu.memory_space<vmem>>
      %dma_start3A_592 = tpu.memref_squeeze %dma_start3A_591 : memref<1x128xi32, #tpu.memory_space<vmem>> -> memref<128xi32, #tpu.memory_space<vmem>>
      %dma_start3A_593 = arith.constant 0 : i32
      %dma_start3A_594 = arith.constant 0 : i32
      %dma_start3A_595 = tpu.memref_slice %arg8[%dma_start3A_593, %dma_start3A_594] : memref<10240x64xf32, #tpu.memory_space<vmem_shared>> -> memref<10240x64xf32, #tpu.memory_space<vmem_shared>>
      tpu.enqueue_indirect_dma source(%dma_start3A_589 : memref<128x64xf32, #tpu.memory_space<vmem>>) target(%dma_start3A_595 : memref<10240x64xf32, #tpu.memory_space<vmem_shared>>) offsets(%dma_start3A_592 : memref<128xi32, #tpu.memory_space<vmem>>) semaphore(%arg13 : memref<!tpu.dma_semaphore, #tpu.memory_space<semaphore_mem>>) {add = true}
      %dma_wait3A_596 = arith.constant 2 : i32
      %dma_wait3A_597 = arith.constant 10 : i32
      %dma_wait3A_598 = arith.constant 0 : i32
      %dma_wait3A_599 = arith.constant 0 : i32
      %dma_wait3A_600 = tpu.memref_slice %arg11[%dma_wait3A_596, %dma_wait3A_598, %dma_wait3A_599] : memref<4x128x64xf32, #tpu.memory_space<vmem>> -> memref<1x128x64xf32, #tpu.memory_space<vmem>>
      %dma_wait3A_601 = tpu.memref_squeeze %dma_wait3A_600 : memref<1x128x64xf32, #tpu.memory_space<vmem>> -> memref<128x64xf32, #tpu.memory_space<vmem>>
      %dma_wait3A_602 = arith.constant 0 : i32
      %dma_wait3A_603 = tpu.memref_slice %arg10[%dma_wait3A_597, %dma_wait3A_602] : memref<16x128xi32, #tpu.memory_space<vmem>> -> memref<1x128xi32, #tpu.memory_space<vmem>>
      %dma_wait3A_604 = tpu.memref_squeeze %dma_wait3A_603 : memref<1x128xi32, #tpu.memory_space<vmem>> -> memref<128xi32, #tpu.memory_space<vmem>>
      %dma_wait3A_605 = arith.constant 0 : i32
      %dma_wait3A_606 = arith.constant 0 : i32
      %dma_wait3A_607 = tpu.memref_slice %arg8[%dma_wait3A_605, %dma_wait3A_606] : memref<10240x64xf32, #tpu.memory_space<vmem_shared>> -> memref<10240x64xf32, #tpu.memory_space<vmem_shared>>
      tpu.wait_indirect_dma semaphore(%arg13 : memref<!tpu.dma_semaphore, #tpu.memory_space<semaphore_mem>>) src(%dma_wait3A_601 : memref<128x64xf32, #tpu.memory_space<vmem>>) dst(%dma_wait3A_607 : memref<10240x64xf32, #tpu.memory_space<vmem_shared>>)
      %dma_start3A_608 = arith.constant 14 : i32
      %dma_start3A_609 = arith.constant 2 : i32
      %dma_start3A_610 = arith.constant 0 : i32
      %dma_start3A_611 = arith.constant 0 : i32
      %dma_start3A_612 = tpu.memref_slice %arg11[%dma_start3A_609, %dma_start3A_610, %dma_start3A_611] : memref<4x128x64xf32, #tpu.memory_space<vmem>> -> memref<1x128x64xf32, #tpu.memory_space<vmem>>
      %dma_start3A_613 = tpu.memref_squeeze %dma_start3A_612 : memref<1x128x64xf32, #tpu.memory_space<vmem>> -> memref<128x64xf32, #tpu.memory_space<vmem>>
      %dma_start3A_614 = arith.constant 0 : i32
      %dma_start3A_615 = tpu.memref_slice %arg9[%dma_start3A_608, %dma_start3A_614] : memref<16x128xi32, #tpu.memory_space<vmem>> -> memref<1x128xi32, #tpu.memory_space<vmem>>
      %dma_start3A_616 = tpu.memref_squeeze %dma_start3A_615 : memref<1x128xi32, #tpu.memory_space<vmem>> -> memref<128xi32, #tpu.memory_space<vmem>>
      %dma_start3A_617 = arith.constant 0 : i32
      %dma_start3A_618 = arith.constant 0 : i32
      %dma_start3A_619 = tpu.memref_slice %arg7[%dma_start3A_617, %dma_start3A_618] : memref<10240x64xf32, #tpu.memory_space<vmem_shared>> -> memref<10240x64xf32, #tpu.memory_space<vmem_shared>>
      tpu.enqueue_indirect_dma source(%dma_start3A_619 : memref<10240x64xf32, #tpu.memory_space<vmem_shared>>) target(%dma_start3A_613 : memref<128x64xf32, #tpu.memory_space<vmem>>) offsets(%dma_start3A_616 : memref<128xi32, #tpu.memory_space<vmem>>) semaphore(%arg12 : memref<!tpu.dma_semaphore, #tpu.memory_space<semaphore_mem>>)
      %dma_wait3A_620 = arith.constant 12 : i32
      %dma_wait3A_621 = arith.constant 0 : i32
      %dma_wait3A_622 = arith.constant 0 : i32
      %dma_wait3A_623 = arith.constant 0 : i32
      %dma_wait3A_624 = tpu.memref_slice %arg11[%dma_wait3A_621, %dma_wait3A_622, %dma_wait3A_623] : memref<4x128x64xf32, #tpu.memory_space<vmem>> -> memref<1x128x64xf32, #tpu.memory_space<vmem>>
      %dma_wait3A_625 = tpu.memref_squeeze %dma_wait3A_624 : memref<1x128x64xf32, #tpu.memory_space<vmem>> -> memref<128x64xf32, #tpu.memory_space<vmem>>
      %dma_wait3A_626 = arith.constant 0 : i32
      %dma_wait3A_627 = tpu.memref_slice %arg9[%dma_wait3A_620, %dma_wait3A_626] : memref<16x128xi32, #tpu.memory_space<vmem>> -> memref<1x128xi32, #tpu.memory_space<vmem>>
      %dma_wait3A_628 = tpu.memref_squeeze %dma_wait3A_627 : memref<1x128xi32, #tpu.memory_space<vmem>> -> memref<128xi32, #tpu.memory_space<vmem>>
      %dma_wait3A_629 = arith.constant 0 : i32
      %dma_wait3A_630 = arith.constant 0 : i32
      %dma_wait3A_631 = tpu.memref_slice %arg7[%dma_wait3A_629, %dma_wait3A_630] : memref<10240x64xf32, #tpu.memory_space<vmem_shared>> -> memref<10240x64xf32, #tpu.memory_space<vmem_shared>>
      tpu.wait_indirect_dma semaphore(%arg12 : memref<!tpu.dma_semaphore, #tpu.memory_space<semaphore_mem>>) src(%dma_wait3A_631 : memref<10240x64xf32, #tpu.memory_space<vmem_shared>>) dst(%dma_wait3A_625 : memref<128x64xf32, #tpu.memory_space<vmem>>)
      %dma_start3A_632 = arith.constant 0 : i32
      %dma_start3A_633 = arith.constant 12 : i32
      %dma_start3A_634 = arith.constant 0 : i32
      %dma_start3A_635 = arith.constant 0 : i32
      %dma_start3A_636 = tpu.memref_slice %arg11[%dma_start3A_632, %dma_start3A_634, %dma_start3A_635] : memref<4x128x64xf32, #tpu.memory_space<vmem>> -> memref<1x128x64xf32, #tpu.memory_space<vmem>>
      %dma_start3A_637 = tpu.memref_squeeze %dma_start3A_636 : memref<1x128x64xf32, #tpu.memory_space<vmem>> -> memref<128x64xf32, #tpu.memory_space<vmem>>
      %dma_start3A_638 = arith.constant 0 : i32
      %dma_start3A_639 = tpu.memref_slice %arg10[%dma_start3A_633, %dma_start3A_638] : memref<16x128xi32, #tpu.memory_space<vmem>> -> memref<1x128xi32, #tpu.memory_space<vmem>>
      %dma_start3A_640 = tpu.memref_squeeze %dma_start3A_639 : memref<1x128xi32, #tpu.memory_space<vmem>> -> memref<128xi32, #tpu.memory_space<vmem>>
      %dma_start3A_641 = arith.constant 0 : i32
      %dma_start3A_642 = arith.constant 0 : i32
      %dma_start3A_643 = tpu.memref_slice %arg8[%dma_start3A_641, %dma_start3A_642] : memref<10240x64xf32, #tpu.memory_space<vmem_shared>> -> memref<10240x64xf32, #tpu.memory_space<vmem_shared>>
      tpu.enqueue_indirect_dma source(%dma_start3A_637 : memref<128x64xf32, #tpu.memory_space<vmem>>) target(%dma_start3A_643 : memref<10240x64xf32, #tpu.memory_space<vmem_shared>>) offsets(%dma_start3A_640 : memref<128xi32, #tpu.memory_space<vmem>>) semaphore(%arg13 : memref<!tpu.dma_semaphore, #tpu.memory_space<semaphore_mem>>) {add = true}
      %dma_wait3A_644 = arith.constant 3 : i32
      %dma_wait3A_645 = arith.constant 11 : i32
      %dma_wait3A_646 = arith.constant 0 : i32
      %dma_wait3A_647 = arith.constant 0 : i32
      %dma_wait3A_648 = tpu.memref_slice %arg11[%dma_wait3A_644, %dma_wait3A_646, %dma_wait3A_647] : memref<4x128x64xf32, #tpu.memory_space<vmem>> -> memref<1x128x64xf32, #tpu.memory_space<vmem>>
      %dma_wait3A_649 = tpu.memref_squeeze %dma_wait3A_648 : memref<1x128x64xf32, #tpu.memory_space<vmem>> -> memref<128x64xf32, #tpu.memory_space<vmem>>
      %dma_wait3A_650 = arith.constant 0 : i32
      %dma_wait3A_651 = tpu.memref_slice %arg10[%dma_wait3A_645, %dma_wait3A_650] : memref<16x128xi32, #tpu.memory_space<vmem>> -> memref<1x128xi32, #tpu.memory_space<vmem>>
      %dma_wait3A_652 = tpu.memref_squeeze %dma_wait3A_651 : memref<1x128xi32, #tpu.memory_space<vmem>> -> memref<128xi32, #tpu.memory_space<vmem>>
      %dma_wait3A_653 = arith.constant 0 : i32
      %dma_wait3A_654 = arith.constant 0 : i32
      %dma_wait3A_655 = tpu.memref_slice %arg8[%dma_wait3A_653, %dma_wait3A_654] : memref<10240x64xf32, #tpu.memory_space<vmem_shared>> -> memref<10240x64xf32, #tpu.memory_space<vmem_shared>>
      tpu.wait_indirect_dma semaphore(%arg13 : memref<!tpu.dma_semaphore, #tpu.memory_space<semaphore_mem>>) src(%dma_wait3A_649 : memref<128x64xf32, #tpu.memory_space<vmem>>) dst(%dma_wait3A_655 : memref<10240x64xf32, #tpu.memory_space<vmem_shared>>)
      %dma_start3A_656 = arith.constant 15 : i32
      %dma_start3A_657 = arith.constant 3 : i32
      %dma_start3A_658 = arith.constant 0 : i32
      %dma_start3A_659 = arith.constant 0 : i32
      %dma_start3A_660 = tpu.memref_slice %arg11[%dma_start3A_657, %dma_start3A_658, %dma_start3A_659] : memref<4x128x64xf32, #tpu.memory_space<vmem>> -> memref<1x128x64xf32, #tpu.memory_space<vmem>>
      %dma_start3A_661 = tpu.memref_squeeze %dma_start3A_660 : memref<1x128x64xf32, #tpu.memory_space<vmem>> -> memref<128x64xf32, #tpu.memory_space<vmem>>
      %dma_start3A_662 = arith.constant 0 : i32
      %dma_start3A_663 = tpu.memref_slice %arg9[%dma_start3A_656, %dma_start3A_662] : memref<16x128xi32, #tpu.memory_space<vmem>> -> memref<1x128xi32, #tpu.memory_space<vmem>>
      %dma_start3A_664 = tpu.memref_squeeze %dma_start3A_663 : memref<1x128xi32, #tpu.memory_space<vmem>> -> memref<128xi32, #tpu.memory_space<vmem>>
      %dma_start3A_665 = arith.constant 0 : i32
      %dma_start3A_666 = arith.constant 0 : i32
      %dma_start3A_667 = tpu.memref_slice %arg7[%dma_start3A_665, %dma_start3A_666] : memref<10240x64xf32, #tpu.memory_space<vmem_shared>> -> memref<10240x64xf32, #tpu.memory_space<vmem_shared>>
      tpu.enqueue_indirect_dma source(%dma_start3A_667 : memref<10240x64xf32, #tpu.memory_space<vmem_shared>>) target(%dma_start3A_661 : memref<128x64xf32, #tpu.memory_space<vmem>>) offsets(%dma_start3A_664 : memref<128xi32, #tpu.memory_space<vmem>>) semaphore(%arg12 : memref<!tpu.dma_semaphore, #tpu.memory_space<semaphore_mem>>)
      %dma_wait3A_668 = arith.constant 13 : i32
      %dma_wait3A_669 = arith.constant 1 : i32
      %dma_wait3A_670 = arith.constant 0 : i32
      %dma_wait3A_671 = arith.constant 0 : i32
      %dma_wait3A_672 = tpu.memref_slice %arg11[%dma_wait3A_669, %dma_wait3A_670, %dma_wait3A_671] : memref<4x128x64xf32, #tpu.memory_space<vmem>> -> memref<1x128x64xf32, #tpu.memory_space<vmem>>
      %dma_wait3A_673 = tpu.memref_squeeze %dma_wait3A_672 : memref<1x128x64xf32, #tpu.memory_space<vmem>> -> memref<128x64xf32, #tpu.memory_space<vmem>>
      %dma_wait3A_674 = arith.constant 0 : i32
      %dma_wait3A_675 = tpu.memref_slice %arg9[%dma_wait3A_668, %dma_wait3A_674] : memref<16x128xi32, #tpu.memory_space<vmem>> -> memref<1x128xi32, #tpu.memory_space<vmem>>
      %dma_wait3A_676 = tpu.memref_squeeze %dma_wait3A_675 : memref<1x128xi32, #tpu.memory_space<vmem>> -> memref<128xi32, #tpu.memory_space<vmem>>
      %dma_wait3A_677 = arith.constant 0 : i32
      %dma_wait3A_678 = arith.constant 0 : i32
      %dma_wait3A_679 = tpu.memref_slice %arg7[%dma_wait3A_677, %dma_wait3A_678] : memref<10240x64xf32, #tpu.memory_space<vmem_shared>> -> memref<10240x64xf32, #tpu.memory_space<vmem_shared>>
      tpu.wait_indirect_dma semaphore(%arg12 : memref<!tpu.dma_semaphore, #tpu.memory_space<semaphore_mem>>) src(%dma_wait3A_679 : memref<10240x64xf32, #tpu.memory_space<vmem_shared>>) dst(%dma_wait3A_673 : memref<128x64xf32, #tpu.memory_space<vmem>>)
      %dma_start3A_680 = arith.constant 1 : i32
      %dma_start3A_681 = arith.constant 13 : i32
      %dma_start3A_682 = arith.constant 0 : i32
      %dma_start3A_683 = arith.constant 0 : i32
      %dma_start3A_684 = tpu.memref_slice %arg11[%dma_start3A_680, %dma_start3A_682, %dma_start3A_683] : memref<4x128x64xf32, #tpu.memory_space<vmem>> -> memref<1x128x64xf32, #tpu.memory_space<vmem>>
      %dma_start3A_685 = tpu.memref_squeeze %dma_start3A_684 : memref<1x128x64xf32, #tpu.memory_space<vmem>> -> memref<128x64xf32, #tpu.memory_space<vmem>>
      %dma_start3A_686 = arith.constant 0 : i32
      %dma_start3A_687 = tpu.memref_slice %arg10[%dma_start3A_681, %dma_start3A_686] : memref<16x128xi32, #tpu.memory_space<vmem>> -> memref<1x128xi32, #tpu.memory_space<vmem>>
      %dma_start3A_688 = tpu.memref_squeeze %dma_start3A_687 : memref<1x128xi32, #tpu.memory_space<vmem>> -> memref<128xi32, #tpu.memory_space<vmem>>
      %dma_start3A_689 = arith.constant 0 : i32
      %dma_start3A_690 = arith.constant 0 : i32
      %dma_start3A_691 = tpu.memref_slice %arg8[%dma_start3A_689, %dma_start3A_690] : memref<10240x64xf32, #tpu.memory_space<vmem_shared>> -> memref<10240x64xf32, #tpu.memory_space<vmem_shared>>
      tpu.enqueue_indirect_dma source(%dma_start3A_685 : memref<128x64xf32, #tpu.memory_space<vmem>>) target(%dma_start3A_691 : memref<10240x64xf32, #tpu.memory_space<vmem_shared>>) offsets(%dma_start3A_688 : memref<128xi32, #tpu.memory_space<vmem>>) semaphore(%arg13 : memref<!tpu.dma_semaphore, #tpu.memory_space<semaphore_mem>>) {add = true}
      %dma_wait3A_692 = arith.constant 0 : i32
      %dma_wait3A_693 = arith.constant 12 : i32
      %dma_wait3A_694 = arith.constant 0 : i32
      %dma_wait3A_695 = arith.constant 0 : i32
      %dma_wait3A_696 = tpu.memref_slice %arg11[%dma_wait3A_692, %dma_wait3A_694, %dma_wait3A_695] : memref<4x128x64xf32, #tpu.memory_space<vmem>> -> memref<1x128x64xf32, #tpu.memory_space<vmem>>
      %dma_wait3A_697 = tpu.memref_squeeze %dma_wait3A_696 : memref<1x128x64xf32, #tpu.memory_space<vmem>> -> memref<128x64xf32, #tpu.memory_space<vmem>>
      %dma_wait3A_698 = arith.constant 0 : i32
      %dma_wait3A_699 = tpu.memref_slice %arg10[%dma_wait3A_693, %dma_wait3A_698] : memref<16x128xi32, #tpu.memory_space<vmem>> -> memref<1x128xi32, #tpu.memory_space<vmem>>
      %dma_wait3A_700 = tpu.memref_squeeze %dma_wait3A_699 : memref<1x128xi32, #tpu.memory_space<vmem>> -> memref<128xi32, #tpu.memory_space<vmem>>
      %dma_wait3A_701 = arith.constant 0 : i32
      %dma_wait3A_702 = arith.constant 0 : i32
      %dma_wait3A_703 = tpu.memref_slice %arg8[%dma_wait3A_701, %dma_wait3A_702] : memref<10240x64xf32, #tpu.memory_space<vmem_shared>> -> memref<10240x64xf32, #tpu.memory_space<vmem_shared>>
      tpu.wait_indirect_dma semaphore(%arg13 : memref<!tpu.dma_semaphore, #tpu.memory_space<semaphore_mem>>) src(%dma_wait3A_697 : memref<128x64xf32, #tpu.memory_space<vmem>>) dst(%dma_wait3A_703 : memref<10240x64xf32, #tpu.memory_space<vmem_shared>>)
      %dma_wait3A_704 = arith.constant 14 : i32
      %dma_wait3A_705 = arith.constant 2 : i32
      %dma_wait3A_706 = arith.constant 0 : i32
      %dma_wait3A_707 = arith.constant 0 : i32
      %dma_wait3A_708 = tpu.memref_slice %arg11[%dma_wait3A_705, %dma_wait3A_706, %dma_wait3A_707] : memref<4x128x64xf32, #tpu.memory_space<vmem>> -> memref<1x128x64xf32, #tpu.memory_space<vmem>>
      %dma_wait3A_709 = tpu.memref_squeeze %dma_wait3A_708 : memref<1x128x64xf32, #tpu.memory_space<vmem>> -> memref<128x64xf32, #tpu.memory_space<vmem>>
      %dma_wait3A_710 = arith.constant 0 : i32
      %dma_wait3A_711 = tpu.memref_slice %arg9[%dma_wait3A_704, %dma_wait3A_710] : memref<16x128xi32, #tpu.memory_space<vmem>> -> memref<1x128xi32, #tpu.memory_space<vmem>>
      %dma_wait3A_712 = tpu.memref_squeeze %dma_wait3A_711 : memref<1x128xi32, #tpu.memory_space<vmem>> -> memref<128xi32, #tpu.memory_space<vmem>>
      %dma_wait3A_713 = arith.constant 0 : i32
      %dma_wait3A_714 = arith.constant 0 : i32
      %dma_wait3A_715 = tpu.memref_slice %arg7[%dma_wait3A_713, %dma_wait3A_714] : memref<10240x64xf32, #tpu.memory_space<vmem_shared>> -> memref<10240x64xf32, #tpu.memory_space<vmem_shared>>
      tpu.wait_indirect_dma semaphore(%arg12 : memref<!tpu.dma_semaphore, #tpu.memory_space<semaphore_mem>>) src(%dma_wait3A_715 : memref<10240x64xf32, #tpu.memory_space<vmem_shared>>) dst(%dma_wait3A_709 : memref<128x64xf32, #tpu.memory_space<vmem>>)
      %dma_start3A_716 = arith.constant 2 : i32
      %dma_start3A_717 = arith.constant 14 : i32
      %dma_start3A_718 = arith.constant 0 : i32
      %dma_start3A_719 = arith.constant 0 : i32
      %dma_start3A_720 = tpu.memref_slice %arg11[%dma_start3A_716, %dma_start3A_718, %dma_start3A_719] : memref<4x128x64xf32, #tpu.memory_space<vmem>> -> memref<1x128x64xf32, #tpu.memory_space<vmem>>
      %dma_start3A_721 = tpu.memref_squeeze %dma_start3A_720 : memref<1x128x64xf32, #tpu.memory_space<vmem>> -> memref<128x64xf32, #tpu.memory_space<vmem>>
      %dma_start3A_722 = arith.constant 0 : i32
      %dma_start3A_723 = tpu.memref_slice %arg10[%dma_start3A_717, %dma_start3A_722] : memref<16x128xi32, #tpu.memory_space<vmem>> -> memref<1x128xi32, #tpu.memory_space<vmem>>
      %dma_start3A_724 = tpu.memref_squeeze %dma_start3A_723 : memref<1x128xi32, #tpu.memory_space<vmem>> -> memref<128xi32, #tpu.memory_space<vmem>>
      %dma_start3A_725 = arith.constant 0 : i32
      %dma_start3A_726 = arith.constant 0 : i32
      %dma_start3A_727 = tpu.memref_slice %arg8[%dma_start3A_725, %dma_start3A_726] : memref<10240x64xf32, #tpu.memory_space<vmem_shared>> -> memref<10240x64xf32, #tpu.memory_space<vmem_shared>>
      tpu.enqueue_indirect_dma source(%dma_start3A_721 : memref<128x64xf32, #tpu.memory_space<vmem>>) target(%dma_start3A_727 : memref<10240x64xf32, #tpu.memory_space<vmem_shared>>) offsets(%dma_start3A_724 : memref<128xi32, #tpu.memory_space<vmem>>) semaphore(%arg13 : memref<!tpu.dma_semaphore, #tpu.memory_space<semaphore_mem>>) {add = true}
      %dma_wait3A_728 = arith.constant 1 : i32
      %dma_wait3A_729 = arith.constant 13 : i32
      %dma_wait3A_730 = arith.constant 0 : i32
      %dma_wait3A_731 = arith.constant 0 : i32
      %dma_wait3A_732 = tpu.memref_slice %arg11[%dma_wait3A_728, %dma_wait3A_730, %dma_wait3A_731] : memref<4x128x64xf32, #tpu.memory_space<vmem>> -> memref<1x128x64xf32, #tpu.memory_space<vmem>>
      %dma_wait3A_733 = tpu.memref_squeeze %dma_wait3A_732 : memref<1x128x64xf32, #tpu.memory_space<vmem>> -> memref<128x64xf32, #tpu.memory_space<vmem>>
      %dma_wait3A_734 = arith.constant 0 : i32
      %dma_wait3A_735 = tpu.memref_slice %arg10[%dma_wait3A_729, %dma_wait3A_734] : memref<16x128xi32, #tpu.memory_space<vmem>> -> memref<1x128xi32, #tpu.memory_space<vmem>>
      %dma_wait3A_736 = tpu.memref_squeeze %dma_wait3A_735 : memref<1x128xi32, #tpu.memory_space<vmem>> -> memref<128xi32, #tpu.memory_space<vmem>>
      %dma_wait3A_737 = arith.constant 0 : i32
      %dma_wait3A_738 = arith.constant 0 : i32
      %dma_wait3A_739 = tpu.memref_slice %arg8[%dma_wait3A_737, %dma_wait3A_738] : memref<10240x64xf32, #tpu.memory_space<vmem_shared>> -> memref<10240x64xf32, #tpu.memory_space<vmem_shared>>
      tpu.wait_indirect_dma semaphore(%arg13 : memref<!tpu.dma_semaphore, #tpu.memory_space<semaphore_mem>>) src(%dma_wait3A_733 : memref<128x64xf32, #tpu.memory_space<vmem>>) dst(%dma_wait3A_739 : memref<10240x64xf32, #tpu.memory_space<vmem_shared>>)
      %dma_wait3A_740 = arith.constant 15 : i32
      %dma_wait3A_741 = arith.constant 3 : i32
      %dma_wait3A_742 = arith.constant 0 : i32
      %dma_wait3A_743 = arith.constant 0 : i32
      %dma_wait3A_744 = tpu.memref_slice %arg11[%dma_wait3A_741, %dma_wait3A_742, %dma_wait3A_743] : memref<4x128x64xf32, #tpu.memory_space<vmem>> -> memref<1x128x64xf32, #tpu.memory_space<vmem>>
      %dma_wait3A_745 = tpu.memref_squeeze %dma_wait3A_744 : memref<1x128x64xf32, #tpu.memory_space<vmem>> -> memref<128x64xf32, #tpu.memory_space<vmem>>
      %dma_wait3A_746 = arith.constant 0 : i32
      %dma_wait3A_747 = tpu.memref_slice %arg9[%dma_wait3A_740, %dma_wait3A_746] : memref<16x128xi32, #tpu.memory_space<vmem>> -> memref<1x128xi32, #tpu.memory_space<vmem>>
      %dma_wait3A_748 = tpu.memref_squeeze %dma_wait3A_747 : memref<1x128xi32, #tpu.memory_space<vmem>> -> memref<128xi32, #tpu.memory_space<vmem>>
      %dma_wait3A_749 = arith.constant 0 : i32
      %dma_wait3A_750 = arith.constant 0 : i32
      %dma_wait3A_751 = tpu.memref_slice %arg7[%dma_wait3A_749, %dma_wait3A_750] : memref<10240x64xf32, #tpu.memory_space<vmem_shared>> -> memref<10240x64xf32, #tpu.memory_space<vmem_shared>>
      tpu.wait_indirect_dma semaphore(%arg12 : memref<!tpu.dma_semaphore, #tpu.memory_space<semaphore_mem>>) src(%dma_wait3A_751 : memref<10240x64xf32, #tpu.memory_space<vmem_shared>>) dst(%dma_wait3A_745 : memref<128x64xf32, #tpu.memory_space<vmem>>)
      %dma_start3A_752 = arith.constant 3 : i32
      %dma_start3A_753 = arith.constant 15 : i32
      %dma_start3A_754 = arith.constant 0 : i32
      %dma_start3A_755 = arith.constant 0 : i32
      %dma_start3A_756 = tpu.memref_slice %arg11[%dma_start3A_752, %dma_start3A_754, %dma_start3A_755] : memref<4x128x64xf32, #tpu.memory_space<vmem>> -> memref<1x128x64xf32, #tpu.memory_space<vmem>>
      %dma_start3A_757 = tpu.memref_squeeze %dma_start3A_756 : memref<1x128x64xf32, #tpu.memory_space<vmem>> -> memref<128x64xf32, #tpu.memory_space<vmem>>
      %dma_start3A_758 = arith.constant 0 : i32
      %dma_start3A_759 = tpu.memref_slice %arg10[%dma_start3A_753, %dma_start3A_758] : memref<16x128xi32, #tpu.memory_space<vmem>> -> memref<1x128xi32, #tpu.memory_space<vmem>>
      %dma_start3A_760 = tpu.memref_squeeze %dma_start3A_759 : memref<1x128xi32, #tpu.memory_space<vmem>> -> memref<128xi32, #tpu.memory_space<vmem>>
      %dma_start3A_761 = arith.constant 0 : i32
      %dma_start3A_762 = arith.constant 0 : i32
      %dma_start3A_763 = tpu.memref_slice %arg8[%dma_start3A_761, %dma_start3A_762] : memref<10240x64xf32, #tpu.memory_space<vmem_shared>> -> memref<10240x64xf32, #tpu.memory_space<vmem_shared>>
      tpu.enqueue_indirect_dma source(%dma_start3A_757 : memref<128x64xf32, #tpu.memory_space<vmem>>) target(%dma_start3A_763 : memref<10240x64xf32, #tpu.memory_space<vmem_shared>>) offsets(%dma_start3A_760 : memref<128xi32, #tpu.memory_space<vmem>>) semaphore(%arg13 : memref<!tpu.dma_semaphore, #tpu.memory_space<semaphore_mem>>) {add = true}
      %dma_wait3A_764 = arith.constant 2 : i32
      %dma_wait3A_765 = arith.constant 14 : i32
      %dma_wait3A_766 = arith.constant 0 : i32
      %dma_wait3A_767 = arith.constant 0 : i32
      %dma_wait3A_768 = tpu.memref_slice %arg11[%dma_wait3A_764, %dma_wait3A_766, %dma_wait3A_767] : memref<4x128x64xf32, #tpu.memory_space<vmem>> -> memref<1x128x64xf32, #tpu.memory_space<vmem>>
      %dma_wait3A_769 = tpu.memref_squeeze %dma_wait3A_768 : memref<1x128x64xf32, #tpu.memory_space<vmem>> -> memref<128x64xf32, #tpu.memory_space<vmem>>
      %dma_wait3A_770 = arith.constant 0 : i32
      %dma_wait3A_771 = tpu.memref_slice %arg10[%dma_wait3A_765, %dma_wait3A_770] : memref<16x128xi32, #tpu.memory_space<vmem>> -> memref<1x128xi32, #tpu.memory_space<vmem>>
      %dma_wait3A_772 = tpu.memref_squeeze %dma_wait3A_771 : memref<1x128xi32, #tpu.memory_space<vmem>> -> memref<128xi32, #tpu.memory_space<vmem>>
      %dma_wait3A_773 = arith.constant 0 : i32
      %dma_wait3A_774 = arith.constant 0 : i32
      %dma_wait3A_775 = tpu.memref_slice %arg8[%dma_wait3A_773, %dma_wait3A_774] : memref<10240x64xf32, #tpu.memory_space<vmem_shared>> -> memref<10240x64xf32, #tpu.memory_space<vmem_shared>>
      tpu.wait_indirect_dma semaphore(%arg13 : memref<!tpu.dma_semaphore, #tpu.memory_space<semaphore_mem>>) src(%dma_wait3A_769 : memref<128x64xf32, #tpu.memory_space<vmem>>) dst(%dma_wait3A_775 : memref<10240x64xf32, #tpu.memory_space<vmem_shared>>)
      %dma_wait3A_776 = arith.constant 3 : i32
      %dma_wait3A_777 = arith.constant 15 : i32
      %dma_wait3A_778 = arith.constant 0 : i32
      %dma_wait3A_779 = arith.constant 0 : i32
      %dma_wait3A_780 = tpu.memref_slice %arg11[%dma_wait3A_776, %dma_wait3A_778, %dma_wait3A_779] : memref<4x128x64xf32, #tpu.memory_space<vmem>> -> memref<1x128x64xf32, #tpu.memory_space<vmem>>
      %dma_wait3A_781 = tpu.memref_squeeze %dma_wait3A_780 : memref<1x128x64xf32, #tpu.memory_space<vmem>> -> memref<128x64xf32, #tpu.memory_space<vmem>>
      %dma_wait3A_782 = arith.constant 0 : i32
      %dma_wait3A_783 = tpu.memref_slice %arg10[%dma_wait3A_777, %dma_wait3A_782] : memref<16x128xi32, #tpu.memory_space<vmem>> -> memref<1x128xi32, #tpu.memory_space<vmem>>
      %dma_wait3A_784 = tpu.memref_squeeze %dma_wait3A_783 : memref<1x128xi32, #tpu.memory_space<vmem>> -> memref<128xi32, #tpu.memory_space<vmem>>
      %dma_wait3A_785 = arith.constant 0 : i32
      %dma_wait3A_786 = arith.constant 0 : i32
      %dma_wait3A_787 = tpu.memref_slice %arg8[%dma_wait3A_785, %dma_wait3A_786] : memref<10240x64xf32, #tpu.memory_space<vmem_shared>> -> memref<10240x64xf32, #tpu.memory_space<vmem_shared>>
      tpu.wait_indirect_dma semaphore(%arg13 : memref<!tpu.dma_semaphore, #tpu.memory_space<semaphore_mem>>) src(%dma_wait3A_781 : memref<128x64xf32, #tpu.memory_space<vmem>>) dst(%dma_wait3A_787 : memref<10240x64xf32, #tpu.memory_space<vmem_shared>>)
    }
    %scan3A_14 = arith.constant 10 : i32
    %barrier3A_15 = arith.constant 0 : index
    tpu.barrier barrier_id(%barrier3A_15)
    "tpu.region"() ({
      %run_scoped3A = tpu.sem_alloc : memref<!tpu.dma_semaphore, #tpu.memory_space<semaphore_mem>>
      %dma_start3A = arith.constant 0 : i32
      %dma_start3A_16 = tpu.memref_slice %arg6[%arg0, %mul3A_0, %dma_start3A] : memref<2x10240x64xf32, #tpu.memory_space<hbm>> -> memref<1x640x64xf32, #tpu.memory_space<hbm>>
      %dma_start3A_17 = tpu.memref_squeeze %dma_start3A_16 : memref<1x640x64xf32, #tpu.memory_space<hbm>> -> memref<640x64xf32, #tpu.memory_space<hbm>>
      %dma_start3A_18 = arith.constant 0 : i32
      %dma_start3A_19 = tpu.memref_slice %arg8[%mul3A_0, %dma_start3A_18] : memref<10240x64xf32, #tpu.memory_space<vmem_shared>> -> memref<640x64xf32, #tpu.memory_space<vmem_shared>>
      tpu.enqueue_dma source(%dma_start3A_19 : memref<640x64xf32, #tpu.memory_space<vmem_shared>>) target(%dma_start3A_17 : memref<640x64xf32, #tpu.memory_space<hbm>>) target_semaphore(%run_scoped3A : memref<!tpu.dma_semaphore, #tpu.memory_space<semaphore_mem>>)
      %dma_wait3A = arith.constant 0 : i32
      %dma_wait3A_20 = tpu.memref_slice %arg6[%arg0, %mul3A_0, %dma_wait3A] : memref<2x10240x64xf32, #tpu.memory_space<hbm>> -> memref<1x640x64xf32, #tpu.memory_space<hbm>>
      %dma_wait3A_21 = tpu.memref_squeeze %dma_wait3A_20 : memref<1x640x64xf32, #tpu.memory_space<hbm>> -> memref<640x64xf32, #tpu.memory_space<hbm>>
      %dma_wait3A_22 = arith.constant 0 : i32
      %dma_wait3A_23 = tpu.memref_slice %arg8[%mul3A_0, %dma_wait3A_22] : memref<10240x64xf32, #tpu.memory_space<vmem_shared>> -> memref<640x64xf32, #tpu.memory_space<vmem_shared>>
      tpu.wait_dma2 semaphore(%run_scoped3A : memref<!tpu.dma_semaphore, #tpu.memory_space<semaphore_mem>>) src(%dma_wait3A_23 : memref<640x64xf32, #tpu.memory_space<vmem_shared>>) dst(%dma_wait3A_21 : memref<640x64xf32, #tpu.memory_space<hbm>>)
      tpu.yield
    }) : () -> ()
    return
  }
}

#map = affine_map<(d0, d1) -> (0, 0)>
module attributes {stable_mosaic.version = 14 : i64} {
  func.func @_deg_body(%arg0: i32, %arg1: i32, %arg2: memref<2560x128xi32, #tpu.memory_space<hbm>>, %arg3: memref<2x10240xf32, #tpu.memory_space<hbm>>, %arg4: memref<10240xf32, #tpu.memory_space<vmem_shared>>, %arg5: memref<16x128xi32, #tpu.memory_space<vmem>>, %arg6: memref<128xf32, #tpu.memory_space<vmem>>, %arg7: memref<2048xf32, #tpu.memory_space<vmem>>) attributes {dimension_semantics = [#tpu.dimension_semantics<core_parallel>, #tpu.dimension_semantics<subcore_parallel>], iteration_bounds = array<i64: 2, 16>, scalar_prefetch = 0 : i64, scratch_operands = 4 : i64, tpu.core_type = #tpu.core_type<sc_vector_subcore>, window_params = [{transform_indices = #map}, {transform_indices = #map}]} {
    %mul3A = arith.constant 2 : i32
    %mul3A_0 = arith.muli %arg1, %mul3A : i32
    %add3A = arith.addi %mul3A_0, %arg0 : i32
    %scan3A = arith.constant 0 : i32
    %scan3A_1 = arith.constant 0 : i32
    %scan3A_2 = arith.constant 8 : i32
    %scan3A_3 = arith.addi %scan3A_1, %scan3A_2 : i32
    %scan3A_4 = arith.constant 1 : i32
    scf.for %scan3A_19 = %scan3A_1 to %scan3A_3 step %scan3A_4  : i32 {
      %broadcast_in_dim3A = arith.constant 1.000000e+00 : f32
      %broadcast_in_dim3A_20 = vector.broadcast %broadcast_in_dim3A : f32 to vector<16xf32>
      %mul3A_21 = arith.constant 16 : i32
      %mul3A_22 = arith.muli %scan3A_19, %mul3A_21 : i32
      %swap3A = arith.index_cast %mul3A_22 : i32 to index
      %swap3A_23 = tpu.vector_load %arg6[%swap3A] {strides = array<i32>} : memref<128xf32, #tpu.memory_space<vmem>>, vector<16xf32>,
      %swap3A_24 = vector.shape_cast %swap3A_23 : vector<16xf32> to vector<16xf32>
      %swap3A_25 = vector.shape_cast %broadcast_in_dim3A_20 : vector<16xf32> to vector<16xf32>
      tpu.vector_store %arg6[%swap3A], %swap3A_25 {strides = array<i32>} : memref<128xf32, #tpu.memory_space<vmem>>, vector<16xf32>,
    }
    %scan3A_5 = arith.constant 8 : i32
    %eq3A = arith.constant 0 : i32
    %eq3A_6 = arith.cmpi eq, %arg1, %eq3A : i32
    %convert_element_type3A = arith.extui %eq3A_6 : i1 to i32
    %cond3A = arith.constant 0 : i32
    %cond3A_7 = arith.cmpi ne, %convert_element_type3A, %cond3A : i32
    scf.if %cond3A_7 {
      %scan3A_19 = arith.constant 0 : i32
      %scan3A_20 = arith.constant 0 : i32
      %scan3A_21 = arith.constant 128 : i32
      %scan3A_22 = arith.addi %scan3A_20, %scan3A_21 : i32
      %scan3A_23 = arith.constant 1 : i32
      scf.for %scan3A_25 = %scan3A_20 to %scan3A_22 step %scan3A_23  : i32 {
        %broadcast_in_dim3A = arith.constant 0.000000e+00 : f32
        %broadcast_in_dim3A_26 = vector.broadcast %broadcast_in_dim3A : f32 to vector<16xf32>
        %mul3A_27 = arith.constant 16 : i32
        %mul3A_28 = arith.muli %scan3A_25, %mul3A_27 : i32
        %swap3A = arith.index_cast %mul3A_28 : i32 to index
        %swap3A_29 = tpu.vector_load %arg7[%swap3A] {strides = array<i32>} : memref<2048xf32, #tpu.memory_space<vmem>>, vector<16xf32>,
        %swap3A_30 = vector.shape_cast %swap3A_29 : vector<16xf32> to vector<16xf32>
        %swap3A_31 = vector.shape_cast %broadcast_in_dim3A_26 : vector<16xf32> to vector<16xf32>
        tpu.vector_store %arg7[%swap3A], %swap3A_31 {strides = array<i32>} : memref<2048xf32, #tpu.memory_space<vmem>>, vector<16xf32>,
      }
      %scan3A_24 = arith.constant 128 : i32
      "tpu.region"() ({
        %run_scoped3A = tpu.sem_alloc : memref<!tpu.dma_semaphore, #tpu.memory_space<semaphore_mem>>
        %dma_start3A = arith.constant 0 : i32
        %dma_start3A_25 = tpu.memref_slice %arg4[%dma_start3A] : memref<10240xf32, #tpu.memory_space<vmem_shared>> -> memref<2048xf32, #tpu.memory_space<vmem_shared>>
        %dma_start3A_26 = arith.constant 0 : i32
        %dma_start3A_27 = tpu.memref_slice %arg4[%dma_start3A_26] : memref<10240xf32, #tpu.memory_space<vmem_shared>> -> memref<2048xf32, #tpu.memory_space<vmem_shared>>
        tpu.enqueue_dma source(%arg7 : memref<2048xf32, #tpu.memory_space<vmem>>) target(%dma_start3A_27 : memref<2048xf32, #tpu.memory_space<vmem_shared>>) target_semaphore(%run_scoped3A : memref<!tpu.dma_semaphore, #tpu.memory_space<semaphore_mem>>)
        %dma_wait3A = arith.constant 0 : i32
        %dma_wait3A_28 = tpu.memref_slice %arg4[%dma_wait3A] : memref<10240xf32, #tpu.memory_space<vmem_shared>> -> memref<2048xf32, #tpu.memory_space<vmem_shared>>
        %dma_wait3A_29 = arith.constant 0 : i32
        %dma_wait3A_30 = tpu.memref_slice %arg4[%dma_wait3A_29] : memref<10240xf32, #tpu.memory_space<vmem_shared>> -> memref<2048xf32, #tpu.memory_space<vmem_shared>>
        tpu.wait_dma2 semaphore(%run_scoped3A : memref<!tpu.dma_semaphore, #tpu.memory_space<semaphore_mem>>) src(%arg7 : memref<2048xf32, #tpu.memory_space<vmem>>) dst(%dma_wait3A_30 : memref<2048xf32, #tpu.memory_space<vmem_shared>>)
        tpu.yield
      }) : () -> ()
      "tpu.region"() ({
        %run_scoped3A = tpu.sem_alloc : memref<!tpu.dma_semaphore, #tpu.memory_space<semaphore_mem>>
        %dma_start3A = arith.constant 2048 : i32
        %dma_start3A_25 = tpu.memref_slice %arg4[%dma_start3A] : memref<10240xf32, #tpu.memory_space<vmem_shared>> -> memref<2048xf32, #tpu.memory_space<vmem_shared>>
        %dma_start3A_26 = arith.constant 2048 : i32
        %dma_start3A_27 = tpu.memref_slice %arg4[%dma_start3A_26] : memref<10240xf32, #tpu.memory_space<vmem_shared>> -> memref<2048xf32, #tpu.memory_space<vmem_shared>>
        tpu.enqueue_dma source(%arg7 : memref<2048xf32, #tpu.memory_space<vmem>>) target(%dma_start3A_27 : memref<2048xf32, #tpu.memory_space<vmem_shared>>) target_semaphore(%run_scoped3A : memref<!tpu.dma_semaphore, #tpu.memory_space<semaphore_mem>>)
        %dma_wait3A = arith.constant 2048 : i32
        %dma_wait3A_28 = tpu.memref_slice %arg4[%dma_wait3A] : memref<10240xf32, #tpu.memory_space<vmem_shared>> -> memref<2048xf32, #tpu.memory_space<vmem_shared>>
        %dma_wait3A_29 = arith.constant 2048 : i32
        %dma_wait3A_30 = tpu.memref_slice %arg4[%dma_wait3A_29] : memref<10240xf32, #tpu.memory_space<vmem_shared>> -> memref<2048xf32, #tpu.memory_space<vmem_shared>>
        tpu.wait_dma2 semaphore(%run_scoped3A : memref<!tpu.dma_semaphore, #tpu.memory_space<semaphore_mem>>) src(%arg7 : memref<2048xf32, #tpu.memory_space<vmem>>) dst(%dma_wait3A_30 : memref<2048xf32, #tpu.memory_space<vmem_shared>>)
        tpu.yield
      }) : () -> ()
      "tpu.region"() ({
        %run_scoped3A = tpu.sem_alloc : memref<!tpu.dma_semaphore, #tpu.memory_space<semaphore_mem>>
        %dma_start3A = arith.constant 4096 : i32
        %dma_start3A_25 = tpu.memref_slice %arg4[%dma_start3A] : memref<10240xf32, #tpu.memory_space<vmem_shared>> -> memref<2048xf32, #tpu.memory_space<vmem_shared>>
        %dma_start3A_26 = arith.constant 4096 : i32
        %dma_start3A_27 = tpu.memref_slice %arg4[%dma_start3A_26] : memref<10240xf32, #tpu.memory_space<vmem_shared>> -> memref<2048xf32, #tpu.memory_space<vmem_shared>>
        tpu.enqueue_dma source(%arg7 : memref<2048xf32, #tpu.memory_space<vmem>>) target(%dma_start3A_27 : memref<2048xf32, #tpu.memory_space<vmem_shared>>) target_semaphore(%run_scoped3A : memref<!tpu.dma_semaphore, #tpu.memory_space<semaphore_mem>>)
        %dma_wait3A = arith.constant 4096 : i32
        %dma_wait3A_28 = tpu.memref_slice %arg4[%dma_wait3A] : memref<10240xf32, #tpu.memory_space<vmem_shared>> -> memref<2048xf32, #tpu.memory_space<vmem_shared>>
        %dma_wait3A_29 = arith.constant 4096 : i32
        %dma_wait3A_30 = tpu.memref_slice %arg4[%dma_wait3A_29] : memref<10240xf32, #tpu.memory_space<vmem_shared>> -> memref<2048xf32, #tpu.memory_space<vmem_shared>>
        tpu.wait_dma2 semaphore(%run_scoped3A : memref<!tpu.dma_semaphore, #tpu.memory_space<semaphore_mem>>) src(%arg7 : memref<2048xf32, #tpu.memory_space<vmem>>) dst(%dma_wait3A_30 : memref<2048xf32, #tpu.memory_space<vmem_shared>>)
        tpu.yield
      }) : () -> ()
      "tpu.region"() ({
        %run_scoped3A = tpu.sem_alloc : memref<!tpu.dma_semaphore, #tpu.memory_space<semaphore_mem>>
        %dma_start3A = arith.constant 6144 : i32
        %dma_start3A_25 = tpu.memref_slice %arg4[%dma_start3A] : memref<10240xf32, #tpu.memory_space<vmem_shared>> -> memref<2048xf32, #tpu.memory_space<vmem_shared>>
        %dma_start3A_26 = arith.constant 6144 : i32
        %dma_start3A_27 = tpu.memref_slice %arg4[%dma_start3A_26] : memref<10240xf32, #tpu.memory_space<vmem_shared>> -> memref<2048xf32, #tpu.memory_space<vmem_shared>>
        tpu.enqueue_dma source(%arg7 : memref<2048xf32, #tpu.memory_space<vmem>>) target(%dma_start3A_27 : memref<2048xf32, #tpu.memory_space<vmem_shared>>) target_semaphore(%run_scoped3A : memref<!tpu.dma_semaphore, #tpu.memory_space<semaphore_mem>>)
        %dma_wait3A = arith.constant 6144 : i32
        %dma_wait3A_28 = tpu.memref_slice %arg4[%dma_wait3A] : memref<10240xf32, #tpu.memory_space<vmem_shared>> -> memref<2048xf32, #tpu.memory_space<vmem_shared>>
        %dma_wait3A_29 = arith.constant 6144 : i32
        %dma_wait3A_30 = tpu.memref_slice %arg4[%dma_wait3A_29] : memref<10240xf32, #tpu.memory_space<vmem_shared>> -> memref<2048xf32, #tpu.memory_space<vmem_shared>>
        tpu.wait_dma2 semaphore(%run_scoped3A : memref<!tpu.dma_semaphore, #tpu.memory_space<semaphore_mem>>) src(%arg7 : memref<2048xf32, #tpu.memory_space<vmem>>) dst(%dma_wait3A_30 : memref<2048xf32, #tpu.memory_space<vmem_shared>>)
        tpu.yield
      }) : () -> ()
      "tpu.region"() ({
        %run_scoped3A = tpu.sem_alloc : memref<!tpu.dma_semaphore, #tpu.memory_space<semaphore_mem>>
        %dma_start3A = arith.constant 8192 : i32
        %dma_start3A_25 = tpu.memref_slice %arg4[%dma_start3A] : memref<10240xf32, #tpu.memory_space<vmem_shared>> -> memref<2048xf32, #tpu.memory_space<vmem_shared>>
        %dma_start3A_26 = arith.constant 8192 : i32
        %dma_start3A_27 = tpu.memref_slice %arg4[%dma_start3A_26] : memref<10240xf32, #tpu.memory_space<vmem_shared>> -> memref<2048xf32, #tpu.memory_space<vmem_shared>>
        tpu.enqueue_dma source(%arg7 : memref<2048xf32, #tpu.memory_space<vmem>>) target(%dma_start3A_27 : memref<2048xf32, #tpu.memory_space<vmem_shared>>) target_semaphore(%run_scoped3A : memref<!tpu.dma_semaphore, #tpu.memory_space<semaphore_mem>>)
        %dma_wait3A = arith.constant 8192 : i32
        %dma_wait3A_28 = tpu.memref_slice %arg4[%dma_wait3A] : memref<10240xf32, #tpu.memory_space<vmem_shared>> -> memref<2048xf32, #tpu.memory_space<vmem_shared>>
        %dma_wait3A_29 = arith.constant 8192 : i32
        %dma_wait3A_30 = tpu.memref_slice %arg4[%dma_wait3A_29] : memref<10240xf32, #tpu.memory_space<vmem_shared>> -> memref<2048xf32, #tpu.memory_space<vmem_shared>>
        tpu.wait_dma2 semaphore(%run_scoped3A : memref<!tpu.dma_semaphore, #tpu.memory_space<semaphore_mem>>) src(%arg7 : memref<2048xf32, #tpu.memory_space<vmem>>) dst(%dma_wait3A_30 : memref<2048xf32, #tpu.memory_space<vmem_shared>>)
        tpu.yield
      }) : () -> ()
    } else {
    }
    %barrier3A = arith.constant 0 : index
    tpu.barrier barrier_id(%barrier3A)
    %mul3A_8 = arith.constant 80 : i32
    %mul3A_9 = arith.muli %add3A, %mul3A_8 : i32
    %scan3A_10 = arith.constant 0 : i32
    %scan3A_11 = arith.constant 0 : i32
    %scan3A_12 = arith.constant 5 : i32
    %scan3A_13 = arith.addi %scan3A_11, %scan3A_12 : i32
    %scan3A_14 = arith.constant 1 : i32
    scf.for %scan3A_19 = %scan3A_11 to %scan3A_13 step %scan3A_14  : i32 {
      %mul3A_20 = arith.constant 16 : i32
      %mul3A_21 = arith.muli %scan3A_19, %mul3A_20 : i32
      %add3A_22 = arith.addi %mul3A_9, %mul3A_21 : i32
      "tpu.region"() ({
        %run_scoped3A_38 = tpu.sem_alloc : memref<!tpu.dma_semaphore, #tpu.memory_space<semaphore_mem>>
        %dma_start3A = arith.constant 0 : i32
        %dma_start3A_39 = tpu.memref_slice %arg2[%add3A_22, %dma_start3A] : memref<2560x128xi32, #tpu.memory_space<hbm>> -> memref<16x128xi32, #tpu.memory_space<hbm>>
        %dma_start3A_40 = arith.constant 0 : i32
        %dma_start3A_41 = tpu.memref_slice %arg2[%add3A_22, %dma_start3A_40] : memref<2560x128xi32, #tpu.memory_space<hbm>> -> memref<16x128xi32, #tpu.memory_space<hbm>>
        tpu.enqueue_dma source(%dma_start3A_41 : memref<16x128xi32, #tpu.memory_space<hbm>>) target(%arg5 : memref<16x128xi32, #tpu.memory_space<vmem>>) target_semaphore(%run_scoped3A_38 : memref<!tpu.dma_semaphore, #tpu.memory_space<semaphore_mem>>)
        %dma_wait3A = arith.constant 0 : i32
        %dma_wait3A_42 = tpu.memref_slice %arg2[%add3A_22, %dma_wait3A] : memref<2560x128xi32, #tpu.memory_space<hbm>> -> memref<16x128xi32, #tpu.memory_space<hbm>>
        %dma_wait3A_43 = arith.constant 0 : i32
        %dma_wait3A_44 = tpu.memref_slice %arg2[%add3A_22, %dma_wait3A_43] : memref<2560x128xi32, #tpu.memory_space<hbm>> -> memref<16x128xi32, #tpu.memory_space<hbm>>
        tpu.wait_dma2 semaphore(%run_scoped3A_38 : memref<!tpu.dma_semaphore, #tpu.memory_space<semaphore_mem>>) src(%dma_wait3A_44 : memref<16x128xi32, #tpu.memory_space<hbm>>) dst(%arg5 : memref<16x128xi32, #tpu.memory_space<vmem>>)
        tpu.yield
      }) : () -> ()
      %run_scoped3A = arith.constant 0 : i32
      "tpu.region"() ({
        %run_scoped3A_38 = tpu.sem_alloc : memref<!tpu.dma_semaphore, #tpu.memory_space<semaphore_mem>>
        %dma_start3A = arith.constant 0 : i32
        %dma_start3A_39 = tpu.memref_slice %arg5[%run_scoped3A, %dma_start3A] : memref<16x128xi32, #tpu.memory_space<vmem>> -> memref<1x128xi32, #tpu.memory_space<vmem>>
        %dma_start3A_40 = tpu.memref_squeeze %dma_start3A_39 : memref<1x128xi32, #tpu.memory_space<vmem>> -> memref<128xi32, #tpu.memory_space<vmem>>
        %dma_start3A_41 = arith.constant 0 : i32
        %dma_start3A_42 = tpu.memref_slice %arg4[%dma_start3A_41] : memref<10240xf32, #tpu.memory_space<vmem_shared>> -> memref<10240xf32, #tpu.memory_space<vmem_shared>>
        tpu.enqueue_indirect_dma source(%arg6 : memref<128xf32, #tpu.memory_space<vmem>>) target(%dma_start3A_42 : memref<10240xf32, #tpu.memory_space<vmem_shared>>) offsets(%dma_start3A_40 : memref<128xi32, #tpu.memory_space<vmem>>) semaphore(%run_scoped3A_38 : memref<!tpu.dma_semaphore, #tpu.memory_space<semaphore_mem>>) {add = true}
        %dma_wait3A = arith.constant 0 : i32
        %dma_wait3A_43 = tpu.memref_slice %arg5[%run_scoped3A, %dma_wait3A] : memref<16x128xi32, #tpu.memory_space<vmem>> -> memref<1x128xi32, #tpu.memory_space<vmem>>
        %dma_wait3A_44 = tpu.memref_squeeze %dma_wait3A_43 : memref<1x128xi32, #tpu.memory_space<vmem>> -> memref<128xi32, #tpu.memory_space<vmem>>
        %dma_wait3A_45 = arith.constant 0 : i32
        %dma_wait3A_46 = tpu.memref_slice %arg4[%dma_wait3A_45] : memref<10240xf32, #tpu.memory_space<vmem_shared>> -> memref<10240xf32, #tpu.memory_space<vmem_shared>>
        tpu.wait_indirect_dma semaphore(%run_scoped3A_38 : memref<!tpu.dma_semaphore, #tpu.memory_space<semaphore_mem>>) src(%arg6 : memref<128xf32, #tpu.memory_space<vmem>>) dst(%dma_wait3A_46 : memref<10240xf32, #tpu.memory_space<vmem_shared>>)
        tpu.yield
      }) : () -> ()
      %run_scoped3A_23 = arith.constant 1 : i32
      "tpu.region"() ({
        %run_scoped3A_38 = tpu.sem_alloc : memref<!tpu.dma_semaphore, #tpu.memory_space<semaphore_mem>>
        %dma_start3A = arith.constant 0 : i32
        %dma_start3A_39 = tpu.memref_slice %arg5[%run_scoped3A_23, %dma_start3A] : memref<16x128xi32, #tpu.memory_space<vmem>> -> memref<1x128xi32, #tpu.memory_space<vmem>>
        %dma_start3A_40 = tpu.memref_squeeze %dma_start3A_39 : memref<1x128xi32, #tpu.memory_space<vmem>> -> memref<128xi32, #tpu.memory_space<vmem>>
        %dma_start3A_41 = arith.constant 0 : i32
        %dma_start3A_42 = tpu.memref_slice %arg4[%dma_start3A_41] : memref<10240xf32, #tpu.memory_space<vmem_shared>> -> memref<10240xf32, #tpu.memory_space<vmem_shared>>
        tpu.enqueue_indirect_dma source(%arg6 : memref<128xf32, #tpu.memory_space<vmem>>) target(%dma_start3A_42 : memref<10240xf32, #tpu.memory_space<vmem_shared>>) offsets(%dma_start3A_40 : memref<128xi32, #tpu.memory_space<vmem>>) semaphore(%run_scoped3A_38 : memref<!tpu.dma_semaphore, #tpu.memory_space<semaphore_mem>>) {add = true}
        %dma_wait3A = arith.constant 0 : i32
        %dma_wait3A_43 = tpu.memref_slice %arg5[%run_scoped3A_23, %dma_wait3A] : memref<16x128xi32, #tpu.memory_space<vmem>> -> memref<1x128xi32, #tpu.memory_space<vmem>>
        %dma_wait3A_44 = tpu.memref_squeeze %dma_wait3A_43 : memref<1x128xi32, #tpu.memory_space<vmem>> -> memref<128xi32, #tpu.memory_space<vmem>>
        %dma_wait3A_45 = arith.constant 0 : i32
        %dma_wait3A_46 = tpu.memref_slice %arg4[%dma_wait3A_45] : memref<10240xf32, #tpu.memory_space<vmem_shared>> -> memref<10240xf32, #tpu.memory_space<vmem_shared>>
        tpu.wait_indirect_dma semaphore(%run_scoped3A_38 : memref<!tpu.dma_semaphore, #tpu.memory_space<semaphore_mem>>) src(%arg6 : memref<128xf32, #tpu.memory_space<vmem>>) dst(%dma_wait3A_46 : memref<10240xf32, #tpu.memory_space<vmem_shared>>)
        tpu.yield
      }) : () -> ()
      %run_scoped3A_24 = arith.constant 2 : i32
      "tpu.region"() ({
        %run_scoped3A_38 = tpu.sem_alloc : memref<!tpu.dma_semaphore, #tpu.memory_space<semaphore_mem>>
        %dma_start3A = arith.constant 0 : i32
        %dma_start3A_39 = tpu.memref_slice %arg5[%run_scoped3A_24, %dma_start3A] : memref<16x128xi32, #tpu.memory_space<vmem>> -> memref<1x128xi32, #tpu.memory_space<vmem>>
        %dma_start3A_40 = tpu.memref_squeeze %dma_start3A_39 : memref<1x128xi32, #tpu.memory_space<vmem>> -> memref<128xi32, #tpu.memory_space<vmem>>
        %dma_start3A_41 = arith.constant 0 : i32
        %dma_start3A_42 = tpu.memref_slice %arg4[%dma_start3A_41] : memref<10240xf32, #tpu.memory_space<vmem_shared>> -> memref<10240xf32, #tpu.memory_space<vmem_shared>>
        tpu.enqueue_indirect_dma source(%arg6 : memref<128xf32, #tpu.memory_space<vmem>>) target(%dma_start3A_42 : memref<10240xf32, #tpu.memory_space<vmem_shared>>) offsets(%dma_start3A_40 : memref<128xi32, #tpu.memory_space<vmem>>) semaphore(%run_scoped3A_38 : memref<!tpu.dma_semaphore, #tpu.memory_space<semaphore_mem>>) {add = true}
        %dma_wait3A = arith.constant 0 : i32
        %dma_wait3A_43 = tpu.memref_slice %arg5[%run_scoped3A_24, %dma_wait3A] : memref<16x128xi32, #tpu.memory_space<vmem>> -> memref<1x128xi32, #tpu.memory_space<vmem>>
        %dma_wait3A_44 = tpu.memref_squeeze %dma_wait3A_43 : memref<1x128xi32, #tpu.memory_space<vmem>> -> memref<128xi32, #tpu.memory_space<vmem>>
        %dma_wait3A_45 = arith.constant 0 : i32
        %dma_wait3A_46 = tpu.memref_slice %arg4[%dma_wait3A_45] : memref<10240xf32, #tpu.memory_space<vmem_shared>> -> memref<10240xf32, #tpu.memory_space<vmem_shared>>
        tpu.wait_indirect_dma semaphore(%run_scoped3A_38 : memref<!tpu.dma_semaphore, #tpu.memory_space<semaphore_mem>>) src(%arg6 : memref<128xf32, #tpu.memory_space<vmem>>) dst(%dma_wait3A_46 : memref<10240xf32, #tpu.memory_space<vmem_shared>>)
        tpu.yield
      }) : () -> ()
      %run_scoped3A_25 = arith.constant 3 : i32
      "tpu.region"() ({
        %run_scoped3A_38 = tpu.sem_alloc : memref<!tpu.dma_semaphore, #tpu.memory_space<semaphore_mem>>
        %dma_start3A = arith.constant 0 : i32
        %dma_start3A_39 = tpu.memref_slice %arg5[%run_scoped3A_25, %dma_start3A] : memref<16x128xi32, #tpu.memory_space<vmem>> -> memref<1x128xi32, #tpu.memory_space<vmem>>
        %dma_start3A_40 = tpu.memref_squeeze %dma_start3A_39 : memref<1x128xi32, #tpu.memory_space<vmem>> -> memref<128xi32, #tpu.memory_space<vmem>>
        %dma_start3A_41 = arith.constant 0 : i32
        %dma_start3A_42 = tpu.memref_slice %arg4[%dma_start3A_41] : memref<10240xf32, #tpu.memory_space<vmem_shared>> -> memref<10240xf32, #tpu.memory_space<vmem_shared>>
        tpu.enqueue_indirect_dma source(%arg6 : memref<128xf32, #tpu.memory_space<vmem>>) target(%dma_start3A_42 : memref<10240xf32, #tpu.memory_space<vmem_shared>>) offsets(%dma_start3A_40 : memref<128xi32, #tpu.memory_space<vmem>>) semaphore(%run_scoped3A_38 : memref<!tpu.dma_semaphore, #tpu.memory_space<semaphore_mem>>) {add = true}
        %dma_wait3A = arith.constant 0 : i32
        %dma_wait3A_43 = tpu.memref_slice %arg5[%run_scoped3A_25, %dma_wait3A] : memref<16x128xi32, #tpu.memory_space<vmem>> -> memref<1x128xi32, #tpu.memory_space<vmem>>
        %dma_wait3A_44 = tpu.memref_squeeze %dma_wait3A_43 : memref<1x128xi32, #tpu.memory_space<vmem>> -> memref<128xi32, #tpu.memory_space<vmem>>
        %dma_wait3A_45 = arith.constant 0 : i32
        %dma_wait3A_46 = tpu.memref_slice %arg4[%dma_wait3A_45] : memref<10240xf32, #tpu.memory_space<vmem_shared>> -> memref<10240xf32, #tpu.memory_space<vmem_shared>>
        tpu.wait_indirect_dma semaphore(%run_scoped3A_38 : memref<!tpu.dma_semaphore, #tpu.memory_space<semaphore_mem>>) src(%arg6 : memref<128xf32, #tpu.memory_space<vmem>>) dst(%dma_wait3A_46 : memref<10240xf32, #tpu.memory_space<vmem_shared>>)
        tpu.yield
      }) : () -> ()
      %run_scoped3A_26 = arith.constant 4 : i32
      "tpu.region"() ({
        %run_scoped3A_38 = tpu.sem_alloc : memref<!tpu.dma_semaphore, #tpu.memory_space<semaphore_mem>>
        %dma_start3A = arith.constant 0 : i32
        %dma_start3A_39 = tpu.memref_slice %arg5[%run_scoped3A_26, %dma_start3A] : memref<16x128xi32, #tpu.memory_space<vmem>> -> memref<1x128xi32, #tpu.memory_space<vmem>>
        %dma_start3A_40 = tpu.memref_squeeze %dma_start3A_39 : memref<1x128xi32, #tpu.memory_space<vmem>> -> memref<128xi32, #tpu.memory_space<vmem>>
        %dma_start3A_41 = arith.constant 0 : i32
        %dma_start3A_42 = tpu.memref_slice %arg4[%dma_start3A_41] : memref<10240xf32, #tpu.memory_space<vmem_shared>> -> memref<10240xf32, #tpu.memory_space<vmem_shared>>
        tpu.enqueue_indirect_dma source(%arg6 : memref<128xf32, #tpu.memory_space<vmem>>) target(%dma_start3A_42 : memref<10240xf32, #tpu.memory_space<vmem_shared>>) offsets(%dma_start3A_40 : memref<128xi32, #tpu.memory_space<vmem>>) semaphore(%run_scoped3A_38 : memref<!tpu.dma_semaphore, #tpu.memory_space<semaphore_mem>>) {add = true}
        %dma_wait3A = arith.constant 0 : i32
        %dma_wait3A_43 = tpu.memref_slice %arg5[%run_scoped3A_26, %dma_wait3A] : memref<16x128xi32, #tpu.memory_space<vmem>> -> memref<1x128xi32, #tpu.memory_space<vmem>>
        %dma_wait3A_44 = tpu.memref_squeeze %dma_wait3A_43 : memref<1x128xi32, #tpu.memory_space<vmem>> -> memref<128xi32, #tpu.memory_space<vmem>>
        %dma_wait3A_45 = arith.constant 0 : i32
        %dma_wait3A_46 = tpu.memref_slice %arg4[%dma_wait3A_45] : memref<10240xf32, #tpu.memory_space<vmem_shared>> -> memref<10240xf32, #tpu.memory_space<vmem_shared>>
        tpu.wait_indirect_dma semaphore(%run_scoped3A_38 : memref<!tpu.dma_semaphore, #tpu.memory_space<semaphore_mem>>) src(%arg6 : memref<128xf32, #tpu.memory_space<vmem>>) dst(%dma_wait3A_46 : memref<10240xf32, #tpu.memory_space<vmem_shared>>)
        tpu.yield
      }) : () -> ()
      %run_scoped3A_27 = arith.constant 5 : i32
      "tpu.region"() ({
        %run_scoped3A_38 = tpu.sem_alloc : memref<!tpu.dma_semaphore, #tpu.memory_space<semaphore_mem>>
        %dma_start3A = arith.constant 0 : i32
        %dma_start3A_39 = tpu.memref_slice %arg5[%run_scoped3A_27, %dma_start3A] : memref<16x128xi32, #tpu.memory_space<vmem>> -> memref<1x128xi32, #tpu.memory_space<vmem>>
        %dma_start3A_40 = tpu.memref_squeeze %dma_start3A_39 : memref<1x128xi32, #tpu.memory_space<vmem>> -> memref<128xi32, #tpu.memory_space<vmem>>
        %dma_start3A_41 = arith.constant 0 : i32
        %dma_start3A_42 = tpu.memref_slice %arg4[%dma_start3A_41] : memref<10240xf32, #tpu.memory_space<vmem_shared>> -> memref<10240xf32, #tpu.memory_space<vmem_shared>>
        tpu.enqueue_indirect_dma source(%arg6 : memref<128xf32, #tpu.memory_space<vmem>>) target(%dma_start3A_42 : memref<10240xf32, #tpu.memory_space<vmem_shared>>) offsets(%dma_start3A_40 : memref<128xi32, #tpu.memory_space<vmem>>) semaphore(%run_scoped3A_38 : memref<!tpu.dma_semaphore, #tpu.memory_space<semaphore_mem>>) {add = true}
        %dma_wait3A = arith.constant 0 : i32
        %dma_wait3A_43 = tpu.memref_slice %arg5[%run_scoped3A_27, %dma_wait3A] : memref<16x128xi32, #tpu.memory_space<vmem>> -> memref<1x128xi32, #tpu.memory_space<vmem>>
        %dma_wait3A_44 = tpu.memref_squeeze %dma_wait3A_43 : memref<1x128xi32, #tpu.memory_space<vmem>> -> memref<128xi32, #tpu.memory_space<vmem>>
        %dma_wait3A_45 = arith.constant 0 : i32
        %dma_wait3A_46 = tpu.memref_slice %arg4[%dma_wait3A_45] : memref<10240xf32, #tpu.memory_space<vmem_shared>> -> memref<10240xf32, #tpu.memory_space<vmem_shared>>
        tpu.wait_indirect_dma semaphore(%run_scoped3A_38 : memref<!tpu.dma_semaphore, #tpu.memory_space<semaphore_mem>>) src(%arg6 : memref<128xf32, #tpu.memory_space<vmem>>) dst(%dma_wait3A_46 : memref<10240xf32, #tpu.memory_space<vmem_shared>>)
        tpu.yield
      }) : () -> ()
      %run_scoped3A_28 = arith.constant 6 : i32
      "tpu.region"() ({
        %run_scoped3A_38 = tpu.sem_alloc : memref<!tpu.dma_semaphore, #tpu.memory_space<semaphore_mem>>
        %dma_start3A = arith.constant 0 : i32
        %dma_start3A_39 = tpu.memref_slice %arg5[%run_scoped3A_28, %dma_start3A] : memref<16x128xi32, #tpu.memory_space<vmem>> -> memref<1x128xi32, #tpu.memory_space<vmem>>
        %dma_start3A_40 = tpu.memref_squeeze %dma_start3A_39 : memref<1x128xi32, #tpu.memory_space<vmem>> -> memref<128xi32, #tpu.memory_space<vmem>>
        %dma_start3A_41 = arith.constant 0 : i32
        %dma_start3A_42 = tpu.memref_slice %arg4[%dma_start3A_41] : memref<10240xf32, #tpu.memory_space<vmem_shared>> -> memref<10240xf32, #tpu.memory_space<vmem_shared>>
        tpu.enqueue_indirect_dma source(%arg6 : memref<128xf32, #tpu.memory_space<vmem>>) target(%dma_start3A_42 : memref<10240xf32, #tpu.memory_space<vmem_shared>>) offsets(%dma_start3A_40 : memref<128xi32, #tpu.memory_space<vmem>>) semaphore(%run_scoped3A_38 : memref<!tpu.dma_semaphore, #tpu.memory_space<semaphore_mem>>) {add = true}
        %dma_wait3A = arith.constant 0 : i32
        %dma_wait3A_43 = tpu.memref_slice %arg5[%run_scoped3A_28, %dma_wait3A] : memref<16x128xi32, #tpu.memory_space<vmem>> -> memref<1x128xi32, #tpu.memory_space<vmem>>
        %dma_wait3A_44 = tpu.memref_squeeze %dma_wait3A_43 : memref<1x128xi32, #tpu.memory_space<vmem>> -> memref<128xi32, #tpu.memory_space<vmem>>
        %dma_wait3A_45 = arith.constant 0 : i32
        %dma_wait3A_46 = tpu.memref_slice %arg4[%dma_wait3A_45] : memref<10240xf32, #tpu.memory_space<vmem_shared>> -> memref<10240xf32, #tpu.memory_space<vmem_shared>>
        tpu.wait_indirect_dma semaphore(%run_scoped3A_38 : memref<!tpu.dma_semaphore, #tpu.memory_space<semaphore_mem>>) src(%arg6 : memref<128xf32, #tpu.memory_space<vmem>>) dst(%dma_wait3A_46 : memref<10240xf32, #tpu.memory_space<vmem_shared>>)
        tpu.yield
      }) : () -> ()
      %run_scoped3A_29 = arith.constant 7 : i32
      "tpu.region"() ({
        %run_scoped3A_38 = tpu.sem_alloc : memref<!tpu.dma_semaphore, #tpu.memory_space<semaphore_mem>>
        %dma_start3A = arith.constant 0 : i32
        %dma_start3A_39 = tpu.memref_slice %arg5[%run_scoped3A_29, %dma_start3A] : memref<16x128xi32, #tpu.memory_space<vmem>> -> memref<1x128xi32, #tpu.memory_space<vmem>>
        %dma_start3A_40 = tpu.memref_squeeze %dma_start3A_39 : memref<1x128xi32, #tpu.memory_space<vmem>> -> memref<128xi32, #tpu.memory_space<vmem>>
        %dma_start3A_41 = arith.constant 0 : i32
        %dma_start3A_42 = tpu.memref_slice %arg4[%dma_start3A_41] : memref<10240xf32, #tpu.memory_space<vmem_shared>> -> memref<10240xf32, #tpu.memory_space<vmem_shared>>
        tpu.enqueue_indirect_dma source(%arg6 : memref<128xf32, #tpu.memory_space<vmem>>) target(%dma_start3A_42 : memref<10240xf32, #tpu.memory_space<vmem_shared>>) offsets(%dma_start3A_40 : memref<128xi32, #tpu.memory_space<vmem>>) semaphore(%run_scoped3A_38 : memref<!tpu.dma_semaphore, #tpu.memory_space<semaphore_mem>>) {add = true}
        %dma_wait3A = arith.constant 0 : i32
        %dma_wait3A_43 = tpu.memref_slice %arg5[%run_scoped3A_29, %dma_wait3A] : memref<16x128xi32, #tpu.memory_space<vmem>> -> memref<1x128xi32, #tpu.memory_space<vmem>>
        %dma_wait3A_44 = tpu.memref_squeeze %dma_wait3A_43 : memref<1x128xi32, #tpu.memory_space<vmem>> -> memref<128xi32, #tpu.memory_space<vmem>>
        %dma_wait3A_45 = arith.constant 0 : i32
        %dma_wait3A_46 = tpu.memref_slice %arg4[%dma_wait3A_45] : memref<10240xf32, #tpu.memory_space<vmem_shared>> -> memref<10240xf32, #tpu.memory_space<vmem_shared>>
        tpu.wait_indirect_dma semaphore(%run_scoped3A_38 : memref<!tpu.dma_semaphore, #tpu.memory_space<semaphore_mem>>) src(%arg6 : memref<128xf32, #tpu.memory_space<vmem>>) dst(%dma_wait3A_46 : memref<10240xf32, #tpu.memory_space<vmem_shared>>)
        tpu.yield
      }) : () -> ()
      %run_scoped3A_30 = arith.constant 8 : i32
      "tpu.region"() ({
        %run_scoped3A_38 = tpu.sem_alloc : memref<!tpu.dma_semaphore, #tpu.memory_space<semaphore_mem>>
        %dma_start3A = arith.constant 0 : i32
        %dma_start3A_39 = tpu.memref_slice %arg5[%run_scoped3A_30, %dma_start3A] : memref<16x128xi32, #tpu.memory_space<vmem>> -> memref<1x128xi32, #tpu.memory_space<vmem>>
        %dma_start3A_40 = tpu.memref_squeeze %dma_start3A_39 : memref<1x128xi32, #tpu.memory_space<vmem>> -> memref<128xi32, #tpu.memory_space<vmem>>
        %dma_start3A_41 = arith.constant 0 : i32
        %dma_start3A_42 = tpu.memref_slice %arg4[%dma_start3A_41] : memref<10240xf32, #tpu.memory_space<vmem_shared>> -> memref<10240xf32, #tpu.memory_space<vmem_shared>>
        tpu.enqueue_indirect_dma source(%arg6 : memref<128xf32, #tpu.memory_space<vmem>>) target(%dma_start3A_42 : memref<10240xf32, #tpu.memory_space<vmem_shared>>) offsets(%dma_start3A_40 : memref<128xi32, #tpu.memory_space<vmem>>) semaphore(%run_scoped3A_38 : memref<!tpu.dma_semaphore, #tpu.memory_space<semaphore_mem>>) {add = true}
        %dma_wait3A = arith.constant 0 : i32
        %dma_wait3A_43 = tpu.memref_slice %arg5[%run_scoped3A_30, %dma_wait3A] : memref<16x128xi32, #tpu.memory_space<vmem>> -> memref<1x128xi32, #tpu.memory_space<vmem>>
        %dma_wait3A_44 = tpu.memref_squeeze %dma_wait3A_43 : memref<1x128xi32, #tpu.memory_space<vmem>> -> memref<128xi32, #tpu.memory_space<vmem>>
        %dma_wait3A_45 = arith.constant 0 : i32
        %dma_wait3A_46 = tpu.memref_slice %arg4[%dma_wait3A_45] : memref<10240xf32, #tpu.memory_space<vmem_shared>> -> memref<10240xf32, #tpu.memory_space<vmem_shared>>
        tpu.wait_indirect_dma semaphore(%run_scoped3A_38 : memref<!tpu.dma_semaphore, #tpu.memory_space<semaphore_mem>>) src(%arg6 : memref<128xf32, #tpu.memory_space<vmem>>) dst(%dma_wait3A_46 : memref<10240xf32, #tpu.memory_space<vmem_shared>>)
        tpu.yield
      }) : () -> ()
      %run_scoped3A_31 = arith.constant 9 : i32
      "tpu.region"() ({
        %run_scoped3A_38 = tpu.sem_alloc : memref<!tpu.dma_semaphore, #tpu.memory_space<semaphore_mem>>
        %dma_start3A = arith.constant 0 : i32
        %dma_start3A_39 = tpu.memref_slice %arg5[%run_scoped3A_31, %dma_start3A] : memref<16x128xi32, #tpu.memory_space<vmem>> -> memref<1x128xi32, #tpu.memory_space<vmem>>
        %dma_start3A_40 = tpu.memref_squeeze %dma_start3A_39 : memref<1x128xi32, #tpu.memory_space<vmem>> -> memref<128xi32, #tpu.memory_space<vmem>>
        %dma_start3A_41 = arith.constant 0 : i32
        %dma_start3A_42 = tpu.memref_slice %arg4[%dma_start3A_41] : memref<10240xf32, #tpu.memory_space<vmem_shared>> -> memref<10240xf32, #tpu.memory_space<vmem_shared>>
        tpu.enqueue_indirect_dma source(%arg6 : memref<128xf32, #tpu.memory_space<vmem>>) target(%dma_start3A_42 : memref<10240xf32, #tpu.memory_space<vmem_shared>>) offsets(%dma_start3A_40 : memref<128xi32, #tpu.memory_space<vmem>>) semaphore(%run_scoped3A_38 : memref<!tpu.dma_semaphore, #tpu.memory_space<semaphore_mem>>) {add = true}
        %dma_wait3A = arith.constant 0 : i32
        %dma_wait3A_43 = tpu.memref_slice %arg5[%run_scoped3A_31, %dma_wait3A] : memref<16x128xi32, #tpu.memory_space<vmem>> -> memref<1x128xi32, #tpu.memory_space<vmem>>
        %dma_wait3A_44 = tpu.memref_squeeze %dma_wait3A_43 : memref<1x128xi32, #tpu.memory_space<vmem>> -> memref<128xi32, #tpu.memory_space<vmem>>
        %dma_wait3A_45 = arith.constant 0 : i32
        %dma_wait3A_46 = tpu.memref_slice %arg4[%dma_wait3A_45] : memref<10240xf32, #tpu.memory_space<vmem_shared>> -> memref<10240xf32, #tpu.memory_space<vmem_shared>>
        tpu.wait_indirect_dma semaphore(%run_scoped3A_38 : memref<!tpu.dma_semaphore, #tpu.memory_space<semaphore_mem>>) src(%arg6 : memref<128xf32, #tpu.memory_space<vmem>>) dst(%dma_wait3A_46 : memref<10240xf32, #tpu.memory_space<vmem_shared>>)
        tpu.yield
      }) : () -> ()
      %run_scoped3A_32 = arith.constant 10 : i32
      "tpu.region"() ({
        %run_scoped3A_38 = tpu.sem_alloc : memref<!tpu.dma_semaphore, #tpu.memory_space<semaphore_mem>>
        %dma_start3A = arith.constant 0 : i32
        %dma_start3A_39 = tpu.memref_slice %arg5[%run_scoped3A_32, %dma_start3A] : memref<16x128xi32, #tpu.memory_space<vmem>> -> memref<1x128xi32, #tpu.memory_space<vmem>>
        %dma_start3A_40 = tpu.memref_squeeze %dma_start3A_39 : memref<1x128xi32, #tpu.memory_space<vmem>> -> memref<128xi32, #tpu.memory_space<vmem>>
        %dma_start3A_41 = arith.constant 0 : i32
        %dma_start3A_42 = tpu.memref_slice %arg4[%dma_start3A_41] : memref<10240xf32, #tpu.memory_space<vmem_shared>> -> memref<10240xf32, #tpu.memory_space<vmem_shared>>
        tpu.enqueue_indirect_dma source(%arg6 : memref<128xf32, #tpu.memory_space<vmem>>) target(%dma_start3A_42 : memref<10240xf32, #tpu.memory_space<vmem_shared>>) offsets(%dma_start3A_40 : memref<128xi32, #tpu.memory_space<vmem>>) semaphore(%run_scoped3A_38 : memref<!tpu.dma_semaphore, #tpu.memory_space<semaphore_mem>>) {add = true}
        %dma_wait3A = arith.constant 0 : i32
        %dma_wait3A_43 = tpu.memref_slice %arg5[%run_scoped3A_32, %dma_wait3A] : memref<16x128xi32, #tpu.memory_space<vmem>> -> memref<1x128xi32, #tpu.memory_space<vmem>>
        %dma_wait3A_44 = tpu.memref_squeeze %dma_wait3A_43 : memref<1x128xi32, #tpu.memory_space<vmem>> -> memref<128xi32, #tpu.memory_space<vmem>>
        %dma_wait3A_45 = arith.constant 0 : i32
        %dma_wait3A_46 = tpu.memref_slice %arg4[%dma_wait3A_45] : memref<10240xf32, #tpu.memory_space<vmem_shared>> -> memref<10240xf32, #tpu.memory_space<vmem_shared>>
        tpu.wait_indirect_dma semaphore(%run_scoped3A_38 : memref<!tpu.dma_semaphore, #tpu.memory_space<semaphore_mem>>) src(%arg6 : memref<128xf32, #tpu.memory_space<vmem>>) dst(%dma_wait3A_46 : memref<10240xf32, #tpu.memory_space<vmem_shared>>)
        tpu.yield
      }) : () -> ()
      %run_scoped3A_33 = arith.constant 11 : i32
      "tpu.region"() ({
        %run_scoped3A_38 = tpu.sem_alloc : memref<!tpu.dma_semaphore, #tpu.memory_space<semaphore_mem>>
        %dma_start3A = arith.constant 0 : i32
        %dma_start3A_39 = tpu.memref_slice %arg5[%run_scoped3A_33, %dma_start3A] : memref<16x128xi32, #tpu.memory_space<vmem>> -> memref<1x128xi32, #tpu.memory_space<vmem>>
        %dma_start3A_40 = tpu.memref_squeeze %dma_start3A_39 : memref<1x128xi32, #tpu.memory_space<vmem>> -> memref<128xi32, #tpu.memory_space<vmem>>
        %dma_start3A_41 = arith.constant 0 : i32
        %dma_start3A_42 = tpu.memref_slice %arg4[%dma_start3A_41] : memref<10240xf32, #tpu.memory_space<vmem_shared>> -> memref<10240xf32, #tpu.memory_space<vmem_shared>>
        tpu.enqueue_indirect_dma source(%arg6 : memref<128xf32, #tpu.memory_space<vmem>>) target(%dma_start3A_42 : memref<10240xf32, #tpu.memory_space<vmem_shared>>) offsets(%dma_start3A_40 : memref<128xi32, #tpu.memory_space<vmem>>) semaphore(%run_scoped3A_38 : memref<!tpu.dma_semaphore, #tpu.memory_space<semaphore_mem>>) {add = true}
        %dma_wait3A = arith.constant 0 : i32
        %dma_wait3A_43 = tpu.memref_slice %arg5[%run_scoped3A_33, %dma_wait3A] : memref<16x128xi32, #tpu.memory_space<vmem>> -> memref<1x128xi32, #tpu.memory_space<vmem>>
        %dma_wait3A_44 = tpu.memref_squeeze %dma_wait3A_43 : memref<1x128xi32, #tpu.memory_space<vmem>> -> memref<128xi32, #tpu.memory_space<vmem>>
        %dma_wait3A_45 = arith.constant 0 : i32
        %dma_wait3A_46 = tpu.memref_slice %arg4[%dma_wait3A_45] : memref<10240xf32, #tpu.memory_space<vmem_shared>> -> memref<10240xf32, #tpu.memory_space<vmem_shared>>
        tpu.wait_indirect_dma semaphore(%run_scoped3A_38 : memref<!tpu.dma_semaphore, #tpu.memory_space<semaphore_mem>>) src(%arg6 : memref<128xf32, #tpu.memory_space<vmem>>) dst(%dma_wait3A_46 : memref<10240xf32, #tpu.memory_space<vmem_shared>>)
        tpu.yield
      }) : () -> ()
      %run_scoped3A_34 = arith.constant 12 : i32
      "tpu.region"() ({
        %run_scoped3A_38 = tpu.sem_alloc : memref<!tpu.dma_semaphore, #tpu.memory_space<semaphore_mem>>
        %dma_start3A = arith.constant 0 : i32
        %dma_start3A_39 = tpu.memref_slice %arg5[%run_scoped3A_34, %dma_start3A] : memref<16x128xi32, #tpu.memory_space<vmem>> -> memref<1x128xi32, #tpu.memory_space<vmem>>
        %dma_start3A_40 = tpu.memref_squeeze %dma_start3A_39 : memref<1x128xi32, #tpu.memory_space<vmem>> -> memref<128xi32, #tpu.memory_space<vmem>>
        %dma_start3A_41 = arith.constant 0 : i32
        %dma_start3A_42 = tpu.memref_slice %arg4[%dma_start3A_41] : memref<10240xf32, #tpu.memory_space<vmem_shared>> -> memref<10240xf32, #tpu.memory_space<vmem_shared>>
        tpu.enqueue_indirect_dma source(%arg6 : memref<128xf32, #tpu.memory_space<vmem>>) target(%dma_start3A_42 : memref<10240xf32, #tpu.memory_space<vmem_shared>>) offsets(%dma_start3A_40 : memref<128xi32, #tpu.memory_space<vmem>>) semaphore(%run_scoped3A_38 : memref<!tpu.dma_semaphore, #tpu.memory_space<semaphore_mem>>) {add = true}
        %dma_wait3A = arith.constant 0 : i32
        %dma_wait3A_43 = tpu.memref_slice %arg5[%run_scoped3A_34, %dma_wait3A] : memref<16x128xi32, #tpu.memory_space<vmem>> -> memref<1x128xi32, #tpu.memory_space<vmem>>
        %dma_wait3A_44 = tpu.memref_squeeze %dma_wait3A_43 : memref<1x128xi32, #tpu.memory_space<vmem>> -> memref<128xi32, #tpu.memory_space<vmem>>
        %dma_wait3A_45 = arith.constant 0 : i32
        %dma_wait3A_46 = tpu.memref_slice %arg4[%dma_wait3A_45] : memref<10240xf32, #tpu.memory_space<vmem_shared>> -> memref<10240xf32, #tpu.memory_space<vmem_shared>>
        tpu.wait_indirect_dma semaphore(%run_scoped3A_38 : memref<!tpu.dma_semaphore, #tpu.memory_space<semaphore_mem>>) src(%arg6 : memref<128xf32, #tpu.memory_space<vmem>>) dst(%dma_wait3A_46 : memref<10240xf32, #tpu.memory_space<vmem_shared>>)
        tpu.yield
      }) : () -> ()
      %run_scoped3A_35 = arith.constant 13 : i32
      "tpu.region"() ({
        %run_scoped3A_38 = tpu.sem_alloc : memref<!tpu.dma_semaphore, #tpu.memory_space<semaphore_mem>>
        %dma_start3A = arith.constant 0 : i32
        %dma_start3A_39 = tpu.memref_slice %arg5[%run_scoped3A_35, %dma_start3A] : memref<16x128xi32, #tpu.memory_space<vmem>> -> memref<1x128xi32, #tpu.memory_space<vmem>>
        %dma_start3A_40 = tpu.memref_squeeze %dma_start3A_39 : memref<1x128xi32, #tpu.memory_space<vmem>> -> memref<128xi32, #tpu.memory_space<vmem>>
        %dma_start3A_41 = arith.constant 0 : i32
        %dma_start3A_42 = tpu.memref_slice %arg4[%dma_start3A_41] : memref<10240xf32, #tpu.memory_space<vmem_shared>> -> memref<10240xf32, #tpu.memory_space<vmem_shared>>
        tpu.enqueue_indirect_dma source(%arg6 : memref<128xf32, #tpu.memory_space<vmem>>) target(%dma_start3A_42 : memref<10240xf32, #tpu.memory_space<vmem_shared>>) offsets(%dma_start3A_40 : memref<128xi32, #tpu.memory_space<vmem>>) semaphore(%run_scoped3A_38 : memref<!tpu.dma_semaphore, #tpu.memory_space<semaphore_mem>>) {add = true}
        %dma_wait3A = arith.constant 0 : i32
        %dma_wait3A_43 = tpu.memref_slice %arg5[%run_scoped3A_35, %dma_wait3A] : memref<16x128xi32, #tpu.memory_space<vmem>> -> memref<1x128xi32, #tpu.memory_space<vmem>>
        %dma_wait3A_44 = tpu.memref_squeeze %dma_wait3A_43 : memref<1x128xi32, #tpu.memory_space<vmem>> -> memref<128xi32, #tpu.memory_space<vmem>>
        %dma_wait3A_45 = arith.constant 0 : i32
        %dma_wait3A_46 = tpu.memref_slice %arg4[%dma_wait3A_45] : memref<10240xf32, #tpu.memory_space<vmem_shared>> -> memref<10240xf32, #tpu.memory_space<vmem_shared>>
        tpu.wait_indirect_dma semaphore(%run_scoped3A_38 : memref<!tpu.dma_semaphore, #tpu.memory_space<semaphore_mem>>) src(%arg6 : memref<128xf32, #tpu.memory_space<vmem>>) dst(%dma_wait3A_46 : memref<10240xf32, #tpu.memory_space<vmem_shared>>)
        tpu.yield
      }) : () -> ()
      %run_scoped3A_36 = arith.constant 14 : i32
      "tpu.region"() ({
        %run_scoped3A_38 = tpu.sem_alloc : memref<!tpu.dma_semaphore, #tpu.memory_space<semaphore_mem>>
        %dma_start3A = arith.constant 0 : i32
        %dma_start3A_39 = tpu.memref_slice %arg5[%run_scoped3A_36, %dma_start3A] : memref<16x128xi32, #tpu.memory_space<vmem>> -> memref<1x128xi32, #tpu.memory_space<vmem>>
        %dma_start3A_40 = tpu.memref_squeeze %dma_start3A_39 : memref<1x128xi32, #tpu.memory_space<vmem>> -> memref<128xi32, #tpu.memory_space<vmem>>
        %dma_start3A_41 = arith.constant 0 : i32
        %dma_start3A_42 = tpu.memref_slice %arg4[%dma_start3A_41] : memref<10240xf32, #tpu.memory_space<vmem_shared>> -> memref<10240xf32, #tpu.memory_space<vmem_shared>>
        tpu.enqueue_indirect_dma source(%arg6 : memref<128xf32, #tpu.memory_space<vmem>>) target(%dma_start3A_42 : memref<10240xf32, #tpu.memory_space<vmem_shared>>) offsets(%dma_start3A_40 : memref<128xi32, #tpu.memory_space<vmem>>) semaphore(%run_scoped3A_38 : memref<!tpu.dma_semaphore, #tpu.memory_space<semaphore_mem>>) {add = true}
        %dma_wait3A = arith.constant 0 : i32
        %dma_wait3A_43 = tpu.memref_slice %arg5[%run_scoped3A_36, %dma_wait3A] : memref<16x128xi32, #tpu.memory_space<vmem>> -> memref<1x128xi32, #tpu.memory_space<vmem>>
        %dma_wait3A_44 = tpu.memref_squeeze %dma_wait3A_43 : memref<1x128xi32, #tpu.memory_space<vmem>> -> memref<128xi32, #tpu.memory_space<vmem>>
        %dma_wait3A_45 = arith.constant 0 : i32
        %dma_wait3A_46 = tpu.memref_slice %arg4[%dma_wait3A_45] : memref<10240xf32, #tpu.memory_space<vmem_shared>> -> memref<10240xf32, #tpu.memory_space<vmem_shared>>
        tpu.wait_indirect_dma semaphore(%run_scoped3A_38 : memref<!tpu.dma_semaphore, #tpu.memory_space<semaphore_mem>>) src(%arg6 : memref<128xf32, #tpu.memory_space<vmem>>) dst(%dma_wait3A_46 : memref<10240xf32, #tpu.memory_space<vmem_shared>>)
        tpu.yield
      }) : () -> ()
      %run_scoped3A_37 = arith.constant 15 : i32
      "tpu.region"() ({
        %run_scoped3A_38 = tpu.sem_alloc : memref<!tpu.dma_semaphore, #tpu.memory_space<semaphore_mem>>
        %dma_start3A = arith.constant 0 : i32
        %dma_start3A_39 = tpu.memref_slice %arg5[%run_scoped3A_37, %dma_start3A] : memref<16x128xi32, #tpu.memory_space<vmem>> -> memref<1x128xi32, #tpu.memory_space<vmem>>
        %dma_start3A_40 = tpu.memref_squeeze %dma_start3A_39 : memref<1x128xi32, #tpu.memory_space<vmem>> -> memref<128xi32, #tpu.memory_space<vmem>>
        %dma_start3A_41 = arith.constant 0 : i32
        %dma_start3A_42 = tpu.memref_slice %arg4[%dma_start3A_41] : memref<10240xf32, #tpu.memory_space<vmem_shared>> -> memref<10240xf32, #tpu.memory_space<vmem_shared>>
        tpu.enqueue_indirect_dma source(%arg6 : memref<128xf32, #tpu.memory_space<vmem>>) target(%dma_start3A_42 : memref<10240xf32, #tpu.memory_space<vmem_shared>>) offsets(%dma_start3A_40 : memref<128xi32, #tpu.memory_space<vmem>>) semaphore(%run_scoped3A_38 : memref<!tpu.dma_semaphore, #tpu.memory_space<semaphore_mem>>) {add = true}
        %dma_wait3A = arith.constant 0 : i32
        %dma_wait3A_43 = tpu.memref_slice %arg5[%run_scoped3A_37, %dma_wait3A] : memref<16x128xi32, #tpu.memory_space<vmem>> -> memref<1x128xi32, #tpu.memory_space<vmem>>
        %dma_wait3A_44 = tpu.memref_squeeze %dma_wait3A_43 : memref<1x128xi32, #tpu.memory_space<vmem>> -> memref<128xi32, #tpu.memory_space<vmem>>
        %dma_wait3A_45 = arith.constant 0 : i32
        %dma_wait3A_46 = tpu.memref_slice %arg4[%dma_wait3A_45] : memref<10240xf32, #tpu.memory_space<vmem_shared>> -> memref<10240xf32, #tpu.memory_space<vmem_shared>>
        tpu.wait_indirect_dma semaphore(%run_scoped3A_38 : memref<!tpu.dma_semaphore, #tpu.memory_space<semaphore_mem>>) src(%arg6 : memref<128xf32, #tpu.memory_space<vmem>>) dst(%dma_wait3A_46 : memref<10240xf32, #tpu.memory_space<vmem_shared>>)
        tpu.yield
      }) : () -> ()
    }
    %scan3A_15 = arith.constant 5 : i32
    %barrier3A_16 = arith.constant 0 : index
    tpu.barrier barrier_id(%barrier3A_16)
    %mul3A_17 = arith.constant 640 : i32
    %mul3A_18 = arith.muli %arg1, %mul3A_17 : i32
    "tpu.region"() ({
      %run_scoped3A = tpu.sem_alloc : memref<!tpu.dma_semaphore, #tpu.memory_space<semaphore_mem>>
      %dma_start3A = tpu.memref_slice %arg3[%arg0, %mul3A_18] : memref<2x10240xf32, #tpu.memory_space<hbm>> -> memref<1x640xf32, #tpu.memory_space<hbm>>
      %dma_start3A_19 = tpu.memref_squeeze %dma_start3A : memref<1x640xf32, #tpu.memory_space<hbm>> -> memref<640xf32, #tpu.memory_space<hbm>>
      %dma_start3A_20 = tpu.memref_slice %arg4[%mul3A_18] : memref<10240xf32, #tpu.memory_space<vmem_shared>> -> memref<640xf32, #tpu.memory_space<vmem_shared>>
      tpu.enqueue_dma source(%dma_start3A_20 : memref<640xf32, #tpu.memory_space<vmem_shared>>) target(%dma_start3A_19 : memref<640xf32, #tpu.memory_space<hbm>>) target_semaphore(%run_scoped3A : memref<!tpu.dma_semaphore, #tpu.memory_space<semaphore_mem>>)
      %dma_wait3A = tpu.memref_slice %arg3[%arg0, %mul3A_18] : memref<2x10240xf32, #tpu.memory_space<hbm>> -> memref<1x640xf32, #tpu.memory_space<hbm>>
      %dma_wait3A_21 = tpu.memref_squeeze %dma_wait3A : memref<1x640xf32, #tpu.memory_space<hbm>> -> memref<640xf32, #tpu.memory_space<hbm>>
      %dma_wait3A_22 = tpu.memref_slice %arg4[%mul3A_18] : memref<10240xf32, #tpu.memory_space<vmem_shared>> -> memref<640xf32, #tpu.memory_space<vmem_shared>>
      tpu.wait_dma2 semaphore(%run_scoped3A : memref<!tpu.dma_semaphore, #tpu.memory_space<semaphore_mem>>) src(%dma_wait3A_22 : memref<640xf32, #tpu.memory_space<vmem_shared>>) dst(%dma_wait3A_21 : memref<640xf32, #tpu.memory_space<hbm>>)
      tpu.yield
    }) : () -> ()
    return
  }
}

#map = affine_map<(d0, d1) -> (0, 0)>
#map1 = affine_map<(d0, d1) -> (0, 0, 0)>
module attributes {stable_mosaic.version = 14 : i64} {
  func.func @_agg_body(%arg0: i32, %arg1: i32, %arg2: memref<10240x64xf32, #tpu.memory_space<hbm>>, %arg3: memref<10240x64xf32, #tpu.memory_space<hbm>>, %arg4: memref<2560x128xi32, #tpu.memory_space<hbm>>, %arg5: memref<2560x128xi32, #tpu.memory_space<hbm>>, %arg6: memref<2x10240x64xf32, #tpu.memory_space<hbm>>, %arg7: memref<10240x64xf32, #tpu.memory_space<vmem_shared>>, %arg8: memref<10240x64xf32, #tpu.memory_space<vmem_shared>>, %arg9: memref<16x128xi32, #tpu.memory_space<vmem>>, %arg10: memref<16x128xi32, #tpu.memory_space<vmem>>, %arg11: memref<4x128x64xf32, #tpu.memory_space<vmem>>, %arg12: memref<!tpu.dma_semaphore, #tpu.memory_space<semaphore_mem>>, %arg13: memref<!tpu.dma_semaphore, #tpu.memory_space<semaphore_mem>>) attributes {dimension_semantics = [#tpu.dimension_semantics<core_parallel>, #tpu.dimension_semantics<subcore_parallel>], iteration_bounds = array<i64: 2, 16>, scalar_prefetch = 0 : i64, scratch_operands = 7 : i64, tpu.core_type = #tpu.core_type<sc_vector_subcore>, window_params = [{transform_indices = #map}, {transform_indices = #map}, {transform_indices = #map}, {transform_indices = #map}, {transform_indices = #map1}]} {
    %mul3A = arith.constant 640 : i32
    %mul3A_0 = arith.muli %arg1, %mul3A : i32
    %eq3A = arith.constant 0 : i32
    %eq3A_1 = arith.cmpi eq, %arg0, %eq3A : i32
    %convert_element_type3A = arith.extui %eq3A_1 : i1 to i32
    %cond3A = arith.constant 0 : i32
    %cond3A_2 = arith.cmpi ne, %convert_element_type3A, %cond3A : i32
    scf.if %cond3A_2 {
      "tpu.region"() ({
        %run_scoped3A = tpu.sem_alloc : memref<!tpu.dma_semaphore, #tpu.memory_space<semaphore_mem>>
        %dma_start3A = arith.constant 0 : i32
        %dma_start3A_16 = tpu.memref_slice %arg7[%mul3A_0, %dma_start3A] : memref<10240x64xf32, #tpu.memory_space<vmem_shared>> -> memref<640x64xf32, #tpu.memory_space<vmem_shared>>
        %dma_start3A_17 = arith.constant 0 : i32
        %dma_start3A_18 = tpu.memref_slice %arg2[%mul3A_0, %dma_start3A_17] : memref<10240x64xf32, #tpu.memory_space<hbm>> -> memref<640x64xf32, #tpu.memory_space<hbm>>
        tpu.enqueue_dma source(%dma_start3A_18 : memref<640x64xf32, #tpu.memory_space<hbm>>) target(%dma_start3A_16 : memref<640x64xf32, #tpu.memory_space<vmem_shared>>) target_semaphore(%run_scoped3A : memref<!tpu.dma_semaphore, #tpu.memory_space<semaphore_mem>>)
        %dma_wait3A = arith.constant 0 : i32
        %dma_wait3A_19 = tpu.memref_slice %arg7[%mul3A_0, %dma_wait3A] : memref<10240x64xf32, #tpu.memory_space<vmem_shared>> -> memref<640x64xf32, #tpu.memory_space<vmem_shared>>
        %dma_wait3A_20 = arith.constant 0 : i32
        %dma_wait3A_21 = tpu.memref_slice %arg2[%mul3A_0, %dma_wait3A_20] : memref<10240x64xf32, #tpu.memory_space<hbm>> -> memref<640x64xf32, #tpu.memory_space<hbm>>
        tpu.wait_dma2 semaphore(%run_scoped3A : memref<!tpu.dma_semaphore, #tpu.memory_space<semaphore_mem>>) src(%dma_wait3A_21 : memref<640x64xf32, #tpu.memory_space<hbm>>) dst(%dma_wait3A_19 : memref<640x64xf32, #tpu.memory_space<vmem_shared>>)
        tpu.yield
      }) : () -> ()
      "tpu.region"() ({
        %run_scoped3A = tpu.sem_alloc : memref<!tpu.dma_semaphore, #tpu.memory_space<semaphore_mem>>
        %dma_start3A = arith.constant 0 : i32
        %dma_start3A_16 = tpu.memref_slice %arg8[%mul3A_0, %dma_start3A] : memref<10240x64xf32, #tpu.memory_space<vmem_shared>> -> memref<640x64xf32, #tpu.memory_space<vmem_shared>>
        %dma_start3A_17 = arith.constant 0 : i32
        %dma_start3A_18 = tpu.memref_slice %arg2[%mul3A_0, %dma_start3A_17] : memref<10240x64xf32, #tpu.memory_space<hbm>> -> memref<640x64xf32, #tpu.memory_space<hbm>>
        tpu.enqueue_dma source(%dma_start3A_18 : memref<640x64xf32, #tpu.memory_space<hbm>>) target(%dma_start3A_16 : memref<640x64xf32, #tpu.memory_space<vmem_shared>>) target_semaphore(%run_scoped3A : memref<!tpu.dma_semaphore, #tpu.memory_space<semaphore_mem>>)
        %dma_wait3A = arith.constant 0 : i32
        %dma_wait3A_19 = tpu.memref_slice %arg8[%mul3A_0, %dma_wait3A] : memref<10240x64xf32, #tpu.memory_space<vmem_shared>> -> memref<640x64xf32, #tpu.memory_space<vmem_shared>>
        %dma_wait3A_20 = arith.constant 0 : i32
        %dma_wait3A_21 = tpu.memref_slice %arg2[%mul3A_0, %dma_wait3A_20] : memref<10240x64xf32, #tpu.memory_space<hbm>> -> memref<640x64xf32, #tpu.memory_space<hbm>>
        tpu.wait_dma2 semaphore(%run_scoped3A : memref<!tpu.dma_semaphore, #tpu.memory_space<semaphore_mem>>) src(%dma_wait3A_21 : memref<640x64xf32, #tpu.memory_space<hbm>>) dst(%dma_wait3A_19 : memref<640x64xf32, #tpu.memory_space<vmem_shared>>)
        tpu.yield
      }) : () -> ()
    } else {
    }
    %eq3A_3 = arith.constant 1 : i32
    %eq3A_4 = arith.cmpi eq, %arg0, %eq3A_3 : i32
    %convert_element_type3A_5 = arith.extui %eq3A_4 : i1 to i32
    %cond3A_6 = arith.constant 0 : i32
    %cond3A_7 = arith.cmpi ne, %convert_element_type3A_5, %cond3A_6 : i32
    scf.if %cond3A_7 {
      "tpu.region"() ({
        %run_scoped3A = tpu.sem_alloc : memref<!tpu.dma_semaphore, #tpu.memory_space<semaphore_mem>>
        %dma_start3A = arith.constant 0 : i32
        %dma_start3A_16 = tpu.memref_slice %arg7[%mul3A_0, %dma_start3A] : memref<10240x64xf32, #tpu.memory_space<vmem_shared>> -> memref<640x64xf32, #tpu.memory_space<vmem_shared>>
        %dma_start3A_17 = arith.constant 0 : i32
        %dma_start3A_18 = tpu.memref_slice %arg3[%mul3A_0, %dma_start3A_17] : memref<10240x64xf32, #tpu.memory_space<hbm>> -> memref<640x64xf32, #tpu.memory_space<hbm>>
        tpu.enqueue_dma source(%dma_start3A_18 : memref<640x64xf32, #tpu.memory_space<hbm>>) target(%dma_start3A_16 : memref<640x64xf32, #tpu.memory_space<vmem_shared>>) target_semaphore(%run_scoped3A : memref<!tpu.dma_semaphore, #tpu.memory_space<semaphore_mem>>)
        %dma_wait3A = arith.constant 0 : i32
        %dma_wait3A_19 = tpu.memref_slice %arg7[%mul3A_0, %dma_wait3A] : memref<10240x64xf32, #tpu.memory_space<vmem_shared>> -> memref<640x64xf32, #tpu.memory_space<vmem_shared>>
        %dma_wait3A_20 = arith.constant 0 : i32
        %dma_wait3A_21 = tpu.memref_slice %arg3[%mul3A_0, %dma_wait3A_20] : memref<10240x64xf32, #tpu.memory_space<hbm>> -> memref<640x64xf32, #tpu.memory_space<hbm>>
        tpu.wait_dma2 semaphore(%run_scoped3A : memref<!tpu.dma_semaphore, #tpu.memory_space<semaphore_mem>>) src(%dma_wait3A_21 : memref<640x64xf32, #tpu.memory_space<hbm>>) dst(%dma_wait3A_19 : memref<640x64xf32, #tpu.memory_space<vmem_shared>>)
        tpu.yield
      }) : () -> ()
      "tpu.region"() ({
        %run_scoped3A = tpu.sem_alloc : memref<!tpu.dma_semaphore, #tpu.memory_space<semaphore_mem>>
        %dma_start3A = arith.constant 0 : i32
        %dma_start3A_16 = tpu.memref_slice %arg8[%mul3A_0, %dma_start3A] : memref<10240x64xf32, #tpu.memory_space<vmem_shared>> -> memref<640x64xf32, #tpu.memory_space<vmem_shared>>
        %dma_start3A_17 = arith.constant 0 : i32
        %dma_start3A_18 = tpu.memref_slice %arg3[%mul3A_0, %dma_start3A_17] : memref<10240x64xf32, #tpu.memory_space<hbm>> -> memref<640x64xf32, #tpu.memory_space<hbm>>
        tpu.enqueue_dma source(%dma_start3A_18 : memref<640x64xf32, #tpu.memory_space<hbm>>) target(%dma_start3A_16 : memref<640x64xf32, #tpu.memory_space<vmem_shared>>) target_semaphore(%run_scoped3A : memref<!tpu.dma_semaphore, #tpu.memory_space<semaphore_mem>>)
        %dma_wait3A = arith.constant 0 : i32
        %dma_wait3A_19 = tpu.memref_slice %arg8[%mul3A_0, %dma_wait3A] : memref<10240x64xf32, #tpu.memory_space<vmem_shared>> -> memref<640x64xf32, #tpu.memory_space<vmem_shared>>
        %dma_wait3A_20 = arith.constant 0 : i32
        %dma_wait3A_21 = tpu.memref_slice %arg3[%mul3A_0, %dma_wait3A_20] : memref<10240x64xf32, #tpu.memory_space<hbm>> -> memref<640x64xf32, #tpu.memory_space<hbm>>
        tpu.wait_dma2 semaphore(%run_scoped3A : memref<!tpu.dma_semaphore, #tpu.memory_space<semaphore_mem>>) src(%dma_wait3A_21 : memref<640x64xf32, #tpu.memory_space<hbm>>) dst(%dma_wait3A_19 : memref<640x64xf32, #tpu.memory_space<vmem_shared>>)
        tpu.yield
      }) : () -> ()
    } else {
    }
    %barrier3A = arith.constant 0 : index
    tpu.barrier barrier_id(%barrier3A)
    %mul3A_8 = arith.constant 160 : i32
    %mul3A_9 = arith.muli %arg1, %mul3A_8 : i32
    %scan3A = arith.constant 0 : i32
    %scan3A_10 = arith.constant 0 : i32
    %scan3A_11 = arith.constant 10 : i32
    %scan3A_12 = arith.addi %scan3A_10, %scan3A_11 : i32
    %scan3A_13 = arith.constant 1 : i32
    scf.for %scan3A_16 = %scan3A_10 to %scan3A_12 step %scan3A_13  : i32 {
      %mul3A_17 = arith.constant 16 : i32
      %mul3A_18 = arith.muli %scan3A_16, %mul3A_17 : i32
      %add3A = arith.addi %mul3A_9, %mul3A_18 : i32
      "tpu.region"() ({
        %run_scoped3A = tpu.sem_alloc : memref<!tpu.dma_semaphore, #tpu.memory_space<semaphore_mem>>
        %dma_start3A_788 = arith.constant 0 : i32
        %dma_start3A_789 = tpu.memref_slice %arg4[%add3A, %dma_start3A_788] : memref<2560x128xi32, #tpu.memory_space<hbm>> -> memref<16x128xi32, #tpu.memory_space<hbm>>
        %dma_start3A_790 = arith.constant 0 : i32
        %dma_start3A_791 = tpu.memref_slice %arg4[%add3A, %dma_start3A_790] : memref<2560x128xi32, #tpu.memory_space<hbm>> -> memref<16x128xi32, #tpu.memory_space<hbm>>
        tpu.enqueue_dma source(%dma_start3A_791 : memref<16x128xi32, #tpu.memory_space<hbm>>) target(%arg9 : memref<16x128xi32, #tpu.memory_space<vmem>>) target_semaphore(%run_scoped3A : memref<!tpu.dma_semaphore, #tpu.memory_space<semaphore_mem>>)
        %dma_wait3A_792 = arith.constant 0 : i32
        %dma_wait3A_793 = tpu.memref_slice %arg4[%add3A, %dma_wait3A_792] : memref<2560x128xi32, #tpu.memory_space<hbm>> -> memref<16x128xi32, #tpu.memory_space<hbm>>
        %dma_wait3A_794 = arith.constant 0 : i32
        %dma_wait3A_795 = tpu.memref_slice %arg4[%add3A, %dma_wait3A_794] : memref<2560x128xi32, #tpu.memory_space<hbm>> -> memref<16x128xi32, #tpu.memory_space<hbm>>
        tpu.wait_dma2 semaphore(%run_scoped3A : memref<!tpu.dma_semaphore, #tpu.memory_space<semaphore_mem>>) src(%dma_wait3A_795 : memref<16x128xi32, #tpu.memory_space<hbm>>) dst(%arg9 : memref<16x128xi32, #tpu.memory_space<vmem>>)
        tpu.yield
      }) : () -> ()
      %mul3A_19 = arith.constant 16 : i32
      %mul3A_20 = arith.muli %scan3A_16, %mul3A_19 : i32
      %add3A_21 = arith.addi %mul3A_9, %mul3A_20 : i32
      "tpu.region"() ({
        %run_scoped3A = tpu.sem_alloc : memref<!tpu.dma_semaphore, #tpu.memory_space<semaphore_mem>>
        %dma_start3A_788 = arith.constant 0 : i32
        %dma_start3A_789 = tpu.memref_slice %arg5[%add3A_21, %dma_start3A_788] : memref<2560x128xi32, #tpu.memory_space<hbm>> -> memref<16x128xi32, #tpu.memory_space<hbm>>
        %dma_start3A_790 = arith.constant 0 : i32
        %dma_start3A_791 = tpu.memref_slice %arg5[%add3A_21, %dma_start3A_790] : memref<2560x128xi32, #tpu.memory_space<hbm>> -> memref<16x128xi32, #tpu.memory_space<hbm>>
        tpu.enqueue_dma source(%dma_start3A_791 : memref<16x128xi32, #tpu.memory_space<hbm>>) target(%arg10 : memref<16x128xi32, #tpu.memory_space<vmem>>) target_semaphore(%run_scoped3A : memref<!tpu.dma_semaphore, #tpu.memory_space<semaphore_mem>>)
        %dma_wait3A_792 = arith.constant 0 : i32
        %dma_wait3A_793 = tpu.memref_slice %arg5[%add3A_21, %dma_wait3A_792] : memref<2560x128xi32, #tpu.memory_space<hbm>> -> memref<16x128xi32, #tpu.memory_space<hbm>>
        %dma_wait3A_794 = arith.constant 0 : i32
        %dma_wait3A_795 = tpu.memref_slice %arg5[%add3A_21, %dma_wait3A_794] : memref<2560x128xi32, #tpu.memory_space<hbm>> -> memref<16x128xi32, #tpu.memory_space<hbm>>
        tpu.wait_dma2 semaphore(%run_scoped3A : memref<!tpu.dma_semaphore, #tpu.memory_space<semaphore_mem>>) src(%dma_wait3A_795 : memref<16x128xi32, #tpu.memory_space<hbm>>) dst(%arg10 : memref<16x128xi32, #tpu.memory_space<vmem>>)
        tpu.yield
      }) : () -> ()
      %dma_start3A = arith.constant 0 : i32
      %dma_start3A_22 = arith.constant 0 : i32
      %dma_start3A_23 = arith.constant 0 : i32
      %dma_start3A_24 = arith.constant 0 : i32
      %dma_start3A_25 = tpu.memref_slice %arg11[%dma_start3A_22, %dma_start3A_23, %dma_start3A_24] : memref<4x128x64xf32, #tpu.memory_space<vmem>> -> memref<1x128x64xf32, #tpu.memory_space<vmem>>
      %dma_start3A_26 = tpu.memref_squeeze %dma_start3A_25 : memref<1x128x64xf32, #tpu.memory_space<vmem>> -> memref<128x64xf32, #tpu.memory_space<vmem>>
      %dma_start3A_27 = arith.constant 0 : i32
      %dma_start3A_28 = tpu.memref_slice %arg9[%dma_start3A, %dma_start3A_27] : memref<16x128xi32, #tpu.memory_space<vmem>> -> memref<1x128xi32, #tpu.memory_space<vmem>>
      %dma_start3A_29 = tpu.memref_squeeze %dma_start3A_28 : memref<1x128xi32, #tpu.memory_space<vmem>> -> memref<128xi32, #tpu.memory_space<vmem>>
      %dma_start3A_30 = arith.constant 0 : i32
      %dma_start3A_31 = arith.constant 0 : i32
      %dma_start3A_32 = tpu.memref_slice %arg7[%dma_start3A_30, %dma_start3A_31] : memref<10240x64xf32, #tpu.memory_space<vmem_shared>> -> memref<10240x64xf32, #tpu.memory_space<vmem_shared>>
      tpu.enqueue_indirect_dma source(%dma_start3A_32 : memref<10240x64xf32, #tpu.memory_space<vmem_shared>>) target(%dma_start3A_26 : memref<128x64xf32, #tpu.memory_space<vmem>>) offsets(%dma_start3A_29 : memref<128xi32, #tpu.memory_space<vmem>>) semaphore(%arg12 : memref<!tpu.dma_semaphore, #tpu.memory_space<semaphore_mem>>)
      %dma_start3A_33 = arith.constant 1 : i32
      %dma_start3A_34 = arith.constant 1 : i32
      %dma_start3A_35 = arith.constant 0 : i32
      %dma_start3A_36 = arith.constant 0 : i32
      %dma_start3A_37 = tpu.memref_slice %arg11[%dma_start3A_34, %dma_start3A_35, %dma_start3A_36] : memref<4x128x64xf32, #tpu.memory_space<vmem>> -> memref<1x128x64xf32, #tpu.memory_space<vmem>>
      %dma_start3A_38 = tpu.memref_squeeze %dma_start3A_37 : memref<1x128x64xf32, #tpu.memory_space<vmem>> -> memref<128x64xf32, #tpu.memory_space<vmem>>
      %dma_start3A_39 = arith.constant 0 : i32
      %dma_start3A_40 = tpu.memref_slice %arg9[%dma_start3A_33, %dma_start3A_39] : memref<16x128xi32, #tpu.memory_space<vmem>> -> memref<1x128xi32, #tpu.memory_space<vmem>>
      %dma_start3A_41 = tpu.memref_squeeze %dma_start3A_40 : memref<1x128xi32, #tpu.memory_space<vmem>> -> memref<128xi32, #tpu.memory_space<vmem>>
      %dma_start3A_42 = arith.constant 0 : i32
      %dma_start3A_43 = arith.constant 0 : i32
      %dma_start3A_44 = tpu.memref_slice %arg7[%dma_start3A_42, %dma_start3A_43] : memref<10240x64xf32, #tpu.memory_space<vmem_shared>> -> memref<10240x64xf32, #tpu.memory_space<vmem_shared>>
      tpu.enqueue_indirect_dma source(%dma_start3A_44 : memref<10240x64xf32, #tpu.memory_space<vmem_shared>>) target(%dma_start3A_38 : memref<128x64xf32, #tpu.memory_space<vmem>>) offsets(%dma_start3A_41 : memref<128xi32, #tpu.memory_space<vmem>>) semaphore(%arg12 : memref<!tpu.dma_semaphore, #tpu.memory_space<semaphore_mem>>)
      %dma_start3A_45 = arith.constant 2 : i32
      %dma_start3A_46 = arith.constant 2 : i32
      %dma_start3A_47 = arith.constant 0 : i32
      %dma_start3A_48 = arith.constant 0 : i32
      %dma_start3A_49 = tpu.memref_slice %arg11[%dma_start3A_46, %dma_start3A_47, %dma_start3A_48] : memref<4x128x64xf32, #tpu.memory_space<vmem>> -> memref<1x128x64xf32, #tpu.memory_space<vmem>>
      %dma_start3A_50 = tpu.memref_squeeze %dma_start3A_49 : memref<1x128x64xf32, #tpu.memory_space<vmem>> -> memref<128x64xf32, #tpu.memory_space<vmem>>
      %dma_start3A_51 = arith.constant 0 : i32
      %dma_start3A_52 = tpu.memref_slice %arg9[%dma_start3A_45, %dma_start3A_51] : memref<16x128xi32, #tpu.memory_space<vmem>> -> memref<1x128xi32, #tpu.memory_space<vmem>>
      %dma_start3A_53 = tpu.memref_squeeze %dma_start3A_52 : memref<1x128xi32, #tpu.memory_space<vmem>> -> memref<128xi32, #tpu.memory_space<vmem>>
      %dma_start3A_54 = arith.constant 0 : i32
      %dma_start3A_55 = arith.constant 0 : i32
      %dma_start3A_56 = tpu.memref_slice %arg7[%dma_start3A_54, %dma_start3A_55] : memref<10240x64xf32, #tpu.memory_space<vmem_shared>> -> memref<10240x64xf32, #tpu.memory_space<vmem_shared>>
      tpu.enqueue_indirect_dma source(%dma_start3A_56 : memref<10240x64xf32, #tpu.memory_space<vmem_shared>>) target(%dma_start3A_50 : memref<128x64xf32, #tpu.memory_space<vmem>>) offsets(%dma_start3A_53 : memref<128xi32, #tpu.memory_space<vmem>>) semaphore(%arg12 : memref<!tpu.dma_semaphore, #tpu.memory_space<semaphore_mem>>)
      %dma_wait3A = arith.constant 0 : i32
      %dma_wait3A_57 = arith.constant 0 : i32
      %dma_wait3A_58 = arith.constant 0 : i32
      %dma_wait3A_59 = arith.constant 0 : i32
      %dma_wait3A_60 = tpu.memref_slice %arg11[%dma_wait3A_57, %dma_wait3A_58, %dma_wait3A_59] : memref<4x128x64xf32, #tpu.memory_space<vmem>> -> memref<1x128x64xf32, #tpu.memory_space<vmem>>
      %dma_wait3A_61 = tpu.memref_squeeze %dma_wait3A_60 : memref<1x128x64xf32, #tpu.memory_space<vmem>> -> memref<128x64xf32, #tpu.memory_space<vmem>>
      %dma_wait3A_62 = arith.constant 0 : i32
      %dma_wait3A_63 = tpu.memref_slice %arg9[%dma_wait3A, %dma_wait3A_62] : memref<16x128xi32, #tpu.memory_space<vmem>> -> memref<1x128xi32, #tpu.memory_space<vmem>>
      %dma_wait3A_64 = tpu.memref_squeeze %dma_wait3A_63 : memref<1x128xi32, #tpu.memory_space<vmem>> -> memref<128xi32, #tpu.memory_space<vmem>>
      %dma_wait3A_65 = arith.constant 0 : i32
      %dma_wait3A_66 = arith.constant 0 : i32
      %dma_wait3A_67 = tpu.memref_slice %arg7[%dma_wait3A_65, %dma_wait3A_66] : memref<10240x64xf32, #tpu.memory_space<vmem_shared>> -> memref<10240x64xf32, #tpu.memory_space<vmem_shared>>
      tpu.wait_indirect_dma semaphore(%arg12 : memref<!tpu.dma_semaphore, #tpu.memory_space<semaphore_mem>>) src(%dma_wait3A_67 : memref<10240x64xf32, #tpu.memory_space<vmem_shared>>) dst(%dma_wait3A_61 : memref<128x64xf32, #tpu.memory_space<vmem>>)
      %dma_start3A_68 = arith.constant 0 : i32
      %dma_start3A_69 = arith.constant 0 : i32
      %dma_start3A_70 = arith.constant 0 : i32
      %dma_start3A_71 = arith.constant 0 : i32
      %dma_start3A_72 = tpu.memref_slice %arg11[%dma_start3A_68, %dma_start3A_70, %dma_start3A_71] : memref<4x128x64xf32, #tpu.memory_space<vmem>> -> memref<1x128x64xf32, #tpu.memory_space<vmem>>
      %dma_start3A_73 = tpu.memref_squeeze %dma_start3A_72 : memref<1x128x64xf32, #tpu.memory_space<vmem>> -> memref<128x64xf32, #tpu.memory_space<vmem>>
      %dma_start3A_74 = arith.constant 0 : i32
      %dma_start3A_75 = tpu.memref_slice %arg10[%dma_start3A_69, %dma_start3A_74] : memref<16x128xi32, #tpu.memory_space<vmem>> -> memref<1x128xi32, #tpu.memory_space<vmem>>
      %dma_start3A_76 = tpu.memref_squeeze %dma_start3A_75 : memref<1x128xi32, #tpu.memory_space<vmem>> -> memref<128xi32, #tpu.memory_space<vmem>>
      %dma_start3A_77 = arith.constant 0 : i32
      %dma_start3A_78 = arith.constant 0 : i32
      %dma_start3A_79 = tpu.memref_slice %arg8[%dma_start3A_77, %dma_start3A_78] : memref<10240x64xf32, #tpu.memory_space<vmem_shared>> -> memref<10240x64xf32, #tpu.memory_space<vmem_shared>>
      tpu.enqueue_indirect_dma source(%dma_start3A_73 : memref<128x64xf32, #tpu.memory_space<vmem>>) target(%dma_start3A_79 : memref<10240x64xf32, #tpu.memory_space<vmem_shared>>) offsets(%dma_start3A_76 : memref<128xi32, #tpu.memory_space<vmem>>) semaphore(%arg13 : memref<!tpu.dma_semaphore, #tpu.memory_space<semaphore_mem>>) {add = true}
      %dma_start3A_80 = arith.constant 3 : i32
      %dma_start3A_81 = arith.constant 3 : i32
      %dma_start3A_82 = arith.constant 0 : i32
      %dma_start3A_83 = arith.constant 0 : i32
      %dma_start3A_84 = tpu.memref_slice %arg11[%dma_start3A_81, %dma_start3A_82, %dma_start3A_83] : memref<4x128x64xf32, #tpu.memory_space<vmem>> -> memref<1x128x64xf32, #tpu.memory_space<vmem>>
      %dma_start3A_85 = tpu.memref_squeeze %dma_start3A_84 : memref<1x128x64xf32, #tpu.memory_space<vmem>> -> memref<128x64xf32, #tpu.memory_space<vmem>>
      %dma_start3A_86 = arith.constant 0 : i32
      %dma_start3A_87 = tpu.memref_slice %arg9[%dma_start3A_80, %dma_start3A_86] : memref<16x128xi32, #tpu.memory_space<vmem>> -> memref<1x128xi32, #tpu.memory_space<vmem>>
      %dma_start3A_88 = tpu.memref_squeeze %dma_start3A_87 : memref<1x128xi32, #tpu.memory_space<vmem>> -> memref<128xi32, #tpu.memory_space<vmem>>
      %dma_start3A_89 = arith.constant 0 : i32
      %dma_start3A_90 = arith.constant 0 : i32
      %dma_start3A_91 = tpu.memref_slice %arg7[%dma_start3A_89, %dma_start3A_90] : memref<10240x64xf32, #tpu.memory_space<vmem_shared>> -> memref<10240x64xf32, #tpu.memory_space<vmem_shared>>
      tpu.enqueue_indirect_dma source(%dma_start3A_91 : memref<10240x64xf32, #tpu.memory_space<vmem_shared>>) target(%dma_start3A_85 : memref<128x64xf32, #tpu.memory_space<vmem>>) offsets(%dma_start3A_88 : memref<128xi32, #tpu.memory_space<vmem>>) semaphore(%arg12 : memref<!tpu.dma_semaphore, #tpu.memory_space<semaphore_mem>>)
      %dma_wait3A_92 = arith.constant 1 : i32
      %dma_wait3A_93 = arith.constant 1 : i32
      %dma_wait3A_94 = arith.constant 0 : i32
      %dma_wait3A_95 = arith.constant 0 : i32
      %dma_wait3A_96 = tpu.memref_slice %arg11[%dma_wait3A_93, %dma_wait3A_94, %dma_wait3A_95] : memref<4x128x64xf32, #tpu.memory_space<vmem>> -> memref<1x128x64xf32, #tpu.memory_space<vmem>>
      %dma_wait3A_97 = tpu.memref_squeeze %dma_wait3A_96 : memref<1x128x64xf32, #tpu.memory_space<vmem>> -> memref<128x64xf32, #tpu.memory_space<vmem>>
      %dma_wait3A_98 = arith.constant 0 : i32
      %dma_wait3A_99 = tpu.memref_slice %arg9[%dma_wait3A_92, %dma_wait3A_98] : memref<16x128xi32, #tpu.memory_space<vmem>> -> memref<1x128xi32, #tpu.memory_space<vmem>>
      %dma_wait3A_100 = tpu.memref_squeeze %dma_wait3A_99 : memref<1x128xi32, #tpu.memory_space<vmem>> -> memref<128xi32, #tpu.memory_space<vmem>>
      %dma_wait3A_101 = arith.constant 0 : i32
      %dma_wait3A_102 = arith.constant 0 : i32
      %dma_wait3A_103 = tpu.memref_slice %arg7[%dma_wait3A_101, %dma_wait3A_102] : memref<10240x64xf32, #tpu.memory_space<vmem_shared>> -> memref<10240x64xf32, #tpu.memory_space<vmem_shared>>
      tpu.wait_indirect_dma semaphore(%arg12 : memref<!tpu.dma_semaphore, #tpu.memory_space<semaphore_mem>>) src(%dma_wait3A_103 : memref<10240x64xf32, #tpu.memory_space<vmem_shared>>) dst(%dma_wait3A_97 : memref<128x64xf32, #tpu.memory_space<vmem>>)
      %dma_start3A_104 = arith.constant 1 : i32
      %dma_start3A_105 = arith.constant 1 : i32
      %dma_start3A_106 = arith.constant 0 : i32
      %dma_start3A_107 = arith.constant 0 : i32
      %dma_start3A_108 = tpu.memref_slice %arg11[%dma_start3A_104, %dma_start3A_106, %dma_start3A_107] : memref<4x128x64xf32, #tpu.memory_space<vmem>> -> memref<1x128x64xf32, #tpu.memory_space<vmem>>
      %dma_start3A_109 = tpu.memref_squeeze %dma_start3A_108 : memref<1x128x64xf32, #tpu.memory_space<vmem>> -> memref<128x64xf32, #tpu.memory_space<vmem>>
      %dma_start3A_110 = arith.constant 0 : i32
      %dma_start3A_111 = tpu.memref_slice %arg10[%dma_start3A_105, %dma_start3A_110] : memref<16x128xi32, #tpu.memory_space<vmem>> -> memref<1x128xi32, #tpu.memory_space<vmem>>
      %dma_start3A_112 = tpu.memref_squeeze %dma_start3A_111 : memref<1x128xi32, #tpu.memory_space<vmem>> -> memref<128xi32, #tpu.memory_space<vmem>>
      %dma_start3A_113 = arith.constant 0 : i32
      %dma_start3A_114 = arith.constant 0 : i32
      %dma_start3A_115 = tpu.memref_slice %arg8[%dma_start3A_113, %dma_start3A_114] : memref<10240x64xf32, #tpu.memory_space<vmem_shared>> -> memref<10240x64xf32, #tpu.memory_space<vmem_shared>>
      tpu.enqueue_indirect_dma source(%dma_start3A_109 : memref<128x64xf32, #tpu.memory_space<vmem>>) target(%dma_start3A_115 : memref<10240x64xf32, #tpu.memory_space<vmem_shared>>) offsets(%dma_start3A_112 : memref<128xi32, #tpu.memory_space<vmem>>) semaphore(%arg13 : memref<!tpu.dma_semaphore, #tpu.memory_space<semaphore_mem>>) {add = true}
      %dma_wait3A_116 = arith.constant 0 : i32
      %dma_wait3A_117 = arith.constant 0 : i32
      %dma_wait3A_118 = arith.constant 0 : i32
      %dma_wait3A_119 = arith.constant 0 : i32
      %dma_wait3A_120 = tpu.memref_slice %arg11[%dma_wait3A_116, %dma_wait3A_118, %dma_wait3A_119] : memref<4x128x64xf32, #tpu.memory_space<vmem>> -> memref<1x128x64xf32, #tpu.memory_space<vmem>>
      %dma_wait3A_121 = tpu.memref_squeeze %dma_wait3A_120 : memref<1x128x64xf32, #tpu.memory_space<vmem>> -> memref<128x64xf32, #tpu.memory_space<vmem>>
      %dma_wait3A_122 = arith.constant 0 : i32
      %dma_wait3A_123 = tpu.memref_slice %arg10[%dma_wait3A_117, %dma_wait3A_122] : memref<16x128xi32, #tpu.memory_space<vmem>> -> memref<1x128xi32, #tpu.memory_space<vmem>>
      %dma_wait3A_124 = tpu.memref_squeeze %dma_wait3A_123 : memref<1x128xi32, #tpu.memory_space<vmem>> -> memref<128xi32, #tpu.memory_space<vmem>>
      %dma_wait3A_125 = arith.constant 0 : i32
      %dma_wait3A_126 = arith.constant 0 : i32
      %dma_wait3A_127 = tpu.memref_slice %arg8[%dma_wait3A_125, %dma_wait3A_126] : memref<10240x64xf32, #tpu.memory_space<vmem_shared>> -> memref<10240x64xf32, #tpu.memory_space<vmem_shared>>
      tpu.wait_indirect_dma semaphore(%arg13 : memref<!tpu.dma_semaphore, #tpu.memory_space<semaphore_mem>>) src(%dma_wait3A_121 : memref<128x64xf32, #tpu.memory_space<vmem>>) dst(%dma_wait3A_127 : memref<10240x64xf32, #tpu.memory_space<vmem_shared>>)
      %dma_start3A_128 = arith.constant 4 : i32
      %dma_start3A_129 = arith.constant 0 : i32
      %dma_start3A_130 = arith.constant 0 : i32
      %dma_start3A_131 = arith.constant 0 : i32
      %dma_start3A_132 = tpu.memref_slice %arg11[%dma_start3A_129, %dma_start3A_130, %dma_start3A_131] : memref<4x128x64xf32, #tpu.memory_space<vmem>> -> memref<1x128x64xf32, #tpu.memory_space<vmem>>
      %dma_start3A_133 = tpu.memref_squeeze %dma_start3A_132 : memref<1x128x64xf32, #tpu.memory_space<vmem>> -> memref<128x64xf32, #tpu.memory_space<vmem>>
      %dma_start3A_134 = arith.constant 0 : i32
      %dma_start3A_135 = tpu.memref_slice %arg9[%dma_start3A_128, %dma_start3A_134] : memref<16x128xi32, #tpu.memory_space<vmem>> -> memref<1x128xi32, #tpu.memory_space<vmem>>
      %dma_start3A_136 = tpu.memref_squeeze %dma_start3A_135 : memref<1x128xi32, #tpu.memory_space<vmem>> -> memref<128xi32, #tpu.memory_space<vmem>>
      %dma_start3A_137 = arith.constant 0 : i32
      %dma_start3A_138 = arith.constant 0 : i32
      %dma_start3A_139 = tpu.memref_slice %arg7[%dma_start3A_137, %dma_start3A_138] : memref<10240x64xf32, #tpu.memory_space<vmem_shared>> -> memref<10240x64xf32, #tpu.memory_space<vmem_shared>>
      tpu.enqueue_indirect_dma source(%dma_start3A_139 : memref<10240x64xf32, #tpu.memory_space<vmem_shared>>) target(%dma_start3A_133 : memref<128x64xf32, #tpu.memory_space<vmem>>) offsets(%dma_start3A_136 : memref<128xi32, #tpu.memory_space<vmem>>) semaphore(%arg12 : memref<!tpu.dma_semaphore, #tpu.memory_space<semaphore_mem>>)
      %dma_wait3A_140 = arith.constant 2 : i32
      %dma_wait3A_141 = arith.constant 2 : i32
      %dma_wait3A_142 = arith.constant 0 : i32
      %dma_wait3A_143 = arith.constant 0 : i32
      %dma_wait3A_144 = tpu.memref_slice %arg11[%dma_wait3A_141, %dma_wait3A_142, %dma_wait3A_143] : memref<4x128x64xf32, #tpu.memory_space<vmem>> -> memref<1x128x64xf32, #tpu.memory_space<vmem>>
      %dma_wait3A_145 = tpu.memref_squeeze %dma_wait3A_144 : memref<1x128x64xf32, #tpu.memory_space<vmem>> -> memref<128x64xf32, #tpu.memory_space<vmem>>
      %dma_wait3A_146 = arith.constant 0 : i32
      %dma_wait3A_147 = tpu.memref_slice %arg9[%dma_wait3A_140, %dma_wait3A_146] : memref<16x128xi32, #tpu.memory_space<vmem>> -> memref<1x128xi32, #tpu.memory_space<vmem>>
      %dma_wait3A_148 = tpu.memref_squeeze %dma_wait3A_147 : memref<1x128xi32, #tpu.memory_space<vmem>> -> memref<128xi32, #tpu.memory_space<vmem>>
      %dma_wait3A_149 = arith.constant 0 : i32
      %dma_wait3A_150 = arith.constant 0 : i32
      %dma_wait3A_151 = tpu.memref_slice %arg7[%dma_wait3A_149, %dma_wait3A_150] : memref<10240x64xf32, #tpu.memory_space<vmem_shared>> -> memref<10240x64xf32, #tpu.memory_space<vmem_shared>>
      tpu.wait_indirect_dma semaphore(%arg12 : memref<!tpu.dma_semaphore, #tpu.memory_space<semaphore_mem>>) src(%dma_wait3A_151 : memref<10240x64xf32, #tpu.memory_space<vmem_shared>>) dst(%dma_wait3A_145 : memref<128x64xf32, #tpu.memory_space<vmem>>)
      %dma_start3A_152 = arith.constant 2 : i32
      %dma_start3A_153 = arith.constant 2 : i32
      %dma_start3A_154 = arith.constant 0 : i32
      %dma_start3A_155 = arith.constant 0 : i32
      %dma_start3A_156 = tpu.memref_slice %arg11[%dma_start3A_152, %dma_start3A_154, %dma_start3A_155] : memref<4x128x64xf32, #tpu.memory_space<vmem>> -> memref<1x128x64xf32, #tpu.memory_space<vmem>>
      %dma_start3A_157 = tpu.memref_squeeze %dma_start3A_156 : memref<1x128x64xf32, #tpu.memory_space<vmem>> -> memref<128x64xf32, #tpu.memory_space<vmem>>
      %dma_start3A_158 = arith.constant 0 : i32
      %dma_start3A_159 = tpu.memref_slice %arg10[%dma_start3A_153, %dma_start3A_158] : memref<16x128xi32, #tpu.memory_space<vmem>> -> memref<1x128xi32, #tpu.memory_space<vmem>>
      %dma_start3A_160 = tpu.memref_squeeze %dma_start3A_159 : memref<1x128xi32, #tpu.memory_space<vmem>> -> memref<128xi32, #tpu.memory_space<vmem>>
      %dma_start3A_161 = arith.constant 0 : i32
      %dma_start3A_162 = arith.constant 0 : i32
      %dma_start3A_163 = tpu.memref_slice %arg8[%dma_start3A_161, %dma_start3A_162] : memref<10240x64xf32, #tpu.memory_space<vmem_shared>> -> memref<10240x64xf32, #tpu.memory_space<vmem_shared>>
      tpu.enqueue_indirect_dma source(%dma_start3A_157 : memref<128x64xf32, #tpu.memory_space<vmem>>) target(%dma_start3A_163 : memref<10240x64xf32, #tpu.memory_space<vmem_shared>>) offsets(%dma_start3A_160 : memref<128xi32, #tpu.memory_space<vmem>>) semaphore(%arg13 : memref<!tpu.dma_semaphore, #tpu.memory_space<semaphore_mem>>) {add = true}
      %dma_wait3A_164 = arith.constant 1 : i32
      %dma_wait3A_165 = arith.constant 1 : i32
      %dma_wait3A_166 = arith.constant 0 : i32
      %dma_wait3A_167 = arith.constant 0 : i32
      %dma_wait3A_168 = tpu.memref_slice %arg11[%dma_wait3A_164, %dma_wait3A_166, %dma_wait3A_167] : memref<4x128x64xf32, #tpu.memory_space<vmem>> -> memref<1x128x64xf32, #tpu.memory_space<vmem>>
      %dma_wait3A_169 = tpu.memref_squeeze %dma_wait3A_168 : memref<1x128x64xf32, #tpu.memory_space<vmem>> -> memref<128x64xf32, #tpu.memory_space<vmem>>
      %dma_wait3A_170 = arith.constant 0 : i32
      %dma_wait3A_171 = tpu.memref_slice %arg10[%dma_wait3A_165, %dma_wait3A_170] : memref<16x128xi32, #tpu.memory_space<vmem>> -> memref<1x128xi32, #tpu.memory_space<vmem>>
      %dma_wait3A_172 = tpu.memref_squeeze %dma_wait3A_171 : memref<1x128xi32, #tpu.memory_space<vmem>> -> memref<128xi32, #tpu.memory_space<vmem>>
      %dma_wait3A_173 = arith.constant 0 : i32
      %dma_wait3A_174 = arith.constant 0 : i32
      %dma_wait3A_175 = tpu.memref_slice %arg8[%dma_wait3A_173, %dma_wait3A_174] : memref<10240x64xf32, #tpu.memory_space<vmem_shared>> -> memref<10240x64xf32, #tpu.memory_space<vmem_shared>>
      tpu.wait_indirect_dma semaphore(%arg13 : memref<!tpu.dma_semaphore, #tpu.memory_space<semaphore_mem>>) src(%dma_wait3A_169 : memref<128x64xf32, #tpu.memory_space<vmem>>) dst(%dma_wait3A_175 : memref<10240x64xf32, #tpu.memory_space<vmem_shared>>)
      %dma_start3A_176 = arith.constant 5 : i32
      %dma_start3A_177 = arith.constant 1 : i32
      %dma_start3A_178 = arith.constant 0 : i32
      %dma_start3A_179 = arith.constant 0 : i32
      %dma_start3A_180 = tpu.memref_slice %arg11[%dma_start3A_177, %dma_start3A_178, %dma_start3A_179] : memref<4x128x64xf32, #tpu.memory_space<vmem>> -> memref<1x128x64xf32, #tpu.memory_space<vmem>>
      %dma_start3A_181 = tpu.memref_squeeze %dma_start3A_180 : memref<1x128x64xf32, #tpu.memory_space<vmem>> -> memref<128x64xf32, #tpu.memory_space<vmem>>
      %dma_start3A_182 = arith.constant 0 : i32
      %dma_start3A_183 = tpu.memref_slice %arg9[%dma_start3A_176, %dma_start3A_182] : memref<16x128xi32, #tpu.memory_space<vmem>> -> memref<1x128xi32, #tpu.memory_space<vmem>>
      %dma_start3A_184 = tpu.memref_squeeze %dma_start3A_183 : memref<1x128xi32, #tpu.memory_space<vmem>> -> memref<128xi32, #tpu.memory_space<vmem>>
      %dma_start3A_185 = arith.constant 0 : i32
      %dma_start3A_186 = arith.constant 0 : i32
      %dma_start3A_187 = tpu.memref_slice %arg7[%dma_start3A_185, %dma_start3A_186] : memref<10240x64xf32, #tpu.memory_space<vmem_shared>> -> memref<10240x64xf32, #tpu.memory_space<vmem_shared>>
      tpu.enqueue_indirect_dma source(%dma_start3A_187 : memref<10240x64xf32, #tpu.memory_space<vmem_shared>>) target(%dma_start3A_181 : memref<128x64xf32, #tpu.memory_space<vmem>>) offsets(%dma_start3A_184 : memref<128xi32, #tpu.memory_space<vmem>>) semaphore(%arg12 : memref<!tpu.dma_semaphore, #tpu.memory_space<semaphore_mem>>)
      %dma_wait3A_188 = arith.constant 3 : i32
      %dma_wait3A_189 = arith.constant 3 : i32
      %dma_wait3A_190 = arith.constant 0 : i32
      %dma_wait3A_191 = arith.constant 0 : i32
      %dma_wait3A_192 = tpu.memref_slice %arg11[%dma_wait3A_189, %dma_wait3A_190, %dma_wait3A_191] : memref<4x128x64xf32, #tpu.memory_space<vmem>> -> memref<1x128x64xf32, #tpu.memory_space<vmem>>
      %dma_wait3A_193 = tpu.memref_squeeze %dma_wait3A_192 : memref<1x128x64xf32, #tpu.memory_space<vmem>> -> memref<128x64xf32, #tpu.memory_space<vmem>>
      %dma_wait3A_194 = arith.constant 0 : i32
      %dma_wait3A_195 = tpu.memref_slice %arg9[%dma_wait3A_188, %dma_wait3A_194] : memref<16x128xi32, #tpu.memory_space<vmem>> -> memref<1x128xi32, #tpu.memory_space<vmem>>
      %dma_wait3A_196 = tpu.memref_squeeze %dma_wait3A_195 : memref<1x128xi32, #tpu.memory_space<vmem>> -> memref<128xi32, #tpu.memory_space<vmem>>
      %dma_wait3A_197 = arith.constant 0 : i32
      %dma_wait3A_198 = arith.constant 0 : i32
      %dma_wait3A_199 = tpu.memref_slice %arg7[%dma_wait3A_197, %dma_wait3A_198] : memref<10240x64xf32, #tpu.memory_space<vmem_shared>> -> memref<10240x64xf32, #tpu.memory_space<vmem_shared>>
      tpu.wait_indirect_dma semaphore(%arg12 : memref<!tpu.dma_semaphore, #tpu.memory_space<semaphore_mem>>) src(%dma_wait3A_199 : memref<10240x64xf32, #tpu.memory_space<vmem_shared>>) dst(%dma_wait3A_193 : memref<128x64xf32, #tpu.memory_space<vmem>>)
      %dma_start3A_200 = arith.constant 3 : i32
      %dma_start3A_201 = arith.constant 3 : i32
      %dma_start3A_202 = arith.constant 0 : i32
      %dma_start3A_203 = arith.constant 0 : i32
      %dma_start3A_204 = tpu.memref_slice %arg11[%dma_start3A_200, %dma_start3A_202, %dma_start3A_203] : memref<4x128x64xf32, #tpu.memory_space<vmem>> -> memref<1x128x64xf32, #tpu.memory_space<vmem>>
      %dma_start3A_205 = tpu.memref_squeeze %dma_start3A_204 : memref<1x128x64xf32, #tpu.memory_space<vmem>> -> memref<128x64xf32, #tpu.memory_space<vmem>>
      %dma_start3A_206 = arith.constant 0 : i32
      %dma_start3A_207 = tpu.memref_slice %arg10[%dma_start3A_201, %dma_start3A_206] : memref<16x128xi32, #tpu.memory_space<vmem>> -> memref<1x128xi32, #tpu.memory_space<vmem>>
      %dma_start3A_208 = tpu.memref_squeeze %dma_start3A_207 : memref<1x128xi32, #tpu.memory_space<vmem>> -> memref<128xi32, #tpu.memory_space<vmem>>
      %dma_start3A_209 = arith.constant 0 : i32
      %dma_start3A_210 = arith.constant 0 : i32
      %dma_start3A_211 = tpu.memref_slice %arg8[%dma_start3A_209, %dma_start3A_210] : memref<10240x64xf32, #tpu.memory_space<vmem_shared>> -> memref<10240x64xf32, #tpu.memory_space<vmem_shared>>
      tpu.enqueue_indirect_dma source(%dma_start3A_205 : memref<128x64xf32, #tpu.memory_space<vmem>>) target(%dma_start3A_211 : memref<10240x64xf32, #tpu.memory_space<vmem_shared>>) offsets(%dma_start3A_208 : memref<128xi32, #tpu.memory_space<vmem>>) semaphore(%arg13 : memref<!tpu.dma_semaphore, #tpu.memory_space<semaphore_mem>>) {add = true}
      %dma_wait3A_212 = arith.constant 2 : i32
      %dma_wait3A_213 = arith.constant 2 : i32
      %dma_wait3A_214 = arith.constant 0 : i32
      %dma_wait3A_215 = arith.constant 0 : i32
      %dma_wait3A_216 = tpu.memref_slice %arg11[%dma_wait3A_212, %dma_wait3A_214, %dma_wait3A_215] : memref<4x128x64xf32, #tpu.memory_space<vmem>> -> memref<1x128x64xf32, #tpu.memory_space<vmem>>
      %dma_wait3A_217 = tpu.memref_squeeze %dma_wait3A_216 : memref<1x128x64xf32, #tpu.memory_space<vmem>> -> memref<128x64xf32, #tpu.memory_space<vmem>>
      %dma_wait3A_218 = arith.constant 0 : i32
      %dma_wait3A_219 = tpu.memref_slice %arg10[%dma_wait3A_213, %dma_wait3A_218] : memref<16x128xi32, #tpu.memory_space<vmem>> -> memref<1x128xi32, #tpu.memory_space<vmem>>
      %dma_wait3A_220 = tpu.memref_squeeze %dma_wait3A_219 : memref<1x128xi32, #tpu.memory_space<vmem>> -> memref<128xi32, #tpu.memory_space<vmem>>
      %dma_wait3A_221 = arith.constant 0 : i32
      %dma_wait3A_222 = arith.constant 0 : i32
      %dma_wait3A_223 = tpu.memref_slice %arg8[%dma_wait3A_221, %dma_wait3A_222] : memref<10240x64xf32, #tpu.memory_space<vmem_shared>> -> memref<10240x64xf32, #tpu.memory_space<vmem_shared>>
      tpu.wait_indirect_dma semaphore(%arg13 : memref<!tpu.dma_semaphore, #tpu.memory_space<semaphore_mem>>) src(%dma_wait3A_217 : memref<128x64xf32, #tpu.memory_space<vmem>>) dst(%dma_wait3A_223 : memref<10240x64xf32, #tpu.memory_space<vmem_shared>>)
      %dma_start3A_224 = arith.constant 6 : i32
      %dma_start3A_225 = arith.constant 2 : i32
      %dma_start3A_226 = arith.constant 0 : i32
      %dma_start3A_227 = arith.constant 0 : i32
      %dma_start3A_228 = tpu.memref_slice %arg11[%dma_start3A_225, %dma_start3A_226, %dma_start3A_227] : memref<4x128x64xf32, #tpu.memory_space<vmem>> -> memref<1x128x64xf32, #tpu.memory_space<vmem>>
      %dma_start3A_229 = tpu.memref_squeeze %dma_start3A_228 : memref<1x128x64xf32, #tpu.memory_space<vmem>> -> memref<128x64xf32, #tpu.memory_space<vmem>>
      %dma_start3A_230 = arith.constant 0 : i32
      %dma_start3A_231 = tpu.memref_slice %arg9[%dma_start3A_224, %dma_start3A_230] : memref<16x128xi32, #tpu.memory_space<vmem>> -> memref<1x128xi32, #tpu.memory_space<vmem>>
      %dma_start3A_232 = tpu.memref_squeeze %dma_start3A_231 : memref<1x128xi32, #tpu.memory_space<vmem>> -> memref<128xi32, #tpu.memory_space<vmem>>
      %dma_start3A_233 = arith.constant 0 : i32
      %dma_start3A_234 = arith.constant 0 : i32
      %dma_start3A_235 = tpu.memref_slice %arg7[%dma_start3A_233, %dma_start3A_234] : memref<10240x64xf32, #tpu.memory_space<vmem_shared>> -> memref<10240x64xf32, #tpu.memory_space<vmem_shared>>
      tpu.enqueue_indirect_dma source(%dma_start3A_235 : memref<10240x64xf32, #tpu.memory_space<vmem_shared>>) target(%dma_start3A_229 : memref<128x64xf32, #tpu.memory_space<vmem>>) offsets(%dma_start3A_232 : memref<128xi32, #tpu.memory_space<vmem>>) semaphore(%arg12 : memref<!tpu.dma_semaphore, #tpu.memory_space<semaphore_mem>>)
      %dma_wait3A_236 = arith.constant 4 : i32
      %dma_wait3A_237 = arith.constant 0 : i32
      %dma_wait3A_238 = arith.constant 0 : i32
      %dma_wait3A_239 = arith.constant 0 : i32
      %dma_wait3A_240 = tpu.memref_slice %arg11[%dma_wait3A_237, %dma_wait3A_238, %dma_wait3A_239] : memref<4x128x64xf32, #tpu.memory_space<vmem>> -> memref<1x128x64xf32, #tpu.memory_space<vmem>>
      %dma_wait3A_241 = tpu.memref_squeeze %dma_wait3A_240 : memref<1x128x64xf32, #tpu.memory_space<vmem>> -> memref<128x64xf32, #tpu.memory_space<vmem>>
      %dma_wait3A_242 = arith.constant 0 : i32
      %dma_wait3A_243 = tpu.memref_slice %arg9[%dma_wait3A_236, %dma_wait3A_242] : memref<16x128xi32, #tpu.memory_space<vmem>> -> memref<1x128xi32, #tpu.memory_space<vmem>>
      %dma_wait3A_244 = tpu.memref_squeeze %dma_wait3A_243 : memref<1x128xi32, #tpu.memory_space<vmem>> -> memref<128xi32, #tpu.memory_space<vmem>>
      %dma_wait3A_245 = arith.constant 0 : i32
      %dma_wait3A_246 = arith.constant 0 : i32
      %dma_wait3A_247 = tpu.memref_slice %arg7[%dma_wait3A_245, %dma_wait3A_246] : memref<10240x64xf32, #tpu.memory_space<vmem_shared>> -> memref<10240x64xf32, #tpu.memory_space<vmem_shared>>
      tpu.wait_indirect_dma semaphore(%arg12 : memref<!tpu.dma_semaphore, #tpu.memory_space<semaphore_mem>>) src(%dma_wait3A_247 : memref<10240x64xf32, #tpu.memory_space<vmem_shared>>) dst(%dma_wait3A_241 : memref<128x64xf32, #tpu.memory_space<vmem>>)
      %dma_start3A_248 = arith.constant 0 : i32
      %dma_start3A_249 = arith.constant 4 : i32
      %dma_start3A_250 = arith.constant 0 : i32
      %dma_start3A_251 = arith.constant 0 : i32
      %dma_start3A_252 = tpu.memref_slice %arg11[%dma_start3A_248, %dma_start3A_250, %dma_start3A_251] : memref<4x128x64xf32, #tpu.memory_space<vmem>> -> memref<1x128x64xf32, #tpu.memory_space<vmem>>
      %dma_start3A_253 = tpu.memref_squeeze %dma_start3A_252 : memref<1x128x64xf32, #tpu.memory_space<vmem>> -> memref<128x64xf32, #tpu.memory_space<vmem>>
      %dma_start3A_254 = arith.constant 0 : i32
      %dma_start3A_255 = tpu.memref_slice %arg10[%dma_start3A_249, %dma_start3A_254] : memref<16x128xi32, #tpu.memory_space<vmem>> -> memref<1x128xi32, #tpu.memory_space<vmem>>
      %dma_start3A_256 = tpu.memref_squeeze %dma_start3A_255 : memref<1x128xi32, #tpu.memory_space<vmem>> -> memref<128xi32, #tpu.memory_space<vmem>>
      %dma_start3A_257 = arith.constant 0 : i32
      %dma_start3A_258 = arith.constant 0 : i32
      %dma_start3A_259 = tpu.memref_slice %arg8[%dma_start3A_257, %dma_start3A_258] : memref<10240x64xf32, #tpu.memory_space<vmem_shared>> -> memref<10240x64xf32, #tpu.memory_space<vmem_shared>>
      tpu.enqueue_indirect_dma source(%dma_start3A_253 : memref<128x64xf32, #tpu.memory_space<vmem>>) target(%dma_start3A_259 : memref<10240x64xf32, #tpu.memory_space<vmem_shared>>) offsets(%dma_start3A_256 : memref<128xi32, #tpu.memory_space<vmem>>) semaphore(%arg13 : memref<!tpu.dma_semaphore, #tpu.memory_space<semaphore_mem>>) {add = true}
      %dma_wait3A_260 = arith.constant 3 : i32
      %dma_wait3A_261 = arith.constant 3 : i32
      %dma_wait3A_262 = arith.constant 0 : i32
      %dma_wait3A_263 = arith.constant 0 : i32
      %dma_wait3A_264 = tpu.memref_slice %arg11[%dma_wait3A_260, %dma_wait3A_262, %dma_wait3A_263] : memref<4x128x64xf32, #tpu.memory_space<vmem>> -> memref<1x128x64xf32, #tpu.memory_space<vmem>>
      %dma_wait3A_265 = tpu.memref_squeeze %dma_wait3A_264 : memref<1x128x64xf32, #tpu.memory_space<vmem>> -> memref<128x64xf32, #tpu.memory_space<vmem>>
      %dma_wait3A_266 = arith.constant 0 : i32
      %dma_wait3A_267 = tpu.memref_slice %arg10[%dma_wait3A_261, %dma_wait3A_266] : memref<16x128xi32, #tpu.memory_space<vmem>> -> memref<1x128xi32, #tpu.memory_space<vmem>>
      %dma_wait3A_268 = tpu.memref_squeeze %dma_wait3A_267 : memref<1x128xi32, #tpu.memory_space<vmem>> -> memref<128xi32, #tpu.memory_space<vmem>>
      %dma_wait3A_269 = arith.constant 0 : i32
      %dma_wait3A_270 = arith.constant 0 : i32
      %dma_wait3A_271 = tpu.memref_slice %arg8[%dma_wait3A_269, %dma_wait3A_270] : memref<10240x64xf32, #tpu.memory_space<vmem_shared>> -> memref<10240x64xf32, #tpu.memory_space<vmem_shared>>
      tpu.wait_indirect_dma semaphore(%arg13 : memref<!tpu.dma_semaphore, #tpu.memory_space<semaphore_mem>>) src(%dma_wait3A_265 : memref<128x64xf32, #tpu.memory_space<vmem>>) dst(%dma_wait3A_271 : memref<10240x64xf32, #tpu.memory_space<vmem_shared>>)
      %dma_start3A_272 = arith.constant 7 : i32
      %dma_start3A_273 = arith.constant 3 : i32
      %dma_start3A_274 = arith.constant 0 : i32
      %dma_start3A_275 = arith.constant 0 : i32
      %dma_start3A_276 = tpu.memref_slice %arg11[%dma_start3A_273, %dma_start3A_274, %dma_start3A_275] : memref<4x128x64xf32, #tpu.memory_space<vmem>> -> memref<1x128x64xf32, #tpu.memory_space<vmem>>
      %dma_start3A_277 = tpu.memref_squeeze %dma_start3A_276 : memref<1x128x64xf32, #tpu.memory_space<vmem>> -> memref<128x64xf32, #tpu.memory_space<vmem>>
      %dma_start3A_278 = arith.constant 0 : i32
      %dma_start3A_279 = tpu.memref_slice %arg9[%dma_start3A_272, %dma_start3A_278] : memref<16x128xi32, #tpu.memory_space<vmem>> -> memref<1x128xi32, #tpu.memory_space<vmem>>
      %dma_start3A_280 = tpu.memref_squeeze %dma_start3A_279 : memref<1x128xi32, #tpu.memory_space<vmem>> -> memref<128xi32, #tpu.memory_space<vmem>>
      %dma_start3A_281 = arith.constant 0 : i32
      %dma_start3A_282 = arith.constant 0 : i32
      %dma_start3A_283 = tpu.memref_slice %arg7[%dma_start3A_281, %dma_start3A_282] : memref<10240x64xf32, #tpu.memory_space<vmem_shared>> -> memref<10240x64xf32, #tpu.memory_space<vmem_shared>>
      tpu.enqueue_indirect_dma source(%dma_start3A_283 : memref<10240x64xf32, #tpu.memory_space<vmem_shared>>) target(%dma_start3A_277 : memref<128x64xf32, #tpu.memory_space<vmem>>) offsets(%dma_start3A_280 : memref<128xi32, #tpu.memory_space<vmem>>) semaphore(%arg12 : memref<!tpu.dma_semaphore, #tpu.memory_space<semaphore_mem>>)
      %dma_wait3A_284 = arith.constant 5 : i32
      %dma_wait3A_285 = arith.constant 1 : i32
      %dma_wait3A_286 = arith.constant 0 : i32
      %dma_wait3A_287 = arith.constant 0 : i32
      %dma_wait3A_288 = tpu.memref_slice %arg11[%dma_wait3A_285, %dma_wait3A_286, %dma_wait3A_287] : memref<4x128x64xf32, #tpu.memory_space<vmem>> -> memref<1x128x64xf32, #tpu.memory_space<vmem>>
      %dma_wait3A_289 = tpu.memref_squeeze %dma_wait3A_288 : memref<1x128x64xf32, #tpu.memory_space<vmem>> -> memref<128x64xf32, #tpu.memory_space<vmem>>
      %dma_wait3A_290 = arith.constant 0 : i32
      %dma_wait3A_291 = tpu.memref_slice %arg9[%dma_wait3A_284, %dma_wait3A_290] : memref<16x128xi32, #tpu.memory_space<vmem>> -> memref<1x128xi32, #tpu.memory_space<vmem>>
      %dma_wait3A_292 = tpu.memref_squeeze %dma_wait3A_291 : memref<1x128xi32, #tpu.memory_space<vmem>> -> memref<128xi32, #tpu.memory_space<vmem>>
      %dma_wait3A_293 = arith.constant 0 : i32
      %dma_wait3A_294 = arith.constant 0 : i32
      %dma_wait3A_295 = tpu.memref_slice %arg7[%dma_wait3A_293, %dma_wait3A_294] : memref<10240x64xf32, #tpu.memory_space<vmem_shared>> -> memref<10240x64xf32, #tpu.memory_space<vmem_shared>>
      tpu.wait_indirect_dma semaphore(%arg12 : memref<!tpu.dma_semaphore, #tpu.memory_space<semaphore_mem>>) src(%dma_wait3A_295 : memref<10240x64xf32, #tpu.memory_space<vmem_shared>>) dst(%dma_wait3A_289 : memref<128x64xf32, #tpu.memory_space<vmem>>)
      %dma_start3A_296 = arith.constant 1 : i32
      %dma_start3A_297 = arith.constant 5 : i32
      %dma_start3A_298 = arith.constant 0 : i32
      %dma_start3A_299 = arith.constant 0 : i32
      %dma_start3A_300 = tpu.memref_slice %arg11[%dma_start3A_296, %dma_start3A_298, %dma_start3A_299] : memref<4x128x64xf32, #tpu.memory_space<vmem>> -> memref<1x128x64xf32, #tpu.memory_space<vmem>>
      %dma_start3A_301 = tpu.memref_squeeze %dma_start3A_300 : memref<1x128x64xf32, #tpu.memory_space<vmem>> -> memref<128x64xf32, #tpu.memory_space<vmem>>
      %dma_start3A_302 = arith.constant 0 : i32
      %dma_start3A_303 = tpu.memref_slice %arg10[%dma_start3A_297, %dma_start3A_302] : memref<16x128xi32, #tpu.memory_space<vmem>> -> memref<1x128xi32, #tpu.memory_space<vmem>>
      %dma_start3A_304 = tpu.memref_squeeze %dma_start3A_303 : memref<1x128xi32, #tpu.memory_space<vmem>> -> memref<128xi32, #tpu.memory_space<vmem>>
      %dma_start3A_305 = arith.constant 0 : i32
      %dma_start3A_306 = arith.constant 0 : i32
      %dma_start3A_307 = tpu.memref_slice %arg8[%dma_start3A_305, %dma_start3A_306] : memref<10240x64xf32, #tpu.memory_space<vmem_shared>> -> memref<10240x64xf32, #tpu.memory_space<vmem_shared>>
      tpu.enqueue_indirect_dma source(%dma_start3A_301 : memref<128x64xf32, #tpu.memory_space<vmem>>) target(%dma_start3A_307 : memref<10240x64xf32, #tpu.memory_space<vmem_shared>>) offsets(%dma_start3A_304 : memref<128xi32, #tpu.memory_space<vmem>>) semaphore(%arg13 : memref<!tpu.dma_semaphore, #tpu.memory_space<semaphore_mem>>) {add = true}
      %dma_wait3A_308 = arith.constant 0 : i32
      %dma_wait3A_309 = arith.constant 4 : i32
      %dma_wait3A_310 = arith.constant 0 : i32
      %dma_wait3A_311 = arith.constant 0 : i32
      %dma_wait3A_312 = tpu.memref_slice %arg11[%dma_wait3A_308, %dma_wait3A_310, %dma_wait3A_311] : memref<4x128x64xf32, #tpu.memory_space<vmem>> -> memref<1x128x64xf32, #tpu.memory_space<vmem>>
      %dma_wait3A_313 = tpu.memref_squeeze %dma_wait3A_312 : memref<1x128x64xf32, #tpu.memory_space<vmem>> -> memref<128x64xf32, #tpu.memory_space<vmem>>
      %dma_wait3A_314 = arith.constant 0 : i32
      %dma_wait3A_315 = tpu.memref_slice %arg10[%dma_wait3A_309, %dma_wait3A_314] : memref<16x128xi32, #tpu.memory_space<vmem>> -> memref<1x128xi32, #tpu.memory_space<vmem>>
      %dma_wait3A_316 = tpu.memref_squeeze %dma_wait3A_315 : memref<1x128xi32, #tpu.memory_space<vmem>> -> memref<128xi32, #tpu.memory_space<vmem>>
      %dma_wait3A_317 = arith.constant 0 : i32
      %dma_wait3A_318 = arith.constant 0 : i32
      %dma_wait3A_319 = tpu.memref_slice %arg8[%dma_wait3A_317, %dma_wait3A_318] : memref<10240x64xf32, #tpu.memory_space<vmem_shared>> -> memref<10240x64xf32, #tpu.memory_space<vmem_shared>>
      tpu.wait_indirect_dma semaphore(%arg13 : memref<!tpu.dma_semaphore, #tpu.memory_space<semaphore_mem>>) src(%dma_wait3A_313 : memref<128x64xf32, #tpu.memory_space<vmem>>) dst(%dma_wait3A_319 : memref<10240x64xf32, #tpu.memory_space<vmem_shared>>)
      %dma_start3A_320 = arith.constant 8 : i32
      %dma_start3A_321 = arith.constant 0 : i32
      %dma_start3A_322 = arith.constant 0 : i32
      %dma_start3A_323 = arith.constant 0 : i32
      %dma_start3A_324 = tpu.memref_slice %arg11[%dma_start3A_321, %dma_start3A_322, %dma_start3A_323] : memref<4x128x64xf32, #tpu.memory_space<vmem>> -> memref<1x128x64xf32, #tpu.memory_space<vmem>>
      %dma_start3A_325 = tpu.memref_squeeze %dma_start3A_324 : memref<1x128x64xf32, #tpu.memory_space<vmem>> -> memref<128x64xf32, #tpu.memory_space<vmem>>
      %dma_start3A_326 = arith.constant 0 : i32
      %dma_start3A_327 = tpu.memref_slice %arg9[%dma_start3A_320, %dma_start3A_326] : memref<16x128xi32, #tpu.memory_space<vmem>> -> memref<1x128xi32, #tpu.memory_space<vmem>>
      %dma_start3A_328 = tpu.memref_squeeze %dma_start3A_327 : memref<1x128xi32, #tpu.memory_space<vmem>> -> memref<128xi32, #tpu.memory_space<vmem>>
      %dma_start3A_329 = arith.constant 0 : i32
      %dma_start3A_330 = arith.constant 0 : i32
      %dma_start3A_331 = tpu.memref_slice %arg7[%dma_start3A_329, %dma_start3A_330] : memref<10240x64xf32, #tpu.memory_space<vmem_shared>> -> memref<10240x64xf32, #tpu.memory_space<vmem_shared>>
      tpu.enqueue_indirect_dma source(%dma_start3A_331 : memref<10240x64xf32, #tpu.memory_space<vmem_shared>>) target(%dma_start3A_325 : memref<128x64xf32, #tpu.memory_space<vmem>>) offsets(%dma_start3A_328 : memref<128xi32, #tpu.memory_space<vmem>>) semaphore(%arg12 : memref<!tpu.dma_semaphore, #tpu.memory_space<semaphore_mem>>)
      %dma_wait3A_332 = arith.constant 6 : i32
      %dma_wait3A_333 = arith.constant 2 : i32
      %dma_wait3A_334 = arith.constant 0 : i32
      %dma_wait3A_335 = arith.constant 0 : i32
      %dma_wait3A_336 = tpu.memref_slice %arg11[%dma_wait3A_333, %dma_wait3A_334, %dma_wait3A_335] : memref<4x128x64xf32, #tpu.memory_space<vmem>> -> memref<1x128x64xf32, #tpu.memory_space<vmem>>
      %dma_wait3A_337 = tpu.memref_squeeze %dma_wait3A_336 : memref<1x128x64xf32, #tpu.memory_space<vmem>> -> memref<128x64xf32, #tpu.memory_space<vmem>>
      %dma_wait3A_338 = arith.constant 0 : i32
      %dma_wait3A_339 = tpu.memref_slice %arg9[%dma_wait3A_332, %dma_wait3A_338] : memref<16x128xi32, #tpu.memory_space<vmem>> -> memref<1x128xi32, #tpu.memory_space<vmem>>
      %dma_wait3A_340 = tpu.memref_squeeze %dma_wait3A_339 : memref<1x128xi32, #tpu.memory_space<vmem>> -> memref<128xi32, #tpu.memory_space<vmem>>
      %dma_wait3A_341 = arith.constant 0 : i32
      %dma_wait3A_342 = arith.constant 0 : i32
      %dma_wait3A_343 = tpu.memref_slice %arg7[%dma_wait3A_341, %dma_wait3A_342] : memref<10240x64xf32, #tpu.memory_space<vmem_shared>> -> memref<10240x64xf32, #tpu.memory_space<vmem_shared>>
      tpu.wait_indirect_dma semaphore(%arg12 : memref<!tpu.dma_semaphore, #tpu.memory_space<semaphore_mem>>) src(%dma_wait3A_343 : memref<10240x64xf32, #tpu.memory_space<vmem_shared>>) dst(%dma_wait3A_337 : memref<128x64xf32, #tpu.memory_space<vmem>>)
      %dma_start3A_344 = arith.constant 2 : i32
      %dma_start3A_345 = arith.constant 6 : i32
      %dma_start3A_346 = arith.constant 0 : i32
      %dma_start3A_347 = arith.constant 0 : i32
      %dma_start3A_348 = tpu.memref_slice %arg11[%dma_start3A_344, %dma_start3A_346, %dma_start3A_347] : memref<4x128x64xf32, #tpu.memory_space<vmem>> -> memref<1x128x64xf32, #tpu.memory_space<vmem>>
      %dma_start3A_349 = tpu.memref_squeeze %dma_start3A_348 : memref<1x128x64xf32, #tpu.memory_space<vmem>> -> memref<128x64xf32, #tpu.memory_space<vmem>>
      %dma_start3A_350 = arith.constant 0 : i32
      %dma_start3A_351 = tpu.memref_slice %arg10[%dma_start3A_345, %dma_start3A_350] : memref<16x128xi32, #tpu.memory_space<vmem>> -> memref<1x128xi32, #tpu.memory_space<vmem>>
      %dma_start3A_352 = tpu.memref_squeeze %dma_start3A_351 : memref<1x128xi32, #tpu.memory_space<vmem>> -> memref<128xi32, #tpu.memory_space<vmem>>
      %dma_start3A_353 = arith.constant 0 : i32
      %dma_start3A_354 = arith.constant 0 : i32
      %dma_start3A_355 = tpu.memref_slice %arg8[%dma_start3A_353, %dma_start3A_354] : memref<10240x64xf32, #tpu.memory_space<vmem_shared>> -> memref<10240x64xf32, #tpu.memory_space<vmem_shared>>
      tpu.enqueue_indirect_dma source(%dma_start3A_349 : memref<128x64xf32, #tpu.memory_space<vmem>>) target(%dma_start3A_355 : memref<10240x64xf32, #tpu.memory_space<vmem_shared>>) offsets(%dma_start3A_352 : memref<128xi32, #tpu.memory_space<vmem>>) semaphore(%arg13 : memref<!tpu.dma_semaphore, #tpu.memory_space<semaphore_mem>>) {add = true}
      %dma_wait3A_356 = arith.constant 1 : i32
      %dma_wait3A_357 = arith.constant 5 : i32
      %dma_wait3A_358 = arith.constant 0 : i32
      %dma_wait3A_359 = arith.constant 0 : i32
      %dma_wait3A_360 = tpu.memref_slice %arg11[%dma_wait3A_356, %dma_wait3A_358, %dma_wait3A_359] : memref<4x128x64xf32, #tpu.memory_space<vmem>> -> memref<1x128x64xf32, #tpu.memory_space<vmem>>
      %dma_wait3A_361 = tpu.memref_squeeze %dma_wait3A_360 : memref<1x128x64xf32, #tpu.memory_space<vmem>> -> memref<128x64xf32, #tpu.memory_space<vmem>>
      %dma_wait3A_362 = arith.constant 0 : i32
      %dma_wait3A_363 = tpu.memref_slice %arg10[%dma_wait3A_357, %dma_wait3A_362] : memref<16x128xi32, #tpu.memory_space<vmem>> -> memref<1x128xi32, #tpu.memory_space<vmem>>
      %dma_wait3A_364 = tpu.memref_squeeze %dma_wait3A_363 : memref<1x128xi32, #tpu.memory_space<vmem>> -> memref<128xi32, #tpu.memory_space<vmem>>
      %dma_wait3A_365 = arith.constant 0 : i32
      %dma_wait3A_366 = arith.constant 0 : i32
      %dma_wait3A_367 = tpu.memref_slice %arg8[%dma_wait3A_365, %dma_wait3A_366] : memref<10240x64xf32, #tpu.memory_space<vmem_shared>> -> memref<10240x64xf32, #tpu.memory_space<vmem_shared>>
      tpu.wait_indirect_dma semaphore(%arg13 : memref<!tpu.dma_semaphore, #tpu.memory_space<semaphore_mem>>) src(%dma_wait3A_361 : memref<128x64xf32, #tpu.memory_space<vmem>>) dst(%dma_wait3A_367 : memref<10240x64xf32, #tpu.memory_space<vmem_shared>>)
      %dma_start3A_368 = arith.constant 9 : i32
      %dma_start3A_369 = arith.constant 1 : i32
      %dma_start3A_370 = arith.constant 0 : i32
      %dma_start3A_371 = arith.constant 0 : i32
      %dma_start3A_372 = tpu.memref_slice %arg11[%dma_start3A_369, %dma_start3A_370, %dma_start3A_371] : memref<4x128x64xf32, #tpu.memory_space<vmem>> -> memref<1x128x64xf32, #tpu.memory_space<vmem>>
      %dma_start3A_373 = tpu.memref_squeeze %dma_start3A_372 : memref<1x128x64xf32, #tpu.memory_space<vmem>> -> memref<128x64xf32, #tpu.memory_space<vmem>>
      %dma_start3A_374 = arith.constant 0 : i32
      %dma_start3A_375 = tpu.memref_slice %arg9[%dma_start3A_368, %dma_start3A_374] : memref<16x128xi32, #tpu.memory_space<vmem>> -> memref<1x128xi32, #tpu.memory_space<vmem>>
      %dma_start3A_376 = tpu.memref_squeeze %dma_start3A_375 : memref<1x128xi32, #tpu.memory_space<vmem>> -> memref<128xi32, #tpu.memory_space<vmem>>
      %dma_start3A_377 = arith.constant 0 : i32
      %dma_start3A_378 = arith.constant 0 : i32
      %dma_start3A_379 = tpu.memref_slice %arg7[%dma_start3A_377, %dma_start3A_378] : memref<10240x64xf32, #tpu.memory_space<vmem_shared>> -> memref<10240x64xf32, #tpu.memory_space<vmem_shared>>
      tpu.enqueue_indirect_dma source(%dma_start3A_379 : memref<10240x64xf32, #tpu.memory_space<vmem_shared>>) target(%dma_start3A_373 : memref<128x64xf32, #tpu.memory_space<vmem>>) offsets(%dma_start3A_376 : memref<128xi32, #tpu.memory_space<vmem>>) semaphore(%arg12 : memref<!tpu.dma_semaphore, #tpu.memory_space<semaphore_mem>>)
      %dma_wait3A_380 = arith.constant 7 : i32
      %dma_wait3A_381 = arith.constant 3 : i32
      %dma_wait3A_382 = arith.constant 0 : i32
      %dma_wait3A_383 = arith.constant 0 : i32
      %dma_wait3A_384 = tpu.memref_slice %arg11[%dma_wait3A_381, %dma_wait3A_382, %dma_wait3A_383] : memref<4x128x64xf32, #tpu.memory_space<vmem>> -> memref<1x128x64xf32, #tpu.memory_space<vmem>>
      %dma_wait3A_385 = tpu.memref_squeeze %dma_wait3A_384 : memref<1x128x64xf32, #tpu.memory_space<vmem>> -> memref<128x64xf32, #tpu.memory_space<vmem>>
      %dma_wait3A_386 = arith.constant 0 : i32
      %dma_wait3A_387 = tpu.memref_slice %arg9[%dma_wait3A_380, %dma_wait3A_386] : memref<16x128xi32, #tpu.memory_space<vmem>> -> memref<1x128xi32, #tpu.memory_space<vmem>>
      %dma_wait3A_388 = tpu.memref_squeeze %dma_wait3A_387 : memref<1x128xi32, #tpu.memory_space<vmem>> -> memref<128xi32, #tpu.memory_space<vmem>>
      %dma_wait3A_389 = arith.constant 0 : i32
      %dma_wait3A_390 = arith.constant 0 : i32
      %dma_wait3A_391 = tpu.memref_slice %arg7[%dma_wait3A_389, %dma_wait3A_390] : memref<10240x64xf32, #tpu.memory_space<vmem_shared>> -> memref<10240x64xf32, #tpu.memory_space<vmem_shared>>
      tpu.wait_indirect_dma semaphore(%arg12 : memref<!tpu.dma_semaphore, #tpu.memory_space<semaphore_mem>>) src(%dma_wait3A_391 : memref<10240x64xf32, #tpu.memory_space<vmem_shared>>) dst(%dma_wait3A_385 : memref<128x64xf32, #tpu.memory_space<vmem>>)
      %dma_start3A_392 = arith.constant 3 : i32
      %dma_start3A_393 = arith.constant 7 : i32
      %dma_start3A_394 = arith.constant 0 : i32
      %dma_start3A_395 = arith.constant 0 : i32
      %dma_start3A_396 = tpu.memref_slice %arg11[%dma_start3A_392, %dma_start3A_394, %dma_start3A_395] : memref<4x128x64xf32, #tpu.memory_space<vmem>> -> memref<1x128x64xf32, #tpu.memory_space<vmem>>
      %dma_start3A_397 = tpu.memref_squeeze %dma_start3A_396 : memref<1x128x64xf32, #tpu.memory_space<vmem>> -> memref<128x64xf32, #tpu.memory_space<vmem>>
      %dma_start3A_398 = arith.constant 0 : i32
      %dma_start3A_399 = tpu.memref_slice %arg10[%dma_start3A_393, %dma_start3A_398] : memref<16x128xi32, #tpu.memory_space<vmem>> -> memref<1x128xi32, #tpu.memory_space<vmem>>
      %dma_start3A_400 = tpu.memref_squeeze %dma_start3A_399 : memref<1x128xi32, #tpu.memory_space<vmem>> -> memref<128xi32, #tpu.memory_space<vmem>>
      %dma_start3A_401 = arith.constant 0 : i32
      %dma_start3A_402 = arith.constant 0 : i32
      %dma_start3A_403 = tpu.memref_slice %arg8[%dma_start3A_401, %dma_start3A_402] : memref<10240x64xf32, #tpu.memory_space<vmem_shared>> -> memref<10240x64xf32, #tpu.memory_space<vmem_shared>>
      tpu.enqueue_indirect_dma source(%dma_start3A_397 : memref<128x64xf32, #tpu.memory_space<vmem>>) target(%dma_start3A_403 : memref<10240x64xf32, #tpu.memory_space<vmem_shared>>) offsets(%dma_start3A_400 : memref<128xi32, #tpu.memory_space<vmem>>) semaphore(%arg13 : memref<!tpu.dma_semaphore, #tpu.memory_space<semaphore_mem>>) {add = true}
      %dma_wait3A_404 = arith.constant 2 : i32
      %dma_wait3A_405 = arith.constant 6 : i32
      %dma_wait3A_406 = arith.constant 0 : i32
      %dma_wait3A_407 = arith.constant 0 : i32
      %dma_wait3A_408 = tpu.memref_slice %arg11[%dma_wait3A_404, %dma_wait3A_406, %dma_wait3A_407] : memref<4x128x64xf32, #tpu.memory_space<vmem>> -> memref<1x128x64xf32, #tpu.memory_space<vmem>>
      %dma_wait3A_409 = tpu.memref_squeeze %dma_wait3A_408 : memref<1x128x64xf32, #tpu.memory_space<vmem>> -> memref<128x64xf32, #tpu.memory_space<vmem>>
      %dma_wait3A_410 = arith.constant 0 : i32
      %dma_wait3A_411 = tpu.memref_slice %arg10[%dma_wait3A_405, %dma_wait3A_410] : memref<16x128xi32, #tpu.memory_space<vmem>> -> memref<1x128xi32, #tpu.memory_space<vmem>>
      %dma_wait3A_412 = tpu.memref_squeeze %dma_wait3A_411 : memref<1x128xi32, #tpu.memory_space<vmem>> -> memref<128xi32, #tpu.memory_space<vmem>>
      %dma_wait3A_413 = arith.constant 0 : i32
      %dma_wait3A_414 = arith.constant 0 : i32
      %dma_wait3A_415 = tpu.memref_slice %arg8[%dma_wait3A_413, %dma_wait3A_414] : memref<10240x64xf32, #tpu.memory_space<vmem_shared>> -> memref<10240x64xf32, #tpu.memory_space<vmem_shared>>
      tpu.wait_indirect_dma semaphore(%arg13 : memref<!tpu.dma_semaphore, #tpu.memory_space<semaphore_mem>>) src(%dma_wait3A_409 : memref<128x64xf32, #tpu.memory_space<vmem>>) dst(%dma_wait3A_415 : memref<10240x64xf32, #tpu.memory_space<vmem_shared>>)
      %dma_start3A_416 = arith.constant 10 : i32
      %dma_start3A_417 = arith.constant 2 : i32
      %dma_start3A_418 = arith.constant 0 : i32
      %dma_start3A_419 = arith.constant 0 : i32
      %dma_start3A_420 = tpu.memref_slice %arg11[%dma_start3A_417, %dma_start3A_418, %dma_start3A_419] : memref<4x128x64xf32, #tpu.memory_space<vmem>> -> memref<1x128x64xf32, #tpu.memory_space<vmem>>
      %dma_start3A_421 = tpu.memref_squeeze %dma_start3A_420 : memref<1x128x64xf32, #tpu.memory_space<vmem>> -> memref<128x64xf32, #tpu.memory_space<vmem>>
      %dma_start3A_422 = arith.constant 0 : i32
      %dma_start3A_423 = tpu.memref_slice %arg9[%dma_start3A_416, %dma_start3A_422] : memref<16x128xi32, #tpu.memory_space<vmem>> -> memref<1x128xi32, #tpu.memory_space<vmem>>
      %dma_start3A_424 = tpu.memref_squeeze %dma_start3A_423 : memref<1x128xi32, #tpu.memory_space<vmem>> -> memref<128xi32, #tpu.memory_space<vmem>>
      %dma_start3A_425 = arith.constant 0 : i32
      %dma_start3A_426 = arith.constant 0 : i32
      %dma_start3A_427 = tpu.memref_slice %arg7[%dma_start3A_425, %dma_start3A_426] : memref<10240x64xf32, #tpu.memory_space<vmem_shared>> -> memref<10240x64xf32, #tpu.memory_space<vmem_shared>>
      tpu.enqueue_indirect_dma source(%dma_start3A_427 : memref<10240x64xf32, #tpu.memory_space<vmem_shared>>) target(%dma_start3A_421 : memref<128x64xf32, #tpu.memory_space<vmem>>) offsets(%dma_start3A_424 : memref<128xi32, #tpu.memory_space<vmem>>) semaphore(%arg12 : memref<!tpu.dma_semaphore, #tpu.memory_space<semaphore_mem>>)
      %dma_wait3A_428 = arith.constant 8 : i32
      %dma_wait3A_429 = arith.constant 0 : i32
      %dma_wait3A_430 = arith.constant 0 : i32
      %dma_wait3A_431 = arith.constant 0 : i32
      %dma_wait3A_432 = tpu.memref_slice %arg11[%dma_wait3A_429, %dma_wait3A_430, %dma_wait3A_431] : memref<4x128x64xf32, #tpu.memory_space<vmem>> -> memref<1x128x64xf32, #tpu.memory_space<vmem>>
      %dma_wait3A_433 = tpu.memref_squeeze %dma_wait3A_432 : memref<1x128x64xf32, #tpu.memory_space<vmem>> -> memref<128x64xf32, #tpu.memory_space<vmem>>
      %dma_wait3A_434 = arith.constant 0 : i32
      %dma_wait3A_435 = tpu.memref_slice %arg9[%dma_wait3A_428, %dma_wait3A_434] : memref<16x128xi32, #tpu.memory_space<vmem>> -> memref<1x128xi32, #tpu.memory_space<vmem>>
      %dma_wait3A_436 = tpu.memref_squeeze %dma_wait3A_435 : memref<1x128xi32, #tpu.memory_space<vmem>> -> memref<128xi32, #tpu.memory_space<vmem>>
      %dma_wait3A_437 = arith.constant 0 : i32
      %dma_wait3A_438 = arith.constant 0 : i32
      %dma_wait3A_439 = tpu.memref_slice %arg7[%dma_wait3A_437, %dma_wait3A_438] : memref<10240x64xf32, #tpu.memory_space<vmem_shared>> -> memref<10240x64xf32, #tpu.memory_space<vmem_shared>>
      tpu.wait_indirect_dma semaphore(%arg12 : memref<!tpu.dma_semaphore, #tpu.memory_space<semaphore_mem>>) src(%dma_wait3A_439 : memref<10240x64xf32, #tpu.memory_space<vmem_shared>>) dst(%dma_wait3A_433 : memref<128x64xf32, #tpu.memory_space<vmem>>)
      %dma_start3A_440 = arith.constant 0 : i32
      %dma_start3A_441 = arith.constant 8 : i32
      %dma_start3A_442 = arith.constant 0 : i32
      %dma_start3A_443 = arith.constant 0 : i32
      %dma_start3A_444 = tpu.memref_slice %arg11[%dma_start3A_440, %dma_start3A_442, %dma_start3A_443] : memref<4x128x64xf32, #tpu.memory_space<vmem>> -> memref<1x128x64xf32, #tpu.memory_space<vmem>>
      %dma_start3A_445 = tpu.memref_squeeze %dma_start3A_444 : memref<1x128x64xf32, #tpu.memory_space<vmem>> -> memref<128x64xf32, #tpu.memory_space<vmem>>
      %dma_start3A_446 = arith.constant 0 : i32
      %dma_start3A_447 = tpu.memref_slice %arg10[%dma_start3A_441, %dma_start3A_446] : memref<16x128xi32, #tpu.memory_space<vmem>> -> memref<1x128xi32, #tpu.memory_space<vmem>>
      %dma_start3A_448 = tpu.memref_squeeze %dma_start3A_447 : memref<1x128xi32, #tpu.memory_space<vmem>> -> memref<128xi32, #tpu.memory_space<vmem>>
      %dma_start3A_449 = arith.constant 0 : i32
      %dma_start3A_450 = arith.constant 0 : i32
      %dma_start3A_451 = tpu.memref_slice %arg8[%dma_start3A_449, %dma_start3A_450] : memref<10240x64xf32, #tpu.memory_space<vmem_shared>> -> memref<10240x64xf32, #tpu.memory_space<vmem_shared>>
      tpu.enqueue_indirect_dma source(%dma_start3A_445 : memref<128x64xf32, #tpu.memory_space<vmem>>) target(%dma_start3A_451 : memref<10240x64xf32, #tpu.memory_space<vmem_shared>>) offsets(%dma_start3A_448 : memref<128xi32, #tpu.memory_space<vmem>>) semaphore(%arg13 : memref<!tpu.dma_semaphore, #tpu.memory_space<semaphore_mem>>) {add = true}
      %dma_wait3A_452 = arith.constant 3 : i32
      %dma_wait3A_453 = arith.constant 7 : i32
      %dma_wait3A_454 = arith.constant 0 : i32
      %dma_wait3A_455 = arith.constant 0 : i32
      %dma_wait3A_456 = tpu.memref_slice %arg11[%dma_wait3A_452, %dma_wait3A_454, %dma_wait3A_455] : memref<4x128x64xf32, #tpu.memory_space<vmem>> -> memref<1x128x64xf32, #tpu.memory_space<vmem>>
      %dma_wait3A_457 = tpu.memref_squeeze %dma_wait3A_456 : memref<1x128x64xf32, #tpu.memory_space<vmem>> -> memref<128x64xf32, #tpu.memory_space<vmem>>
      %dma_wait3A_458 = arith.constant 0 : i32
      %dma_wait3A_459 = tpu.memref_slice %arg10[%dma_wait3A_453, %dma_wait3A_458] : memref<16x128xi32, #tpu.memory_space<vmem>> -> memref<1x128xi32, #tpu.memory_space<vmem>>
      %dma_wait3A_460 = tpu.memref_squeeze %dma_wait3A_459 : memref<1x128xi32, #tpu.memory_space<vmem>> -> memref<128xi32, #tpu.memory_space<vmem>>
      %dma_wait3A_461 = arith.constant 0 : i32
      %dma_wait3A_462 = arith.constant 0 : i32
      %dma_wait3A_463 = tpu.memref_slice %arg8[%dma_wait3A_461, %dma_wait3A_462] : memref<10240x64xf32, #tpu.memory_space<vmem_shared>> -> memref<10240x64xf32, #tpu.memory_space<vmem_shared>>
      tpu.wait_indirect_dma semaphore(%arg13 : memref<!tpu.dma_semaphore, #tpu.memory_space<semaphore_mem>>) src(%dma_wait3A_457 : memref<128x64xf32, #tpu.memory_space<vmem>>) dst(%dma_wait3A_463 : memref<10240x64xf32, #tpu.memory_space<vmem_shared>>)
      %dma_start3A_464 = arith.constant 11 : i32
      %dma_start3A_465 = arith.constant 3 : i32
      %dma_start3A_466 = arith.constant 0 : i32
      %dma_start3A_467 = arith.constant 0 : i32
      %dma_start3A_468 = tpu.memref_slice %arg11[%dma_start3A_465, %dma_start3A_466, %dma_start3A_467] : memref<4x128x64xf32, #tpu.memory_space<vmem>> -> memref<1x128x64xf32, #tpu.memory_space<vmem>>
      %dma_start3A_469 = tpu.memref_squeeze %dma_start3A_468 : memref<1x128x64xf32, #tpu.memory_space<vmem>> -> memref<128x64xf32, #tpu.memory_space<vmem>>
      %dma_start3A_470 = arith.constant 0 : i32
      %dma_start3A_471 = tpu.memref_slice %arg9[%dma_start3A_464, %dma_start3A_470] : memref<16x128xi32, #tpu.memory_space<vmem>> -> memref<1x128xi32, #tpu.memory_space<vmem>>
      %dma_start3A_472 = tpu.memref_squeeze %dma_start3A_471 : memref<1x128xi32, #tpu.memory_space<vmem>> -> memref<128xi32, #tpu.memory_space<vmem>>
      %dma_start3A_473 = arith.constant 0 : i32
      %dma_start3A_474 = arith.constant 0 : i32
      %dma_start3A_475 = tpu.memref_slice %arg7[%dma_start3A_473, %dma_start3A_474] : memref<10240x64xf32, #tpu.memory_space<vmem_shared>> -> memref<10240x64xf32, #tpu.memory_space<vmem_shared>>
      tpu.enqueue_indirect_dma source(%dma_start3A_475 : memref<10240x64xf32, #tpu.memory_space<vmem_shared>>) target(%dma_start3A_469 : memref<128x64xf32, #tpu.memory_space<vmem>>) offsets(%dma_start3A_472 : memref<128xi32, #tpu.memory_space<vmem>>) semaphore(%arg12 : memref<!tpu.dma_semaphore, #tpu.memory_space<semaphore_mem>>)
      %dma_wait3A_476 = arith.constant 9 : i32
      %dma_wait3A_477 = arith.constant 1 : i32
      %dma_wait3A_478 = arith.constant 0 : i32
      %dma_wait3A_479 = arith.constant 0 : i32
      %dma_wait3A_480 = tpu.memref_slice %arg11[%dma_wait3A_477, %dma_wait3A_478, %dma_wait3A_479] : memref<4x128x64xf32, #tpu.memory_space<vmem>> -> memref<1x128x64xf32, #tpu.memory_space<vmem>>
      %dma_wait3A_481 = tpu.memref_squeeze %dma_wait3A_480 : memref<1x128x64xf32, #tpu.memory_space<vmem>> -> memref<128x64xf32, #tpu.memory_space<vmem>>
      %dma_wait3A_482 = arith.constant 0 : i32
      %dma_wait3A_483 = tpu.memref_slice %arg9[%dma_wait3A_476, %dma_wait3A_482] : memref<16x128xi32, #tpu.memory_space<vmem>> -> memref<1x128xi32, #tpu.memory_space<vmem>>
      %dma_wait3A_484 = tpu.memref_squeeze %dma_wait3A_483 : memref<1x128xi32, #tpu.memory_space<vmem>> -> memref<128xi32, #tpu.memory_space<vmem>>
      %dma_wait3A_485 = arith.constant 0 : i32
      %dma_wait3A_486 = arith.constant 0 : i32
      %dma_wait3A_487 = tpu.memref_slice %arg7[%dma_wait3A_485, %dma_wait3A_486] : memref<10240x64xf32, #tpu.memory_space<vmem_shared>> -> memref<10240x64xf32, #tpu.memory_space<vmem_shared>>
      tpu.wait_indirect_dma semaphore(%arg12 : memref<!tpu.dma_semaphore, #tpu.memory_space<semaphore_mem>>) src(%dma_wait3A_487 : memref<10240x64xf32, #tpu.memory_space<vmem_shared>>) dst(%dma_wait3A_481 : memref<128x64xf32, #tpu.memory_space<vmem>>)
      %dma_start3A_488 = arith.constant 1 : i32
      %dma_start3A_489 = arith.constant 9 : i32
      %dma_start3A_490 = arith.constant 0 : i32
      %dma_start3A_491 = arith.constant 0 : i32
      %dma_start3A_492 = tpu.memref_slice %arg11[%dma_start3A_488, %dma_start3A_490, %dma_start3A_491] : memref<4x128x64xf32, #tpu.memory_space<vmem>> -> memref<1x128x64xf32, #tpu.memory_space<vmem>>
      %dma_start3A_493 = tpu.memref_squeeze %dma_start3A_492 : memref<1x128x64xf32, #tpu.memory_space<vmem>> -> memref<128x64xf32, #tpu.memory_space<vmem>>
      %dma_start3A_494 = arith.constant 0 : i32
      %dma_start3A_495 = tpu.memref_slice %arg10[%dma_start3A_489, %dma_start3A_494] : memref<16x128xi32, #tpu.memory_space<vmem>> -> memref<1x128xi32, #tpu.memory_space<vmem>>
      %dma_start3A_496 = tpu.memref_squeeze %dma_start3A_495 : memref<1x128xi32, #tpu.memory_space<vmem>> -> memref<128xi32, #tpu.memory_space<vmem>>
      %dma_start3A_497 = arith.constant 0 : i32
      %dma_start3A_498 = arith.constant 0 : i32
      %dma_start3A_499 = tpu.memref_slice %arg8[%dma_start3A_497, %dma_start3A_498] : memref<10240x64xf32, #tpu.memory_space<vmem_shared>> -> memref<10240x64xf32, #tpu.memory_space<vmem_shared>>
      tpu.enqueue_indirect_dma source(%dma_start3A_493 : memref<128x64xf32, #tpu.memory_space<vmem>>) target(%dma_start3A_499 : memref<10240x64xf32, #tpu.memory_space<vmem_shared>>) offsets(%dma_start3A_496 : memref<128xi32, #tpu.memory_space<vmem>>) semaphore(%arg13 : memref<!tpu.dma_semaphore, #tpu.memory_space<semaphore_mem>>) {add = true}
      %dma_wait3A_500 = arith.constant 0 : i32
      %dma_wait3A_501 = arith.constant 8 : i32
      %dma_wait3A_502 = arith.constant 0 : i32
      %dma_wait3A_503 = arith.constant 0 : i32
      %dma_wait3A_504 = tpu.memref_slice %arg11[%dma_wait3A_500, %dma_wait3A_502, %dma_wait3A_503] : memref<4x128x64xf32, #tpu.memory_space<vmem>> -> memref<1x128x64xf32, #tpu.memory_space<vmem>>
      %dma_wait3A_505 = tpu.memref_squeeze %dma_wait3A_504 : memref<1x128x64xf32, #tpu.memory_space<vmem>> -> memref<128x64xf32, #tpu.memory_space<vmem>>
      %dma_wait3A_506 = arith.constant 0 : i32
      %dma_wait3A_507 = tpu.memref_slice %arg10[%dma_wait3A_501, %dma_wait3A_506] : memref<16x128xi32, #tpu.memory_space<vmem>> -> memref<1x128xi32, #tpu.memory_space<vmem>>
      %dma_wait3A_508 = tpu.memref_squeeze %dma_wait3A_507 : memref<1x128xi32, #tpu.memory_space<vmem>> -> memref<128xi32, #tpu.memory_space<vmem>>
      %dma_wait3A_509 = arith.constant 0 : i32
      %dma_wait3A_510 = arith.constant 0 : i32
      %dma_wait3A_511 = tpu.memref_slice %arg8[%dma_wait3A_509, %dma_wait3A_510] : memref<10240x64xf32, #tpu.memory_space<vmem_shared>> -> memref<10240x64xf32, #tpu.memory_space<vmem_shared>>
      tpu.wait_indirect_dma semaphore(%arg13 : memref<!tpu.dma_semaphore, #tpu.memory_space<semaphore_mem>>) src(%dma_wait3A_505 : memref<128x64xf32, #tpu.memory_space<vmem>>) dst(%dma_wait3A_511 : memref<10240x64xf32, #tpu.memory_space<vmem_shared>>)
      %dma_start3A_512 = arith.constant 12 : i32
      %dma_start3A_513 = arith.constant 0 : i32
      %dma_start3A_514 = arith.constant 0 : i32
      %dma_start3A_515 = arith.constant 0 : i32
      %dma_start3A_516 = tpu.memref_slice %arg11[%dma_start3A_513, %dma_start3A_514, %dma_start3A_515] : memref<4x128x64xf32, #tpu.memory_space<vmem>> -> memref<1x128x64xf32, #tpu.memory_space<vmem>>
      %dma_start3A_517 = tpu.memref_squeeze %dma_start3A_516 : memref<1x128x64xf32, #tpu.memory_space<vmem>> -> memref<128x64xf32, #tpu.memory_space<vmem>>
      %dma_start3A_518 = arith.constant 0 : i32
      %dma_start3A_519 = tpu.memref_slice %arg9[%dma_start3A_512, %dma_start3A_518] : memref<16x128xi32, #tpu.memory_space<vmem>> -> memref<1x128xi32, #tpu.memory_space<vmem>>
      %dma_start3A_520 = tpu.memref_squeeze %dma_start3A_519 : memref<1x128xi32, #tpu.memory_space<vmem>> -> memref<128xi32, #tpu.memory_space<vmem>>
      %dma_start3A_521 = arith.constant 0 : i32
      %dma_start3A_522 = arith.constant 0 : i32
      %dma_start3A_523 = tpu.memref_slice %arg7[%dma_start3A_521, %dma_start3A_522] : memref<10240x64xf32, #tpu.memory_space<vmem_shared>> -> memref<10240x64xf32, #tpu.memory_space<vmem_shared>>
      tpu.enqueue_indirect_dma source(%dma_start3A_523 : memref<10240x64xf32, #tpu.memory_space<vmem_shared>>) target(%dma_start3A_517 : memref<128x64xf32, #tpu.memory_space<vmem>>) offsets(%dma_start3A_520 : memref<128xi32, #tpu.memory_space<vmem>>) semaphore(%arg12 : memref<!tpu.dma_semaphore, #tpu.memory_space<semaphore_mem>>)
      %dma_wait3A_524 = arith.constant 10 : i32
      %dma_wait3A_525 = arith.constant 2 : i32
      %dma_wait3A_526 = arith.constant 0 : i32
      %dma_wait3A_527 = arith.constant 0 : i32
      %dma_wait3A_528 = tpu.memref_slice %arg11[%dma_wait3A_525, %dma_wait3A_526, %dma_wait3A_527] : memref<4x128x64xf32, #tpu.memory_space<vmem>> -> memref<1x128x64xf32, #tpu.memory_space<vmem>>
      %dma_wait3A_529 = tpu.memref_squeeze %dma_wait3A_528 : memref<1x128x64xf32, #tpu.memory_space<vmem>> -> memref<128x64xf32, #tpu.memory_space<vmem>>
      %dma_wait3A_530 = arith.constant 0 : i32
      %dma_wait3A_531 = tpu.memref_slice %arg9[%dma_wait3A_524, %dma_wait3A_530] : memref<16x128xi32, #tpu.memory_space<vmem>> -> memref<1x128xi32, #tpu.memory_space<vmem>>
      %dma_wait3A_532 = tpu.memref_squeeze %dma_wait3A_531 : memref<1x128xi32, #tpu.memory_space<vmem>> -> memref<128xi32, #tpu.memory_space<vmem>>
      %dma_wait3A_533 = arith.constant 0 : i32
      %dma_wait3A_534 = arith.constant 0 : i32
      %dma_wait3A_535 = tpu.memref_slice %arg7[%dma_wait3A_533, %dma_wait3A_534] : memref<10240x64xf32, #tpu.memory_space<vmem_shared>> -> memref<10240x64xf32, #tpu.memory_space<vmem_shared>>
      tpu.wait_indirect_dma semaphore(%arg12 : memref<!tpu.dma_semaphore, #tpu.memory_space<semaphore_mem>>) src(%dma_wait3A_535 : memref<10240x64xf32, #tpu.memory_space<vmem_shared>>) dst(%dma_wait3A_529 : memref<128x64xf32, #tpu.memory_space<vmem>>)
      %dma_start3A_536 = arith.constant 2 : i32
      %dma_start3A_537 = arith.constant 10 : i32
      %dma_start3A_538 = arith.constant 0 : i32
      %dma_start3A_539 = arith.constant 0 : i32
      %dma_start3A_540 = tpu.memref_slice %arg11[%dma_start3A_536, %dma_start3A_538, %dma_start3A_539] : memref<4x128x64xf32, #tpu.memory_space<vmem>> -> memref<1x128x64xf32, #tpu.memory_space<vmem>>
      %dma_start3A_541 = tpu.memref_squeeze %dma_start3A_540 : memref<1x128x64xf32, #tpu.memory_space<vmem>> -> memref<128x64xf32, #tpu.memory_space<vmem>>
      %dma_start3A_542 = arith.constant 0 : i32
      %dma_start3A_543 = tpu.memref_slice %arg10[%dma_start3A_537, %dma_start3A_542] : memref<16x128xi32, #tpu.memory_space<vmem>> -> memref<1x128xi32, #tpu.memory_space<vmem>>
      %dma_start3A_544 = tpu.memref_squeeze %dma_start3A_543 : memref<1x128xi32, #tpu.memory_space<vmem>> -> memref<128xi32, #tpu.memory_space<vmem>>
      %dma_start3A_545 = arith.constant 0 : i32
      %dma_start3A_546 = arith.constant 0 : i32
      %dma_start3A_547 = tpu.memref_slice %arg8[%dma_start3A_545, %dma_start3A_546] : memref<10240x64xf32, #tpu.memory_space<vmem_shared>> -> memref<10240x64xf32, #tpu.memory_space<vmem_shared>>
      tpu.enqueue_indirect_dma source(%dma_start3A_541 : memref<128x64xf32, #tpu.memory_space<vmem>>) target(%dma_start3A_547 : memref<10240x64xf32, #tpu.memory_space<vmem_shared>>) offsets(%dma_start3A_544 : memref<128xi32, #tpu.memory_space<vmem>>) semaphore(%arg13 : memref<!tpu.dma_semaphore, #tpu.memory_space<semaphore_mem>>) {add = true}
      %dma_wait3A_548 = arith.constant 1 : i32
      %dma_wait3A_549 = arith.constant 9 : i32
      %dma_wait3A_550 = arith.constant 0 : i32
      %dma_wait3A_551 = arith.constant 0 : i32
      %dma_wait3A_552 = tpu.memref_slice %arg11[%dma_wait3A_548, %dma_wait3A_550, %dma_wait3A_551] : memref<4x128x64xf32, #tpu.memory_space<vmem>> -> memref<1x128x64xf32, #tpu.memory_space<vmem>>
      %dma_wait3A_553 = tpu.memref_squeeze %dma_wait3A_552 : memref<1x128x64xf32, #tpu.memory_space<vmem>> -> memref<128x64xf32, #tpu.memory_space<vmem>>
      %dma_wait3A_554 = arith.constant 0 : i32
      %dma_wait3A_555 = tpu.memref_slice %arg10[%dma_wait3A_549, %dma_wait3A_554] : memref<16x128xi32, #tpu.memory_space<vmem>> -> memref<1x128xi32, #tpu.memory_space<vmem>>
      %dma_wait3A_556 = tpu.memref_squeeze %dma_wait3A_555 : memref<1x128xi32, #tpu.memory_space<vmem>> -> memref<128xi32, #tpu.memory_space<vmem>>
      %dma_wait3A_557 = arith.constant 0 : i32
      %dma_wait3A_558 = arith.constant 0 : i32
      %dma_wait3A_559 = tpu.memref_slice %arg8[%dma_wait3A_557, %dma_wait3A_558] : memref<10240x64xf32, #tpu.memory_space<vmem_shared>> -> memref<10240x64xf32, #tpu.memory_space<vmem_shared>>
      tpu.wait_indirect_dma semaphore(%arg13 : memref<!tpu.dma_semaphore, #tpu.memory_space<semaphore_mem>>) src(%dma_wait3A_553 : memref<128x64xf32, #tpu.memory_space<vmem>>) dst(%dma_wait3A_559 : memref<10240x64xf32, #tpu.memory_space<vmem_shared>>)
      %dma_start3A_560 = arith.constant 13 : i32
      %dma_start3A_561 = arith.constant 1 : i32
      %dma_start3A_562 = arith.constant 0 : i32
      %dma_start3A_563 = arith.constant 0 : i32
      %dma_start3A_564 = tpu.memref_slice %arg11[%dma_start3A_561, %dma_start3A_562, %dma_start3A_563] : memref<4x128x64xf32, #tpu.memory_space<vmem>> -> memref<1x128x64xf32, #tpu.memory_space<vmem>>
      %dma_start3A_565 = tpu.memref_squeeze %dma_start3A_564 : memref<1x128x64xf32, #tpu.memory_space<vmem>> -> memref<128x64xf32, #tpu.memory_space<vmem>>
      %dma_start3A_566 = arith.constant 0 : i32
      %dma_start3A_567 = tpu.memref_slice %arg9[%dma_start3A_560, %dma_start3A_566] : memref<16x128xi32, #tpu.memory_space<vmem>> -> memref<1x128xi32, #tpu.memory_space<vmem>>
      %dma_start3A_568 = tpu.memref_squeeze %dma_start3A_567 : memref<1x128xi32, #tpu.memory_space<vmem>> -> memref<128xi32, #tpu.memory_space<vmem>>
      %dma_start3A_569 = arith.constant 0 : i32
      %dma_start3A_570 = arith.constant 0 : i32
      %dma_start3A_571 = tpu.memref_slice %arg7[%dma_start3A_569, %dma_start3A_570] : memref<10240x64xf32, #tpu.memory_space<vmem_shared>> -> memref<10240x64xf32, #tpu.memory_space<vmem_shared>>
      tpu.enqueue_indirect_dma source(%dma_start3A_571 : memref<10240x64xf32, #tpu.memory_space<vmem_shared>>) target(%dma_start3A_565 : memref<128x64xf32, #tpu.memory_space<vmem>>) offsets(%dma_start3A_568 : memref<128xi32, #tpu.memory_space<vmem>>) semaphore(%arg12 : memref<!tpu.dma_semaphore, #tpu.memory_space<semaphore_mem>>)
      %dma_wait3A_572 = arith.constant 11 : i32
      %dma_wait3A_573 = arith.constant 3 : i32
      %dma_wait3A_574 = arith.constant 0 : i32
      %dma_wait3A_575 = arith.constant 0 : i32
      %dma_wait3A_576 = tpu.memref_slice %arg11[%dma_wait3A_573, %dma_wait3A_574, %dma_wait3A_575] : memref<4x128x64xf32, #tpu.memory_space<vmem>> -> memref<1x128x64xf32, #tpu.memory_space<vmem>>
      %dma_wait3A_577 = tpu.memref_squeeze %dma_wait3A_576 : memref<1x128x64xf32, #tpu.memory_space<vmem>> -> memref<128x64xf32, #tpu.memory_space<vmem>>
      %dma_wait3A_578 = arith.constant 0 : i32
      %dma_wait3A_579 = tpu.memref_slice %arg9[%dma_wait3A_572, %dma_wait3A_578] : memref<16x128xi32, #tpu.memory_space<vmem>> -> memref<1x128xi32, #tpu.memory_space<vmem>>
      %dma_wait3A_580 = tpu.memref_squeeze %dma_wait3A_579 : memref<1x128xi32, #tpu.memory_space<vmem>> -> memref<128xi32, #tpu.memory_space<vmem>>
      %dma_wait3A_581 = arith.constant 0 : i32
      %dma_wait3A_582 = arith.constant 0 : i32
      %dma_wait3A_583 = tpu.memref_slice %arg7[%dma_wait3A_581, %dma_wait3A_582] : memref<10240x64xf32, #tpu.memory_space<vmem_shared>> -> memref<10240x64xf32, #tpu.memory_space<vmem_shared>>
      tpu.wait_indirect_dma semaphore(%arg12 : memref<!tpu.dma_semaphore, #tpu.memory_space<semaphore_mem>>) src(%dma_wait3A_583 : memref<10240x64xf32, #tpu.memory_space<vmem_shared>>) dst(%dma_wait3A_577 : memref<128x64xf32, #tpu.memory_space<vmem>>)
      %dma_start3A_584 = arith.constant 3 : i32
      %dma_start3A_585 = arith.constant 11 : i32
      %dma_start3A_586 = arith.constant 0 : i32
      %dma_start3A_587 = arith.constant 0 : i32
      %dma_start3A_588 = tpu.memref_slice %arg11[%dma_start3A_584, %dma_start3A_586, %dma_start3A_587] : memref<4x128x64xf32, #tpu.memory_space<vmem>> -> memref<1x128x64xf32, #tpu.memory_space<vmem>>
      %dma_start3A_589 = tpu.memref_squeeze %dma_start3A_588 : memref<1x128x64xf32, #tpu.memory_space<vmem>> -> memref<128x64xf32, #tpu.memory_space<vmem>>
      %dma_start3A_590 = arith.constant 0 : i32
      %dma_start3A_591 = tpu.memref_slice %arg10[%dma_start3A_585, %dma_start3A_590] : memref<16x128xi32, #tpu.memory_space<vmem>> -> memref<1x128xi32, #tpu.memory_space<vmem>>
      %dma_start3A_592 = tpu.memref_squeeze %dma_start3A_591 : memref<1x128xi32, #tpu.memory_space<vmem>> -> memref<128xi32, #tpu.memory_space<vmem>>
      %dma_start3A_593 = arith.constant 0 : i32
      %dma_start3A_594 = arith.constant 0 : i32
      %dma_start3A_595 = tpu.memref_slice %arg8[%dma_start3A_593, %dma_start3A_594] : memref<10240x64xf32, #tpu.memory_space<vmem_shared>> -> memref<10240x64xf32, #tpu.memory_space<vmem_shared>>
      tpu.enqueue_indirect_dma source(%dma_start3A_589 : memref<128x64xf32, #tpu.memory_space<vmem>>) target(%dma_start3A_595 : memref<10240x64xf32, #tpu.memory_space<vmem_shared>>) offsets(%dma_start3A_592 : memref<128xi32, #tpu.memory_space<vmem>>) semaphore(%arg13 : memref<!tpu.dma_semaphore, #tpu.memory_space<semaphore_mem>>) {add = true}
      %dma_wait3A_596 = arith.constant 2 : i32
      %dma_wait3A_597 = arith.constant 10 : i32
      %dma_wait3A_598 = arith.constant 0 : i32
      %dma_wait3A_599 = arith.constant 0 : i32
      %dma_wait3A_600 = tpu.memref_slice %arg11[%dma_wait3A_596, %dma_wait3A_598, %dma_wait3A_599] : memref<4x128x64xf32, #tpu.memory_space<vmem>> -> memref<1x128x64xf32, #tpu.memory_space<vmem>>
      %dma_wait3A_601 = tpu.memref_squeeze %dma_wait3A_600 : memref<1x128x64xf32, #tpu.memory_space<vmem>> -> memref<128x64xf32, #tpu.memory_space<vmem>>
      %dma_wait3A_602 = arith.constant 0 : i32
      %dma_wait3A_603 = tpu.memref_slice %arg10[%dma_wait3A_597, %dma_wait3A_602] : memref<16x128xi32, #tpu.memory_space<vmem>> -> memref<1x128xi32, #tpu.memory_space<vmem>>
      %dma_wait3A_604 = tpu.memref_squeeze %dma_wait3A_603 : memref<1x128xi32, #tpu.memory_space<vmem>> -> memref<128xi32, #tpu.memory_space<vmem>>
      %dma_wait3A_605 = arith.constant 0 : i32
      %dma_wait3A_606 = arith.constant 0 : i32
      %dma_wait3A_607 = tpu.memref_slice %arg8[%dma_wait3A_605, %dma_wait3A_606] : memref<10240x64xf32, #tpu.memory_space<vmem_shared>> -> memref<10240x64xf32, #tpu.memory_space<vmem_shared>>
      tpu.wait_indirect_dma semaphore(%arg13 : memref<!tpu.dma_semaphore, #tpu.memory_space<semaphore_mem>>) src(%dma_wait3A_601 : memref<128x64xf32, #tpu.memory_space<vmem>>) dst(%dma_wait3A_607 : memref<10240x64xf32, #tpu.memory_space<vmem_shared>>)
      %dma_start3A_608 = arith.constant 14 : i32
      %dma_start3A_609 = arith.constant 2 : i32
      %dma_start3A_610 = arith.constant 0 : i32
      %dma_start3A_611 = arith.constant 0 : i32
      %dma_start3A_612 = tpu.memref_slice %arg11[%dma_start3A_609, %dma_start3A_610, %dma_start3A_611] : memref<4x128x64xf32, #tpu.memory_space<vmem>> -> memref<1x128x64xf32, #tpu.memory_space<vmem>>
      %dma_start3A_613 = tpu.memref_squeeze %dma_start3A_612 : memref<1x128x64xf32, #tpu.memory_space<vmem>> -> memref<128x64xf32, #tpu.memory_space<vmem>>
      %dma_start3A_614 = arith.constant 0 : i32
      %dma_start3A_615 = tpu.memref_slice %arg9[%dma_start3A_608, %dma_start3A_614] : memref<16x128xi32, #tpu.memory_space<vmem>> -> memref<1x128xi32, #tpu.memory_space<vmem>>
      %dma_start3A_616 = tpu.memref_squeeze %dma_start3A_615 : memref<1x128xi32, #tpu.memory_space<vmem>> -> memref<128xi32, #tpu.memory_space<vmem>>
      %dma_start3A_617 = arith.constant 0 : i32
      %dma_start3A_618 = arith.constant 0 : i32
      %dma_start3A_619 = tpu.memref_slice %arg7[%dma_start3A_617, %dma_start3A_618] : memref<10240x64xf32, #tpu.memory_space<vmem_shared>> -> memref<10240x64xf32, #tpu.memory_space<vmem_shared>>
      tpu.enqueue_indirect_dma source(%dma_start3A_619 : memref<10240x64xf32, #tpu.memory_space<vmem_shared>>) target(%dma_start3A_613 : memref<128x64xf32, #tpu.memory_space<vmem>>) offsets(%dma_start3A_616 : memref<128xi32, #tpu.memory_space<vmem>>) semaphore(%arg12 : memref<!tpu.dma_semaphore, #tpu.memory_space<semaphore_mem>>)
      %dma_wait3A_620 = arith.constant 12 : i32
      %dma_wait3A_621 = arith.constant 0 : i32
      %dma_wait3A_622 = arith.constant 0 : i32
      %dma_wait3A_623 = arith.constant 0 : i32
      %dma_wait3A_624 = tpu.memref_slice %arg11[%dma_wait3A_621, %dma_wait3A_622, %dma_wait3A_623] : memref<4x128x64xf32, #tpu.memory_space<vmem>> -> memref<1x128x64xf32, #tpu.memory_space<vmem>>
      %dma_wait3A_625 = tpu.memref_squeeze %dma_wait3A_624 : memref<1x128x64xf32, #tpu.memory_space<vmem>> -> memref<128x64xf32, #tpu.memory_space<vmem>>
      %dma_wait3A_626 = arith.constant 0 : i32
      %dma_wait3A_627 = tpu.memref_slice %arg9[%dma_wait3A_620, %dma_wait3A_626] : memref<16x128xi32, #tpu.memory_space<vmem>> -> memref<1x128xi32, #tpu.memory_space<vmem>>
      %dma_wait3A_628 = tpu.memref_squeeze %dma_wait3A_627 : memref<1x128xi32, #tpu.memory_space<vmem>> -> memref<128xi32, #tpu.memory_space<vmem>>
      %dma_wait3A_629 = arith.constant 0 : i32
      %dma_wait3A_630 = arith.constant 0 : i32
      %dma_wait3A_631 = tpu.memref_slice %arg7[%dma_wait3A_629, %dma_wait3A_630] : memref<10240x64xf32, #tpu.memory_space<vmem_shared>> -> memref<10240x64xf32, #tpu.memory_space<vmem_shared>>
      tpu.wait_indirect_dma semaphore(%arg12 : memref<!tpu.dma_semaphore, #tpu.memory_space<semaphore_mem>>) src(%dma_wait3A_631 : memref<10240x64xf32, #tpu.memory_space<vmem_shared>>) dst(%dma_wait3A_625 : memref<128x64xf32, #tpu.memory_space<vmem>>)
      %dma_start3A_632 = arith.constant 0 : i32
      %dma_start3A_633 = arith.constant 12 : i32
      %dma_start3A_634 = arith.constant 0 : i32
      %dma_start3A_635 = arith.constant 0 : i32
      %dma_start3A_636 = tpu.memref_slice %arg11[%dma_start3A_632, %dma_start3A_634, %dma_start3A_635] : memref<4x128x64xf32, #tpu.memory_space<vmem>> -> memref<1x128x64xf32, #tpu.memory_space<vmem>>
      %dma_start3A_637 = tpu.memref_squeeze %dma_start3A_636 : memref<1x128x64xf32, #tpu.memory_space<vmem>> -> memref<128x64xf32, #tpu.memory_space<vmem>>
      %dma_start3A_638 = arith.constant 0 : i32
      %dma_start3A_639 = tpu.memref_slice %arg10[%dma_start3A_633, %dma_start3A_638] : memref<16x128xi32, #tpu.memory_space<vmem>> -> memref<1x128xi32, #tpu.memory_space<vmem>>
      %dma_start3A_640 = tpu.memref_squeeze %dma_start3A_639 : memref<1x128xi32, #tpu.memory_space<vmem>> -> memref<128xi32, #tpu.memory_space<vmem>>
      %dma_start3A_641 = arith.constant 0 : i32
      %dma_start3A_642 = arith.constant 0 : i32
      %dma_start3A_643 = tpu.memref_slice %arg8[%dma_start3A_641, %dma_start3A_642] : memref<10240x64xf32, #tpu.memory_space<vmem_shared>> -> memref<10240x64xf32, #tpu.memory_space<vmem_shared>>
      tpu.enqueue_indirect_dma source(%dma_start3A_637 : memref<128x64xf32, #tpu.memory_space<vmem>>) target(%dma_start3A_643 : memref<10240x64xf32, #tpu.memory_space<vmem_shared>>) offsets(%dma_start3A_640 : memref<128xi32, #tpu.memory_space<vmem>>) semaphore(%arg13 : memref<!tpu.dma_semaphore, #tpu.memory_space<semaphore_mem>>) {add = true}
      %dma_wait3A_644 = arith.constant 3 : i32
      %dma_wait3A_645 = arith.constant 11 : i32
      %dma_wait3A_646 = arith.constant 0 : i32
      %dma_wait3A_647 = arith.constant 0 : i32
      %dma_wait3A_648 = tpu.memref_slice %arg11[%dma_wait3A_644, %dma_wait3A_646, %dma_wait3A_647] : memref<4x128x64xf32, #tpu.memory_space<vmem>> -> memref<1x128x64xf32, #tpu.memory_space<vmem>>
      %dma_wait3A_649 = tpu.memref_squeeze %dma_wait3A_648 : memref<1x128x64xf32, #tpu.memory_space<vmem>> -> memref<128x64xf32, #tpu.memory_space<vmem>>
      %dma_wait3A_650 = arith.constant 0 : i32
      %dma_wait3A_651 = tpu.memref_slice %arg10[%dma_wait3A_645, %dma_wait3A_650] : memref<16x128xi32, #tpu.memory_space<vmem>> -> memref<1x128xi32, #tpu.memory_space<vmem>>
      %dma_wait3A_652 = tpu.memref_squeeze %dma_wait3A_651 : memref<1x128xi32, #tpu.memory_space<vmem>> -> memref<128xi32, #tpu.memory_space<vmem>>
      %dma_wait3A_653 = arith.constant 0 : i32
      %dma_wait3A_654 = arith.constant 0 : i32
      %dma_wait3A_655 = tpu.memref_slice %arg8[%dma_wait3A_653, %dma_wait3A_654] : memref<10240x64xf32, #tpu.memory_space<vmem_shared>> -> memref<10240x64xf32, #tpu.memory_space<vmem_shared>>
      tpu.wait_indirect_dma semaphore(%arg13 : memref<!tpu.dma_semaphore, #tpu.memory_space<semaphore_mem>>) src(%dma_wait3A_649 : memref<128x64xf32, #tpu.memory_space<vmem>>) dst(%dma_wait3A_655 : memref<10240x64xf32, #tpu.memory_space<vmem_shared>>)
      %dma_start3A_656 = arith.constant 15 : i32
      %dma_start3A_657 = arith.constant 3 : i32
      %dma_start3A_658 = arith.constant 0 : i32
      %dma_start3A_659 = arith.constant 0 : i32
      %dma_start3A_660 = tpu.memref_slice %arg11[%dma_start3A_657, %dma_start3A_658, %dma_start3A_659] : memref<4x128x64xf32, #tpu.memory_space<vmem>> -> memref<1x128x64xf32, #tpu.memory_space<vmem>>
      %dma_start3A_661 = tpu.memref_squeeze %dma_start3A_660 : memref<1x128x64xf32, #tpu.memory_space<vmem>> -> memref<128x64xf32, #tpu.memory_space<vmem>>
      %dma_start3A_662 = arith.constant 0 : i32
      %dma_start3A_663 = tpu.memref_slice %arg9[%dma_start3A_656, %dma_start3A_662] : memref<16x128xi32, #tpu.memory_space<vmem>> -> memref<1x128xi32, #tpu.memory_space<vmem>>
      %dma_start3A_664 = tpu.memref_squeeze %dma_start3A_663 : memref<1x128xi32, #tpu.memory_space<vmem>> -> memref<128xi32, #tpu.memory_space<vmem>>
      %dma_start3A_665 = arith.constant 0 : i32
      %dma_start3A_666 = arith.constant 0 : i32
      %dma_start3A_667 = tpu.memref_slice %arg7[%dma_start3A_665, %dma_start3A_666] : memref<10240x64xf32, #tpu.memory_space<vmem_shared>> -> memref<10240x64xf32, #tpu.memory_space<vmem_shared>>
      tpu.enqueue_indirect_dma source(%dma_start3A_667 : memref<10240x64xf32, #tpu.memory_space<vmem_shared>>) target(%dma_start3A_661 : memref<128x64xf32, #tpu.memory_space<vmem>>) offsets(%dma_start3A_664 : memref<128xi32, #tpu.memory_space<vmem>>) semaphore(%arg12 : memref<!tpu.dma_semaphore, #tpu.memory_space<semaphore_mem>>)
      %dma_wait3A_668 = arith.constant 13 : i32
      %dma_wait3A_669 = arith.constant 1 : i32
      %dma_wait3A_670 = arith.constant 0 : i32
      %dma_wait3A_671 = arith.constant 0 : i32
      %dma_wait3A_672 = tpu.memref_slice %arg11[%dma_wait3A_669, %dma_wait3A_670, %dma_wait3A_671] : memref<4x128x64xf32, #tpu.memory_space<vmem>> -> memref<1x128x64xf32, #tpu.memory_space<vmem>>
      %dma_wait3A_673 = tpu.memref_squeeze %dma_wait3A_672 : memref<1x128x64xf32, #tpu.memory_space<vmem>> -> memref<128x64xf32, #tpu.memory_space<vmem>>
      %dma_wait3A_674 = arith.constant 0 : i32
      %dma_wait3A_675 = tpu.memref_slice %arg9[%dma_wait3A_668, %dma_wait3A_674] : memref<16x128xi32, #tpu.memory_space<vmem>> -> memref<1x128xi32, #tpu.memory_space<vmem>>
      %dma_wait3A_676 = tpu.memref_squeeze %dma_wait3A_675 : memref<1x128xi32, #tpu.memory_space<vmem>> -> memref<128xi32, #tpu.memory_space<vmem>>
      %dma_wait3A_677 = arith.constant 0 : i32
      %dma_wait3A_678 = arith.constant 0 : i32
      %dma_wait3A_679 = tpu.memref_slice %arg7[%dma_wait3A_677, %dma_wait3A_678] : memref<10240x64xf32, #tpu.memory_space<vmem_shared>> -> memref<10240x64xf32, #tpu.memory_space<vmem_shared>>
      tpu.wait_indirect_dma semaphore(%arg12 : memref<!tpu.dma_semaphore, #tpu.memory_space<semaphore_mem>>) src(%dma_wait3A_679 : memref<10240x64xf32, #tpu.memory_space<vmem_shared>>) dst(%dma_wait3A_673 : memref<128x64xf32, #tpu.memory_space<vmem>>)
      %dma_start3A_680 = arith.constant 1 : i32
      %dma_start3A_681 = arith.constant 13 : i32
      %dma_start3A_682 = arith.constant 0 : i32
      %dma_start3A_683 = arith.constant 0 : i32
      %dma_start3A_684 = tpu.memref_slice %arg11[%dma_start3A_680, %dma_start3A_682, %dma_start3A_683] : memref<4x128x64xf32, #tpu.memory_space<vmem>> -> memref<1x128x64xf32, #tpu.memory_space<vmem>>
      %dma_start3A_685 = tpu.memref_squeeze %dma_start3A_684 : memref<1x128x64xf32, #tpu.memory_space<vmem>> -> memref<128x64xf32, #tpu.memory_space<vmem>>
      %dma_start3A_686 = arith.constant 0 : i32
      %dma_start3A_687 = tpu.memref_slice %arg10[%dma_start3A_681, %dma_start3A_686] : memref<16x128xi32, #tpu.memory_space<vmem>> -> memref<1x128xi32, #tpu.memory_space<vmem>>
      %dma_start3A_688 = tpu.memref_squeeze %dma_start3A_687 : memref<1x128xi32, #tpu.memory_space<vmem>> -> memref<128xi32, #tpu.memory_space<vmem>>
      %dma_start3A_689 = arith.constant 0 : i32
      %dma_start3A_690 = arith.constant 0 : i32
      %dma_start3A_691 = tpu.memref_slice %arg8[%dma_start3A_689, %dma_start3A_690] : memref<10240x64xf32, #tpu.memory_space<vmem_shared>> -> memref<10240x64xf32, #tpu.memory_space<vmem_shared>>
      tpu.enqueue_indirect_dma source(%dma_start3A_685 : memref<128x64xf32, #tpu.memory_space<vmem>>) target(%dma_start3A_691 : memref<10240x64xf32, #tpu.memory_space<vmem_shared>>) offsets(%dma_start3A_688 : memref<128xi32, #tpu.memory_space<vmem>>) semaphore(%arg13 : memref<!tpu.dma_semaphore, #tpu.memory_space<semaphore_mem>>) {add = true}
      %dma_wait3A_692 = arith.constant 0 : i32
      %dma_wait3A_693 = arith.constant 12 : i32
      %dma_wait3A_694 = arith.constant 0 : i32
      %dma_wait3A_695 = arith.constant 0 : i32
      %dma_wait3A_696 = tpu.memref_slice %arg11[%dma_wait3A_692, %dma_wait3A_694, %dma_wait3A_695] : memref<4x128x64xf32, #tpu.memory_space<vmem>> -> memref<1x128x64xf32, #tpu.memory_space<vmem>>
      %dma_wait3A_697 = tpu.memref_squeeze %dma_wait3A_696 : memref<1x128x64xf32, #tpu.memory_space<vmem>> -> memref<128x64xf32, #tpu.memory_space<vmem>>
      %dma_wait3A_698 = arith.constant 0 : i32
      %dma_wait3A_699 = tpu.memref_slice %arg10[%dma_wait3A_693, %dma_wait3A_698] : memref<16x128xi32, #tpu.memory_space<vmem>> -> memref<1x128xi32, #tpu.memory_space<vmem>>
      %dma_wait3A_700 = tpu.memref_squeeze %dma_wait3A_699 : memref<1x128xi32, #tpu.memory_space<vmem>> -> memref<128xi32, #tpu.memory_space<vmem>>
      %dma_wait3A_701 = arith.constant 0 : i32
      %dma_wait3A_702 = arith.constant 0 : i32
      %dma_wait3A_703 = tpu.memref_slice %arg8[%dma_wait3A_701, %dma_wait3A_702] : memref<10240x64xf32, #tpu.memory_space<vmem_shared>> -> memref<10240x64xf32, #tpu.memory_space<vmem_shared>>
      tpu.wait_indirect_dma semaphore(%arg13 : memref<!tpu.dma_semaphore, #tpu.memory_space<semaphore_mem>>) src(%dma_wait3A_697 : memref<128x64xf32, #tpu.memory_space<vmem>>) dst(%dma_wait3A_703 : memref<10240x64xf32, #tpu.memory_space<vmem_shared>>)
      %dma_wait3A_704 = arith.constant 14 : i32
      %dma_wait3A_705 = arith.constant 2 : i32
      %dma_wait3A_706 = arith.constant 0 : i32
      %dma_wait3A_707 = arith.constant 0 : i32
      %dma_wait3A_708 = tpu.memref_slice %arg11[%dma_wait3A_705, %dma_wait3A_706, %dma_wait3A_707] : memref<4x128x64xf32, #tpu.memory_space<vmem>> -> memref<1x128x64xf32, #tpu.memory_space<vmem>>
      %dma_wait3A_709 = tpu.memref_squeeze %dma_wait3A_708 : memref<1x128x64xf32, #tpu.memory_space<vmem>> -> memref<128x64xf32, #tpu.memory_space<vmem>>
      %dma_wait3A_710 = arith.constant 0 : i32
      %dma_wait3A_711 = tpu.memref_slice %arg9[%dma_wait3A_704, %dma_wait3A_710] : memref<16x128xi32, #tpu.memory_space<vmem>> -> memref<1x128xi32, #tpu.memory_space<vmem>>
      %dma_wait3A_712 = tpu.memref_squeeze %dma_wait3A_711 : memref<1x128xi32, #tpu.memory_space<vmem>> -> memref<128xi32, #tpu.memory_space<vmem>>
      %dma_wait3A_713 = arith.constant 0 : i32
      %dma_wait3A_714 = arith.constant 0 : i32
      %dma_wait3A_715 = tpu.memref_slice %arg7[%dma_wait3A_713, %dma_wait3A_714] : memref<10240x64xf32, #tpu.memory_space<vmem_shared>> -> memref<10240x64xf32, #tpu.memory_space<vmem_shared>>
      tpu.wait_indirect_dma semaphore(%arg12 : memref<!tpu.dma_semaphore, #tpu.memory_space<semaphore_mem>>) src(%dma_wait3A_715 : memref<10240x64xf32, #tpu.memory_space<vmem_shared>>) dst(%dma_wait3A_709 : memref<128x64xf32, #tpu.memory_space<vmem>>)
      %dma_start3A_716 = arith.constant 2 : i32
      %dma_start3A_717 = arith.constant 14 : i32
      %dma_start3A_718 = arith.constant 0 : i32
      %dma_start3A_719 = arith.constant 0 : i32
      %dma_start3A_720 = tpu.memref_slice %arg11[%dma_start3A_716, %dma_start3A_718, %dma_start3A_719] : memref<4x128x64xf32, #tpu.memory_space<vmem>> -> memref<1x128x64xf32, #tpu.memory_space<vmem>>
      %dma_start3A_721 = tpu.memref_squeeze %dma_start3A_720 : memref<1x128x64xf32, #tpu.memory_space<vmem>> -> memref<128x64xf32, #tpu.memory_space<vmem>>
      %dma_start3A_722 = arith.constant 0 : i32
      %dma_start3A_723 = tpu.memref_slice %arg10[%dma_start3A_717, %dma_start3A_722] : memref<16x128xi32, #tpu.memory_space<vmem>> -> memref<1x128xi32, #tpu.memory_space<vmem>>
      %dma_start3A_724 = tpu.memref_squeeze %dma_start3A_723 : memref<1x128xi32, #tpu.memory_space<vmem>> -> memref<128xi32, #tpu.memory_space<vmem>>
      %dma_start3A_725 = arith.constant 0 : i32
      %dma_start3A_726 = arith.constant 0 : i32
      %dma_start3A_727 = tpu.memref_slice %arg8[%dma_start3A_725, %dma_start3A_726] : memref<10240x64xf32, #tpu.memory_space<vmem_shared>> -> memref<10240x64xf32, #tpu.memory_space<vmem_shared>>
      tpu.enqueue_indirect_dma source(%dma_start3A_721 : memref<128x64xf32, #tpu.memory_space<vmem>>) target(%dma_start3A_727 : memref<10240x64xf32, #tpu.memory_space<vmem_shared>>) offsets(%dma_start3A_724 : memref<128xi32, #tpu.memory_space<vmem>>) semaphore(%arg13 : memref<!tpu.dma_semaphore, #tpu.memory_space<semaphore_mem>>) {add = true}
      %dma_wait3A_728 = arith.constant 1 : i32
      %dma_wait3A_729 = arith.constant 13 : i32
      %dma_wait3A_730 = arith.constant 0 : i32
      %dma_wait3A_731 = arith.constant 0 : i32
      %dma_wait3A_732 = tpu.memref_slice %arg11[%dma_wait3A_728, %dma_wait3A_730, %dma_wait3A_731] : memref<4x128x64xf32, #tpu.memory_space<vmem>> -> memref<1x128x64xf32, #tpu.memory_space<vmem>>
      %dma_wait3A_733 = tpu.memref_squeeze %dma_wait3A_732 : memref<1x128x64xf32, #tpu.memory_space<vmem>> -> memref<128x64xf32, #tpu.memory_space<vmem>>
      %dma_wait3A_734 = arith.constant 0 : i32
      %dma_wait3A_735 = tpu.memref_slice %arg10[%dma_wait3A_729, %dma_wait3A_734] : memref<16x128xi32, #tpu.memory_space<vmem>> -> memref<1x128xi32, #tpu.memory_space<vmem>>
      %dma_wait3A_736 = tpu.memref_squeeze %dma_wait3A_735 : memref<1x128xi32, #tpu.memory_space<vmem>> -> memref<128xi32, #tpu.memory_space<vmem>>
      %dma_wait3A_737 = arith.constant 0 : i32
      %dma_wait3A_738 = arith.constant 0 : i32
      %dma_wait3A_739 = tpu.memref_slice %arg8[%dma_wait3A_737, %dma_wait3A_738] : memref<10240x64xf32, #tpu.memory_space<vmem_shared>> -> memref<10240x64xf32, #tpu.memory_space<vmem_shared>>
      tpu.wait_indirect_dma semaphore(%arg13 : memref<!tpu.dma_semaphore, #tpu.memory_space<semaphore_mem>>) src(%dma_wait3A_733 : memref<128x64xf32, #tpu.memory_space<vmem>>) dst(%dma_wait3A_739 : memref<10240x64xf32, #tpu.memory_space<vmem_shared>>)
      %dma_wait3A_740 = arith.constant 15 : i32
      %dma_wait3A_741 = arith.constant 3 : i32
      %dma_wait3A_742 = arith.constant 0 : i32
      %dma_wait3A_743 = arith.constant 0 : i32
      %dma_wait3A_744 = tpu.memref_slice %arg11[%dma_wait3A_741, %dma_wait3A_742, %dma_wait3A_743] : memref<4x128x64xf32, #tpu.memory_space<vmem>> -> memref<1x128x64xf32, #tpu.memory_space<vmem>>
      %dma_wait3A_745 = tpu.memref_squeeze %dma_wait3A_744 : memref<1x128x64xf32, #tpu.memory_space<vmem>> -> memref<128x64xf32, #tpu.memory_space<vmem>>
      %dma_wait3A_746 = arith.constant 0 : i32
      %dma_wait3A_747 = tpu.memref_slice %arg9[%dma_wait3A_740, %dma_wait3A_746] : memref<16x128xi32, #tpu.memory_space<vmem>> -> memref<1x128xi32, #tpu.memory_space<vmem>>
      %dma_wait3A_748 = tpu.memref_squeeze %dma_wait3A_747 : memref<1x128xi32, #tpu.memory_space<vmem>> -> memref<128xi32, #tpu.memory_space<vmem>>
      %dma_wait3A_749 = arith.constant 0 : i32
      %dma_wait3A_750 = arith.constant 0 : i32
      %dma_wait3A_751 = tpu.memref_slice %arg7[%dma_wait3A_749, %dma_wait3A_750] : memref<10240x64xf32, #tpu.memory_space<vmem_shared>> -> memref<10240x64xf32, #tpu.memory_space<vmem_shared>>
      tpu.wait_indirect_dma semaphore(%arg12 : memref<!tpu.dma_semaphore, #tpu.memory_space<semaphore_mem>>) src(%dma_wait3A_751 : memref<10240x64xf32, #tpu.memory_space<vmem_shared>>) dst(%dma_wait3A_745 : memref<128x64xf32, #tpu.memory_space<vmem>>)
      %dma_start3A_752 = arith.constant 3 : i32
      %dma_start3A_753 = arith.constant 15 : i32
      %dma_start3A_754 = arith.constant 0 : i32
      %dma_start3A_755 = arith.constant 0 : i32
      %dma_start3A_756 = tpu.memref_slice %arg11[%dma_start3A_752, %dma_start3A_754, %dma_start3A_755] : memref<4x128x64xf32, #tpu.memory_space<vmem>> -> memref<1x128x64xf32, #tpu.memory_space<vmem>>
      %dma_start3A_757 = tpu.memref_squeeze %dma_start3A_756 : memref<1x128x64xf32, #tpu.memory_space<vmem>> -> memref<128x64xf32, #tpu.memory_space<vmem>>
      %dma_start3A_758 = arith.constant 0 : i32
      %dma_start3A_759 = tpu.memref_slice %arg10[%dma_start3A_753, %dma_start3A_758] : memref<16x128xi32, #tpu.memory_space<vmem>> -> memref<1x128xi32, #tpu.memory_space<vmem>>
      %dma_start3A_760 = tpu.memref_squeeze %dma_start3A_759 : memref<1x128xi32, #tpu.memory_space<vmem>> -> memref<128xi32, #tpu.memory_space<vmem>>
      %dma_start3A_761 = arith.constant 0 : i32
      %dma_start3A_762 = arith.constant 0 : i32
      %dma_start3A_763 = tpu.memref_slice %arg8[%dma_start3A_761, %dma_start3A_762] : memref<10240x64xf32, #tpu.memory_space<vmem_shared>> -> memref<10240x64xf32, #tpu.memory_space<vmem_shared>>
      tpu.enqueue_indirect_dma source(%dma_start3A_757 : memref<128x64xf32, #tpu.memory_space<vmem>>) target(%dma_start3A_763 : memref<10240x64xf32, #tpu.memory_space<vmem_shared>>) offsets(%dma_start3A_760 : memref<128xi32, #tpu.memory_space<vmem>>) semaphore(%arg13 : memref<!tpu.dma_semaphore, #tpu.memory_space<semaphore_mem>>) {add = true}
      %dma_wait3A_764 = arith.constant 2 : i32
      %dma_wait3A_765 = arith.constant 14 : i32
      %dma_wait3A_766 = arith.constant 0 : i32
      %dma_wait3A_767 = arith.constant 0 : i32
      %dma_wait3A_768 = tpu.memref_slice %arg11[%dma_wait3A_764, %dma_wait3A_766, %dma_wait3A_767] : memref<4x128x64xf32, #tpu.memory_space<vmem>> -> memref<1x128x64xf32, #tpu.memory_space<vmem>>
      %dma_wait3A_769 = tpu.memref_squeeze %dma_wait3A_768 : memref<1x128x64xf32, #tpu.memory_space<vmem>> -> memref<128x64xf32, #tpu.memory_space<vmem>>
      %dma_wait3A_770 = arith.constant 0 : i32
      %dma_wait3A_771 = tpu.memref_slice %arg10[%dma_wait3A_765, %dma_wait3A_770] : memref<16x128xi32, #tpu.memory_space<vmem>> -> memref<1x128xi32, #tpu.memory_space<vmem>>
      %dma_wait3A_772 = tpu.memref_squeeze %dma_wait3A_771 : memref<1x128xi32, #tpu.memory_space<vmem>> -> memref<128xi32, #tpu.memory_space<vmem>>
      %dma_wait3A_773 = arith.constant 0 : i32
      %dma_wait3A_774 = arith.constant 0 : i32
      %dma_wait3A_775 = tpu.memref_slice %arg8[%dma_wait3A_773, %dma_wait3A_774] : memref<10240x64xf32, #tpu.memory_space<vmem_shared>> -> memref<10240x64xf32, #tpu.memory_space<vmem_shared>>
      tpu.wait_indirect_dma semaphore(%arg13 : memref<!tpu.dma_semaphore, #tpu.memory_space<semaphore_mem>>) src(%dma_wait3A_769 : memref<128x64xf32, #tpu.memory_space<vmem>>) dst(%dma_wait3A_775 : memref<10240x64xf32, #tpu.memory_space<vmem_shared>>)
      %dma_wait3A_776 = arith.constant 3 : i32
      %dma_wait3A_777 = arith.constant 15 : i32
      %dma_wait3A_778 = arith.constant 0 : i32
      %dma_wait3A_779 = arith.constant 0 : i32
      %dma_wait3A_780 = tpu.memref_slice %arg11[%dma_wait3A_776, %dma_wait3A_778, %dma_wait3A_779] : memref<4x128x64xf32, #tpu.memory_space<vmem>> -> memref<1x128x64xf32, #tpu.memory_space<vmem>>
      %dma_wait3A_781 = tpu.memref_squeeze %dma_wait3A_780 : memref<1x128x64xf32, #tpu.memory_space<vmem>> -> memref<128x64xf32, #tpu.memory_space<vmem>>
      %dma_wait3A_782 = arith.constant 0 : i32
      %dma_wait3A_783 = tpu.memref_slice %arg10[%dma_wait3A_777, %dma_wait3A_782] : memref<16x128xi32, #tpu.memory_space<vmem>> -> memref<1x128xi32, #tpu.memory_space<vmem>>
      %dma_wait3A_784 = tpu.memref_squeeze %dma_wait3A_783 : memref<1x128xi32, #tpu.memory_space<vmem>> -> memref<128xi32, #tpu.memory_space<vmem>>
      %dma_wait3A_785 = arith.constant 0 : i32
      %dma_wait3A_786 = arith.constant 0 : i32
      %dma_wait3A_787 = tpu.memref_slice %arg8[%dma_wait3A_785, %dma_wait3A_786] : memref<10240x64xf32, #tpu.memory_space<vmem_shared>> -> memref<10240x64xf32, #tpu.memory_space<vmem_shared>>
      tpu.wait_indirect_dma semaphore(%arg13 : memref<!tpu.dma_semaphore, #tpu.memory_space<semaphore_mem>>) src(%dma_wait3A_781 : memref<128x64xf32, #tpu.memory_space<vmem>>) dst(%dma_wait3A_787 : memref<10240x64xf32, #tpu.memory_space<vmem_shared>>)
    }
    %scan3A_14 = arith.constant 10 : i32
    %barrier3A_15 = arith.constant 0 : index
    tpu.barrier barrier_id(%barrier3A_15)
    "tpu.region"() ({
      %run_scoped3A = tpu.sem_alloc : memref<!tpu.dma_semaphore, #tpu.memory_space<semaphore_mem>>
      %dma_start3A = arith.constant 0 : i32
      %dma_start3A_16 = tpu.memref_slice %arg6[%arg0, %mul3A_0, %dma_start3A] : memref<2x10240x64xf32, #tpu.memory_space<hbm>> -> memref<1x640x64xf32, #tpu.memory_space<hbm>>
      %dma_start3A_17 = tpu.memref_squeeze %dma_start3A_16 : memref<1x640x64xf32, #tpu.memory_space<hbm>> -> memref<640x64xf32, #tpu.memory_space<hbm>>
      %dma_start3A_18 = arith.constant 0 : i32
      %dma_start3A_19 = tpu.memref_slice %arg8[%mul3A_0, %dma_start3A_18] : memref<10240x64xf32, #tpu.memory_space<vmem_shared>> -> memref<640x64xf32, #tpu.memory_space<vmem_shared>>
      tpu.enqueue_dma source(%dma_start3A_19 : memref<640x64xf32, #tpu.memory_space<vmem_shared>>) target(%dma_start3A_17 : memref<640x64xf32, #tpu.memory_space<hbm>>) target_semaphore(%run_scoped3A : memref<!tpu.dma_semaphore, #tpu.memory_space<semaphore_mem>>)
      %dma_wait3A = arith.constant 0 : i32
      %dma_wait3A_20 = tpu.memref_slice %arg6[%arg0, %mul3A_0, %dma_wait3A] : memref<2x10240x64xf32, #tpu.memory_space<hbm>> -> memref<1x640x64xf32, #tpu.memory_space<hbm>>
      %dma_wait3A_21 = tpu.memref_squeeze %dma_wait3A_20 : memref<1x640x64xf32, #tpu.memory_space<hbm>> -> memref<640x64xf32, #tpu.memory_space<hbm>>
      %dma_wait3A_22 = arith.constant 0 : i32
      %dma_wait3A_23 = tpu.memref_slice %arg8[%mul3A_0, %dma_wait3A_22] : memref<10240x64xf32, #tpu.memory_space<vmem_shared>> -> memref<640x64xf32, #tpu.memory_space<vmem_shared>>
      tpu.wait_dma2 semaphore(%run_scoped3A : memref<!tpu.dma_semaphore, #tpu.memory_space<semaphore_mem>>) src(%dma_wait3A_23 : memref<640x64xf32, #tpu.memory_space<vmem_shared>>) dst(%dma_wait3A_21 : memref<640x64xf32, #tpu.memory_space<hbm>>)
      tpu.yield
    }) : () -> ()
    return
  }
}

module attributes {stable_mosaic.version = 14 : i64} {
  func.func @_tc1_body(%arg0: i32, %arg1: memref<1000x128xf32, #tpu.memory_space<vmem>>, %arg2: memref<1000x1xf32, #tpu.memory_space<vmem>>, %arg3: memref<1000x1xf32, #tpu.memory_space<vmem>>, %arg4: memref<128x128xf32, #tpu.memory_space<vmem>>, %arg5: memref<1x128xf32, #tpu.memory_space<vmem>>, %arg6: memref<128x128xf32, #tpu.memory_space<vmem>>, %arg7: memref<1x128xf32, #tpu.memory_space<vmem>>, %arg8: memref<128x128xf32, #tpu.memory_space<vmem>>, %arg9: memref<1000x64xf32, #tpu.memory_space<vmem>>, %arg10: memref<1000x64xf32, #tpu.memory_space<vmem>>) attributes {dimension_semantics = [#tpu.dimension_semantics<arbitrary>], iteration_bounds = array<i64: 10>, scalar_prefetch = 0 : i64, scratch_operands = 0 : i64, tpu.core_type = #tpu.core_type<tc>, window_params = [{transform_indices = @transform_0, window_bounds = array<i64: 1000, 128>}, {transform_indices = @transform_1, window_bounds = array<i64: 1000, 1>}, {transform_indices = @transform_2, window_bounds = array<i64: 1000, 1>}, {pipeline_mode = #tpu.pipeline_mode<synchronous>, transform_indices = @transform_3, window_bounds = array<i64: 128, 128>}, {pipeline_mode = #tpu.pipeline_mode<synchronous>, transform_indices = @transform_4, window_bounds = array<i64: 1, 128>}, {pipeline_mode = #tpu.pipeline_mode<synchronous>, transform_indices = @transform_5, window_bounds = array<i64: 128, 128>}, {pipeline_mode = #tpu.pipeline_mode<synchronous>, transform_indices = @transform_6, window_bounds = array<i64: 1, 128>}, {pipeline_mode = #tpu.pipeline_mode<synchronous>, transform_indices = @transform_7, window_bounds = array<i64: 128, 128>}, {transform_indices = @transform_8, window_bounds = array<i64: 1000, 64>}, {transform_indices = @transform_9, window_bounds = array<i64: 1000, 64>}]} {
    %get3A = arith.constant 0 : index
    %get3A_0 = arith.constant 0 : index
    %get3A_1 = vector.load %arg1[%get3A, %get3A_0] : memref<1000x128xf32, #tpu.memory_space<vmem>>, vector<1000x128xf32>
    %get3A_2 = arith.constant 0 : index
    %get3A_3 = arith.constant 0 : index
    %get3A_4 = vector.load %arg4[%get3A_2, %get3A_3] : memref<128x128xf32, #tpu.memory_space<vmem>>, vector<128x128xf32>
    %dot_general3A = arith.constant dense<0.000000e+00> : vector<1000x128xf32>
    %dot_general3A_5 = tpu.matmul %get3A_1, %get3A_4, %dot_general3A {dimension_numbers = #tpu.dot_dimension_numbers<[1], [0], [0], [1], [0, 0, 1, 1], [], []>, transpose_lhs_hint = false} : vector<1000x128xf32>, vector<128x128xf32>, vector<1000x128xf32> -> vector<1000x128xf32>
    %get3A_6 = arith.constant 0 : index
    %get3A_7 = arith.constant 0 : index
    %get3A_8 = vector.load %arg5[%get3A_6, %get3A_7] : memref<1x128xf32, #tpu.memory_space<vmem>>, vector<1x128xf32>
    %add3A = vector.broadcast %get3A_8 : vector<1x128xf32> to vector<1000x128xf32>
    %add3A_9 = arith.addf %dot_general3A_5, %add3A : vector<1000x128xf32>
    %max3A = arith.constant 0.000000e+00 : f32
    %max3A_10 = vector.broadcast %max3A : f32 to vector<1000x128xf32>
    %max3A_11 = arith.maximumf %add3A_9, %max3A_10 : vector<1000x128xf32>
    %get3A_12 = arith.constant 0 : index
    %get3A_13 = arith.constant 0 : index
    %get3A_14 = vector.load %arg6[%get3A_12, %get3A_13] : memref<128x128xf32, #tpu.memory_space<vmem>>, vector<128x128xf32>
    %dot_general3A_15 = arith.constant dense<0.000000e+00> : vector<1000x128xf32>
    %dot_general3A_16 = tpu.matmul %max3A_11, %get3A_14, %dot_general3A_15 {dimension_numbers = #tpu.dot_dimension_numbers<[1], [0], [0], [1], [0, 0, 1, 1], [], []>, transpose_lhs_hint = false} : vector<1000x128xf32>, vector<128x128xf32>, vector<1000x128xf32> -> vector<1000x128xf32>
    %get3A_17 = arith.constant 0 : index
    %get3A_18 = arith.constant 0 : index
    %get3A_19 = vector.load %arg7[%get3A_17, %get3A_18] : memref<1x128xf32, #tpu.memory_space<vmem>>, vector<1x128xf32>
    %add3A_20 = vector.broadcast %get3A_19 : vector<1x128xf32> to vector<1000x128xf32>
    %add3A_21 = arith.addf %dot_general3A_16, %add3A_20 : vector<1000x128xf32>
    %max3A_22 = arith.constant 0.000000e+00 : f32
    %max3A_23 = vector.broadcast %max3A_22 : f32 to vector<1000x128xf32>
    %max3A_24 = arith.maximumf %add3A_21, %max3A_23 : vector<1000x128xf32>
    %get3A_25 = arith.constant 0 : index
    %get3A_26 = arith.constant 0 : index
    %get3A_27 = vector.load %arg8[%get3A_25, %get3A_26] : memref<128x128xf32, #tpu.memory_space<vmem>>, vector<128x128xf32>
    %dot_general3A_28 = arith.constant dense<0.000000e+00> : vector<1000x128xf32>
    %dot_general3A_29 = tpu.matmul %max3A_24, %get3A_27, %dot_general3A_28 {dimension_numbers = #tpu.dot_dimension_numbers<[1], [0], [0], [1], [0, 0, 1, 1], [], []>, transpose_lhs_hint = false} : vector<1000x128xf32>, vector<128x128xf32>, vector<1000x128xf32> -> vector<1000x128xf32>
    %get3A_30 = arith.constant 0 : index
    %get3A_31 = arith.constant 0 : index
    %get3A_32 = vector.load %arg2[%get3A_30, %get3A_31] : memref<1000x1xf32, #tpu.memory_space<vmem>>, vector<1000x1xf32>
    %get3A_33 = arith.constant 0 : index
    %get3A_34 = arith.constant 0 : index
    %get3A_35 = vector.load %arg3[%get3A_33, %get3A_34] : memref<1000x1xf32, #tpu.memory_space<vmem>>, vector<1000x1xf32>
    %add3A_36 = arith.addf %get3A_32, %get3A_35 : vector<1000x1xf32>
    %add3A_37 = arith.constant 1.000000e+00 : f32
    %add3A_38 = vector.broadcast %add3A_37 : f32 to vector<1000x1xf32>
    %add3A_39 = arith.addf %add3A_36, %add3A_38 : vector<1000x1xf32>
    %sqrt3A = math.sqrt %add3A_39 : vector<1000x1xf32>
    %div3A = arith.constant 1.000000e+00 : f32
    %div3A_40 = vector.broadcast %div3A : f32 to vector<1000x1xf32>
    %div3A_41 = arith.divf %div3A_40, %sqrt3A : vector<1000x1xf32>
    %mul3A = vector.broadcast %div3A_41 : vector<1000x1xf32> to vector<1000x128xf32>
    %mul3A_42 = arith.mulf %dot_general3A_29, %mul3A : vector<1000x128xf32>
    %slice3A = vector.extract_strided_slice %mul3A_42 {offsets = [0, 0], sizes = [1000, 64], strides = [1, 1]} : vector<1000x128xf32> to vector<1000x64xf32>
    %swap3A = arith.constant 0 : index
    %swap3A_43 = arith.constant 0 : index
    %swap3A_44 = vector.load %arg9[%swap3A, %swap3A_43] : memref<1000x64xf32, #tpu.memory_space<vmem>>, vector<1000x64xf32>
    tpu.vector_store %arg9[%swap3A, %swap3A_43], %slice3A {strides = array<i32>} : memref<1000x64xf32, #tpu.memory_space<vmem>>, vector<1000x64xf32>,
    %slice3A_45 = vector.extract_strided_slice %mul3A_42 {offsets = [0, 64], sizes = [1000, 64], strides = [1, 1]} : vector<1000x128xf32> to vector<1000x64xf32>
    %swap3A_46 = arith.constant 0 : index
    %swap3A_47 = arith.constant 0 : index
    %swap3A_48 = vector.load %arg10[%swap3A_46, %swap3A_47] : memref<1000x64xf32, #tpu.memory_space<vmem>>, vector<1000x64xf32>
    tpu.vector_store %arg10[%swap3A_46, %swap3A_47], %slice3A_45 {strides = array<i32>} : memref<1000x64xf32, #tpu.memory_space<vmem>>, vector<1000x64xf32>,
    return
  }
  func.func @transform_0(%arg0: i32) -> (i32, i32) {
    %c0_i32 = arith.constant 0 : i32
    %c0_i32_0 = arith.constant 0 : i32
    return %arg0, %c0_i32 : i32, i32
  }
  func.func @transform_1(%arg0: i32) -> (i32, i32) {
    %c0_i32 = arith.constant 0 : i32
    %c0_i32_0 = arith.constant 0 : i32
    return %arg0, %c0_i32 : i32, i32
  }
  func.func @transform_2(%arg0: i32) -> (i32, i32) {
    %c0_i32 = arith.constant 0 : i32
    %c0_i32_0 = arith.constant 0 : i32
    return %arg0, %c0_i32 : i32, i32
  }
  func.func @transform_3(%arg0: i32) -> (i32, i32) {
    %c0_i32 = arith.constant 0 : i32
    %c0_i32_0 = arith.constant 0 : i32
    %c0_i32_1 = arith.constant 0 : i32
    return %c0_i32, %c0_i32_0 : i32, i32
  }
  func.func @transform_4(%arg0: i32) -> (i32, i32) {
    %c0_i32 = arith.constant 0 : i32
    %c0_i32_0 = arith.constant 0 : i32
    %c0_i32_1 = arith.constant 0 : i32
    return %c0_i32, %c0_i32_0 : i32, i32
  }
  func.func @transform_5(%arg0: i32) -> (i32, i32) {
    %c0_i32 = arith.constant 0 : i32
    %c0_i32_0 = arith.constant 0 : i32
    %c0_i32_1 = arith.constant 0 : i32
    return %c0_i32, %c0_i32_0 : i32, i32
  }
  func.func @transform_6(%arg0: i32) -> (i32, i32) {
    %c0_i32 = arith.constant 0 : i32
    %c0_i32_0 = arith.constant 0 : i32
    %c0_i32_1 = arith.constant 0 : i32
    return %c0_i32, %c0_i32_0 : i32, i32
  }
  func.func @transform_7(%arg0: i32) -> (i32, i32) {
    %c0_i32 = arith.constant 0 : i32
    %c0_i32_0 = arith.constant 0 : i32
    %c0_i32_1 = arith.constant 0 : i32
    return %c0_i32, %c0_i32_0 : i32, i32
  }
  func.func @transform_8(%arg0: i32) -> (i32, i32) {
    %c0_i32 = arith.constant 0 : i32
    %c0_i32_0 = arith.constant 0 : i32
    return %arg0, %c0_i32 : i32, i32
  }
  func.func @transform_9(%arg0: i32) -> (i32, i32) {
    %c0_i32 = arith.constant 0 : i32
    %c0_i32_0 = arith.constant 0 : i32
    return %arg0, %c0_i32 : i32, i32
  }
}

module attributes {stable_mosaic.version = 14 : i64} {
  func.func @_tc2_body(%arg0: i32, %arg1: memref<1000x64xf32, #tpu.memory_space<vmem>>, %arg2: memref<1000x64xf32, #tpu.memory_space<vmem>>, %arg3: memref<1000x1xf32, #tpu.memory_space<vmem>>, %arg4: memref<1000x1xf32, #tpu.memory_space<vmem>>, %arg5: memref<1x128xf32, #tpu.memory_space<vmem>>, %arg6: memref<1x128xf32, #tpu.memory_space<vmem>>, %arg7: memref<1x128xf32, #tpu.memory_space<vmem>>, %arg8: memref<128x128xf32, #tpu.memory_space<vmem>>, %arg9: memref<1000x64xf32, #tpu.memory_space<vmem>>, %arg10: memref<1000x64xf32, #tpu.memory_space<vmem>>) attributes {dimension_semantics = [#tpu.dimension_semantics<arbitrary>], iteration_bounds = array<i64: 10>, scalar_prefetch = 0 : i64, scratch_operands = 0 : i64, tpu.core_type = #tpu.core_type<tc>, window_params = [{transform_indices = @transform_0, window_bounds = array<i64: 1000, 64>}, {transform_indices = @transform_1, window_bounds = array<i64: 1000, 64>}, {transform_indices = @transform_2, window_bounds = array<i64: 1000, 1>}, {transform_indices = @transform_3, window_bounds = array<i64: 1000, 1>}, {pipeline_mode = #tpu.pipeline_mode<synchronous>, transform_indices = @transform_4, window_bounds = array<i64: 1, 128>}, {pipeline_mode = #tpu.pipeline_mode<synchronous>, transform_indices = @transform_5, window_bounds = array<i64: 1, 128>}, {pipeline_mode = #tpu.pipeline_mode<synchronous>, transform_indices = @transform_6, window_bounds = array<i64: 1, 128>}, {pipeline_mode = #tpu.pipeline_mode<synchronous>, transform_indices = @transform_7, window_bounds = array<i64: 128, 128>}, {transform_indices = @transform_8, window_bounds = array<i64: 1000, 64>}, {transform_indices = @transform_9, window_bounds = array<i64: 1000, 64>}]} {
    %get3A = arith.constant 0 : index
    %get3A_0 = arith.constant 0 : index
    %get3A_1 = vector.load %arg3[%get3A, %get3A_0] : memref<1000x1xf32, #tpu.memory_space<vmem>>, vector<1000x1xf32>
    %get3A_2 = arith.constant 0 : index
    %get3A_3 = arith.constant 0 : index
    %get3A_4 = vector.load %arg4[%get3A_2, %get3A_3] : memref<1000x1xf32, #tpu.memory_space<vmem>>, vector<1000x1xf32>
    %add3A = arith.addf %get3A_1, %get3A_4 : vector<1000x1xf32>
    %add3A_5 = arith.constant 1.000000e+00 : f32
    %add3A_6 = vector.broadcast %add3A_5 : f32 to vector<1000x1xf32>
    %add3A_7 = arith.addf %add3A, %add3A_6 : vector<1000x1xf32>
    %sqrt3A = math.sqrt %add3A_7 : vector<1000x1xf32>
    %div3A = arith.constant 1.000000e+00 : f32
    %div3A_8 = vector.broadcast %div3A : f32 to vector<1000x1xf32>
    %div3A_9 = arith.divf %div3A_8, %sqrt3A : vector<1000x1xf32>
    %get3A_10 = arith.constant 0 : index
    %get3A_11 = arith.constant 0 : index
    %get3A_12 = vector.load %arg1[%get3A_10, %get3A_11] : memref<1000x64xf32, #tpu.memory_space<vmem>>, vector<1000x64xf32>
    %get3A_13 = arith.constant 0 : index
    %get3A_14 = arith.constant 0 : index
    %get3A_15 = vector.load %arg2[%get3A_13, %get3A_14] : memref<1000x64xf32, #tpu.memory_space<vmem>>, vector<1000x64xf32>
    %concatenate3A = tpu.concatenate %get3A_12, %get3A_15 in 1 : vector<1000x64xf32>, vector<1000x64xf32> -> vector<1000x128xf32>
    %mul3A = vector.broadcast %div3A_9 : vector<1000x1xf32> to vector<1000x128xf32>
    %mul3A_16 = arith.mulf %concatenate3A, %mul3A : vector<1000x128xf32>
    %get3A_17 = arith.constant 0 : index
    %get3A_18 = arith.constant 0 : index
    %get3A_19 = vector.load %arg5[%get3A_17, %get3A_18] : memref<1x128xf32, #tpu.memory_space<vmem>>, vector<1x128xf32>
    %add3A_20 = vector.broadcast %get3A_19 : vector<1x128xf32> to vector<1000x128xf32>
    %add3A_21 = arith.addf %mul3A_16, %add3A_20 : vector<1000x128xf32>
    %max3A = arith.constant 0.000000e+00 : f32
    %max3A_22 = vector.broadcast %max3A : f32 to vector<1000x128xf32>
    %max3A_23 = arith.maximumf %add3A_21, %max3A_22 : vector<1000x128xf32>
    %reduce_sum3A = arith.constant dense<0.000000e+00> : vector<1000xf32>
    %reduce_sum3A_24 = vector.multi_reduction <add>, %max3A_23, %reduce_sum3A [1] : vector<1000x128xf32> to vector<1000xf32>
    %broadcast_in_dim3A = vector.shape_cast %reduce_sum3A_24 : vector<1000xf32> to vector<1000x1xf32>
    %div3A_25 = arith.constant 1.280000e+02 : f32
    %div3A_26 = vector.broadcast %div3A_25 : f32 to vector<1000x1xf32>
    %div3A_27 = arith.divf %broadcast_in_dim3A, %div3A_26 : vector<1000x1xf32>
    %sub3A = vector.broadcast %div3A_27 : vector<1000x1xf32> to vector<1000x128xf32>
    %sub3A_28 = arith.subf %max3A_23, %sub3A : vector<1000x128xf32>
    %mul3A_29 = arith.mulf %sub3A_28, %sub3A_28 : vector<1000x128xf32>
    %reduce_sum3A_30 = arith.constant dense<0.000000e+00> : vector<1000xf32>
    %reduce_sum3A_31 = vector.multi_reduction <add>, %mul3A_29, %reduce_sum3A_30 [1] : vector<1000x128xf32> to vector<1000xf32>
    %broadcast_in_dim3A_32 = vector.shape_cast %reduce_sum3A_31 : vector<1000xf32> to vector<1000x1xf32>
    %div3A_33 = arith.constant 1.280000e+02 : f32
    %div3A_34 = vector.broadcast %div3A_33 : f32 to vector<1000x1xf32>
    %div3A_35 = arith.divf %broadcast_in_dim3A_32, %div3A_34 : vector<1000x1xf32>
    %add3A_36 = arith.constant 9.99999974E-6 : f32
    %add3A_37 = vector.broadcast %add3A_36 : f32 to vector<1000x1xf32>
    %add3A_38 = arith.addf %div3A_35, %add3A_37 : vector<1000x1xf32>
    %sqrt3A_39 = math.sqrt %add3A_38 : vector<1000x1xf32>
    %div3A_40 = vector.broadcast %sqrt3A_39 : vector<1000x1xf32> to vector<1000x128xf32>
    %div3A_41 = arith.divf %sub3A_28, %div3A_40 : vector<1000x128xf32>
    %get3A_42 = arith.constant 0 : index
    %get3A_43 = arith.constant 0 : index
    %get3A_44 = vector.load %arg6[%get3A_42, %get3A_43] : memref<1x128xf32, #tpu.memory_space<vmem>>, vector<1x128xf32>
    %mul3A_45 = vector.broadcast %get3A_44 : vector<1x128xf32> to vector<1000x128xf32>
    %mul3A_46 = arith.mulf %div3A_41, %mul3A_45 : vector<1000x128xf32>
    %get3A_47 = arith.constant 0 : index
    %get3A_48 = arith.constant 0 : index
    %get3A_49 = vector.load %arg7[%get3A_47, %get3A_48] : memref<1x128xf32, #tpu.memory_space<vmem>>, vector<1x128xf32>
    %add3A_50 = vector.broadcast %get3A_49 : vector<1x128xf32> to vector<1000x128xf32>
    %add3A_51 = arith.addf %mul3A_46, %add3A_50 : vector<1000x128xf32>
    %get3A_52 = arith.constant 0 : index
    %get3A_53 = arith.constant 0 : index
    %get3A_54 = vector.load %arg8[%get3A_52, %get3A_53] : memref<128x128xf32, #tpu.memory_space<vmem>>, vector<128x128xf32>
    %dot_general3A = arith.constant dense<0.000000e+00> : vector<1000x128xf32>
    %dot_general3A_55 = tpu.matmul %add3A_51, %get3A_54, %dot_general3A {dimension_numbers = #tpu.dot_dimension_numbers<[1], [0], [0], [1], [0, 0, 1, 1], [], []>, transpose_lhs_hint = false} : vector<1000x128xf32>, vector<128x128xf32>, vector<1000x128xf32> -> vector<1000x128xf32>
    %mul3A_56 = vector.broadcast %div3A_9 : vector<1000x1xf32> to vector<1000x128xf32>
    %mul3A_57 = arith.mulf %dot_general3A_55, %mul3A_56 : vector<1000x128xf32>
    %slice3A = vector.extract_strided_slice %mul3A_57 {offsets = [0, 0], sizes = [1000, 64], strides = [1, 1]} : vector<1000x128xf32> to vector<1000x64xf32>
    %swap3A = arith.constant 0 : index
    %swap3A_58 = arith.constant 0 : index
    %swap3A_59 = vector.load %arg9[%swap3A, %swap3A_58] : memref<1000x64xf32, #tpu.memory_space<vmem>>, vector<1000x64xf32>
    tpu.vector_store %arg9[%swap3A, %swap3A_58], %slice3A {strides = array<i32>} : memref<1000x64xf32, #tpu.memory_space<vmem>>, vector<1000x64xf32>,
    %slice3A_60 = vector.extract_strided_slice %mul3A_57 {offsets = [0, 64], sizes = [1000, 64], strides = [1, 1]} : vector<1000x128xf32> to vector<1000x64xf32>
    %swap3A_61 = arith.constant 0 : index
    %swap3A_62 = arith.constant 0 : index
    %swap3A_63 = vector.load %arg10[%swap3A_61, %swap3A_62] : memref<1000x64xf32, #tpu.memory_space<vmem>>, vector<1000x64xf32>
    tpu.vector_store %arg10[%swap3A_61, %swap3A_62], %slice3A_60 {strides = array<i32>} : memref<1000x64xf32, #tpu.memory_space<vmem>>, vector<1000x64xf32>,
    return
  }
  func.func @transform_0(%arg0: i32) -> (i32, i32) {
    %c0_i32 = arith.constant 0 : i32
    %c0_i32_0 = arith.constant 0 : i32
    return %arg0, %c0_i32 : i32, i32
  }
  func.func @transform_1(%arg0: i32) -> (i32, i32) {
    %c0_i32 = arith.constant 0 : i32
    %c0_i32_0 = arith.constant 0 : i32
    return %arg0, %c0_i32 : i32, i32
  }
  func.func @transform_2(%arg0: i32) -> (i32, i32) {
    %c0_i32 = arith.constant 0 : i32
    %c0_i32_0 = arith.constant 0 : i32
    return %arg0, %c0_i32 : i32, i32
  }
  func.func @transform_3(%arg0: i32) -> (i32, i32) {
    %c0_i32 = arith.constant 0 : i32
    %c0_i32_0 = arith.constant 0 : i32
    return %arg0, %c0_i32 : i32, i32
  }
  func.func @transform_4(%arg0: i32) -> (i32, i32) {
    %c0_i32 = arith.constant 0 : i32
    %c0_i32_0 = arith.constant 0 : i32
    %c0_i32_1 = arith.constant 0 : i32
    return %c0_i32, %c0_i32_0 : i32, i32
  }
  func.func @transform_5(%arg0: i32) -> (i32, i32) {
    %c0_i32 = arith.constant 0 : i32
    %c0_i32_0 = arith.constant 0 : i32
    %c0_i32_1 = arith.constant 0 : i32
    return %c0_i32, %c0_i32_0 : i32, i32
  }
  func.func @transform_6(%arg0: i32) -> (i32, i32) {
    %c0_i32 = arith.constant 0 : i32
    %c0_i32_0 = arith.constant 0 : i32
    %c0_i32_1 = arith.constant 0 : i32
    return %c0_i32, %c0_i32_0 : i32, i32
  }
  func.func @transform_7(%arg0: i32) -> (i32, i32) {
    %c0_i32 = arith.constant 0 : i32
    %c0_i32_0 = arith.constant 0 : i32
    %c0_i32_1 = arith.constant 0 : i32
    return %c0_i32, %c0_i32_0 : i32, i32
  }
  func.func @transform_8(%arg0: i32) -> (i32, i32) {
    %c0_i32 = arith.constant 0 : i32
    %c0_i32_0 = arith.constant 0 : i32
    return %arg0, %c0_i32 : i32, i32
  }
  func.func @transform_9(%arg0: i32) -> (i32, i32) {
    %c0_i32 = arith.constant 0 : i32
    %c0_i32_0 = arith.constant 0 : i32
    return %arg0, %c0_i32 : i32, i32
  }
}

module attributes {stable_mosaic.version = 14 : i64} {
  func.func @_tc3_body(%arg0: i32, %arg1: memref<1000x64xf32, #tpu.memory_space<vmem>>, %arg2: memref<1000x64xf32, #tpu.memory_space<vmem>>, %arg3: memref<1000x1xf32, #tpu.memory_space<vmem>>, %arg4: memref<1000x1xf32, #tpu.memory_space<vmem>>, %arg5: memref<1x128xf32, #tpu.memory_space<vmem>>, %arg6: memref<1x128xf32, #tpu.memory_space<vmem>>, %arg7: memref<1x128xf32, #tpu.memory_space<vmem>>, %arg8: memref<128x128xf32, #tpu.memory_space<vmem>>, %arg9: memref<1x128xf32, #tpu.memory_space<vmem>>, %arg10: memref<128x1xf32, #tpu.memory_space<vmem>>, %arg11: memref<1x1xf32, #tpu.memory_space<vmem>>, %arg12: memref<1000x1xf32, #tpu.memory_space<vmem>>) attributes {dimension_semantics = [#tpu.dimension_semantics<arbitrary>], iteration_bounds = array<i64: 10>, scalar_prefetch = 0 : i64, scratch_operands = 0 : i64, tpu.core_type = #tpu.core_type<tc>, window_params = [{transform_indices = @transform_0, window_bounds = array<i64: 1000, 64>}, {transform_indices = @transform_1, window_bounds = array<i64: 1000, 64>}, {transform_indices = @transform_2, window_bounds = array<i64: 1000, 1>}, {transform_indices = @transform_3, window_bounds = array<i64: 1000, 1>}, {pipeline_mode = #tpu.pipeline_mode<synchronous>, transform_indices = @transform_4, window_bounds = array<i64: 1, 128>}, {pipeline_mode = #tpu.pipeline_mode<synchronous>, transform_indices = @transform_5, window_bounds = array<i64: 1, 128>}, {pipeline_mode = #tpu.pipeline_mode<synchronous>, transform_indices = @transform_6, window_bounds = array<i64: 1, 128>}, {pipeline_mode = #tpu.pipeline_mode<synchronous>, transform_indices = @transform_7, window_bounds = array<i64: 128, 128>}, {pipeline_mode = #tpu.pipeline_mode<synchronous>, transform_indices = @transform_8, window_bounds = array<i64: 1, 128>}, {pipeline_mode = #tpu.pipeline_mode<synchronous>, transform_indices = @transform_9, window_bounds = array<i64: 128, 1>}, {pipeline_mode = #tpu.pipeline_mode<synchronous>, transform_indices = @transform_10, window_bounds = array<i64: 1, 1>}, {transform_indices = @transform_11, window_bounds = array<i64: 1000, 1>}]} {
    %get3A = arith.constant 0 : index
    %get3A_0 = arith.constant 0 : index
    %get3A_1 = vector.load %arg3[%get3A, %get3A_0] : memref<1000x1xf32, #tpu.memory_space<vmem>>, vector<1000x1xf32>
    %get3A_2 = arith.constant 0 : index
    %get3A_3 = arith.constant 0 : index
    %get3A_4 = vector.load %arg4[%get3A_2, %get3A_3] : memref<1000x1xf32, #tpu.memory_space<vmem>>, vector<1000x1xf32>
    %add3A = arith.addf %get3A_1, %get3A_4 : vector<1000x1xf32>
    %add3A_5 = arith.constant 1.000000e+00 : f32
    %add3A_6 = vector.broadcast %add3A_5 : f32 to vector<1000x1xf32>
    %add3A_7 = arith.addf %add3A, %add3A_6 : vector<1000x1xf32>
    %sqrt3A = math.sqrt %add3A_7 : vector<1000x1xf32>
    %div3A = arith.constant 1.000000e+00 : f32
    %div3A_8 = vector.broadcast %div3A : f32 to vector<1000x1xf32>
    %div3A_9 = arith.divf %div3A_8, %sqrt3A : vector<1000x1xf32>
    %get3A_10 = arith.constant 0 : index
    %get3A_11 = arith.constant 0 : index
    %get3A_12 = vector.load %arg1[%get3A_10, %get3A_11] : memref<1000x64xf32, #tpu.memory_space<vmem>>, vector<1000x64xf32>
    %get3A_13 = arith.constant 0 : index
    %get3A_14 = arith.constant 0 : index
    %get3A_15 = vector.load %arg2[%get3A_13, %get3A_14] : memref<1000x64xf32, #tpu.memory_space<vmem>>, vector<1000x64xf32>
    %concatenate3A = tpu.concatenate %get3A_12, %get3A_15 in 1 : vector<1000x64xf32>, vector<1000x64xf32> -> vector<1000x128xf32>
    %mul3A = vector.broadcast %div3A_9 : vector<1000x1xf32> to vector<1000x128xf32>
    %mul3A_16 = arith.mulf %concatenate3A, %mul3A : vector<1000x128xf32>
    %get3A_17 = arith.constant 0 : index
    %get3A_18 = arith.constant 0 : index
    %get3A_19 = vector.load %arg5[%get3A_17, %get3A_18] : memref<1x128xf32, #tpu.memory_space<vmem>>, vector<1x128xf32>
    %add3A_20 = vector.broadcast %get3A_19 : vector<1x128xf32> to vector<1000x128xf32>
    %add3A_21 = arith.addf %mul3A_16, %add3A_20 : vector<1000x128xf32>
    %max3A = arith.constant 0.000000e+00 : f32
    %max3A_22 = vector.broadcast %max3A : f32 to vector<1000x128xf32>
    %max3A_23 = arith.maximumf %add3A_21, %max3A_22 : vector<1000x128xf32>
    %reduce_sum3A = arith.constant dense<0.000000e+00> : vector<1000xf32>
    %reduce_sum3A_24 = vector.multi_reduction <add>, %max3A_23, %reduce_sum3A [1] : vector<1000x128xf32> to vector<1000xf32>
    %broadcast_in_dim3A = vector.shape_cast %reduce_sum3A_24 : vector<1000xf32> to vector<1000x1xf32>
    %div3A_25 = arith.constant 1.280000e+02 : f32
    %div3A_26 = vector.broadcast %div3A_25 : f32 to vector<1000x1xf32>
    %div3A_27 = arith.divf %broadcast_in_dim3A, %div3A_26 : vector<1000x1xf32>
    %sub3A = vector.broadcast %div3A_27 : vector<1000x1xf32> to vector<1000x128xf32>
    %sub3A_28 = arith.subf %max3A_23, %sub3A : vector<1000x128xf32>
    %mul3A_29 = arith.mulf %sub3A_28, %sub3A_28 : vector<1000x128xf32>
    %reduce_sum3A_30 = arith.constant dense<0.000000e+00> : vector<1000xf32>
    %reduce_sum3A_31 = vector.multi_reduction <add>, %mul3A_29, %reduce_sum3A_30 [1] : vector<1000x128xf32> to vector<1000xf32>
    %broadcast_in_dim3A_32 = vector.shape_cast %reduce_sum3A_31 : vector<1000xf32> to vector<1000x1xf32>
    %div3A_33 = arith.constant 1.280000e+02 : f32
    %div3A_34 = vector.broadcast %div3A_33 : f32 to vector<1000x1xf32>
    %div3A_35 = arith.divf %broadcast_in_dim3A_32, %div3A_34 : vector<1000x1xf32>
    %add3A_36 = arith.constant 9.99999974E-6 : f32
    %add3A_37 = vector.broadcast %add3A_36 : f32 to vector<1000x1xf32>
    %add3A_38 = arith.addf %div3A_35, %add3A_37 : vector<1000x1xf32>
    %sqrt3A_39 = math.sqrt %add3A_38 : vector<1000x1xf32>
    %div3A_40 = vector.broadcast %sqrt3A_39 : vector<1000x1xf32> to vector<1000x128xf32>
    %div3A_41 = arith.divf %sub3A_28, %div3A_40 : vector<1000x128xf32>
    %get3A_42 = arith.constant 0 : index
    %get3A_43 = arith.constant 0 : index
    %get3A_44 = vector.load %arg6[%get3A_42, %get3A_43] : memref<1x128xf32, #tpu.memory_space<vmem>>, vector<1x128xf32>
    %mul3A_45 = vector.broadcast %get3A_44 : vector<1x128xf32> to vector<1000x128xf32>
    %mul3A_46 = arith.mulf %div3A_41, %mul3A_45 : vector<1000x128xf32>
    %get3A_47 = arith.constant 0 : index
    %get3A_48 = arith.constant 0 : index
    %get3A_49 = vector.load %arg7[%get3A_47, %get3A_48] : memref<1x128xf32, #tpu.memory_space<vmem>>, vector<1x128xf32>
    %add3A_50 = vector.broadcast %get3A_49 : vector<1x128xf32> to vector<1000x128xf32>
    %add3A_51 = arith.addf %mul3A_46, %add3A_50 : vector<1000x128xf32>
    %get3A_52 = arith.constant 0 : index
    %get3A_53 = arith.constant 0 : index
    %get3A_54 = vector.load %arg8[%get3A_52, %get3A_53] : memref<128x128xf32, #tpu.memory_space<vmem>>, vector<128x128xf32>
    %dot_general3A = arith.constant dense<0.000000e+00> : vector<1000x128xf32>
    %dot_general3A_55 = tpu.matmul %add3A_51, %get3A_54, %dot_general3A {dimension_numbers = #tpu.dot_dimension_numbers<[1], [0], [0], [1], [0, 0, 1, 1], [], []>, transpose_lhs_hint = false} : vector<1000x128xf32>, vector<128x128xf32>, vector<1000x128xf32> -> vector<1000x128xf32>
    %get3A_56 = arith.constant 0 : index
    %get3A_57 = arith.constant 0 : index
    %get3A_58 = vector.load %arg9[%get3A_56, %get3A_57] : memref<1x128xf32, #tpu.memory_space<vmem>>, vector<1x128xf32>
    %add3A_59 = vector.broadcast %get3A_58 : vector<1x128xf32> to vector<1000x128xf32>
    %add3A_60 = arith.addf %dot_general3A_55, %add3A_59 : vector<1000x128xf32>
    %max3A_61 = arith.constant 0.000000e+00 : f32
    %max3A_62 = vector.broadcast %max3A_61 : f32 to vector<1000x128xf32>
    %max3A_63 = arith.maximumf %add3A_60, %max3A_62 : vector<1000x128xf32>
    %get3A_64 = arith.constant 0 : index
    %get3A_65 = arith.constant 0 : index
    %get3A_66 = vector.load %arg10[%get3A_64, %get3A_65] : memref<128x1xf32, #tpu.memory_space<vmem>>, vector<128x1xf32>
    %dot_general3A_67 = arith.constant dense<0.000000e+00> : vector<1000x1xf32>
    %dot_general3A_68 = tpu.matmul %max3A_63, %get3A_66, %dot_general3A_67 {dimension_numbers = #tpu.dot_dimension_numbers<[1], [0], [0], [1], [0, 0, 1, 1], [], []>, transpose_lhs_hint = false} : vector<1000x128xf32>, vector<128x1xf32>, vector<1000x1xf32> -> vector<1000x1xf32>
    %get3A_69 = arith.constant 0 : index
    %get3A_70 = arith.constant 0 : index
    %get3A_71 = vector.load %arg11[%get3A_69, %get3A_70] : memref<1x1xf32, #tpu.memory_space<vmem>>, vector<1x1xf32>
    %add3A_72 = vector.broadcast %get3A_71 : vector<1x1xf32> to vector<1000x1xf32>
    %add3A_73 = arith.addf %dot_general3A_68, %add3A_72 : vector<1000x1xf32>
    %swap3A = arith.constant 0 : index
    %swap3A_74 = arith.constant 0 : index
    %swap3A_75 = vector.load %arg12[%swap3A, %swap3A_74] : memref<1000x1xf32, #tpu.memory_space<vmem>>, vector<1000x1xf32>
    tpu.vector_store %arg12[%swap3A, %swap3A_74], %add3A_73 {strides = array<i32>} : memref<1000x1xf32, #tpu.memory_space<vmem>>, vector<1000x1xf32>,
    return
  }
  func.func @transform_0(%arg0: i32) -> (i32, i32) {
    %c0_i32 = arith.constant 0 : i32
    %c0_i32_0 = arith.constant 0 : i32
    return %arg0, %c0_i32 : i32, i32
  }
  func.func @transform_1(%arg0: i32) -> (i32, i32) {
    %c0_i32 = arith.constant 0 : i32
    %c0_i32_0 = arith.constant 0 : i32
    return %arg0, %c0_i32 : i32, i32
  }
  func.func @transform_2(%arg0: i32) -> (i32, i32) {
    %c0_i32 = arith.constant 0 : i32
    %c0_i32_0 = arith.constant 0 : i32
    return %arg0, %c0_i32 : i32, i32
  }
  func.func @transform_3(%arg0: i32) -> (i32, i32) {
    %c0_i32 = arith.constant 0 : i32
    %c0_i32_0 = arith.constant 0 : i32
    return %arg0, %c0_i32 : i32, i32
  }
  func.func @transform_4(%arg0: i32) -> (i32, i32) {
    %c0_i32 = arith.constant 0 : i32
    %c0_i32_0 = arith.constant 0 : i32
    %c0_i32_1 = arith.constant 0 : i32
    return %c0_i32, %c0_i32_0 : i32, i32
  }
  func.func @transform_5(%arg0: i32) -> (i32, i32) {
    %c0_i32 = arith.constant 0 : i32
    %c0_i32_0 = arith.constant 0 : i32
    %c0_i32_1 = arith.constant 0 : i32
    return %c0_i32, %c0_i32_0 : i32, i32
  }
  func.func @transform_6(%arg0: i32) -> (i32, i32) {
    %c0_i32 = arith.constant 0 : i32
    %c0_i32_0 = arith.constant 0 : i32
    %c0_i32_1 = arith.constant 0 : i32
    return %c0_i32, %c0_i32_0 : i32, i32
  }
  func.func @transform_7(%arg0: i32) -> (i32, i32) {
    %c0_i32 = arith.constant 0 : i32
    %c0_i32_0 = arith.constant 0 : i32
    %c0_i32_1 = arith.constant 0 : i32
    return %c0_i32, %c0_i32_0 : i32, i32
  }
  func.func @transform_8(%arg0: i32) -> (i32, i32) {
    %c0_i32 = arith.constant 0 : i32
    %c0_i32_0 = arith.constant 0 : i32
    %c0_i32_1 = arith.constant 0 : i32
    return %c0_i32, %c0_i32_0 : i32, i32
  }
  func.func @transform_9(%arg0: i32) -> (i32, i32) {
    %c0_i32 = arith.constant 0 : i32
    %c0_i32_0 = arith.constant 0 : i32
    %c0_i32_1 = arith.constant 0 : i32
    return %c0_i32, %c0_i32_0 : i32, i32
  }
  func.func @transform_10(%arg0: i32) -> (i32, i32) {
    %c0_i32 = arith.constant 0 : i32
    %c0_i32_0 = arith.constant 0 : i32
    %c0_i32_1 = arith.constant 0 : i32
    return %c0_i32, %c0_i32_0 : i32, i32
  }
  func.func @transform_11(%arg0: i32) -> (i32, i32) {
    %c0_i32 = arith.constant 0 : i32
    %c0_i32_0 = arith.constant 0 : i32
    return %arg0, %c0_i32 : i32, i32
  }
}

</mosaic_0001>

<sc_bundles>
// kernel: kernel.11.cloned.1.call-start
scs
__scs_entry_jumppad:
0x0: {  	(pc) =	sbr.rel $0x88, $3  }
0x1: {  	(tag) =	ssettag $0x0;
	lr =	simm.s32 $0x1  }
0x2: {  	[smem:$0x3F8F] =	sst lr;
	_ =	strace $0xD0000000  }
0x3: {  	_ = 	snop  }
0x4: {  	_ = 	snop  }
0x5: {  	_ = 	snop  }
0x6: {  	_ = 	snop  }
0x7: {  	_ = 	snop  }
__scs_overlays_trampoline_lowered:
0x8: {  	[smem:$0x3F9E] =	sst s0  }
0x9: {  	[smem:$0x3F9F] =	sst s1  }
0xa: {  	[smem:$0x3FA0] =	sst s2  }
0xb: {  	[smem:$0x3FA1] =	sst s3  }
0xc: {  	[smem:$0x3FA2] =	sst s4  }
0xd: {  	[smem:$0x3FA3] =	sst s5  }
0xe: {  	[smem:$0x3FA4] =	sst s6  }
0xf: {  	[smem:$0x3FA5] =	sst s7  }
0x10: {  	[smem:$0x3FA6] =	sst s8  }
0x11: {  	[smem:$0x3FA7] =	sst s9;
	s0 =	simm.s32 @!p0 $0x0  }
0x12: {  	s1 =	sld [smem:$0x3F8D];
	s0 =	simm.s32 @p0 $0x1  }
0x13: {  	[smem:$0x3FA8] =	sst s0;
	s0 =	simm.s32 @!p1 $0x0  }
0x14: {  	s2 =	sld [smem:$0x3F8C];
	s0 =	simm.s32 @p1 $0x1  }
0x15: {  	[smem:$0x3FA9] =	sst s0;
	s0 =	simm.s32 @!p2 $0x0  }
0x16: {  	s3 =	sld [smem:$0x3FDB];
	s0 =	simm.s32 @p2 $0x1  }
0x17: {  	s4 =	simm.s32 $0x1BF5;
	[smem:$0x3FAB] =	sst s0  }
0x18: {  	s0 =	sld [smem:$0x3F8E];
	_ =	swait.ge [sflag:s4], $0x0  }
0x19: {  	s7 =	sld [smem:$0x3F8F]  }
0x1a: {  	s8 =	sadd.s32 $0xFFFFE003, lr  }
0x1b: {  	s9 =	sadd.s32 $0xFFFFFEF7, lr;
	s5 =	simm.s32 $0xFFFFFFFF;
	p2 =	slt.u32 s8, $0xFFFFF086  }
0x1c: {  	p1 =	slt.u32 s9, $0xF7A;
	s5 =	simm.s32 @!p2 $0x0  }
0x1d: {  	s5 =	simm.s32 @p1 $0x1;
	p0 =	seq.s32 s7, s2  }
0x1e: {  	s7 =	smul.u32 @!p0 $0xF7A, s2;
	p2 =	seq.s32 @!p0 s5, $0x0  }
0x1f: {  	s9 =	smul.u32 $0xF7A, s1;
	s8 =	simm.s32 @!p0 $0x1BF5;
	p2 =	por !p2, p0  }
0x20: {  	[sflag:s8] =	ssyncset.s32 @!p0 $0xFFFFF086;
	s6 =	sadd.s32 @!p0 s3, s7;
	s7 =	simm.s32 @!p0 $0x108  }
0x21: {  	s3 =	sadd.s32 s3, s9;
	s6 =	sadd.s32 @!p0 $0x88, s6;
	s7 =	simm.s32 @p2 $0x1082  }
0x22: {  	[simem:s7], [sflag:s8] =	dma.local @!p0 [hbm:s6], $0xF7A  }
0x23: {  	s9 =	sor.u32 $0xD0000000, s2;
	s6 =	simm.s32 $0x108;
	_ =	swait.ge @!p0 [sflag:s8], $0x0  }
0x24: {  	s3 =	sadd.s32 $0x88, s3;
	s6 =	simm.s32 @!p1 $0x1082;
	[sflag:s4] =	ssyncset.s32 $0xFFFFF086  }
0x25: {  	[simem:s6], [sflag:s4] =	dma.local [hbm:s3], $0xF7A  }
0x26: {  	[smem:$0x3F8F] =	sst s1;
	(tag) =	ssettag s2;
	_ =	strace s9  }
0x27: {  	s1 =	sld [smem:$0x3F9F]  }
0x28: {  	s2 =	sld [smem:$0x3FA0]  }
0x29: {  	s4 =	sld [smem:$0x3FA2]  }
0x2a: {  	p0 =	seq.s32 s5, $0x0;
	s5 =	sld [smem:$0x3FA3]  }
0x2b: {  	s6 =	sld [smem:$0x3FA4]  }
0x2c: {  	s7 =	sld [smem:$0x3FA5]  }
0x2d: {  	s3 =	simm.s32 $0x108;
	s8 =	sld [smem:$0x3FA6]  }
0x2e: {  	s3 =	simm.s32 @!p0 $0x1082;
	s9 =	sld [smem:$0x3FA7]  }
0x2f: {  	lr =	sadd.s32 s0, s3;
	s0 =	sld [smem:$0x3F9E]  }
0x30: {  	s3 =	sld [smem:$0x3FA1]  }
0x31: {  	[smem:$0x3FAA] =	sst s10  }
0x32: {  	s10 =	sld [smem:$0x3FA8];
	_ =	sdelay $0x3  }
0x33: {  	p0 =	seq.s32 s10, $0x1;
	s10 =	sld [smem:$0x3FAA];
	_ =	sdelay $0x3  }
0x34: {  	[smem:$0x3FAA] =	sst s10  }
0x35: {  	s10 =	sld [smem:$0x3FA9];
	_ =	sdelay $0x3  }
0x36: {  	p1 =	seq.s32 s10, $0x1;
	s10 =	sld [smem:$0x3FAA];
	_ =	sdelay $0x3  }
0x37: {  	[smem:$0x3FAA] =	sst s10  }
0x38: {  	s10 =	sld [smem:$0x3FAB]  }
0x39: {  	_ = 	snop;
	(pc) =	sbr.ind lr, $3  }
0x3a: {  	_ = 	snop  }
0x3b: {  	_ = 	snop  }
0x3c: {  	p2 =	seq.s32 s10, $0x1;
	s10 =	sld [smem:$0x3FAA]  }
0x3d: {  	_ =	shalt  }
0x3e: {  	_ =	shalt  }
0x3f: {  	_ =	shalt  }
0x40: {  	_ =	shalt  }
0x41: {  	_ =	shalt  }
0x42: {  	_ =	shalt  }
0x43: {  	_ =	shalt  }
0x44: {  	_ =	shalt  }
0x45: {  	_ =	shalt  }
0x46: {  	_ =	shalt  }
0x47: {  	_ =	shalt  }
0x48: {  	_ =	shalt  }
0x49: {  	_ =	shalt  }
0x4a: {  	_ =	shalt  }
0x4b: {  	_ =	shalt  }
0x4c: {  	_ =	shalt  }
0x4d: {  	_ =	shalt  }
0x4e: {  	_ =	shalt  }
0x4f: {  	_ =	shalt  }
0x50: {  	_ =	shalt  }
0x51: {  	_ =	shalt  }
0x52: {  	_ =	shalt  }
0x53: {  	_ =	shalt  }
0x54: {  	_ =	shalt  }
0x55: {  	_ =	shalt  }
0x56: {  	_ =	shalt  }
0x57: {  	_ =	shalt  }
0x58: {  	_ =	shalt  }
0x59: {  	_ =	shalt  }
0x5a: {  	_ =	shalt  }
0x5b: {  	_ =	shalt  }
0x5c: {  	_ =	shalt  }
0x5d: {  	_ =	shalt  }
0x5e: {  	_ =	shalt  }
0x5f: {  	_ =	shalt  }
0x60: {  	_ =	shalt  }
0x61: {  	_ =	shalt  }
0x62: {  	_ =	shalt  }
0x63: {  	_ =	shalt  }
0x64: {  	_ =	shalt  }
0x65: {  	_ =	shalt  }
0x66: {  	_ =	shalt  }
0x67: {  	_ =	shalt  }
0x68: {  	_ =	shalt  }
0x69: {  	_ =	shalt  }
0x6a: {  	_ =	shalt  }
0x6b: {  	_ =	shalt  }
0x6c: {  	_ =	shalt  }
0x6d: {  	_ =	shalt  }
0x6e: {  	_ =	shalt  }
0x6f: {  	_ =	shalt  }
0x70: {  	_ =	shalt  }
0x71: {  	_ =	shalt  }
0x72: {  	_ =	shalt  }
0x73: {  	_ =	shalt  }
0x74: {  	_ =	shalt  }
0x75: {  	_ =	shalt  }
0x76: {  	_ =	shalt  }
0x77: {  	_ =	shalt  }
0x78: {  	_ =	shalt  }
0x79: {  	_ =	shalt  }
0x7a: {  	_ =	shalt  }
0x7b: {  	_ =	shalt  }
0x7c: {  	_ =	shalt  }
0x7d: {  	_ =	shalt  }
0x7e: {  	_ =	shalt  }
0x7f: {  	_ =	shalt  }
0x80: {  	_ =	shalt  }
0x81: {  	_ =	shalt  }
0x82: {  	_ =	shalt  }
0x83: {  	_ =	shalt  }
0x84: {  	_ =	shalt  }
0x85: {  	_ =	shalt  }
0x86: {  	_ =	shalt  }
0x87: {  	_ =	shalt  }
.Lfunc_end0:
.L_simem_size_0:
called_computation.1_lowered:
.L_overlay_start_0:
0x88: {  	s2 =	sld [smem:$0x3FD9]  }
0x89: {  	s3 =	sld [smem:$0x3FFE];
	_ =	sdelay $0x1  }
0x8a: {  	s1 =	srdreg.scid  }
0x8b: {  	s0 =	sand.u32 $0x1, s1  }
0x8c: {  	s16 =	sshll.u32 s0, $0xA;
	s2 =	sadd.s32 s3, s2  }
0x8d: {  	s2 =	sadd.s32 s2, s16  }
0x8e: {  	[smem:$0x3FB6] =	sst s2  }
0x8f: {  	_ = 	snop  }
0x90: {  	(tm) =	ssettm $0x1  }
0x91: {  	s17 =	sld [smem:$0x3FFB];
	_ =	sdelay $0x3  }
0x92: {  	_ =	strace s17  }
0x93: {  	s2 =	sld [smem:$0x3FFC];
	_ =	sdelay $0x3  }
0x94: {  	_ =	strace s2  }
0x95: {  	s2 =	sld [smem:$0x3FFD];
	_ =	sdelay $0x3  }
0x96: {  	_ =	strace s2  }
0x97: {  	_ =	strace $0x8FFFFFFF  }
0x98: {  	s18 =	sld [smem:$0x3FDB];
	_ =	sdelay $0x1  }
0x99: {  	s19 =	simm.s32 $_scs_section_size  }
0x9a: {  	s4 =	simm.s32 $_size__tile_overlayer_lowered;
	s5 =	simm.s32 $_tile_overlayer_lowered  }
0x9b: {  	s22 =	simm.s32 $0x1BFF;
	s21 =	sshll.u32 s5, $0x1;
	s2 =	sadd.s32 s19, s18  }
0x9c: {  	s6 =	simm.s32 $0x0;
	s20 =	sshll.u32 s4, $0x1;
	s4 =	sadd.s32 s21, s2  }
0x9d: {  	[timem:s6], [sflag:s22] =	dma.local [hbm:s4], s20  }
0x9e: {  	_ =	swait.ge [sflag:s22], s20  }
0x9f: {  	s3 =	ssub.s32 $0x0, s20;
	[sflag:s22] =	ssyncset.done $0x0  }
0xa0: {  	[sflag:s22] =	ssyncadd.s32 s3;
	_ =	sdelay $0x1  }
0xa1: {  	s23 =	simm.s32 $0x1B8B  }
0xa2: {  	_ =	swait.ge [sflag:s23], $0x1  }
0xa3: {  	[sflag:s23] =	ssyncset.done $0x0  }
0xa4: {  	s25 =	simm.s32 $0x1B8E;
	s24 =	sld [smem:$0x3FFE];
	[sflag:s23] =	ssyncadd.s32 $0xFFFFFFFF  }
0xa5: {  	s26 =	simm.s32 $execute0_lowered;
	[smem:$0x3FD2] =	sst s25  }
0xa6: {  	s4 =	sshll.u32 s26, $0x1;
	_ =	strace $0x80000049;
	[dreg:$0x1] =	wrdreg $0xFFFFFFFF  }
0xa7: {  	s28 =	simm.s32 $_size_execute0_lowered;
	s2 =	sadd.s32 s2, s4;
	[dreg:$0x0] =	wrdreg $0x0  }
0xa8: {  	s4 =	sshll.u32 s28, $0x1;
	[dreg:$0x2] =	wrdreg s2  }
0xa9: {  	[dreg:$0x3] =	wrdreg s4  }
0xaa: {  	[dreg:$0x4] =	wrdreg $0xC0  }
0xab: {  	_ =	task [dreg:s6], $0x5FFFF  }
0xac: {  	[dreg:$0x1] =	wrdreg $0xFFFFFFFF  }
0xad: {  	[dreg:$0x0] =	wrdreg $0x60  }
0xae: {  	[dreg:$0x2] =	wrdreg s24  }
0xaf: {  	[dreg:$0x3] =	wrdreg $0x0  }
0xb0: {  	[dreg:$0x4] =	wrdreg $0xA0000  }
0xb1: {  	[dreg:$0x5] =	wrdreg $0x9  }
0xb2: {  	_ =	task.clear_ibuf [dreg:s6], $0x6FFFF;
	_ =	strace $0x90000049  }
0xb3: {  	s29 =	simm.s32 $0x9;
	_ =	strace $0x8000004B  }
0xb4: {  	_ =	swait.ge [sflag:s29], $0x1  }
0xb5: {  	[sflag:s29] =	ssyncadd.s32 $0xFFFFFFFF  }
0xb6: {  	_ =	strace $0x9000004B  }
0xb7: {  	_ =	sfence  }
0xb8: {  	s30 =	sld [smem:$0x0];
	_ =	sdelay $0x2  }
0xb9: {  	s31 =	sshll.u32 s1, $0xD;
	s1 =	sshrl.u32 s1, $0x2  }
0xba: {  	s3 =	sand.u32 $0x4000, s31;
	s1 =	sadd.s32 s1, s30  }
0xbb: {  	s0 =	sor.u32 s3, s0;
	s1 =	sshll.u32 s1, $0x11  }
0xbc: {  	s0 =	sor.u32 s1, s0  }
0xbd: {  	s0 =	sadd.s32 $0x8F2B, s0  }
0xbe: {  	[sflag:s0] =	ssyncadd.remote.s32 $0x1  }
0xbf: {  	_ =	sfence.sel $0xFFFF  }
0xc0: {  	[dreg:$0x0] =	wrdreg $0xFFFFFFFF;
	(pc) =	sbr.abs _section_cstart, $3  }
0xc1: {  	[dreg:$0x1] =	wrdreg $0xFFFFFFFF  }
0xc2: {  	_ =	task.clear_ibuf [dreg:s6], $0x2FFFF;
	_ =	strace $0x9FFFFFFF  }
0xc3: {  	(tm) =	ssettm $0x7FFFFFFF  }
tec
execute0_lowered:
.L_overlay_start_1:
0x0: {  	(tag) =	ssettag $0x1  }
0x1: {  	s0 =	rddreg [dreg:$0x0]  }
0x2: {  	s2 =	rddreg [dreg:$0x1]  }
0x3: {  	s10 =	stileid.u32;
	s1 =	srdreg.scid  }
0x4: {  	s3 =	rddreg [dreg:$0x2];
	s4 =	simm.s32 $0x0;
	s11 =	simm.s32 $0x14100  }
0x5: {  	s12 =	simm.s32 $0x14180;
	s13 =	simm.s32 $0x14880;
	s15 =	simm.s32 $0x14200  }
0x6: {  	s16 =	simm.s32 $0x14900;
	s17 =	simm.s32 $0x14280;
	[smem:$0x7FF] =	sst s4  }
0x7: {  	s18 =	simm.s32 $0x14980;
	_ =	strace $0x8000004A;
	[dreg:$0x7] =	wrdreg s11  }
0x8: {  	s19 =	simm.s32 $0x14300;
	s20 =	simm.s32 $0x14A00;
	[dreg:$0x8] =	wrdreg s12  }
0x9: {  	s21 =	simm.s32 $0x14380;
	s22 =	simm.s32 $0x14A80;
	[dreg:$0x9] =	wrdreg s13  }
0xa: {  	s28 =	simm.s32 $0x14680;
	s29 =	simm.s32 $0x14D80;
	[dreg:$0xa] =	wrdreg s15  }
0xb: {  	s30 =	simm.s32 $0x14700;
	s31 =	simm.s32 $0x14E00;
	[dreg:$0xb] =	wrdreg s16  }
0xc: {  	s1 =	sand.u32 $0x1, s1;
	s5 =	smul.u32 $0xA000, s10;
	[dreg:$0xc] =	wrdreg s17  }
0xd: {  	s7 =	smul.u32 $0xA00, s10;
	s14 =	sshll.u32 s10, $0x6;
	[dreg:$0xd] =	wrdreg s18  }
0xe: {  	s10 =	simm.s32 $0x3;
	s6 =	smul.u32 $0xA0000, s1;
	[dreg:$0xe] =	wrdreg s19  }
0xf: {  	s8 =	ssub.s32 $0x2, s1;
	p0 =	seq.s32 s1, $0x1;
	[dreg:$0xf] =	wrdreg s20  }
0x10: {  	s12 =	simm.s32 $0x14000;
	s13 =	simm.s32 $0x14800;
	[dreg:$0x10] =	wrdreg s21  }
0x11: {  	s15 =	simm.s32 $0x15000;
	[dreg:$0x11] =	wrdreg s22;
	s16 =	simm.s32 $0x17000  }
0x12: {  	s17 =	simm.s32 $0x19000;
	s18 =	simm.s32 $0x1;
	s19 =	simm.s32 $0x1B000  }
0x13: {  	s20 =	simm.s32 $0x2;
	s21 =	simm.s32 $0x14500;
	s22 =	simm.s32 $0x14C00  }
0x14: {  	s9 =	sshrl.u32 s8, $0x1;
	s7 =	sadd.s32 s7, s0;
	s23 =	sadd.s32 s5, s2  }
0x15: {  	s24 =	sshrl.u32 s5, $0x3;
	s6 =	sadd.s32 s5, s6;
	s8 =	ssub.s32 s8, s9  }
0x16: {  	s5 =	sadd.s32 s5, s3;
	s25 =	sadd.s32 $0x3800, s7;
	s26 =	sadd.s32 $0xE200, s7  }
0x17: {  	s7 =	simm.s32 $0x67400;
	s1 =	sshrl.u32 s23, $0x3;
	[dreg:$0x4] =	wrdreg s25  }
0x18: {  	s23 =	simm.s32 $0x14400;
	s9 =	simm.s32 $0x0;
	[dreg:$0x5] =	wrdreg s26  }
0x19: {  	s6 =	sshrl.u32 s6, $0x3;
	s8 =	smax.u32 s8, $0x1;
	[dreg:$0x1a] =	wrdreg s1  }
0x1a: {  	s7 =	simm.s32 @!p0 $0x3F400;
	s11 =	sshrl.u32 s5, $0x3;
	[dreg:$0x12] =	wrdreg s23  }
0x1b: {  	s25 =	simm.s32 $0x14480;
	s26 =	simm.s32 $0x14B80;
	[dreg:$0x17] =	wrdreg s8  }
0x1c: {  	s23 =	simm.s32 $0x14580;
	s1 =	simm.s32 $0x14780;
	[dreg:$0x14] =	wrdreg s25  }
0x1d: {  	s5 =	simm.s32 $0x14F00;
	s6 =	sadd.s32 s6, s0;
	[dreg:$0x15] =	wrdreg s26  }
0x1e: {  	s8 =	simm.s32 $0x14080;
	s0 =	sadd.s32 s7, s0;
	[dreg:$0x1b] =	wrdreg s11  }
0x1f: {  	s25 =	simm.s32 $0x14600;
	s6 =	sadd.s32 $0x7B400, s6;
	[dreg:$0x6] =	wrdreg s8  }
0x20: {  	s26 =	simm.s32 $0x14D00;
	s0 =	sadd.s32 s0, s24;
	[dreg:$0x16] =	wrdreg s6  }
0x21: {  	s8 =	sor.u32 $0x1C03, s14;
	s24 =	simm.s32 $0x14B00;
	[dreg:$0x18] =	wrdreg s0  }
0x22: {  	s14 =	simm.s32 $0x80;
	[dreg:$0x13] =	wrdreg s24;
	s24 =	simm.s32 $0x14C80  }
0x23: {  	s0 =	simm.s32 $0x14E80;
	s6 =	simm.s32 $0x14F80;
	[dreg:$0x19] =	wrdreg s8  }
.LBB2_1:
0x24: {  	[dreg:$0x1c] =	wrdreg s9  }
0x25: {  	s7 =	rddreg [dreg:$0x18]  }
0x26: {  	s9 =	rddreg [dreg:$0x1a]  }
0x27: {  	[spmem:s9], [sflag:s8] =	dma.local [hbm:s7], $0x1400  }
0x28: {  	_ =	swait.ge [sflag:s10], $0x1400  }
0x29: {  	[sflag:s10] =	ssyncset.done $0x0  }
0x2a: {  	[sflag:s10] =	ssyncadd.s32 $0xFFFFEC00  }
0x2b: {  	[spmem:s11], [sflag:s8] =	dma.local [hbm:s7], $0x1400  }
0x2c: {  	_ =	swait.ge [sflag:s10], $0x1400  }
0x2d: {  	[sflag:s10] =	ssyncset.done $0x0  }
0x2e: {  	[sflag:s10] =	ssyncadd.s32 $0xFFFFEC00  }
0x2f: {  	[bflag:$0x0] =	sbarrier.arrive $0xFFFF  }
0x30: {  	s11 =	rddreg [dreg:$0x5]  }
0x31: {  	s7 =	sadd.s32 $0x0, s11  }
0x32: {  	[tilespmem:s12], [sflag:$0x3] =	stream.linear.gather [hbm4b:s7+s4], $0x800, $0x38;
	[tilespmem:$0x1D000] =	vst v63  }
0x33: {  	_ =	swait.ge [sflag:s10], $0x800  }
0x34: {  	s8 =	rddreg [dreg:$0x4];
	[sflag:s10] =	ssyncset.done $0x0  }
0x35: {  	[sflag:s10] =	ssyncadd.s32 $0xFFFFF800;
	s7 =	sadd.s32 $0x0, s8  }
0x36: {  	[tilespmem:s13], [sflag:$0x3] =	stream.linear.gather [hbm4b:s7+s4], $0x800, $0x38;
	[tilespmem:$0x1D000] =	vst v63  }
0x37: {  	_ =	swait.ge [sflag:s10], $0x800  }
0x38: {  	[sflag:s10] =	ssyncset.done $0x0  }
0x39: {  	[sflag:s10] =	ssyncadd.s32 $0xFFFFF800  }
0x3a: {  	[tilespmem:s15], [sflag:$0x1] =	stream.indirect.gather [spmem:s2], $0x40, s12, s14, $0xb8;
	[tilespmem:$0x1D000] =	vst v63  }
0x3b: {  	s9 =	rddreg [dreg:$0x6]  }
0x3c: {  	[tilespmem:s16], [sflag:$0x1] =	stream.indirect.gather [spmem:s2], $0x40, s9, s14, $0xb8;
	[tilespmem:$0x1D000] =	vst v63  }
0x3d: {  	s11 =	rddreg [dreg:$0x7]  }
0x3e: {  	[tilespmem:s17], [sflag:$0x1] =	stream.indirect.gather [spmem:s2], $0x40, s11, s14, $0xb8;
	[tilespmem:$0x1D000] =	vst v63  }
0x3f: {  	_ =	swait.ge [sflag:s18], $0x2000  }
0x40: {  	[sflag:s18] =	ssyncset.done $0x0  }
0x41: {  	[sflag:s18] =	ssyncadd.s32 $0xFFFFE000  }
0x42: {  	[spmem:s3] =	stream.indirect.scatter.add.f32 [tilespmem:s15], [sflag:$0x2], $0x40, s13, s14, $0xb8;
	[tilespmem:$0x1D000] =	vst v63  }
0x43: {  	s9 =	rddreg [dreg:$0x8]  }
0x44: {  	[tilespmem:s19], [sflag:$0x1] =	stream.indirect.gather [spmem:s2], $0x40, s9, s14, $0xb8;
	[tilespmem:$0x1D000] =	vst v63  }
0x45: {  	_ =	swait.ge [sflag:s18], $0x2000  }
0x46: {  	[sflag:s18] =	ssyncset.done $0x0  }
0x47: {  	s11 =	rddreg [dreg:$0x9];
	[sflag:s18] =	ssyncadd.s32 $0xFFFFE000  }
0x48: {  	[spmem:s3] =	stream.indirect.scatter.add.f32 [tilespmem:s16], [sflag:$0x2], $0x40, s11, s14, $0xb8;
	[tilespmem:$0x1D000] =	vst v63  }
0x49: {  	_ =	swait.ge [sflag:s20], $0x2000  }
0x4a: {  	[sflag:s20] =	ssyncset.done $0x0  }
0x4b: {  	s8 =	rddreg [dreg:$0xa];
	[sflag:s20] =	ssyncadd.s32 $0xFFFFE000  }
0x4c: {  	[tilespmem:s15], [sflag:$0x1] =	stream.indirect.gather [spmem:s2], $0x40, s8, s14, $0xb8;
	[tilespmem:$0x1D000] =	vst v63  }
0x4d: {  	_ =	swait.ge [sflag:s18], $0x2000  }
0x4e: {  	[sflag:s18] =	ssyncset.done $0x0  }
0x4f: {  	s9 =	rddreg [dreg:$0xb];
	[sflag:s18] =	ssyncadd.s32 $0xFFFFE000  }
0x50: {  	[spmem:s3] =	stream.indirect.scatter.add.f32 [tilespmem:s17], [sflag:$0x2], $0x40, s9, s14, $0xb8;
	[tilespmem:$0x1D000] =	vst v63  }
0x51: {  	_ =	swait.ge [sflag:s20], $0x2000  }
0x52: {  	[sflag:s20] =	ssyncset.done $0x0  }
0x53: {  	s11 =	rddreg [dreg:$0xc];
	[sflag:s20] =	ssyncadd.s32 $0xFFFFE000  }
0x54: {  	[tilespmem:s16], [sflag:$0x1] =	stream.indirect.gather [spmem:s2], $0x40, s11, s14, $0xb8;
	[tilespmem:$0x1D000] =	vst v63  }
0x55: {  	_ =	swait.ge [sflag:s18], $0x2000  }
0x56: {  	[sflag:s18] =	ssyncset.done $0x0  }
0x57: {  	s8 =	rddreg [dreg:$0xd];
	[sflag:s18] =	ssyncadd.s32 $0xFFFFE000  }
0x58: {  	[spmem:s3] =	stream.indirect.scatter.add.f32 [tilespmem:s19], [sflag:$0x2], $0x40, s8, s14, $0xb8;
	[tilespmem:$0x1D000] =	vst v63  }
0x59: {  	_ =	swait.ge [sflag:s20], $0x2000  }
0x5a: {  	[sflag:s20] =	ssyncset.done $0x0  }
0x5b: {  	s9 =	rddreg [dreg:$0xe];
	[sflag:s20] =	ssyncadd.s32 $0xFFFFE000  }
0x5c: {  	[tilespmem:s17], [sflag:$0x1] =	stream.indirect.gather [spmem:s2], $0x40, s9, s14, $0xb8;
	[tilespmem:$0x1D000] =	vst v63  }
0x5d: {  	_ =	swait.ge [sflag:s18], $0x2000  }
0x5e: {  	[sflag:s18] =	ssyncset.done $0x0  }
0x5f: {  	s11 =	rddreg [dreg:$0xf];
	[sflag:s18] =	ssyncadd.s32 $0xFFFFE000  }
0x60: {  	[spmem:s3] =	stream.indirect.scatter.add.f32 [tilespmem:s15], [sflag:$0x2], $0x40, s11, s14, $0xb8;
	[tilespmem:$0x1D000] =	vst v63  }
0x61: {  	_ =	swait.ge [sflag:s20], $0x2000  }
0x62: {  	[sflag:s20] =	ssyncset.done $0x0  }
0x63: {  	s8 =	rddreg [dreg:$0x10];
	[sflag:s20] =	ssyncadd.s32 $0xFFFFE000  }
0x64: {  	[tilespmem:s19], [sflag:$0x1] =	stream.indirect.gather [spmem:s2], $0x40, s8, s14, $0xb8;
	[tilespmem:$0x1D000] =	vst v63  }
0x65: {  	_ =	swait.ge [sflag:s18], $0x2000  }
0x66: {  	[sflag:s18] =	ssyncset.done $0x0  }
0x67: {  	s9 =	rddreg [dreg:$0x11];
	[sflag:s18] =	ssyncadd.s32 $0xFFFFE000  }
0x68: {  	[spmem:s3] =	stream.indirect.scatter.add.f32 [tilespmem:s16], [sflag:$0x2], $0x40, s9, s14, $0xb8;
	[tilespmem:$0x1D000] =	vst v63  }
0x69: {  	_ =	swait.ge [sflag:s20], $0x2000  }
0x6a: {  	[sflag:s20] =	ssyncset.done $0x0  }
0x6b: {  	s11 =	rddreg [dreg:$0x12];
	[sflag:s20] =	ssyncadd.s32 $0xFFFFE000  }
0x6c: {  	[tilespmem:s15], [sflag:$0x1] =	stream.indirect.gather [spmem:s2], $0x40, s11, s14, $0xb8;
	[tilespmem:$0x1D000] =	vst v63  }
0x6d: {  	_ =	swait.ge [sflag:s18], $0x2000  }
0x6e: {  	[sflag:s18] =	ssyncset.done $0x0  }
0x6f: {  	s8 =	rddreg [dreg:$0x13];
	[sflag:s18] =	ssyncadd.s32 $0xFFFFE000  }
0x70: {  	[spmem:s3] =	stream.indirect.scatter.add.f32 [tilespmem:s17], [sflag:$0x2], $0x40, s8, s14, $0xb8;
	[tilespmem:$0x1D000] =	vst v63  }
0x71: {  	_ =	swait.ge [sflag:s20], $0x2000  }
0x72: {  	[sflag:s20] =	ssyncset.done $0x0  }
0x73: {  	s9 =	rddreg [dreg:$0x14];
	[sflag:s20] =	ssyncadd.s32 $0xFFFFE000  }
0x74: {  	[tilespmem:s16], [sflag:$0x1] =	stream.indirect.gather [spmem:s2], $0x40, s9, s14, $0xb8;
	[tilespmem:$0x1D000] =	vst v63  }
0x75: {  	_ =	swait.ge [sflag:s18], $0x2000  }
0x76: {  	[sflag:s18] =	ssyncset.done $0x0  }
0x77: {  	s11 =	rddreg [dreg:$0x15];
	[sflag:s18] =	ssyncadd.s32 $0xFFFFE000  }
0x78: {  	[spmem:s3] =	stream.indirect.scatter.add.f32 [tilespmem:s19], [sflag:$0x2], $0x40, s11, s14, $0xb8;
	[tilespmem:$0x1D000] =	vst v63  }
0x79: {  	_ =	swait.ge [sflag:s20], $0x2000  }
0x7a: {  	[sflag:s20] =	ssyncset.done $0x0  }
0x7b: {  	[sflag:s20] =	ssyncadd.s32 $0xFFFFE000  }
0x7c: {  	[tilespmem:s17], [sflag:$0x1] =	stream.indirect.gather [spmem:s2], $0x40, s21, s14, $0xb8;
	[tilespmem:$0x1D000] =	vst v63  }
0x7d: {  	_ =	swait.ge [sflag:s18], $0x2000  }
0x7e: {  	[sflag:s18] =	ssyncset.done $0x0  }
0x7f: {  	[sflag:s18] =	ssyncadd.s32 $0xFFFFE000  }
0x80: {  	[spmem:s3] =	stream.indirect.scatter.add.f32 [tilespmem:s15], [sflag:$0x2], $0x40, s22, s14, $0xb8;
	[tilespmem:$0x1D000] =	vst v63  }
0x81: {  	_ =	swait.ge [sflag:s20], $0x2000  }
0x82: {  	[sflag:s20] =	ssyncset.done $0x0  }
0x83: {  	[sflag:s20] =	ssyncadd.s32 $0xFFFFE000  }
0x84: {  	[tilespmem:s19], [sflag:$0x1] =	stream.indirect.gather [spmem:s2], $0x40, s23, s14, $0xb8;
	[tilespmem:$0x1D000] =	vst v63  }
0x85: {  	_ =	swait.ge [sflag:s18], $0x2000  }
0x86: {  	[sflag:s18] =	ssyncset.done $0x0  }
0x87: {  	[sflag:s18] =	ssyncadd.s32 $0xFFFFE000  }
0x88: {  	[spmem:s3] =	stream.indirect.scatter.add.f32 [tilespmem:s16], [sflag:$0x2], $0x40, s24, s14, $0xb8;
	[tilespmem:$0x1D000] =	vst v63  }
0x89: {  	_ =	swait.ge [sflag:s20], $0x2000  }
0x8a: {  	[sflag:s20] =	ssyncset.done $0x0  }
0x8b: {  	[sflag:s20] =	ssyncadd.s32 $0xFFFFE000  }
0x8c: {  	[tilespmem:s15], [sflag:$0x1] =	stream.indirect.gather [spmem:s2], $0x40, s25, s14, $0xb8;
	[tilespmem:$0x1D000] =	vst v63  }
0x8d: {  	_ =	swait.ge [sflag:s18], $0x2000  }
0x8e: {  	[sflag:s18] =	ssyncset.done $0x0  }
0x8f: {  	[sflag:s18] =	ssyncadd.s32 $0xFFFFE000  }
0x90: {  	[spmem:s3] =	stream.indirect.scatter.add.f32 [tilespmem:s17], [sflag:$0x2], $0x40, s26, s14, $0xb8;
	[tilespmem:$0x1D000] =	vst v63  }
0x91: {  	_ =	swait.ge [sflag:s20], $0x2000  }
0x92: {  	[sflag:s20] =	ssyncset.done $0x0  }
0x93: {  	[sflag:s20] =	ssyncadd.s32 $0xFFFFE000  }
0x94: {  	[tilespmem:s16], [sflag:$0x1] =	stream.indirect.gather [spmem:s2], $0x40, s28, s14, $0xb8;
	[tilespmem:$0x1D000] =	vst v63  }
0x95: {  	_ =	swait.ge [sflag:s18], $0x2000  }
0x96: {  	[sflag:s18] =	ssyncset.done $0x0  }
0x97: {  	[sflag:s18] =	ssyncadd.s32 $0xFFFFE000  }
0x98: {  	[spmem:s3] =	stream.indirect.scatter.add.f32 [tilespmem:s19], [sflag:$0x2], $0x40, s29, s14, $0xb8;
	[tilespmem:$0x1D000] =	vst v63  }
0x99: {  	_ =	swait.ge [sflag:s20], $0x2000  }
0x9a: {  	[sflag:s20] =	ssyncset.done $0x0  }
0x9b: {  	[sflag:s20] =	ssyncadd.s32 $0xFFFFE000  }
0x9c: {  	[tilespmem:s17], [sflag:$0x1] =	stream.indirect.gather [spmem:s2], $0x40, s30, s14, $0xb8;
	[tilespmem:$0x1D000] =	vst v63  }
0x9d: {  	_ =	swait.ge [sflag:s18], $0x2000  }
0x9e: {  	[sflag:s18] =	ssyncset.done $0x0  }
0x9f: {  	[sflag:s18] =	ssyncadd.s32 $0xFFFFE000  }
0xa0: {  	[spmem:s3] =	stream.indirect.scatter.add.f32 [tilespmem:s15], [sflag:$0x2], $0x40, s31, s14, $0xb8;
	[tilespmem:$0x1D000] =	vst v63  }
0xa1: {  	_ =	swait.ge [sflag:s20], $0x2000  }
0xa2: {  	[sflag:s20] =	ssyncset.done $0x0  }
0xa3: {  	[sflag:s20] =	ssyncadd.s32 $0xFFFFE000  }
0xa4: {  	[tilespmem:s19], [sflag:$0x1] =	stream.indirect.gather [spmem:s2], $0x40, s1, s14, $0xb8;
	[tilespmem:$0x1D000] =	vst v63  }
0xa5: {  	_ =	swait.ge [sflag:s18], $0x2000  }
0xa6: {  	[sflag:s18] =	ssyncset.done $0x0  }
0xa7: {  	[sflag:s18] =	ssyncadd.s32 $0xFFFFE000  }
0xa8: {  	[spmem:s3] =	stream.indirect.scatter.add.f32 [tilespmem:s16], [sflag:$0x2], $0x40, s0, s14, $0xb8;
	[tilespmem:$0x1D000] =	vst v63  }
0xa9: {  	_ =	swait.ge [sflag:s20], $0x2000  }
0xaa: {  	[sflag:s20] =	ssyncset.done $0x0  }
0xab: {  	[sflag:s20] =	ssyncadd.s32 $0xFFFFE000  }
0xac: {  	_ =	swait.ge [sflag:s18], $0x2000  }
0xad: {  	[sflag:s18] =	ssyncset.done $0x0  }
0xae: {  	[sflag:s18] =	ssyncadd.s32 $0xFFFFE000  }
0xaf: {  	[spmem:s3] =	stream.indirect.scatter.add.f32 [tilespmem:s17], [sflag:$0x2], $0x40, s5, s14, $0xb8;
	[tilespmem:$0x1D000] =	vst v63  }
0xb0: {  	_ =	swait.ge [sflag:s20], $0x2000  }
0xb1: {  	[sflag:s20] =	ssyncset.done $0x0  }
0xb2: {  	[sflag:s20] =	ssyncadd.s32 $0xFFFFE000  }
0xb3: {  	_ =	swait.ge [sflag:s18], $0x2000  }
0xb4: {  	[sflag:s18] =	ssyncset.done $0x0  }
0xb5: {  	[sflag:s18] =	ssyncadd.s32 $0xFFFFE000  }
0xb6: {  	[spmem:s3] =	stream.indirect.scatter.add.f32 [tilespmem:s19], [sflag:$0x2], $0x40, s6, s14, $0xb8;
	[tilespmem:$0x1D000] =	vst v63  }
0xb7: {  	_ =	swait.ge [sflag:s20], $0x2000  }
0xb8: {  	[sflag:s20] =	ssyncset.done $0x0  }
0xb9: {  	[sflag:s20] =	ssyncadd.s32 $0xFFFFE000  }
0xba: {  	s7 =	simm.s32 $0x100;
	_ =	swait.ge [sflag:s20], $0x2000  }
0xbb: {  	s11 =	simm.s32 $0x200;
	s8 =	rddreg [dreg:$0x5];
	[sflag:s20] =	ssyncset.done $0x0  }
.LBB2_2:
0xbc: {  	[sflag:s20] =	ssyncadd.s32 $0xFFFFE000;
	s8 =	sadd.s32 s7, s8  }
0xbd: {  	[tilespmem:s12], [sflag:$0x3] =	stream.linear.gather [hbm4b:s8+s4], $0x800, $0x38;
	[tilespmem:$0x1D000] =	vst v63  }
0xbe: {  	_ =	swait.ge [sflag:s10], $0x800  }
0xbf: {  	s8 =	rddreg [dreg:$0x4];
	[sflag:s10] =	ssyncset.done $0x0  }
0xc0: {  	[sflag:s10] =	ssyncadd.s32 $0xFFFFF800;
	s8 =	sadd.s32 s7, s8  }
0xc1: {  	[tilespmem:s13], [sflag:$0x3] =	stream.linear.gather [hbm4b:s8+s4], $0x800, $0x38;
	[tilespmem:$0x1D000] =	vst v63  }
0xc2: {  	_ =	swait.ge [sflag:s10], $0x800  }
0xc3: {  	[sflag:s10] =	ssyncset.done $0x0  }
0xc4: {  	[sflag:s10] =	ssyncadd.s32 $0xFFFFF800  }
0xc5: {  	[tilespmem:s15], [sflag:$0x1] =	stream.indirect.gather [spmem:s2], $0x40, s12, s14, $0xb8;
	[tilespmem:$0x1D000] =	vst v63  }
0xc6: {  	s9 =	smov.u32 s11;
	s8 =	rddreg [dreg:$0x6]  }
0xc7: {  	[tilespmem:s16], [sflag:$0x1] =	stream.indirect.gather [spmem:s2], $0x40, s8, s14, $0xb8;
	[tilespmem:$0x1D000] =	vst v63  }
0xc8: {  	s7 =	smov.u32 s9;
	s9 =	rddreg [dreg:$0x7]  }
0xc9: {  	[tilespmem:s17], [sflag:$0x1] =	stream.indirect.gather [spmem:s2], $0x40, s9, s14, $0xb8;
	[tilespmem:$0x1D000] =	vst v63  }
0xca: {  	_ =	swait.ge [sflag:s18], $0x2000  }
0xcb: {  	[sflag:s18] =	ssyncset.done $0x0  }
0xcc: {  	[sflag:s18] =	ssyncadd.s32 $0xFFFFE000  }
0xcd: {  	[spmem:s3] =	stream.indirect.scatter.add.f32 [tilespmem:s15], [sflag:$0x2], $0x40, s13, s14, $0xb8;
	[tilespmem:$0x1D000] =	vst v63  }
0xce: {  	s9 =	rddreg [dreg:$0x8]  }
0xcf: {  	[tilespmem:s19], [sflag:$0x1] =	stream.indirect.gather [spmem:s2], $0x40, s9, s14, $0xb8;
	[tilespmem:$0x1D000] =	vst v63  }
0xd0: {  	_ =	swait.ge [sflag:s18], $0x2000  }
0xd1: {  	[sflag:s18] =	ssyncset.done $0x0  }
0xd2: {  	s9 =	rddreg [dreg:$0x9];
	[sflag:s18] =	ssyncadd.s32 $0xFFFFE000  }
0xd3: {  	[spmem:s3] =	stream.indirect.scatter.add.f32 [tilespmem:s16], [sflag:$0x2], $0x40, s9, s14, $0xb8;
	[tilespmem:$0x1D000] =	vst v63  }
0xd4: {  	_ =	swait.ge [sflag:s20], $0x2000  }
0xd5: {  	[sflag:s20] =	ssyncset.done $0x0  }
0xd6: {  	s9 =	rddreg [dreg:$0xa];
	[sflag:s20] =	ssyncadd.s32 $0xFFFFE000  }
0xd7: {  	[tilespmem:s15], [sflag:$0x1] =	stream.indirect.gather [spmem:s2], $0x40, s9, s14, $0xb8;
	[tilespmem:$0x1D000] =	vst v63  }
0xd8: {  	_ =	swait.ge [sflag:s18], $0x2000  }
0xd9: {  	[sflag:s18] =	ssyncset.done $0x0  }
0xda: {  	s9 =	rddreg [dreg:$0xb];
	[sflag:s18] =	ssyncadd.s32 $0xFFFFE000  }
0xdb: {  	[spmem:s3] =	stream.indirect.scatter.add.f32 [tilespmem:s17], [sflag:$0x2], $0x40, s9, s14, $0xb8;
	[tilespmem:$0x1D000] =	vst v63  }
0xdc: {  	_ =	swait.ge [sflag:s20], $0x2000  }
0xdd: {  	[sflag:s20] =	ssyncset.done $0x0  }
0xde: {  	s9 =	rddreg [dreg:$0xc];
	[sflag:s20] =	ssyncadd.s32 $0xFFFFE000  }
0xdf: {  	[tilespmem:s16], [sflag:$0x1] =	stream.indirect.gather [spmem:s2], $0x40, s9, s14, $0xb8;
	[tilespmem:$0x1D000] =	vst v63  }
0xe0: {  	_ =	swait.ge [sflag:s18], $0x2000  }
0xe1: {  	[sflag:s18] =	ssyncset.done $0x0  }
0xe2: {  	s9 =	rddreg [dreg:$0xd];
	[sflag:s18] =	ssyncadd.s32 $0xFFFFE000  }
0xe3: {  	[spmem:s3] =	stream.indirect.scatter.add.f32 [tilespmem:s19], [sflag:$0x2], $0x40, s9, s14, $0xb8;
	[tilespmem:$0x1D000] =	vst v63  }
0xe4: {  	_ =	swait.ge [sflag:s20], $0x2000  }
0xe5: {  	[sflag:s20] =	ssyncset.done $0x0  }
0xe6: {  	s9 =	rddreg [dreg:$0xe];
	[sflag:s20] =	ssyncadd.s32 $0xFFFFE000  }
0xe7: {  	[tilespmem:s17], [sflag:$0x1] =	stream.indirect.gather [spmem:s2], $0x40, s9, s14, $0xb8;
	[tilespmem:$0x1D000] =	vst v63  }
0xe8: {  	_ =	swait.ge [sflag:s18], $0x2000  }
0xe9: {  	[sflag:s18] =	ssyncset.done $0x0  }
0xea: {  	s9 =	rddreg [dreg:$0xf];
	[sflag:s18] =	ssyncadd.s32 $0xFFFFE000  }
0xeb: {  	[spmem:s3] =	stream.indirect.scatter.add.f32 [tilespmem:s15], [sflag:$0x2], $0x40, s9, s14, $0xb8;
	[tilespmem:$0x1D000] =	vst v63  }
0xec: {  	_ =	swait.ge [sflag:s20], $0x2000  }
0xed: {  	[sflag:s20] =	ssyncset.done $0x0  }
0xee: {  	s9 =	rddreg [dreg:$0x10];
	[sflag:s20] =	ssyncadd.s32 $0xFFFFE000  }
0xef: {  	[tilespmem:s19], [sflag:$0x1] =	stream.indirect.gather [spmem:s2], $0x40, s9, s14, $0xb8;
	[tilespmem:$0x1D000] =	vst v63  }
0xf0: {  	_ =	swait.ge [sflag:s18], $0x2000  }
0xf1: {  	[sflag:s18] =	ssyncset.done $0x0  }
0xf2: {  	s9 =	rddreg [dreg:$0x11];
	[sflag:s18] =	ssyncadd.s32 $0xFFFFE000  }
0xf3: {  	[spmem:s3] =	stream.indirect.scatter.add.f32 [tilespmem:s16], [sflag:$0x2], $0x40, s9, s14, $0xb8;
	[tilespmem:$0x1D000] =	vst v63  }
0xf4: {  	_ =	swait.ge [sflag:s20], $0x2000  }
0xf5: {  	[sflag:s20] =	ssyncset.done $0x0  }
0xf6: {  	s9 =	rddreg [dreg:$0x12];
	[sflag:s20] =	ssyncadd.s32 $0xFFFFE000  }
0xf7: {  	[tilespmem:s15], [sflag:$0x1] =	stream.indirect.gather [spmem:s2], $0x40, s9, s14, $0xb8;
	[tilespmem:$0x1D000] =	vst v63  }
0xf8: {  	_ =	swait.ge [sflag:s18], $0x2000  }
0xf9: {  	[sflag:s18] =	ssyncset.done $0x0  }
0xfa: {  	s9 =	rddreg [dreg:$0x13];
	[sflag:s18] =	ssyncadd.s32 $0xFFFFE000  }
0xfb: {  	[spmem:s3] =	stream.indirect.scatter.add.f32 [tilespmem:s17], [sflag:$0x2], $0x40, s9, s14, $0xb8;
	[tilespmem:$0x1D000] =	vst v63  }
0xfc: {  	_ =	swait.ge [sflag:s20], $0x2000  }
0xfd: {  	[sflag:s20] =	ssyncset.done $0x0  }
0xfe: {  	s9 =	rddreg [dreg:$0x14];
	[sflag:s20] =	ssyncadd.s32 $0xFFFFE000  }
0xff: {  	[tilespmem:s16], [sflag:$0x1] =	stream.indirect.gather [spmem:s2], $0x40, s9, s14, $0xb8;
	[tilespmem:$0x1D000] =	vst v63  }
0x100: {  	_ =	swait.ge [sflag:s18], $0x2000  }
0x101: {  	[sflag:s18] =	ssyncset.done $0x0  }
0x102: {  	s9 =	rddreg [dreg:$0x15];
	[sflag:s18] =	ssyncadd.s32 $0xFFFFE000  }
0x103: {  	[spmem:s3] =	stream.indirect.scatter.add.f32 [tilespmem:s19], [sflag:$0x2], $0x40, s9, s14, $0xb8;
	[tilespmem:$0x1D000] =	vst v63  }
0x104: {  	_ =	swait.ge [sflag:s20], $0x2000  }
0x105: {  	[sflag:s20] =	ssyncset.done $0x0  }
0x106: {  	[sflag:s20] =	ssyncadd.s32 $0xFFFFE000  }
0x107: {  	[tilespmem:s17], [sflag:$0x1] =	stream.indirect.gather [spmem:s2], $0x40, s21, s14, $0xb8;
	[tilespmem:$0x1D000] =	vst v63  }
0x108: {  	_ =	swait.ge [sflag:s18], $0x2000  }
0x109: {  	[sflag:s18] =	ssyncset.done $0x0  }
0x10a: {  	[sflag:s18] =	ssyncadd.s32 $0xFFFFE000  }
0x10b: {  	[spmem:s3] =	stream.indirect.scatter.add.f32 [tilespmem:s15], [sflag:$0x2], $0x40, s22, s14, $0xb8;
	[tilespmem:$0x1D000] =	vst v63  }
0x10c: {  	_ =	swait.ge [sflag:s20], $0x2000  }
0x10d: {  	[sflag:s20] =	ssyncset.done $0x0  }
0x10e: {  	[sflag:s20] =	ssyncadd.s32 $0xFFFFE000  }
0x10f: {  	[tilespmem:s19], [sflag:$0x1] =	stream.indirect.gather [spmem:s2], $0x40, s23, s14, $0xb8;
	[tilespmem:$0x1D000] =	vst v63  }
0x110: {  	_ =	swait.ge [sflag:s18], $0x2000  }
0x111: {  	[sflag:s18] =	ssyncset.done $0x0  }
0x112: {  	[sflag:s18] =	ssyncadd.s32 $0xFFFFE000  }
0x113: {  	[spmem:s3] =	stream.indirect.scatter.add.f32 [tilespmem:s16], [sflag:$0x2], $0x40, s24, s14, $0xb8;
	[tilespmem:$0x1D000] =	vst v63  }
0x114: {  	_ =	swait.ge [sflag:s20], $0x2000  }
0x115: {  	[sflag:s20] =	ssyncset.done $0x0  }
0x116: {  	[sflag:s20] =	ssyncadd.s32 $0xFFFFE000  }
0x117: {  	[tilespmem:s15], [sflag:$0x1] =	stream.indirect.gather [spmem:s2], $0x40, s25, s14, $0xb8;
	[tilespmem:$0x1D000] =	vst v63  }
0x118: {  	_ =	swait.ge [sflag:s18], $0x2000  }
0x119: {  	[sflag:s18] =	ssyncset.done $0x0  }
0x11a: {  	[sflag:s18] =	ssyncadd.s32 $0xFFFFE000  }
0x11b: {  	[spmem:s3] =	stream.indirect.scatter.add.f32 [tilespmem:s17], [sflag:$0x2], $0x40, s26, s14, $0xb8;
	[tilespmem:$0x1D000] =	vst v63  }
0x11c: {  	_ =	swait.ge [sflag:s20], $0x2000  }
0x11d: {  	[sflag:s20] =	ssyncset.done $0x0  }
0x11e: {  	[sflag:s20] =	ssyncadd.s32 $0xFFFFE000  }
0x11f: {  	[tilespmem:s16], [sflag:$0x1] =	stream.indirect.gather [spmem:s2], $0x40, s28, s14, $0xb8;
	[tilespmem:$0x1D000] =	vst v63  }
0x120: {  	_ =	swait.ge [sflag:s18], $0x2000  }
0x121: {  	[sflag:s18] =	ssyncset.done $0x0  }
0x122: {  	[sflag:s18] =	ssyncadd.s32 $0xFFFFE000  }
0x123: {  	[spmem:s3] =	stream.indirect.scatter.add.f32 [tilespmem:s19], [sflag:$0x2], $0x40, s29, s14, $0xb8;
	[tilespmem:$0x1D000] =	vst v63  }
0x124: {  	_ =	swait.ge [sflag:s20], $0x2000  }
0x125: {  	[sflag:s20] =	ssyncset.done $0x0  }
0x126: {  	[sflag:s20] =	ssyncadd.s32 $0xFFFFE000  }
0x127: {  	[tilespmem:s17], [sflag:$0x1] =	stream.indirect.gather [spmem:s2], $0x40, s30, s14, $0xb8;
	[tilespmem:$0x1D000] =	vst v63  }
0x128: {  	_ =	swait.ge [sflag:s18], $0x2000  }
0x129: {  	[sflag:s18] =	ssyncset.done $0x0  }
0x12a: {  	[sflag:s18] =	ssyncadd.s32 $0xFFFFE000  }
0x12b: {  	[spmem:s3] =	stream.indirect.scatter.add.f32 [tilespmem:s15], [sflag:$0x2], $0x40, s31, s14, $0xb8;
	[tilespmem:$0x1D000] =	vst v63  }
0x12c: {  	_ =	swait.ge [sflag:s20], $0x2000  }
0x12d: {  	[sflag:s20] =	ssyncset.done $0x0  }
0x12e: {  	[sflag:s20] =	ssyncadd.s32 $0xFFFFE000  }
0x12f: {  	[tilespmem:s19], [sflag:$0x1] =	stream.indirect.gather [spmem:s2], $0x40, s1, s14, $0xb8;
	[tilespmem:$0x1D000] =	vst v63  }
0x130: {  	_ =	swait.ge [sflag:s18], $0x2000  }
0x131: {  	[sflag:s18] =	ssyncset.done $0x0  }
0x132: {  	[sflag:s18] =	ssyncadd.s32 $0xFFFFE000  }
0x133: {  	[spmem:s3] =	stream.indirect.scatter.add.f32 [tilespmem:s16], [sflag:$0x2], $0x40, s0, s14, $0xb8;
	[tilespmem:$0x1D000] =	vst v63  }
0x134: {  	_ =	swait.ge [sflag:s20], $0x2000  }
0x135: {  	[sflag:s20] =	ssyncset.done $0x0  }
0x136: {  	[sflag:s20] =	ssyncadd.s32 $0xFFFFE000  }
0x137: {  	_ =	swait.ge [sflag:s18], $0x2000  }
0x138: {  	[sflag:s18] =	ssyncset.done $0x0  }
0x139: {  	[sflag:s18] =	ssyncadd.s32 $0xFFFFE000  }
0x13a: {  	[spmem:s3] =	stream.indirect.scatter.add.f32 [tilespmem:s17], [sflag:$0x2], $0x40, s5, s14, $0xb8;
	[tilespmem:$0x1D000] =	vst v63  }
0x13b: {  	_ =	swait.ge [sflag:s20], $0x2000  }
0x13c: {  	[sflag:s20] =	ssyncset.done $0x0  }
0x13d: {  	[sflag:s20] =	ssyncadd.s32 $0xFFFFE000  }
0x13e: {  	_ =	swait.ge [sflag:s18], $0x2000  }
0x13f: {  	[sflag:s18] =	ssyncset.done $0x0  }
0x140: {  	p0 =	sne.s32 s11, $0x900;
	[sflag:s18] =	ssyncadd.s32 $0xFFFFE000  }
0x141: {  	[spmem:s3] =	stream.indirect.scatter.add.f32 [tilespmem:s19], [sflag:$0x2], $0x40, s6, s14, $0xb8;
	[tilespmem:$0x1D000] =	vst v63  }
.Ltmp0:
0x142: {  	_ =	swait.ge [sflag:s20], $0x2000;
	(pc) =	sbr.rel @p0 .LBB2_2-.Ltmp0, $4  }
0x143: {  	[sflag:s20] =	ssyncset.done $0x0  }
0x144: {  	[sflag:s20] =	ssyncadd.s32 $0xFFFFE000  }
0x145: {  	_ =	swait.ge [sflag:s20], $0x2000  }
0x146: {  	s11 =	sadd.s32 $0x100, s11;
	s8 =	rddreg [dreg:$0x5];
	[sflag:s20] =	ssyncset.done $0x0  }
0x147: {  	[sflag:s20] =	ssyncadd.s32 $0xFFFFE000;
	s8 =	sadd.s32 s7, s8  }
0x148: {  	[tilespmem:s12], [sflag:$0x3] =	stream.linear.gather [hbm4b:s8+s4], $0x800, $0x38;
	[tilespmem:$0x1D000] =	vst v63  }
0x149: {  	_ =	swait.ge [sflag:s10], $0x800  }
0x14a: {  	s9 =	rddreg [dreg:$0x4];
	[sflag:s10] =	ssyncset.done $0x0  }
0x14b: {  	[sflag:s10] =	ssyncadd.s32 $0xFFFFF800;
	s11 =	sadd.s32 s7, s9  }
0x14c: {  	[tilespmem:s13], [sflag:$0x3] =	stream.linear.gather [hbm4b:s11+s4], $0x800, $0x38;
	[tilespmem:$0x1D000] =	vst v63  }
0x14d: {  	_ =	swait.ge [sflag:s10], $0x800  }
0x14e: {  	[sflag:s10] =	ssyncset.done $0x0  }
0x14f: {  	[sflag:s10] =	ssyncadd.s32 $0xFFFFF800  }
0x150: {  	[tilespmem:s15], [sflag:$0x1] =	stream.indirect.gather [spmem:s2], $0x40, s12, s14, $0xb8;
	[tilespmem:$0x1D000] =	vst v63  }
0x151: {  	s8 =	rddreg [dreg:$0x6]  }
0x152: {  	[tilespmem:s16], [sflag:$0x1] =	stream.indirect.gather [spmem:s2], $0x40, s8, s14, $0xb8;
	[tilespmem:$0x1D000] =	vst v63  }
0x153: {  	s9 =	rddreg [dreg:$0x7]  }
0x154: {  	[tilespmem:s17], [sflag:$0x1] =	stream.indirect.gather [spmem:s2], $0x40, s9, s14, $0xb8;
	[tilespmem:$0x1D000] =	vst v63  }
0x155: {  	_ =	swait.ge [sflag:s18], $0x2000  }
0x156: {  	[sflag:s18] =	ssyncset.done $0x0  }
0x157: {  	[sflag:s18] =	ssyncadd.s32 $0xFFFFE000  }
0x158: {  	[spmem:s3] =	stream.indirect.scatter.add.f32 [tilespmem:s15], [sflag:$0x2], $0x40, s13, s14, $0xb8;
	[tilespmem:$0x1D000] =	vst v63  }
0x159: {  	s11 =	rddreg [dreg:$0x8]  }
0x15a: {  	[tilespmem:s19], [sflag:$0x1] =	stream.indirect.gather [spmem:s2], $0x40, s11, s14, $0xb8;
	[tilespmem:$0x1D000] =	vst v63  }
0x15b: {  	_ =	swait.ge [sflag:s18], $0x2000  }
0x15c: {  	[sflag:s18] =	ssyncset.done $0x0  }
0x15d: {  	s8 =	rddreg [dreg:$0x9];
	[sflag:s18] =	ssyncadd.s32 $0xFFFFE000  }
0x15e: {  	[spmem:s3] =	stream.indirect.scatter.add.f32 [tilespmem:s16], [sflag:$0x2], $0x40, s8, s14, $0xb8;
	[tilespmem:$0x1D000] =	vst v63  }
0x15f: {  	_ =	swait.ge [sflag:s20], $0x2000  }
0x160: {  	[sflag:s20] =	ssyncset.done $0x0  }
0x161: {  	s9 =	rddreg [dreg:$0xa];
	[sflag:s20] =	ssyncadd.s32 $0xFFFFE000  }
0x162: {  	[tilespmem:s15], [sflag:$0x1] =	stream.indirect.gather [spmem:s2], $0x40, s9, s14, $0xb8;
	[tilespmem:$0x1D000] =	vst v63  }
0x163: {  	_ =	swait.ge [sflag:s18], $0x2000  }
0x164: {  	[sflag:s18] =	ssyncset.done $0x0  }
0x165: {  	s11 =	rddreg [dreg:$0xb];
	[sflag:s18] =	ssyncadd.s32 $0xFFFFE000  }
0x166: {  	[spmem:s3] =	stream.indirect.scatter.add.f32 [tilespmem:s17], [sflag:$0x2], $0x40, s11, s14, $0xb8;
	[tilespmem:$0x1D000] =	vst v63  }
0x167: {  	_ =	swait.ge [sflag:s20], $0x2000  }
0x168: {  	[sflag:s20] =	ssyncset.done $0x0  }
0x169: {  	s8 =	rddreg [dreg:$0xc];
	[sflag:s20] =	ssyncadd.s32 $0xFFFFE000  }
0x16a: {  	[tilespmem:s16], [sflag:$0x1] =	stream.indirect.gather [spmem:s2], $0x40, s8, s14, $0xb8;
	[tilespmem:$0x1D000] =	vst v63  }
0x16b: {  	_ =	swait.ge [sflag:s18], $0x2000  }
0x16c: {  	[sflag:s18] =	ssyncset.done $0x0  }
0x16d: {  	s9 =	rddreg [dreg:$0xd];
	[sflag:s18] =	ssyncadd.s32 $0xFFFFE000  }
0x16e: {  	[spmem:s3] =	stream.indirect.scatter.add.f32 [tilespmem:s19], [sflag:$0x2], $0x40, s9, s14, $0xb8;
	[tilespmem:$0x1D000] =	vst v63  }
0x16f: {  	_ =	swait.ge [sflag:s20], $0x2000  }
0x170: {  	[sflag:s20] =	ssyncset.done $0x0  }
0x171: {  	s11 =	rddreg [dreg:$0xe];
	[sflag:s20] =	ssyncadd.s32 $0xFFFFE000  }
0x172: {  	[tilespmem:s17], [sflag:$0x1] =	stream.indirect.gather [spmem:s2], $0x40, s11, s14, $0xb8;
	[tilespmem:$0x1D000] =	vst v63  }
0x173: {  	_ =	swait.ge [sflag:s18], $0x2000  }
0x174: {  	[sflag:s18] =	ssyncset.done $0x0  }
0x175: {  	s8 =	rddreg [dreg:$0xf];
	[sflag:s18] =	ssyncadd.s32 $0xFFFFE000  }
0x176: {  	[spmem:s3] =	stream.indirect.scatter.add.f32 [tilespmem:s15], [sflag:$0x2], $0x40, s8, s14, $0xb8;
	[tilespmem:$0x1D000] =	vst v63  }
0x177: {  	_ =	swait.ge [sflag:s20], $0x2000  }
0x178: {  	[sflag:s20] =	ssyncset.done $0x0  }
0x179: {  	s9 =	rddreg [dreg:$0x10];
	[sflag:s20] =	ssyncadd.s32 $0xFFFFE000  }
0x17a: {  	[tilespmem:s19], [sflag:$0x1] =	stream.indirect.gather [spmem:s2], $0x40, s9, s14, $0xb8;
	[tilespmem:$0x1D000] =	vst v63  }
0x17b: {  	_ =	swait.ge [sflag:s18], $0x2000  }
0x17c: {  	[sflag:s18] =	ssyncset.done $0x0  }
0x17d: {  	s11 =	rddreg [dreg:$0x11];
	[sflag:s18] =	ssyncadd.s32 $0xFFFFE000  }
0x17e: {  	[spmem:s3] =	stream.indirect.scatter.add.f32 [tilespmem:s16], [sflag:$0x2], $0x40, s11, s14, $0xb8;
	[tilespmem:$0x1D000] =	vst v63  }
0x17f: {  	_ =	swait.ge [sflag:s20], $0x2000  }
0x180: {  	[sflag:s20] =	ssyncset.done $0x0  }
0x181: {  	s8 =	rddreg [dreg:$0x12];
	[sflag:s20] =	ssyncadd.s32 $0xFFFFE000  }
0x182: {  	[tilespmem:s15], [sflag:$0x1] =	stream.indirect.gather [spmem:s2], $0x40, s8, s14, $0xb8;
	[tilespmem:$0x1D000] =	vst v63  }
0x183: {  	_ =	swait.ge [sflag:s18], $0x2000  }
0x184: {  	[sflag:s18] =	ssyncset.done $0x0  }
0x185: {  	s9 =	rddreg [dreg:$0x13];
	[sflag:s18] =	ssyncadd.s32 $0xFFFFE000  }
0x186: {  	[spmem:s3] =	stream.indirect.scatter.add.f32 [tilespmem:s17], [sflag:$0x2], $0x40, s9, s14, $0xb8;
	[tilespmem:$0x1D000] =	vst v63  }
0x187: {  	_ =	swait.ge [sflag:s20], $0x2000  }
0x188: {  	[sflag:s20] =	ssyncset.done $0x0  }
0x189: {  	s11 =	rddreg [dreg:$0x14];
	[sflag:s20] =	ssyncadd.s32 $0xFFFFE000  }
0x18a: {  	[tilespmem:s16], [sflag:$0x1] =	stream.indirect.gather [spmem:s2], $0x40, s11, s14, $0xb8;
	[tilespmem:$0x1D000] =	vst v63  }
0x18b: {  	_ =	swait.ge [sflag:s18], $0x2000  }
0x18c: {  	[sflag:s18] =	ssyncset.done $0x0  }
0x18d: {  	s8 =	rddreg [dreg:$0x15];
	[sflag:s18] =	ssyncadd.s32 $0xFFFFE000  }
0x18e: {  	[spmem:s3] =	stream.indirect.scatter.add.f32 [tilespmem:s19], [sflag:$0x2], $0x40, s8, s14, $0xb8;
	[tilespmem:$0x1D000] =	vst v63  }
0x18f: {  	_ =	swait.ge [sflag:s20], $0x2000  }
0x190: {  	[sflag:s20] =	ssyncset.done $0x0  }
0x191: {  	[sflag:s20] =	ssyncadd.s32 $0xFFFFE000  }
0x192: {  	[tilespmem:s17], [sflag:$0x1] =	stream.indirect.gather [spmem:s2], $0x40, s21, s14, $0xb8;
	[tilespmem:$0x1D000] =	vst v63  }
0x193: {  	_ =	swait.ge [sflag:s18], $0x2000  }
0x194: {  	[sflag:s18] =	ssyncset.done $0x0  }
0x195: {  	[sflag:s18] =	ssyncadd.s32 $0xFFFFE000  }
0x196: {  	[spmem:s3] =	stream.indirect.scatter.add.f32 [tilespmem:s15], [sflag:$0x2], $0x40, s22, s14, $0xb8;
	[tilespmem:$0x1D000] =	vst v63  }
0x197: {  	_ =	swait.ge [sflag:s20], $0x2000  }
0x198: {  	[sflag:s20] =	ssyncset.done $0x0  }
0x199: {  	[sflag:s20] =	ssyncadd.s32 $0xFFFFE000  }
0x19a: {  	[tilespmem:s19], [sflag:$0x1] =	stream.indirect.gather [spmem:s2], $0x40, s23, s14, $0xb8;
	[tilespmem:$0x1D000] =	vst v63  }
0x19b: {  	_ =	swait.ge [sflag:s18], $0x2000  }
0x19c: {  	[sflag:s18] =	ssyncset.done $0x0  }
0x19d: {  	[sflag:s18] =	ssyncadd.s32 $0xFFFFE000  }
0x19e: {  	[spmem:s3] =	stream.indirect.scatter.add.f32 [tilespmem:s16], [sflag:$0x2], $0x40, s24, s14, $0xb8;
	[tilespmem:$0x1D000] =	vst v63  }
0x19f: {  	_ =	swait.ge [sflag:s20], $0x2000  }
0x1a0: {  	[sflag:s20] =	ssyncset.done $0x0  }
0x1a1: {  	[sflag:s20] =	ssyncadd.s32 $0xFFFFE000  }
0x1a2: {  	[tilespmem:s15], [sflag:$0x1] =	stream.indirect.gather [spmem:s2], $0x40, s25, s14, $0xb8;
	[tilespmem:$0x1D000] =	vst v63  }
0x1a3: {  	_ =	swait.ge [sflag:s18], $0x2000  }
0x1a4: {  	[sflag:s18] =	ssyncset.done $0x0  }
0x1a5: {  	[sflag:s18] =	ssyncadd.s32 $0xFFFFE000  }
0x1a6: {  	[spmem:s3] =	stream.indirect.scatter.add.f32 [tilespmem:s17], [sflag:$0x2], $0x40, s26, s14, $0xb8;
	[tilespmem:$0x1D000] =	vst v63  }
0x1a7: {  	_ =	swait.ge [sflag:s20], $0x2000  }
0x1a8: {  	[sflag:s20] =	ssyncset.done $0x0  }
0x1a9: {  	[sflag:s20] =	ssyncadd.s32 $0xFFFFE000  }
0x1aa: {  	[tilespmem:s16], [sflag:$0x1] =	stream.indirect.gather [spmem:s2], $0x40, s28, s14, $0xb8;
	[tilespmem:$0x1D000] =	vst v63  }
0x1ab: {  	_ =	swait.ge [sflag:s18], $0x2000  }
0x1ac: {  	[sflag:s18] =	ssyncset.done $0x0  }
0x1ad: {  	[sflag:s18] =	ssyncadd.s32 $0xFFFFE000  }
0x1ae: {  	[spmem:s3] =	stream.indirect.scatter.add.f32 [tilespmem:s19], [sflag:$0x2], $0x40, s29, s14, $0xb8;
	[tilespmem:$0x1D000] =	vst v63  }
0x1af: {  	_ =	swait.ge [sflag:s20], $0x2000  }
0x1b0: {  	[sflag:s20] =	ssyncset.done $0x0  }
0x1b1: {  	[sflag:s20] =	ssyncadd.s32 $0xFFFFE000  }
0x1b2: {  	[tilespmem:s17], [sflag:$0x1] =	stream.indirect.gather [spmem:s2], $0x40, s30, s14, $0xb8;
	[tilespmem:$0x1D000] =	vst v63  }
0x1b3: {  	_ =	swait.ge [sflag:s18], $0x2000  }
0x1b4: {  	[sflag:s18] =	ssyncset.done $0x0  }
0x1b5: {  	[sflag:s18] =	ssyncadd.s32 $0xFFFFE000  }
0x1b6: {  	[spmem:s3] =	stream.indirect.scatter.add.f32 [tilespmem:s15], [sflag:$0x2], $0x40, s31, s14, $0xb8;
	[tilespmem:$0x1D000] =	vst v63  }
0x1b7: {  	_ =	swait.ge [sflag:s20], $0x2000  }
0x1b8: {  	[sflag:s20] =	ssyncset.done $0x0  }
0x1b9: {  	[sflag:s20] =	ssyncadd.s32 $0xFFFFE000  }
0x1ba: {  	[tilespmem:s19], [sflag:$0x1] =	stream.indirect.gather [spmem:s2], $0x40, s1, s14, $0xb8;
	[tilespmem:$0x1D000] =	vst v63  }
0x1bb: {  	_ =	swait.ge [sflag:s18], $0x2000  }
0x1bc: {  	[sflag:s18] =	ssyncset.done $0x0  }
0x1bd: {  	[sflag:s18] =	ssyncadd.s32 $0xFFFFE000  }
0x1be: {  	[spmem:s3] =	stream.indirect.scatter.add.f32 [tilespmem:s16], [sflag:$0x2], $0x40, s0, s14, $0xb8;
	[tilespmem:$0x1D000] =	vst v63  }
0x1bf: {  	_ =	swait.ge [sflag:s20], $0x2000  }
0x1c0: {  	[sflag:s20] =	ssyncset.done $0x0  }
0x1c1: {  	[sflag:s20] =	ssyncadd.s32 $0xFFFFE000  }
0x1c2: {  	_ =	swait.ge [sflag:s18], $0x2000  }
0x1c3: {  	[sflag:s18] =	ssyncset.done $0x0  }
0x1c4: {  	[sflag:s18] =	ssyncadd.s32 $0xFFFFE000  }
0x1c5: {  	[spmem:s3] =	stream.indirect.scatter.add.f32 [tilespmem:s17], [sflag:$0x2], $0x40, s5, s14, $0xb8;
	[tilespmem:$0x1D000] =	vst v63  }
0x1c6: {  	_ =	swait.ge [sflag:s20], $0x2000  }
0x1c7: {  	[sflag:s20] =	ssyncset.done $0x0  }
0x1c8: {  	[sflag:s20] =	ssyncadd.s32 $0xFFFFE000  }
0x1c9: {  	_ =	swait.ge [sflag:s18], $0x2000  }
0x1ca: {  	[sflag:s18] =	ssyncset.done $0x0  }
0x1cb: {  	[sflag:s18] =	ssyncadd.s32 $0xFFFFE000  }
0x1cc: {  	[spmem:s3] =	stream.indirect.scatter.add.f32 [tilespmem:s19], [sflag:$0x2], $0x40, s6, s14, $0xb8;
	[tilespmem:$0x1D000] =	vst v63  }
0x1cd: {  	_ =	swait.ge [sflag:s20], $0x2000  }
0x1ce: {  	[sflag:s20] =	ssyncset.done $0x0  }
0x1cf: {  	[sflag:s20] =	ssyncadd.s32 $0xFFFFE000  }
0x1d0: {  	_ =	swait.ge [sflag:s20], $0x2000  }
0x1d1: {  	[sflag:s20] =	ssyncset.done $0x0  }
0x1d2: {  	[sflag:s20] =	ssyncadd.s32 $0xFFFFE000  }
0x1d3: {  	[bflag:$0x0] =	sbarrier.arrive $0xFFFF  }
0x1d4: {  	s9 =	rddreg [dreg:$0x16]  }
0x1d5: {  	s8 =	rddreg [dreg:$0x19]  }
0x1d6: {  	s11 =	rddreg [dreg:$0x1b]  }
0x1d7: {  	[hbm:s9], [sflag:s8] =	dma.local [spmem:s11], $0x1400  }
0x1d8: {  	_ =	swait.ge [sflag:s10], $0x1400  }
0x1d9: {  	s9 =	rddreg [dreg:$0x1c]  }
0x1da: {  	s7 =	rddreg [dreg:$0x17];
	s9 =	sadd.s32 $0x1, s9  }
0x1db: {  	p0 =	sne.s32 s9, s7  }
.Ltmp1:
0x1dc: {  	_ = 	snop;
	(pc) =	sbr.rel @p0 .LBB2_1-.Ltmp1, $3  }
0x1dd: {  	_ =	sdelay $0x1  }
0x1de: {  	[sflag:s10] =	ssyncset.done $0x0  }
0x1df: {  	[sflag:s10] =	ssyncadd.s32 $0xFFFFEC00  }
0x1e0: {  	_ =	sfence.sel $0x180000  }
0x1e1: {  	[bflag:$0x0] =	sbarrier.arrive $0xFFFF  }
0x1e2: {  	_ =	strace $0x9000004A  }
0x1e3: {  	s0 =	stileid.u32;
	[bflag:$0x2] =	sbarrier.arrive $0xFFFF  }
0x1e4: {  	p0 =	sne.s32 s0, $0x0;
	s0 =	rddreg [dreg:$0x3]  }
0x1e5: {  	s0 =	sadd.s32 @!p0 $0x100000, s0  }
0x1e6: {  	[sflag:s0] =	ssyncadd.tile.s32 @!p0 $0x1;
	_ =	shalt  }
.Lfunc_end2:
_tile_overlayer_lowered:
.L_overlay_start_2:
0x1e7: {  	(tag) =	ssettag $0x2  }
0x1e8: {  	s0 =	rddreg [dreg:$0x0];
	s2 =	stileid.u32  }
0x1e9: {  	s1 =	rddreg [dreg:$0x1];
	p0 =	sne.s32 s2, $0x0  }
0x1ea: {  	s3 =	rddreg [dreg:$0x2];
	[bflag:$0x3] =	sbarrier.arrive $0xFFFF;
	s2 =	simm.s32 @!p0 $0x1C03  }
0x1eb: {  	[timem:s3], [sflag:s2] =	dma.local @!p0 [hbm:s0], s1  }
0x1ec: {  	s0 =	simm.s32 @!p0 $0x3  }
0x1ed: {  	_ =	swait.ge @!p0 [sflag:s0], s1  }
0x1ee: {  	s1 =	ssub.s32 @!p0 $0x0, s1;
	[sflag:s0] =	ssyncset.done @!p0 $0x0  }
0x1ef: {  	[sflag:s0] =	ssyncadd.s32 @!p0 s1  }
0x1f0: {  	[bflag:$0x3] =	sbarrier.arrive $0xFFFF  }
0x1f1: {  	_ =	shalt  }

// kernel: kernel.14.cloned.1.call-start
scs
__scs_entry_jumppad:
0x0: {  	(pc) =	sbr.rel $0x88, $3  }
0x1: {  	(tag) =	ssettag $0x0;
	lr =	simm.s32 $0x1  }
0x2: {  	[smem:$0x3F8F] =	sst lr;
	_ =	strace $0xD0000000  }
0x3: {  	_ = 	snop  }
0x4: {  	_ = 	snop  }
0x5: {  	_ = 	snop  }
0x6: {  	_ = 	snop  }
0x7: {  	_ = 	snop  }
__scs_overlays_trampoline_lowered:
0x8: {  	[smem:$0x3F9E] =	sst s0  }
0x9: {  	[smem:$0x3F9F] =	sst s1  }
0xa: {  	[smem:$0x3FA0] =	sst s2  }
0xb: {  	[smem:$0x3FA1] =	sst s3  }
0xc: {  	[smem:$0x3FA2] =	sst s4  }
0xd: {  	[smem:$0x3FA3] =	sst s5  }
0xe: {  	[smem:$0x3FA4] =	sst s6  }
0xf: {  	[smem:$0x3FA5] =	sst s7  }
0x10: {  	[smem:$0x3FA6] =	sst s8  }
0x11: {  	[smem:$0x3FA7] =	sst s9;
	s0 =	simm.s32 @!p0 $0x0  }
0x12: {  	s1 =	sld [smem:$0x3F8D];
	s0 =	simm.s32 @p0 $0x1  }
0x13: {  	[smem:$0x3FA8] =	sst s0;
	s0 =	simm.s32 @!p1 $0x0  }
0x14: {  	s2 =	sld [smem:$0x3F8C];
	s0 =	simm.s32 @p1 $0x1  }
0x15: {  	[smem:$0x3FA9] =	sst s0;
	s0 =	simm.s32 @!p2 $0x0  }
0x16: {  	s3 =	sld [smem:$0x3FDB];
	s0 =	simm.s32 @p2 $0x1  }
0x17: {  	s4 =	simm.s32 $0x1BF5;
	[smem:$0x3FAB] =	sst s0  }
0x18: {  	s0 =	sld [smem:$0x3F8E];
	_ =	swait.ge [sflag:s4], $0x0  }
0x19: {  	s7 =	sld [smem:$0x3F8F]  }
0x1a: {  	s8 =	sadd.s32 $0xFFFFE003, lr  }
0x1b: {  	s9 =	sadd.s32 $0xFFFFFEF7, lr;
	s5 =	simm.s32 $0xFFFFFFFF;
	p2 =	slt.u32 s8, $0xFFFFF086  }
0x1c: {  	p1 =	slt.u32 s9, $0xF7A;
	s5 =	simm.s32 @!p2 $0x0  }
0x1d: {  	s5 =	simm.s32 @p1 $0x1;
	p0 =	seq.s32 s7, s2  }
0x1e: {  	s7 =	smul.u32 @!p0 $0xF7A, s2;
	p2 =	seq.s32 @!p0 s5, $0x0  }
0x1f: {  	s9 =	smul.u32 $0xF7A, s1;
	s8 =	simm.s32 @!p0 $0x1BF5;
	p2 =	por !p2, p0  }
0x20: {  	[sflag:s8] =	ssyncset.s32 @!p0 $0xFFFFF086;
	s6 =	sadd.s32 @!p0 s3, s7;
	s7 =	simm.s32 @!p0 $0x108  }
0x21: {  	s3 =	sadd.s32 s3, s9;
	s6 =	sadd.s32 @!p0 $0x88, s6;
	s7 =	simm.s32 @p2 $0x1082  }
0x22: {  	[simem:s7], [sflag:s8] =	dma.local @!p0 [hbm:s6], $0xF7A  }
0x23: {  	s9 =	sor.u32 $0xD0000000, s2;
	s6 =	simm.s32 $0x108;
	_ =	swait.ge @!p0 [sflag:s8], $0x0  }
0x24: {  	s3 =	sadd.s32 $0x88, s3;
	s6 =	simm.s32 @!p1 $0x1082;
	[sflag:s4] =	ssyncset.s32 $0xFFFFF086  }
0x25: {  	[simem:s6], [sflag:s4] =	dma.local [hbm:s3], $0xF7A  }
0x26: {  	[smem:$0x3F8F] =	sst s1;
	(tag) =	ssettag s2;
	_ =	strace s9  }
0x27: {  	s1 =	sld [smem:$0x3F9F]  }
0x28: {  	s2 =	sld [smem:$0x3FA0]  }
0x29: {  	s4 =	sld [smem:$0x3FA2]  }
0x2a: {  	p0 =	seq.s32 s5, $0x0;
	s5 =	sld [smem:$0x3FA3]  }
0x2b: {  	s6 =	sld [smem:$0x3FA4]  }
0x2c: {  	s7 =	sld [smem:$0x3FA5]  }
0x2d: {  	s3 =	simm.s32 $0x108;
	s8 =	sld [smem:$0x3FA6]  }
0x2e: {  	s3 =	simm.s32 @!p0 $0x1082;
	s9 =	sld [smem:$0x3FA7]  }
0x2f: {  	lr =	sadd.s32 s0, s3;
	s0 =	sld [smem:$0x3F9E]  }
0x30: {  	s3 =	sld [smem:$0x3FA1]  }
0x31: {  	[smem:$0x3FAA] =	sst s10  }
0x32: {  	s10 =	sld [smem:$0x3FA8];
	_ =	sdelay $0x3  }
0x33: {  	p0 =	seq.s32 s10, $0x1;
	s10 =	sld [smem:$0x3FAA];
	_ =	sdelay $0x3  }
0x34: {  	[smem:$0x3FAA] =	sst s10  }
0x35: {  	s10 =	sld [smem:$0x3FA9];
	_ =	sdelay $0x3  }
0x36: {  	p1 =	seq.s32 s10, $0x1;
	s10 =	sld [smem:$0x3FAA];
	_ =	sdelay $0x3  }
0x37: {  	[smem:$0x3FAA] =	sst s10  }
0x38: {  	s10 =	sld [smem:$0x3FAB]  }
0x39: {  	_ = 	snop;
	(pc) =	sbr.ind lr, $3  }
0x3a: {  	_ = 	snop  }
0x3b: {  	_ = 	snop  }
0x3c: {  	p2 =	seq.s32 s10, $0x1;
	s10 =	sld [smem:$0x3FAA]  }
0x3d: {  	_ =	shalt  }
0x3e: {  	_ =	shalt  }
0x3f: {  	_ =	shalt  }
0x40: {  	_ =	shalt  }
0x41: {  	_ =	shalt  }
0x42: {  	_ =	shalt  }
0x43: {  	_ =	shalt  }
0x44: {  	_ =	shalt  }
0x45: {  	_ =	shalt  }
0x46: {  	_ =	shalt  }
0x47: {  	_ =	shalt  }
0x48: {  	_ =	shalt  }
0x49: {  	_ =	shalt  }
0x4a: {  	_ =	shalt  }
0x4b: {  	_ =	shalt  }
0x4c: {  	_ =	shalt  }
0x4d: {  	_ =	shalt  }
0x4e: {  	_ =	shalt  }
0x4f: {  	_ =	shalt  }
0x50: {  	_ =	shalt  }
0x51: {  	_ =	shalt  }
0x52: {  	_ =	shalt  }
0x53: {  	_ =	shalt  }
0x54: {  	_ =	shalt  }
0x55: {  	_ =	shalt  }
0x56: {  	_ =	shalt  }
0x57: {  	_ =	shalt  }
0x58: {  	_ =	shalt  }
0x59: {  	_ =	shalt  }
0x5a: {  	_ =	shalt  }
0x5b: {  	_ =	shalt  }
0x5c: {  	_ =	shalt  }
0x5d: {  	_ =	shalt  }
0x5e: {  	_ =	shalt  }
0x5f: {  	_ =	shalt  }
0x60: {  	_ =	shalt  }
0x61: {  	_ =	shalt  }
0x62: {  	_ =	shalt  }
0x63: {  	_ =	shalt  }
0x64: {  	_ =	shalt  }
0x65: {  	_ =	shalt  }
0x66: {  	_ =	shalt  }
0x67: {  	_ =	shalt  }
0x68: {  	_ =	shalt  }
0x69: {  	_ =	shalt  }
0x6a: {  	_ =	shalt  }
0x6b: {  	_ =	shalt  }
0x6c: {  	_ =	shalt  }
0x6d: {  	_ =	shalt  }
0x6e: {  	_ =	shalt  }
0x6f: {  	_ =	shalt  }
0x70: {  	_ =	shalt  }
0x71: {  	_ =	shalt  }
0x72: {  	_ =	shalt  }
0x73: {  	_ =	shalt  }
0x74: {  	_ =	shalt  }
0x75: {  	_ =	shalt  }
0x76: {  	_ =	shalt  }
0x77: {  	_ =	shalt  }
0x78: {  	_ =	shalt  }
0x79: {  	_ =	shalt  }
0x7a: {  	_ =	shalt  }
0x7b: {  	_ =	shalt  }
0x7c: {  	_ =	shalt  }
0x7d: {  	_ =	shalt  }
0x7e: {  	_ =	shalt  }
0x7f: {  	_ =	shalt  }
0x80: {  	_ =	shalt  }
0x81: {  	_ =	shalt  }
0x82: {  	_ =	shalt  }
0x83: {  	_ =	shalt  }
0x84: {  	_ =	shalt  }
0x85: {  	_ =	shalt  }
0x86: {  	_ =	shalt  }
0x87: {  	_ =	shalt  }
.Lfunc_end0:
.L_simem_size_0:
called_computation.2_lowered:
.L_overlay_start_0:
0x88: {  	s2 =	sld [smem:$0x3FD9]  }
0x89: {  	s3 =	sld [smem:$0x3FFE];
	_ =	sdelay $0x1  }
0x8a: {  	s1 =	srdreg.scid  }
0x8b: {  	s0 =	sand.u32 $0x1, s1  }
0x8c: {  	s16 =	sshll.u32 s0, $0xA;
	s2 =	sadd.s32 s3, s2  }
0x8d: {  	s2 =	sadd.s32 s2, s16  }
0x8e: {  	[smem:$0x3FB6] =	sst s2  }
0x8f: {  	_ = 	snop  }
0x90: {  	(tm) =	ssettm $0x1  }
0x91: {  	s17 =	sld [smem:$0x3FFB];
	_ =	sdelay $0x3  }
0x92: {  	_ =	strace s17  }
0x93: {  	s2 =	sld [smem:$0x3FFC];
	_ =	sdelay $0x3  }
0x94: {  	_ =	strace s2  }
0x95: {  	s2 =	sld [smem:$0x3FFD];
	_ =	sdelay $0x3  }
0x96: {  	_ =	strace s2  }
0x97: {  	_ =	strace $0x8FFFFFFF  }
0x98: {  	s18 =	sld [smem:$0x3FDB];
	_ =	sdelay $0x1  }
0x99: {  	s19 =	simm.s32 $_scs_section_size  }
0x9a: {  	s4 =	simm.s32 $_size__tile_overlayer_lowered;
	s5 =	simm.s32 $_tile_overlayer_lowered  }
0x9b: {  	s22 =	simm.s32 $0x1BFF;
	s21 =	sshll.u32 s5, $0x1;
	s2 =	sadd.s32 s19, s18  }
0x9c: {  	s6 =	simm.s32 $0x0;
	s20 =	sshll.u32 s4, $0x1;
	s4 =	sadd.s32 s21, s2  }
0x9d: {  	[timem:s6], [sflag:s22] =	dma.local [hbm:s4], s20  }
0x9e: {  	_ =	swait.ge [sflag:s22], s20  }
0x9f: {  	s3 =	ssub.s32 $0x0, s20;
	[sflag:s22] =	ssyncset.done $0x0  }
0xa0: {  	[sflag:s22] =	ssyncadd.s32 s3;
	_ =	sdelay $0x1  }
0xa1: {  	s23 =	simm.s32 $0x1B8B  }
0xa2: {  	_ =	swait.ge [sflag:s23], $0x1  }
0xa3: {  	[sflag:s23] =	ssyncset.done $0x0  }
0xa4: {  	s25 =	simm.s32 $0x1B8E;
	s24 =	sld [smem:$0x3FFE];
	[sflag:s23] =	ssyncadd.s32 $0xFFFFFFFF  }
0xa5: {  	s26 =	simm.s32 $execute0_lowered;
	[smem:$0x3FD2] =	sst s25  }
0xa6: {  	s4 =	sshll.u32 s26, $0x1;
	_ =	strace $0x8000004C;
	[dreg:$0x1] =	wrdreg $0xFFFFFFFF  }
0xa7: {  	s28 =	simm.s32 $_size_execute0_lowered;
	s2 =	sadd.s32 s2, s4;
	[dreg:$0x0] =	wrdreg $0x0  }
0xa8: {  	s4 =	sshll.u32 s28, $0x1;
	[dreg:$0x2] =	wrdreg s2  }
0xa9: {  	[dreg:$0x3] =	wrdreg s4  }
0xaa: {  	[dreg:$0x4] =	wrdreg $0xC0  }
0xab: {  	_ =	task [dreg:s6], $0x5FFFF  }
0xac: {  	[dreg:$0x1] =	wrdreg $0xFFFFFFFF  }
0xad: {  	[dreg:$0x0] =	wrdreg $0x60  }
0xae: {  	[dreg:$0x2] =	wrdreg s24  }
0xaf: {  	[dreg:$0x3] =	wrdreg $0x0  }
0xb0: {  	[dreg:$0x4] =	wrdreg $0xA0000  }
0xb1: {  	[dreg:$0x5] =	wrdreg $0x9  }
0xb2: {  	_ =	task.clear_ibuf [dreg:s6], $0x6FFFF;
	_ =	strace $0x9000004C  }
0xb3: {  	s29 =	simm.s32 $0x9;
	_ =	strace $0x8000004E  }
0xb4: {  	_ =	swait.ge [sflag:s29], $0x1  }
0xb5: {  	[sflag:s29] =	ssyncadd.s32 $0xFFFFFFFF  }
0xb6: {  	_ =	strace $0x9000004E  }
0xb7: {  	_ =	sfence  }
0xb8: {  	s30 =	sld [smem:$0x0];
	_ =	sdelay $0x2  }
0xb9: {  	s31 =	sshll.u32 s1, $0xD;
	s1 =	sshrl.u32 s1, $0x2  }
0xba: {  	s3 =	sand.u32 $0x4000, s31;
	s1 =	sadd.s32 s1, s30  }
0xbb: {  	s0 =	sor.u32 s3, s0;
	s1 =	sshll.u32 s1, $0x11  }
0xbc: {  	s0 =	sor.u32 s1, s0  }
0xbd: {  	s0 =	sadd.s32 $0x8F2B, s0  }
0xbe: {  	[sflag:s0] =	ssyncadd.remote.s32 $0x1  }
0xbf: {  	_ =	sfence.sel $0xFFFF  }
0xc0: {  	[dreg:$0x0] =	wrdreg $0xFFFFFFFF;
	(pc) =	sbr.abs _section_cstart, $3  }
0xc1: {  	[dreg:$0x1] =	wrdreg $0xFFFFFFFF  }
0xc2: {  	_ =	task.clear_ibuf [dreg:s6], $0x2FFFF;
	_ =	strace $0x9FFFFFFF  }
0xc3: {  	(tm) =	ssettm $0x7FFFFFFF  }
tec
execute0_lowered:
.L_overlay_start_1:
0x0: {  	(tag) =	ssettag $0x1  }
0x1: {  	s0 =	rddreg [dreg:$0x0]  }
0x2: {  	s2 =	rddreg [dreg:$0x1]  }
0x3: {  	s10 =	stileid.u32;
	s1 =	srdreg.scid  }
0x4: {  	s3 =	rddreg [dreg:$0x2];
	s4 =	simm.s32 $0x0;
	s11 =	simm.s32 $0x14100  }
0x5: {  	s12 =	simm.s32 $0x14180;
	s13 =	simm.s32 $0x14880;
	s15 =	simm.s32 $0x14200  }
0x6: {  	s16 =	simm.s32 $0x14900;
	s17 =	simm.s32 $0x14280;
	[smem:$0x7FF] =	sst s4  }
0x7: {  	s18 =	simm.s32 $0x14980;
	_ =	strace $0x8000004D;
	[dreg:$0x7] =	wrdreg s11  }
0x8: {  	s19 =	simm.s32 $0x14300;
	s20 =	simm.s32 $0x14A00;
	[dreg:$0x8] =	wrdreg s12  }
0x9: {  	s21 =	simm.s32 $0x14380;
	s22 =	simm.s32 $0x14A80;
	[dreg:$0x9] =	wrdreg s13  }
0xa: {  	s28 =	simm.s32 $0x14680;
	s29 =	simm.s32 $0x14D80;
	[dreg:$0xa] =	wrdreg s15  }
0xb: {  	s30 =	simm.s32 $0x14700;
	s31 =	simm.s32 $0x14E00;
	[dreg:$0xb] =	wrdreg s16  }
0xc: {  	s1 =	sand.u32 $0x1, s1;
	s5 =	smul.u32 $0xA000, s10;
	[dreg:$0xc] =	wrdreg s17  }
0xd: {  	s7 =	smul.u32 $0xA00, s10;
	s14 =	sshll.u32 s10, $0x6;
	[dreg:$0xd] =	wrdreg s18  }
0xe: {  	s10 =	simm.s32 $0x3;
	s6 =	smul.u32 $0xA0000, s1;
	[dreg:$0xe] =	wrdreg s19  }
0xf: {  	s8 =	ssub.s32 $0x2, s1;
	p0 =	seq.s32 s1, $0x1;
	[dreg:$0xf] =	wrdreg s20  }
0x10: {  	s12 =	simm.s32 $0x14000;
	s13 =	simm.s32 $0x14800;
	[dreg:$0x10] =	wrdreg s21  }
0x11: {  	s15 =	simm.s32 $0x15000;
	[dreg:$0x11] =	wrdreg s22;
	s16 =	simm.s32 $0x17000  }
0x12: {  	s17 =	simm.s32 $0x19000;
	s18 =	simm.s32 $0x1;
	s19 =	simm.s32 $0x1B000  }
0x13: {  	s20 =	simm.s32 $0x2;
	s21 =	simm.s32 $0x14500;
	s22 =	simm.s32 $0x14C00  }
0x14: {  	s9 =	sshrl.u32 s8, $0x1;
	s7 =	sadd.s32 s7, s0;
	s23 =	sadd.s32 s5, s2  }
0x15: {  	s24 =	sshrl.u32 s5, $0x3;
	s6 =	sadd.s32 s5, s6;
	s8 =	ssub.s32 s8, s9  }
0x16: {  	s5 =	sadd.s32 s5, s3;
	s25 =	sadd.s32 $0x3800, s7;
	s26 =	sadd.s32 $0xE200, s7  }
0x17: {  	s7 =	simm.s32 $0x8F400;
	s1 =	sshrl.u32 s23, $0x3;
	[dreg:$0x4] =	wrdreg s25  }
0x18: {  	s23 =	simm.s32 $0x14400;
	s9 =	simm.s32 $0x0;
	[dreg:$0x5] =	wrdreg s26  }
0x19: {  	s6 =	sshrl.u32 s6, $0x3;
	s8 =	smax.u32 s8, $0x1;
	[dreg:$0x1a] =	wrdreg s1  }
0x1a: {  	s7 =	simm.s32 @!p0 $0x3F400;
	s11 =	sshrl.u32 s5, $0x3;
	[dreg:$0x12] =	wrdreg s23  }
0x1b: {  	s25 =	simm.s32 $0x14480;
	s26 =	simm.s32 $0x14B80;
	[dreg:$0x17] =	wrdreg s8  }
0x1c: {  	s23 =	simm.s32 $0x14580;
	s1 =	simm.s32 $0x14780;
	[dreg:$0x14] =	wrdreg s25  }
0x1d: {  	s5 =	simm.s32 $0x14F00;
	s6 =	sadd.s32 s6, s0;
	[dreg:$0x15] =	wrdreg s26  }
0x1e: {  	s8 =	simm.s32 $0x14080;
	s0 =	sadd.s32 s7, s0;
	[dreg:$0x1b] =	wrdreg s11  }
0x1f: {  	s25 =	simm.s32 $0x14600;
	s6 =	sadd.s32 $0x53400, s6;
	[dreg:$0x6] =	wrdreg s8  }
0x20: {  	s26 =	simm.s32 $0x14D00;
	s0 =	sadd.s32 s0, s24;
	[dreg:$0x16] =	wrdreg s6  }
0x21: {  	s8 =	sor.u32 $0x1C03, s14;
	s24 =	simm.s32 $0x14B00;
	[dreg:$0x18] =	wrdreg s0  }
0x22: {  	s14 =	simm.s32 $0x80;
	[dreg:$0x13] =	wrdreg s24;
	s24 =	simm.s32 $0x14C80  }
0x23: {  	s0 =	simm.s32 $0x14E80;
	s6 =	simm.s32 $0x14F80;
	[dreg:$0x19] =	wrdreg s8  }
.LBB2_1:
0x24: {  	[dreg:$0x1c] =	wrdreg s9  }
0x25: {  	s7 =	rddreg [dreg:$0x18]  }
0x26: {  	s9 =	rddreg [dreg:$0x1a]  }
0x27: {  	[spmem:s9], [sflag:s8] =	dma.local [hbm:s7], $0x1400  }
0x28: {  	_ =	swait.ge [sflag:s10], $0x1400  }
0x29: {  	[sflag:s10] =	ssyncset.done $0x0  }
0x2a: {  	[sflag:s10] =	ssyncadd.s32 $0xFFFFEC00  }
0x2b: {  	[spmem:s11], [sflag:s8] =	dma.local [hbm:s7], $0x1400  }
0x2c: {  	_ =	swait.ge [sflag:s10], $0x1400  }
0x2d: {  	[sflag:s10] =	ssyncset.done $0x0  }
0x2e: {  	[sflag:s10] =	ssyncadd.s32 $0xFFFFEC00  }
0x2f: {  	[bflag:$0x0] =	sbarrier.arrive $0xFFFF  }
0x30: {  	s11 =	rddreg [dreg:$0x5]  }
0x31: {  	s7 =	sadd.s32 $0x0, s11  }
0x32: {  	[tilespmem:s12], [sflag:$0x3] =	stream.linear.gather [hbm4b:s7+s4], $0x800, $0x38;
	[tilespmem:$0x1D000] =	vst v63  }
0x33: {  	_ =	swait.ge [sflag:s10], $0x800  }
0x34: {  	s8 =	rddreg [dreg:$0x4];
	[sflag:s10] =	ssyncset.done $0x0  }
0x35: {  	[sflag:s10] =	ssyncadd.s32 $0xFFFFF800;
	s7 =	sadd.s32 $0x0, s8  }
0x36: {  	[tilespmem:s13], [sflag:$0x3] =	stream.linear.gather [hbm4b:s7+s4], $0x800, $0x38;
	[tilespmem:$0x1D000] =	vst v63  }
0x37: {  	_ =	swait.ge [sflag:s10], $0x800  }
0x38: {  	[sflag:s10] =	ssyncset.done $0x0  }
0x39: {  	[sflag:s10] =	ssyncadd.s32 $0xFFFFF800  }
0x3a: {  	[tilespmem:s15], [sflag:$0x1] =	stream.indirect.gather [spmem:s2], $0x40, s12, s14, $0xb8;
	[tilespmem:$0x1D000] =	vst v63  }
0x3b: {  	s9 =	rddreg [dreg:$0x6]  }
0x3c: {  	[tilespmem:s16], [sflag:$0x1] =	stream.indirect.gather [spmem:s2], $0x40, s9, s14, $0xb8;
	[tilespmem:$0x1D000] =	vst v63  }
0x3d: {  	s11 =	rddreg [dreg:$0x7]  }
0x3e: {  	[tilespmem:s17], [sflag:$0x1] =	stream.indirect.gather [spmem:s2], $0x40, s11, s14, $0xb8;
	[tilespmem:$0x1D000] =	vst v63  }
0x3f: {  	_ =	swait.ge [sflag:s18], $0x2000  }
0x40: {  	[sflag:s18] =	ssyncset.done $0x0  }
0x41: {  	[sflag:s18] =	ssyncadd.s32 $0xFFFFE000  }
0x42: {  	[spmem:s3] =	stream.indirect.scatter.add.f32 [tilespmem:s15], [sflag:$0x2], $0x40, s13, s14, $0xb8;
	[tilespmem:$0x1D000] =	vst v63  }
0x43: {  	s9 =	rddreg [dreg:$0x8]  }
0x44: {  	[tilespmem:s19], [sflag:$0x1] =	stream.indirect.gather [spmem:s2], $0x40, s9, s14, $0xb8;
	[tilespmem:$0x1D000] =	vst v63  }
0x45: {  	_ =	swait.ge [sflag:s18], $0x2000  }
0x46: {  	[sflag:s18] =	ssyncset.done $0x0  }
0x47: {  	s11 =	rddreg [dreg:$0x9];
	[sflag:s18] =	ssyncadd.s32 $0xFFFFE000  }
0x48: {  	[spmem:s3] =	stream.indirect.scatter.add.f32 [tilespmem:s16], [sflag:$0x2], $0x40, s11, s14, $0xb8;
	[tilespmem:$0x1D000] =	vst v63  }
0x49: {  	_ =	swait.ge [sflag:s20], $0x2000  }
0x4a: {  	[sflag:s20] =	ssyncset.done $0x0  }
0x4b: {  	s8 =	rddreg [dreg:$0xa];
	[sflag:s20] =	ssyncadd.s32 $0xFFFFE000  }
0x4c: {  	[tilespmem:s15], [sflag:$0x1] =	stream.indirect.gather [spmem:s2], $0x40, s8, s14, $0xb8;
	[tilespmem:$0x1D000] =	vst v63  }
0x4d: {  	_ =	swait.ge [sflag:s18], $0x2000  }
0x4e: {  	[sflag:s18] =	ssyncset.done $0x0  }
0x4f: {  	s9 =	rddreg [dreg:$0xb];
	[sflag:s18] =	ssyncadd.s32 $0xFFFFE000  }
0x50: {  	[spmem:s3] =	stream.indirect.scatter.add.f32 [tilespmem:s17], [sflag:$0x2], $0x40, s9, s14, $0xb8;
	[tilespmem:$0x1D000] =	vst v63  }
0x51: {  	_ =	swait.ge [sflag:s20], $0x2000  }
0x52: {  	[sflag:s20] =	ssyncset.done $0x0  }
0x53: {  	s11 =	rddreg [dreg:$0xc];
	[sflag:s20] =	ssyncadd.s32 $0xFFFFE000  }
0x54: {  	[tilespmem:s16], [sflag:$0x1] =	stream.indirect.gather [spmem:s2], $0x40, s11, s14, $0xb8;
	[tilespmem:$0x1D000] =	vst v63  }
0x55: {  	_ =	swait.ge [sflag:s18], $0x2000  }
0x56: {  	[sflag:s18] =	ssyncset.done $0x0  }
0x57: {  	s8 =	rddreg [dreg:$0xd];
	[sflag:s18] =	ssyncadd.s32 $0xFFFFE000  }
0x58: {  	[spmem:s3] =	stream.indirect.scatter.add.f32 [tilespmem:s19], [sflag:$0x2], $0x40, s8, s14, $0xb8;
	[tilespmem:$0x1D000] =	vst v63  }
0x59: {  	_ =	swait.ge [sflag:s20], $0x2000  }
0x5a: {  	[sflag:s20] =	ssyncset.done $0x0  }
0x5b: {  	s9 =	rddreg [dreg:$0xe];
	[sflag:s20] =	ssyncadd.s32 $0xFFFFE000  }
0x5c: {  	[tilespmem:s17], [sflag:$0x1] =	stream.indirect.gather [spmem:s2], $0x40, s9, s14, $0xb8;
	[tilespmem:$0x1D000] =	vst v63  }
0x5d: {  	_ =	swait.ge [sflag:s18], $0x2000  }
0x5e: {  	[sflag:s18] =	ssyncset.done $0x0  }
0x5f: {  	s11 =	rddreg [dreg:$0xf];
	[sflag:s18] =	ssyncadd.s32 $0xFFFFE000  }
0x60: {  	[spmem:s3] =	stream.indirect.scatter.add.f32 [tilespmem:s15], [sflag:$0x2], $0x40, s11, s14, $0xb8;
	[tilespmem:$0x1D000] =	vst v63  }
0x61: {  	_ =	swait.ge [sflag:s20], $0x2000  }
0x62: {  	[sflag:s20] =	ssyncset.done $0x0  }
0x63: {  	s8 =	rddreg [dreg:$0x10];
	[sflag:s20] =	ssyncadd.s32 $0xFFFFE000  }
0x64: {  	[tilespmem:s19], [sflag:$0x1] =	stream.indirect.gather [spmem:s2], $0x40, s8, s14, $0xb8;
	[tilespmem:$0x1D000] =	vst v63  }
0x65: {  	_ =	swait.ge [sflag:s18], $0x2000  }
0x66: {  	[sflag:s18] =	ssyncset.done $0x0  }
0x67: {  	s9 =	rddreg [dreg:$0x11];
	[sflag:s18] =	ssyncadd.s32 $0xFFFFE000  }
0x68: {  	[spmem:s3] =	stream.indirect.scatter.add.f32 [tilespmem:s16], [sflag:$0x2], $0x40, s9, s14, $0xb8;
	[tilespmem:$0x1D000] =	vst v63  }
0x69: {  	_ =	swait.ge [sflag:s20], $0x2000  }
0x6a: {  	[sflag:s20] =	ssyncset.done $0x0  }
0x6b: {  	s11 =	rddreg [dreg:$0x12];
	[sflag:s20] =	ssyncadd.s32 $0xFFFFE000  }
0x6c: {  	[tilespmem:s15], [sflag:$0x1] =	stream.indirect.gather [spmem:s2], $0x40, s11, s14, $0xb8;
	[tilespmem:$0x1D000] =	vst v63  }
0x6d: {  	_ =	swait.ge [sflag:s18], $0x2000  }
0x6e: {  	[sflag:s18] =	ssyncset.done $0x0  }
0x6f: {  	s8 =	rddreg [dreg:$0x13];
	[sflag:s18] =	ssyncadd.s32 $0xFFFFE000  }
0x70: {  	[spmem:s3] =	stream.indirect.scatter.add.f32 [tilespmem:s17], [sflag:$0x2], $0x40, s8, s14, $0xb8;
	[tilespmem:$0x1D000] =	vst v63  }
0x71: {  	_ =	swait.ge [sflag:s20], $0x2000  }
0x72: {  	[sflag:s20] =	ssyncset.done $0x0  }
0x73: {  	s9 =	rddreg [dreg:$0x14];
	[sflag:s20] =	ssyncadd.s32 $0xFFFFE000  }
0x74: {  	[tilespmem:s16], [sflag:$0x1] =	stream.indirect.gather [spmem:s2], $0x40, s9, s14, $0xb8;
	[tilespmem:$0x1D000] =	vst v63  }
0x75: {  	_ =	swait.ge [sflag:s18], $0x2000  }
0x76: {  	[sflag:s18] =	ssyncset.done $0x0  }
0x77: {  	s11 =	rddreg [dreg:$0x15];
	[sflag:s18] =	ssyncadd.s32 $0xFFFFE000  }
0x78: {  	[spmem:s3] =	stream.indirect.scatter.add.f32 [tilespmem:s19], [sflag:$0x2], $0x40, s11, s14, $0xb8;
	[tilespmem:$0x1D000] =	vst v63  }
0x79: {  	_ =	swait.ge [sflag:s20], $0x2000  }
0x7a: {  	[sflag:s20] =	ssyncset.done $0x0  }
0x7b: {  	[sflag:s20] =	ssyncadd.s32 $0xFFFFE000  }
0x7c: {  	[tilespmem:s17], [sflag:$0x1] =	stream.indirect.gather [spmem:s2], $0x40, s21, s14, $0xb8;
	[tilespmem:$0x1D000] =	vst v63  }
0x7d: {  	_ =	swait.ge [sflag:s18], $0x2000  }
0x7e: {  	[sflag:s18] =	ssyncset.done $0x0  }
0x7f: {  	[sflag:s18] =	ssyncadd.s32 $0xFFFFE000  }
0x80: {  	[spmem:s3] =	stream.indirect.scatter.add.f32 [tilespmem:s15], [sflag:$0x2], $0x40, s22, s14, $0xb8;
	[tilespmem:$0x1D000] =	vst v63  }
0x81: {  	_ =	swait.ge [sflag:s20], $0x2000  }
0x82: {  	[sflag:s20] =	ssyncset.done $0x0  }
0x83: {  	[sflag:s20] =	ssyncadd.s32 $0xFFFFE000  }
0x84: {  	[tilespmem:s19], [sflag:$0x1] =	stream.indirect.gather [spmem:s2], $0x40, s23, s14, $0xb8;
	[tilespmem:$0x1D000] =	vst v63  }
0x85: {  	_ =	swait.ge [sflag:s18], $0x2000  }
0x86: {  	[sflag:s18] =	ssyncset.done $0x0  }
0x87: {  	[sflag:s18] =	ssyncadd.s32 $0xFFFFE000  }
0x88: {  	[spmem:s3] =	stream.indirect.scatter.add.f32 [tilespmem:s16], [sflag:$0x2], $0x40, s24, s14, $0xb8;
	[tilespmem:$0x1D000] =	vst v63  }
0x89: {  	_ =	swait.ge [sflag:s20], $0x2000  }
0x8a: {  	[sflag:s20] =	ssyncset.done $0x0  }
0x8b: {  	[sflag:s20] =	ssyncadd.s32 $0xFFFFE000  }
0x8c: {  	[tilespmem:s15], [sflag:$0x1] =	stream.indirect.gather [spmem:s2], $0x40, s25, s14, $0xb8;
	[tilespmem:$0x1D000] =	vst v63  }
0x8d: {  	_ =	swait.ge [sflag:s18], $0x2000  }
0x8e: {  	[sflag:s18] =	ssyncset.done $0x0  }
0x8f: {  	[sflag:s18] =	ssyncadd.s32 $0xFFFFE000  }
0x90: {  	[spmem:s3] =	stream.indirect.scatter.add.f32 [tilespmem:s17], [sflag:$0x2], $0x40, s26, s14, $0xb8;
	[tilespmem:$0x1D000] =	vst v63  }
0x91: {  	_ =	swait.ge [sflag:s20], $0x2000  }
0x92: {  	[sflag:s20] =	ssyncset.done $0x0  }
0x93: {  	[sflag:s20] =	ssyncadd.s32 $0xFFFFE000  }
0x94: {  	[tilespmem:s16], [sflag:$0x1] =	stream.indirect.gather [spmem:s2], $0x40, s28, s14, $0xb8;
	[tilespmem:$0x1D000] =	vst v63  }
0x95: {  	_ =	swait.ge [sflag:s18], $0x2000  }
0x96: {  	[sflag:s18] =	ssyncset.done $0x0  }
0x97: {  	[sflag:s18] =	ssyncadd.s32 $0xFFFFE000  }
0x98: {  	[spmem:s3] =	stream.indirect.scatter.add.f32 [tilespmem:s19], [sflag:$0x2], $0x40, s29, s14, $0xb8;
	[tilespmem:$0x1D000] =	vst v63  }
0x99: {  	_ =	swait.ge [sflag:s20], $0x2000  }
0x9a: {  	[sflag:s20] =	ssyncset.done $0x0  }
0x9b: {  	[sflag:s20] =	ssyncadd.s32 $0xFFFFE000  }
0x9c: {  	[tilespmem:s17], [sflag:$0x1] =	stream.indirect.gather [spmem:s2], $0x40, s30, s14, $0xb8;
	[tilespmem:$0x1D000] =	vst v63  }
0x9d: {  	_ =	swait.ge [sflag:s18], $0x2000  }
0x9e: {  	[sflag:s18] =	ssyncset.done $0x0  }
0x9f: {  	[sflag:s18] =	ssyncadd.s32 $0xFFFFE000  }
0xa0: {  	[spmem:s3] =	stream.indirect.scatter.add.f32 [tilespmem:s15], [sflag:$0x2], $0x40, s31, s14, $0xb8;
	[tilespmem:$0x1D000] =	vst v63  }
0xa1: {  	_ =	swait.ge [sflag:s20], $0x2000  }
0xa2: {  	[sflag:s20] =	ssyncset.done $0x0  }
0xa3: {  	[sflag:s20] =	ssyncadd.s32 $0xFFFFE000  }
0xa4: {  	[tilespmem:s19], [sflag:$0x1] =	stream.indirect.gather [spmem:s2], $0x40, s1, s14, $0xb8;
	[tilespmem:$0x1D000] =	vst v63  }
0xa5: {  	_ =	swait.ge [sflag:s18], $0x2000  }
0xa6: {  	[sflag:s18] =	ssyncset.done $0x0  }
0xa7: {  	[sflag:s18] =	ssyncadd.s32 $0xFFFFE000  }
0xa8: {  	[spmem:s3] =	stream.indirect.scatter.add.f32 [tilespmem:s16], [sflag:$0x2], $0x40, s0, s14, $0xb8;
	[tilespmem:$0x1D000] =	vst v63  }
0xa9: {  	_ =	swait.ge [sflag:s20], $0x2000  }
0xaa: {  	[sflag:s20] =	ssyncset.done $0x0  }
0xab: {  	[sflag:s20] =	ssyncadd.s32 $0xFFFFE000  }
0xac: {  	_ =	swait.ge [sflag:s18], $0x2000  }
0xad: {  	[sflag:s18] =	ssyncset.done $0x0  }
0xae: {  	[sflag:s18] =	ssyncadd.s32 $0xFFFFE000  }
0xaf: {  	[spmem:s3] =	stream.indirect.scatter.add.f32 [tilespmem:s17], [sflag:$0x2], $0x40, s5, s14, $0xb8;
	[tilespmem:$0x1D000] =	vst v63  }
0xb0: {  	_ =	swait.ge [sflag:s20], $0x2000  }
0xb1: {  	[sflag:s20] =	ssyncset.done $0x0  }
0xb2: {  	[sflag:s20] =	ssyncadd.s32 $0xFFFFE000  }
0xb3: {  	_ =	swait.ge [sflag:s18], $0x2000  }
0xb4: {  	[sflag:s18] =	ssyncset.done $0x0  }
0xb5: {  	[sflag:s18] =	ssyncadd.s32 $0xFFFFE000  }
0xb6: {  	[spmem:s3] =	stream.indirect.scatter.add.f32 [tilespmem:s19], [sflag:$0x2], $0x40, s6, s14, $0xb8;
	[tilespmem:$0x1D000] =	vst v63  }
0xb7: {  	_ =	swait.ge [sflag:s20], $0x2000  }
0xb8: {  	[sflag:s20] =	ssyncset.done $0x0  }
0xb9: {  	[sflag:s20] =	ssyncadd.s32 $0xFFFFE000  }
0xba: {  	s7 =	simm.s32 $0x100;
	_ =	swait.ge [sflag:s20], $0x2000  }
0xbb: {  	s11 =	simm.s32 $0x200;
	s8 =	rddreg [dreg:$0x5];
	[sflag:s20] =	ssyncset.done $0x0  }
.LBB2_2:
0xbc: {  	[sflag:s20] =	ssyncadd.s32 $0xFFFFE000;
	s8 =	sadd.s32 s7, s8  }
0xbd: {  	[tilespmem:s12], [sflag:$0x3] =	stream.linear.gather [hbm4b:s8+s4], $0x800, $0x38;
	[tilespmem:$0x1D000] =	vst v63  }
0xbe: {  	_ =	swait.ge [sflag:s10], $0x800  }
0xbf: {  	s8 =	rddreg [dreg:$0x4];
	[sflag:s10] =	ssyncset.done $0x0  }
0xc0: {  	[sflag:s10] =	ssyncadd.s32 $0xFFFFF800;
	s8 =	sadd.s32 s7, s8  }
0xc1: {  	[tilespmem:s13], [sflag:$0x3] =	stream.linear.gather [hbm4b:s8+s4], $0x800, $0x38;
	[tilespmem:$0x1D000] =	vst v63  }
0xc2: {  	_ =	swait.ge [sflag:s10], $0x800  }
0xc3: {  	[sflag:s10] =	ssyncset.done $0x0  }
0xc4: {  	[sflag:s10] =	ssyncadd.s32 $0xFFFFF800  }
0xc5: {  	[tilespmem:s15], [sflag:$0x1] =	stream.indirect.gather [spmem:s2], $0x40, s12, s14, $0xb8;
	[tilespmem:$0x1D000] =	vst v63  }
0xc6: {  	s9 =	smov.u32 s11;
	s8 =	rddreg [dreg:$0x6]  }
0xc7: {  	[tilespmem:s16], [sflag:$0x1] =	stream.indirect.gather [spmem:s2], $0x40, s8, s14, $0xb8;
	[tilespmem:$0x1D000] =	vst v63  }
0xc8: {  	s7 =	smov.u32 s9;
	s9 =	rddreg [dreg:$0x7]  }
0xc9: {  	[tilespmem:s17], [sflag:$0x1] =	stream.indirect.gather [spmem:s2], $0x40, s9, s14, $0xb8;
	[tilespmem:$0x1D000] =	vst v63  }
0xca: {  	_ =	swait.ge [sflag:s18], $0x2000  }
0xcb: {  	[sflag:s18] =	ssyncset.done $0x0  }
0xcc: {  	[sflag:s18] =	ssyncadd.s32 $0xFFFFE000  }
0xcd: {  	[spmem:s3] =	stream.indirect.scatter.add.f32 [tilespmem:s15], [sflag:$0x2], $0x40, s13, s14, $0xb8;
	[tilespmem:$0x1D000] =	vst v63  }
0xce: {  	s9 =	rddreg [dreg:$0x8]  }
0xcf: {  	[tilespmem:s19], [sflag:$0x1] =	stream.indirect.gather [spmem:s2], $0x40, s9, s14, $0xb8;
	[tilespmem:$0x1D000] =	vst v63  }
0xd0: {  	_ =	swait.ge [sflag:s18], $0x2000  }
0xd1: {  	[sflag:s18] =	ssyncset.done $0x0  }
0xd2: {  	s9 =	rddreg [dreg:$0x9];
	[sflag:s18] =	ssyncadd.s32 $0xFFFFE000  }
0xd3: {  	[spmem:s3] =	stream.indirect.scatter.add.f32 [tilespmem:s16], [sflag:$0x2], $0x40, s9, s14, $0xb8;
	[tilespmem:$0x1D000] =	vst v63  }
0xd4: {  	_ =	swait.ge [sflag:s20], $0x2000  }
0xd5: {  	[sflag:s20] =	ssyncset.done $0x0  }
0xd6: {  	s9 =	rddreg [dreg:$0xa];
	[sflag:s20] =	ssyncadd.s32 $0xFFFFE000  }
0xd7: {  	[tilespmem:s15], [sflag:$0x1] =	stream.indirect.gather [spmem:s2], $0x40, s9, s14, $0xb8;
	[tilespmem:$0x1D000] =	vst v63  }
0xd8: {  	_ =	swait.ge [sflag:s18], $0x2000  }
0xd9: {  	[sflag:s18] =	ssyncset.done $0x0  }
0xda: {  	s9 =	rddreg [dreg:$0xb];
	[sflag:s18] =	ssyncadd.s32 $0xFFFFE000  }
0xdb: {  	[spmem:s3] =	stream.indirect.scatter.add.f32 [tilespmem:s17], [sflag:$0x2], $0x40, s9, s14, $0xb8;
	[tilespmem:$0x1D000] =	vst v63  }
0xdc: {  	_ =	swait.ge [sflag:s20], $0x2000  }
0xdd: {  	[sflag:s20] =	ssyncset.done $0x0  }
0xde: {  	s9 =	rddreg [dreg:$0xc];
	[sflag:s20] =	ssyncadd.s32 $0xFFFFE000  }
0xdf: {  	[tilespmem:s16], [sflag:$0x1] =	stream.indirect.gather [spmem:s2], $0x40, s9, s14, $0xb8;
	[tilespmem:$0x1D000] =	vst v63  }
0xe0: {  	_ =	swait.ge [sflag:s18], $0x2000  }
0xe1: {  	[sflag:s18] =	ssyncset.done $0x0  }
0xe2: {  	s9 =	rddreg [dreg:$0xd];
	[sflag:s18] =	ssyncadd.s32 $0xFFFFE000  }
0xe3: {  	[spmem:s3] =	stream.indirect.scatter.add.f32 [tilespmem:s19], [sflag:$0x2], $0x40, s9, s14, $0xb8;
	[tilespmem:$0x1D000] =	vst v63  }
0xe4: {  	_ =	swait.ge [sflag:s20], $0x2000  }
0xe5: {  	[sflag:s20] =	ssyncset.done $0x0  }
0xe6: {  	s9 =	rddreg [dreg:$0xe];
	[sflag:s20] =	ssyncadd.s32 $0xFFFFE000  }
0xe7: {  	[tilespmem:s17], [sflag:$0x1] =	stream.indirect.gather [spmem:s2], $0x40, s9, s14, $0xb8;
	[tilespmem:$0x1D000] =	vst v63  }
0xe8: {  	_ =	swait.ge [sflag:s18], $0x2000  }
0xe9: {  	[sflag:s18] =	ssyncset.done $0x0  }
0xea: {  	s9 =	rddreg [dreg:$0xf];
	[sflag:s18] =	ssyncadd.s32 $0xFFFFE000  }
0xeb: {  	[spmem:s3] =	stream.indirect.scatter.add.f32 [tilespmem:s15], [sflag:$0x2], $0x40, s9, s14, $0xb8;
	[tilespmem:$0x1D000] =	vst v63  }
0xec: {  	_ =	swait.ge [sflag:s20], $0x2000  }
0xed: {  	[sflag:s20] =	ssyncset.done $0x0  }
0xee: {  	s9 =	rddreg [dreg:$0x10];
	[sflag:s20] =	ssyncadd.s32 $0xFFFFE000  }
0xef: {  	[tilespmem:s19], [sflag:$0x1] =	stream.indirect.gather [spmem:s2], $0x40, s9, s14, $0xb8;
	[tilespmem:$0x1D000] =	vst v63  }
0xf0: {  	_ =	swait.ge [sflag:s18], $0x2000  }
0xf1: {  	[sflag:s18] =	ssyncset.done $0x0  }
0xf2: {  	s9 =	rddreg [dreg:$0x11];
	[sflag:s18] =	ssyncadd.s32 $0xFFFFE000  }
0xf3: {  	[spmem:s3] =	stream.indirect.scatter.add.f32 [tilespmem:s16], [sflag:$0x2], $0x40, s9, s14, $0xb8;
	[tilespmem:$0x1D000] =	vst v63  }
0xf4: {  	_ =	swait.ge [sflag:s20], $0x2000  }
0xf5: {  	[sflag:s20] =	ssyncset.done $0x0  }
0xf6: {  	s9 =	rddreg [dreg:$0x12];
	[sflag:s20] =	ssyncadd.s32 $0xFFFFE000  }
0xf7: {  	[tilespmem:s15], [sflag:$0x1] =	stream.indirect.gather [spmem:s2], $0x40, s9, s14, $0xb8;
	[tilespmem:$0x1D000] =	vst v63  }
0xf8: {  	_ =	swait.ge [sflag:s18], $0x2000  }
0xf9: {  	[sflag:s18] =	ssyncset.done $0x0  }
0xfa: {  	s9 =	rddreg [dreg:$0x13];
	[sflag:s18] =	ssyncadd.s32 $0xFFFFE000  }
0xfb: {  	[spmem:s3] =	stream.indirect.scatter.add.f32 [tilespmem:s17], [sflag:$0x2], $0x40, s9, s14, $0xb8;
	[tilespmem:$0x1D000] =	vst v63  }
0xfc: {  	_ =	swait.ge [sflag:s20], $0x2000  }
0xfd: {  	[sflag:s20] =	ssyncset.done $0x0  }
0xfe: {  	s9 =	rddreg [dreg:$0x14];
	[sflag:s20] =	ssyncadd.s32 $0xFFFFE000  }
0xff: {  	[tilespmem:s16], [sflag:$0x1] =	stream.indirect.gather [spmem:s2], $0x40, s9, s14, $0xb8;
	[tilespmem:$0x1D000] =	vst v63  }
0x100: {  	_ =	swait.ge [sflag:s18], $0x2000  }
0x101: {  	[sflag:s18] =	ssyncset.done $0x0  }
0x102: {  	s9 =	rddreg [dreg:$0x15];
	[sflag:s18] =	ssyncadd.s32 $0xFFFFE000  }
0x103: {  	[spmem:s3] =	stream.indirect.scatter.add.f32 [tilespmem:s19], [sflag:$0x2], $0x40, s9, s14, $0xb8;
	[tilespmem:$0x1D000] =	vst v63  }
0x104: {  	_ =	swait.ge [sflag:s20], $0x2000  }
0x105: {  	[sflag:s20] =	ssyncset.done $0x0  }
0x106: {  	[sflag:s20] =	ssyncadd.s32 $0xFFFFE000  }
0x107: {  	[tilespmem:s17], [sflag:$0x1] =	stream.indirect.gather [spmem:s2], $0x40, s21, s14, $0xb8;
	[tilespmem:$0x1D000] =	vst v63  }
0x108: {  	_ =	swait.ge [sflag:s18], $0x2000  }
0x109: {  	[sflag:s18] =	ssyncset.done $0x0  }
0x10a: {  	[sflag:s18] =	ssyncadd.s32 $0xFFFFE000  }
0x10b: {  	[spmem:s3] =	stream.indirect.scatter.add.f32 [tilespmem:s15], [sflag:$0x2], $0x40, s22, s14, $0xb8;
	[tilespmem:$0x1D000] =	vst v63  }
0x10c: {  	_ =	swait.ge [sflag:s20], $0x2000  }
0x10d: {  	[sflag:s20] =	ssyncset.done $0x0  }
0x10e: {  	[sflag:s20] =	ssyncadd.s32 $0xFFFFE000  }
0x10f: {  	[tilespmem:s19], [sflag:$0x1] =	stream.indirect.gather [spmem:s2], $0x40, s23, s14, $0xb8;
	[tilespmem:$0x1D000] =	vst v63  }
0x110: {  	_ =	swait.ge [sflag:s18], $0x2000  }
0x111: {  	[sflag:s18] =	ssyncset.done $0x0  }
0x112: {  	[sflag:s18] =	ssyncadd.s32 $0xFFFFE000  }
0x113: {  	[spmem:s3] =	stream.indirect.scatter.add.f32 [tilespmem:s16], [sflag:$0x2], $0x40, s24, s14, $0xb8;
	[tilespmem:$0x1D000] =	vst v63  }
0x114: {  	_ =	swait.ge [sflag:s20], $0x2000  }
0x115: {  	[sflag:s20] =	ssyncset.done $0x0  }
0x116: {  	[sflag:s20] =	ssyncadd.s32 $0xFFFFE000  }
0x117: {  	[tilespmem:s15], [sflag:$0x1] =	stream.indirect.gather [spmem:s2], $0x40, s25, s14, $0xb8;
	[tilespmem:$0x1D000] =	vst v63  }
0x118: {  	_ =	swait.ge [sflag:s18], $0x2000  }
0x119: {  	[sflag:s18] =	ssyncset.done $0x0  }
0x11a: {  	[sflag:s18] =	ssyncadd.s32 $0xFFFFE000  }
0x11b: {  	[spmem:s3] =	stream.indirect.scatter.add.f32 [tilespmem:s17], [sflag:$0x2], $0x40, s26, s14, $0xb8;
	[tilespmem:$0x1D000] =	vst v63  }
0x11c: {  	_ =	swait.ge [sflag:s20], $0x2000  }
0x11d: {  	[sflag:s20] =	ssyncset.done $0x0  }
0x11e: {  	[sflag:s20] =	ssyncadd.s32 $0xFFFFE000  }
0x11f: {  	[tilespmem:s16], [sflag:$0x1] =	stream.indirect.gather [spmem:s2], $0x40, s28, s14, $0xb8;
	[tilespmem:$0x1D000] =	vst v63  }
0x120: {  	_ =	swait.ge [sflag:s18], $0x2000  }
0x121: {  	[sflag:s18] =	ssyncset.done $0x0  }
0x122: {  	[sflag:s18] =	ssyncadd.s32 $0xFFFFE000  }
0x123: {  	[spmem:s3] =	stream.indirect.scatter.add.f32 [tilespmem:s19], [sflag:$0x2], $0x40, s29, s14, $0xb8;
	[tilespmem:$0x1D000] =	vst v63  }
0x124: {  	_ =	swait.ge [sflag:s20], $0x2000  }
0x125: {  	[sflag:s20] =	ssyncset.done $0x0  }
0x126: {  	[sflag:s20] =	ssyncadd.s32 $0xFFFFE000  }
0x127: {  	[tilespmem:s17], [sflag:$0x1] =	stream.indirect.gather [spmem:s2], $0x40, s30, s14, $0xb8;
	[tilespmem:$0x1D000] =	vst v63  }
0x128: {  	_ =	swait.ge [sflag:s18], $0x2000  }
0x129: {  	[sflag:s18] =	ssyncset.done $0x0  }
0x12a: {  	[sflag:s18] =	ssyncadd.s32 $0xFFFFE000  }
0x12b: {  	[spmem:s3] =	stream.indirect.scatter.add.f32 [tilespmem:s15], [sflag:$0x2], $0x40, s31, s14, $0xb8;
	[tilespmem:$0x1D000] =	vst v63  }
0x12c: {  	_ =	swait.ge [sflag:s20], $0x2000  }
0x12d: {  	[sflag:s20] =	ssyncset.done $0x0  }
0x12e: {  	[sflag:s20] =	ssyncadd.s32 $0xFFFFE000  }
0x12f: {  	[tilespmem:s19], [sflag:$0x1] =	stream.indirect.gather [spmem:s2], $0x40, s1, s14, $0xb8;
	[tilespmem:$0x1D000] =	vst v63  }
0x130: {  	_ =	swait.ge [sflag:s18], $0x2000  }
0x131: {  	[sflag:s18] =	ssyncset.done $0x0  }
0x132: {  	[sflag:s18] =	ssyncadd.s32 $0xFFFFE000  }
0x133: {  	[spmem:s3] =	stream.indirect.scatter.add.f32 [tilespmem:s16], [sflag:$0x2], $0x40, s0, s14, $0xb8;
	[tilespmem:$0x1D000] =	vst v63  }
0x134: {  	_ =	swait.ge [sflag:s20], $0x2000  }
0x135: {  	[sflag:s20] =	ssyncset.done $0x0  }
0x136: {  	[sflag:s20] =	ssyncadd.s32 $0xFFFFE000  }
0x137: {  	_ =	swait.ge [sflag:s18], $0x2000  }
0x138: {  	[sflag:s18] =	ssyncset.done $0x0  }
0x139: {  	[sflag:s18] =	ssyncadd.s32 $0xFFFFE000  }
0x13a: {  	[spmem:s3] =	stream.indirect.scatter.add.f32 [tilespmem:s17], [sflag:$0x2], $0x40, s5, s14, $0xb8;
	[tilespmem:$0x1D000] =	vst v63  }
0x13b: {  	_ =	swait.ge [sflag:s20], $0x2000  }
0x13c: {  	[sflag:s20] =	ssyncset.done $0x0  }
0x13d: {  	[sflag:s20] =	ssyncadd.s32 $0xFFFFE000  }
0x13e: {  	_ =	swait.ge [sflag:s18], $0x2000  }
0x13f: {  	[sflag:s18] =	ssyncset.done $0x0  }
0x140: {  	p0 =	sne.s32 s11, $0x900;
	[sflag:s18] =	ssyncadd.s32 $0xFFFFE000  }
0x141: {  	[spmem:s3] =	stream.indirect.scatter.add.f32 [tilespmem:s19], [sflag:$0x2], $0x40, s6, s14, $0xb8;
	[tilespmem:$0x1D000] =	vst v63  }
.Ltmp0:
0x142: {  	_ =	swait.ge [sflag:s20], $0x2000;
	(pc) =	sbr.rel @p0 .LBB2_2-.Ltmp0, $4  }
0x143: {  	[sflag:s20] =	ssyncset.done $0x0  }
0x144: {  	[sflag:s20] =	ssyncadd.s32 $0xFFFFE000  }
0x145: {  	_ =	swait.ge [sflag:s20], $0x2000  }
0x146: {  	s11 =	sadd.s32 $0x100, s11;
	s8 =	rddreg [dreg:$0x5];
	[sflag:s20] =	ssyncset.done $0x0  }
0x147: {  	[sflag:s20] =	ssyncadd.s32 $0xFFFFE000;
	s8 =	sadd.s32 s7, s8  }
0x148: {  	[tilespmem:s12], [sflag:$0x3] =	stream.linear.gather [hbm4b:s8+s4], $0x800, $0x38;
	[tilespmem:$0x1D000] =	vst v63  }
0x149: {  	_ =	swait.ge [sflag:s10], $0x800  }
0x14a: {  	s9 =	rddreg [dreg:$0x4];
	[sflag:s10] =	ssyncset.done $0x0  }
0x14b: {  	[sflag:s10] =	ssyncadd.s32 $0xFFFFF800;
	s11 =	sadd.s32 s7, s9  }
0x14c: {  	[tilespmem:s13], [sflag:$0x3] =	stream.linear.gather [hbm4b:s11+s4], $0x800, $0x38;
	[tilespmem:$0x1D000] =	vst v63  }
0x14d: {  	_ =	swait.ge [sflag:s10], $0x800  }
0x14e: {  	[sflag:s10] =	ssyncset.done $0x0  }
0x14f: {  	[sflag:s10] =	ssyncadd.s32 $0xFFFFF800  }
0x150: {  	[tilespmem:s15], [sflag:$0x1] =	stream.indirect.gather [spmem:s2], $0x40, s12, s14, $0xb8;
	[tilespmem:$0x1D000] =	vst v63  }
0x151: {  	s8 =	rddreg [dreg:$0x6]  }
0x152: {  	[tilespmem:s16], [sflag:$0x1] =	stream.indirect.gather [spmem:s2], $0x40, s8, s14, $0xb8;
	[tilespmem:$0x1D000] =	vst v63  }
0x153: {  	s9 =	rddreg [dreg:$0x7]  }
0x154: {  	[tilespmem:s17], [sflag:$0x1] =	stream.indirect.gather [spmem:s2], $0x40, s9, s14, $0xb8;
	[tilespmem:$0x1D000] =	vst v63  }
0x155: {  	_ =	swait.ge [sflag:s18], $0x2000  }
0x156: {  	[sflag:s18] =	ssyncset.done $0x0  }
0x157: {  	[sflag:s18] =	ssyncadd.s32 $0xFFFFE000  }
0x158: {  	[spmem:s3] =	stream.indirect.scatter.add.f32 [tilespmem:s15], [sflag:$0x2], $0x40, s13, s14, $0xb8;
	[tilespmem:$0x1D000] =	vst v63  }
0x159: {  	s11 =	rddreg [dreg:$0x8]  }
0x15a: {  	[tilespmem:s19], [sflag:$0x1] =	stream.indirect.gather [spmem:s2], $0x40, s11, s14, $0xb8;
	[tilespmem:$0x1D000] =	vst v63  }
0x15b: {  	_ =	swait.ge [sflag:s18], $0x2000  }
0x15c: {  	[sflag:s18] =	ssyncset.done $0x0  }
0x15d: {  	s8 =	rddreg [dreg:$0x9];
	[sflag:s18] =	ssyncadd.s32 $0xFFFFE000  }
0x15e: {  	[spmem:s3] =	stream.indirect.scatter.add.f32 [tilespmem:s16], [sflag:$0x2], $0x40, s8, s14, $0xb8;
	[tilespmem:$0x1D000] =	vst v63  }
0x15f: {  	_ =	swait.ge [sflag:s20], $0x2000  }
0x160: {  	[sflag:s20] =	ssyncset.done $0x0  }
0x161: {  	s9 =	rddreg [dreg:$0xa];
	[sflag:s20] =	ssyncadd.s32 $0xFFFFE000  }
0x162: {  	[tilespmem:s15], [sflag:$0x1] =	stream.indirect.gather [spmem:s2], $0x40, s9, s14, $0xb8;
	[tilespmem:$0x1D000] =	vst v63  }
0x163: {  	_ =	swait.ge [sflag:s18], $0x2000  }
0x164: {  	[sflag:s18] =	ssyncset.done $0x0  }
0x165: {  	s11 =	rddreg [dreg:$0xb];
	[sflag:s18] =	ssyncadd.s32 $0xFFFFE000  }
0x166: {  	[spmem:s3] =	stream.indirect.scatter.add.f32 [tilespmem:s17], [sflag:$0x2], $0x40, s11, s14, $0xb8;
	[tilespmem:$0x1D000] =	vst v63  }
0x167: {  	_ =	swait.ge [sflag:s20], $0x2000  }
0x168: {  	[sflag:s20] =	ssyncset.done $0x0  }
0x169: {  	s8 =	rddreg [dreg:$0xc];
	[sflag:s20] =	ssyncadd.s32 $0xFFFFE000  }
0x16a: {  	[tilespmem:s16], [sflag:$0x1] =	stream.indirect.gather [spmem:s2], $0x40, s8, s14, $0xb8;
	[tilespmem:$0x1D000] =	vst v63  }
0x16b: {  	_ =	swait.ge [sflag:s18], $0x2000  }
0x16c: {  	[sflag:s18] =	ssyncset.done $0x0  }
0x16d: {  	s9 =	rddreg [dreg:$0xd];
	[sflag:s18] =	ssyncadd.s32 $0xFFFFE000  }
0x16e: {  	[spmem:s3] =	stream.indirect.scatter.add.f32 [tilespmem:s19], [sflag:$0x2], $0x40, s9, s14, $0xb8;
	[tilespmem:$0x1D000] =	vst v63  }
0x16f: {  	_ =	swait.ge [sflag:s20], $0x2000  }
0x170: {  	[sflag:s20] =	ssyncset.done $0x0  }
0x171: {  	s11 =	rddreg [dreg:$0xe];
	[sflag:s20] =	ssyncadd.s32 $0xFFFFE000  }
0x172: {  	[tilespmem:s17], [sflag:$0x1] =	stream.indirect.gather [spmem:s2], $0x40, s11, s14, $0xb8;
	[tilespmem:$0x1D000] =	vst v63  }
0x173: {  	_ =	swait.ge [sflag:s18], $0x2000  }
0x174: {  	[sflag:s18] =	ssyncset.done $0x0  }
0x175: {  	s8 =	rddreg [dreg:$0xf];
	[sflag:s18] =	ssyncadd.s32 $0xFFFFE000  }
0x176: {  	[spmem:s3] =	stream.indirect.scatter.add.f32 [tilespmem:s15], [sflag:$0x2], $0x40, s8, s14, $0xb8;
	[tilespmem:$0x1D000] =	vst v63  }
0x177: {  	_ =	swait.ge [sflag:s20], $0x2000  }
0x178: {  	[sflag:s20] =	ssyncset.done $0x0  }
0x179: {  	s9 =	rddreg [dreg:$0x10];
	[sflag:s20] =	ssyncadd.s32 $0xFFFFE000  }
0x17a: {  	[tilespmem:s19], [sflag:$0x1] =	stream.indirect.gather [spmem:s2], $0x40, s9, s14, $0xb8;
	[tilespmem:$0x1D000] =	vst v63  }
0x17b: {  	_ =	swait.ge [sflag:s18], $0x2000  }
0x17c: {  	[sflag:s18] =	ssyncset.done $0x0  }
0x17d: {  	s11 =	rddreg [dreg:$0x11];
	[sflag:s18] =	ssyncadd.s32 $0xFFFFE000  }
0x17e: {  	[spmem:s3] =	stream.indirect.scatter.add.f32 [tilespmem:s16], [sflag:$0x2], $0x40, s11, s14, $0xb8;
	[tilespmem:$0x1D000] =	vst v63  }
0x17f: {  	_ =	swait.ge [sflag:s20], $0x2000  }
0x180: {  	[sflag:s20] =	ssyncset.done $0x0  }
0x181: {  	s8 =	rddreg [dreg:$0x12];
	[sflag:s20] =	ssyncadd.s32 $0xFFFFE000  }
0x182: {  	[tilespmem:s15], [sflag:$0x1] =	stream.indirect.gather [spmem:s2], $0x40, s8, s14, $0xb8;
	[tilespmem:$0x1D000] =	vst v63  }
0x183: {  	_ =	swait.ge [sflag:s18], $0x2000  }
0x184: {  	[sflag:s18] =	ssyncset.done $0x0  }
0x185: {  	s9 =	rddreg [dreg:$0x13];
	[sflag:s18] =	ssyncadd.s32 $0xFFFFE000  }
0x186: {  	[spmem:s3] =	stream.indirect.scatter.add.f32 [tilespmem:s17], [sflag:$0x2], $0x40, s9, s14, $0xb8;
	[tilespmem:$0x1D000] =	vst v63  }
0x187: {  	_ =	swait.ge [sflag:s20], $0x2000  }
0x188: {  	[sflag:s20] =	ssyncset.done $0x0  }
0x189: {  	s11 =	rddreg [dreg:$0x14];
	[sflag:s20] =	ssyncadd.s32 $0xFFFFE000  }
0x18a: {  	[tilespmem:s16], [sflag:$0x1] =	stream.indirect.gather [spmem:s2], $0x40, s11, s14, $0xb8;
	[tilespmem:$0x1D000] =	vst v63  }
0x18b: {  	_ =	swait.ge [sflag:s18], $0x2000  }
0x18c: {  	[sflag:s18] =	ssyncset.done $0x0  }
0x18d: {  	s8 =	rddreg [dreg:$0x15];
	[sflag:s18] =	ssyncadd.s32 $0xFFFFE000  }
0x18e: {  	[spmem:s3] =	stream.indirect.scatter.add.f32 [tilespmem:s19], [sflag:$0x2], $0x40, s8, s14, $0xb8;
	[tilespmem:$0x1D000] =	vst v63  }
0x18f: {  	_ =	swait.ge [sflag:s20], $0x2000  }
0x190: {  	[sflag:s20] =	ssyncset.done $0x0  }
0x191: {  	[sflag:s20] =	ssyncadd.s32 $0xFFFFE000  }
0x192: {  	[tilespmem:s17], [sflag:$0x1] =	stream.indirect.gather [spmem:s2], $0x40, s21, s14, $0xb8;
	[tilespmem:$0x1D000] =	vst v63  }
0x193: {  	_ =	swait.ge [sflag:s18], $0x2000  }
0x194: {  	[sflag:s18] =	ssyncset.done $0x0  }
0x195: {  	[sflag:s18] =	ssyncadd.s32 $0xFFFFE000  }
0x196: {  	[spmem:s3] =	stream.indirect.scatter.add.f32 [tilespmem:s15], [sflag:$0x2], $0x40, s22, s14, $0xb8;
	[tilespmem:$0x1D000] =	vst v63  }
0x197: {  	_ =	swait.ge [sflag:s20], $0x2000  }
0x198: {  	[sflag:s20] =	ssyncset.done $0x0  }
0x199: {  	[sflag:s20] =	ssyncadd.s32 $0xFFFFE000  }
0x19a: {  	[tilespmem:s19], [sflag:$0x1] =	stream.indirect.gather [spmem:s2], $0x40, s23, s14, $0xb8;
	[tilespmem:$0x1D000] =	vst v63  }
0x19b: {  	_ =	swait.ge [sflag:s18], $0x2000  }
0x19c: {  	[sflag:s18] =	ssyncset.done $0x0  }
0x19d: {  	[sflag:s18] =	ssyncadd.s32 $0xFFFFE000  }
0x19e: {  	[spmem:s3] =	stream.indirect.scatter.add.f32 [tilespmem:s16], [sflag:$0x2], $0x40, s24, s14, $0xb8;
	[tilespmem:$0x1D000] =	vst v63  }
0x19f: {  	_ =	swait.ge [sflag:s20], $0x2000  }
0x1a0: {  	[sflag:s20] =	ssyncset.done $0x0  }
0x1a1: {  	[sflag:s20] =	ssyncadd.s32 $0xFFFFE000  }
0x1a2: {  	[tilespmem:s15], [sflag:$0x1] =	stream.indirect.gather [spmem:s2], $0x40, s25, s14, $0xb8;
	[tilespmem:$0x1D000] =	vst v63  }
0x1a3: {  	_ =	swait.ge [sflag:s18], $0x2000  }
0x1a4: {  	[sflag:s18] =	ssyncset.done $0x0  }
0x1a5: {  	[sflag:s18] =	ssyncadd.s32 $0xFFFFE000  }
0x1a6: {  	[spmem:s3] =	stream.indirect.scatter.add.f32 [tilespmem:s17], [sflag:$0x2], $0x40, s26, s14, $0xb8;
	[tilespmem:$0x1D000] =	vst v63  }
0x1a7: {  	_ =	swait.ge [sflag:s20], $0x2000  }
0x1a8: {  	[sflag:s20] =	ssyncset.done $0x0  }
0x1a9: {  	[sflag:s20] =	ssyncadd.s32 $0xFFFFE000  }
0x1aa: {  	[tilespmem:s16], [sflag:$0x1] =	stream.indirect.gather [spmem:s2], $0x40, s28, s14, $0xb8;
	[tilespmem:$0x1D000] =	vst v63  }
0x1ab: {  	_ =	swait.ge [sflag:s18], $0x2000  }
0x1ac: {  	[sflag:s18] =	ssyncset.done $0x0  }
0x1ad: {  	[sflag:s18] =	ssyncadd.s32 $0xFFFFE000  }
0x1ae: {  	[spmem:s3] =	stream.indirect.scatter.add.f32 [tilespmem:s19], [sflag:$0x2], $0x40, s29, s14, $0xb8;
	[tilespmem:$0x1D000] =	vst v63  }
0x1af: {  	_ =	swait.ge [sflag:s20], $0x2000  }
0x1b0: {  	[sflag:s20] =	ssyncset.done $0x0  }
0x1b1: {  	[sflag:s20] =	ssyncadd.s32 $0xFFFFE000  }
0x1b2: {  	[tilespmem:s17], [sflag:$0x1] =	stream.indirect.gather [spmem:s2], $0x40, s30, s14, $0xb8;
	[tilespmem:$0x1D000] =	vst v63  }
0x1b3: {  	_ =	swait.ge [sflag:s18], $0x2000  }
0x1b4: {  	[sflag:s18] =	ssyncset.done $0x0  }
0x1b5: {  	[sflag:s18] =	ssyncadd.s32 $0xFFFFE000  }
0x1b6: {  	[spmem:s3] =	stream.indirect.scatter.add.f32 [tilespmem:s15], [sflag:$0x2], $0x40, s31, s14, $0xb8;
	[tilespmem:$0x1D000] =	vst v63  }
0x1b7: {  	_ =	swait.ge [sflag:s20], $0x2000  }
0x1b8: {  	[sflag:s20] =	ssyncset.done $0x0  }
0x1b9: {  	[sflag:s20] =	ssyncadd.s32 $0xFFFFE000  }
0x1ba: {  	[tilespmem:s19], [sflag:$0x1] =	stream.indirect.gather [spmem:s2], $0x40, s1, s14, $0xb8;
	[tilespmem:$0x1D000] =	vst v63  }
0x1bb: {  	_ =	swait.ge [sflag:s18], $0x2000  }
0x1bc: {  	[sflag:s18] =	ssyncset.done $0x0  }
0x1bd: {  	[sflag:s18] =	ssyncadd.s32 $0xFFFFE000  }
0x1be: {  	[spmem:s3] =	stream.indirect.scatter.add.f32 [tilespmem:s16], [sflag:$0x2], $0x40, s0, s14, $0xb8;
	[tilespmem:$0x1D000] =	vst v63  }
0x1bf: {  	_ =	swait.ge [sflag:s20], $0x2000  }
0x1c0: {  	[sflag:s20] =	ssyncset.done $0x0  }
0x1c1: {  	[sflag:s20] =	ssyncadd.s32 $0xFFFFE000  }
0x1c2: {  	_ =	swait.ge [sflag:s18], $0x2000  }
0x1c3: {  	[sflag:s18] =	ssyncset.done $0x0  }
0x1c4: {  	[sflag:s18] =	ssyncadd.s32 $0xFFFFE000  }
0x1c5: {  	[spmem:s3] =	stream.indirect.scatter.add.f32 [tilespmem:s17], [sflag:$0x2], $0x40, s5, s14, $0xb8;
	[tilespmem:$0x1D000] =	vst v63  }
0x1c6: {  	_ =	swait.ge [sflag:s20], $0x2000  }
0x1c7: {  	[sflag:s20] =	ssyncset.done $0x0  }
0x1c8: {  	[sflag:s20] =	ssyncadd.s32 $0xFFFFE000  }
0x1c9: {  	_ =	swait.ge [sflag:s18], $0x2000  }
0x1ca: {  	[sflag:s18] =	ssyncset.done $0x0  }
0x1cb: {  	[sflag:s18] =	ssyncadd.s32 $0xFFFFE000  }
0x1cc: {  	[spmem:s3] =	stream.indirect.scatter.add.f32 [tilespmem:s19], [sflag:$0x2], $0x40, s6, s14, $0xb8;
	[tilespmem:$0x1D000] =	vst v63  }
0x1cd: {  	_ =	swait.ge [sflag:s20], $0x2000  }
0x1ce: {  	[sflag:s20] =	ssyncset.done $0x0  }
0x1cf: {  	[sflag:s20] =	ssyncadd.s32 $0xFFFFE000  }
0x1d0: {  	_ =	swait.ge [sflag:s20], $0x2000  }
0x1d1: {  	[sflag:s20] =	ssyncset.done $0x0  }
0x1d2: {  	[sflag:s20] =	ssyncadd.s32 $0xFFFFE000  }
0x1d3: {  	[bflag:$0x0] =	sbarrier.arrive $0xFFFF  }
0x1d4: {  	s9 =	rddreg [dreg:$0x16]  }
0x1d5: {  	s8 =	rddreg [dreg:$0x19]  }
0x1d6: {  	s11 =	rddreg [dreg:$0x1b]  }
0x1d7: {  	[hbm:s9], [sflag:s8] =	dma.local [spmem:s11], $0x1400  }
0x1d8: {  	_ =	swait.ge [sflag:s10], $0x1400  }
0x1d9: {  	s9 =	rddreg [dreg:$0x1c]  }
0x1da: {  	s7 =	rddreg [dreg:$0x17];
	s9 =	sadd.s32 $0x1, s9  }
0x1db: {  	p0 =	sne.s32 s9, s7  }
.Ltmp1:
0x1dc: {  	_ = 	snop;
	(pc) =	sbr.rel @p0 .LBB2_1-.Ltmp1, $3  }
0x1dd: {  	_ =	sdelay $0x1  }
0x1de: {  	[sflag:s10] =	ssyncset.done $0x0  }
0x1df: {  	[sflag:s10] =	ssyncadd.s32 $0xFFFFEC00  }
0x1e0: {  	_ =	sfence.sel $0x180000  }
0x1e1: {  	[bflag:$0x0] =	sbarrier.arrive $0xFFFF  }
0x1e2: {  	_ =	strace $0x9000004D  }
0x1e3: {  	s0 =	stileid.u32;
	[bflag:$0x2] =	sbarrier.arrive $0xFFFF  }
0x1e4: {  	p0 =	sne.s32 s0, $0x0;
	s0 =	rddreg [dreg:$0x3]  }
0x1e5: {  	s0 =	sadd.s32 @!p0 $0x100000, s0  }
0x1e6: {  	[sflag:s0] =	ssyncadd.tile.s32 @!p0 $0x1;
	_ =	shalt  }
.Lfunc_end2:
_tile_overlayer_lowered:
.L_overlay_start_2:
0x1e7: {  	(tag) =	ssettag $0x2  }
0x1e8: {  	s0 =	rddreg [dreg:$0x0];
	s2 =	stileid.u32  }
0x1e9: {  	s1 =	rddreg [dreg:$0x1];
	p0 =	sne.s32 s2, $0x0  }
0x1ea: {  	s3 =	rddreg [dreg:$0x2];
	[bflag:$0x3] =	sbarrier.arrive $0xFFFF;
	s2 =	simm.s32 @!p0 $0x1C03  }
0x1eb: {  	[timem:s3], [sflag:s2] =	dma.local @!p0 [hbm:s0], s1  }
0x1ec: {  	s0 =	simm.s32 @!p0 $0x3  }
0x1ed: {  	_ =	swait.ge @!p0 [sflag:s0], s1  }
0x1ee: {  	s1 =	ssub.s32 @!p0 $0x0, s1;
	[sflag:s0] =	ssyncset.done @!p0 $0x0  }
0x1ef: {  	[sflag:s0] =	ssyncadd.s32 @!p0 s1  }
0x1f0: {  	[bflag:$0x3] =	sbarrier.arrive $0xFFFF  }
0x1f1: {  	_ =	shalt  }

// kernel: kernel.8.cloned.1.call-start
scs
__scs_entry_jumppad:
0x0: {  	(pc) =	sbr.rel $0x88, $3  }
0x1: {  	(tag) =	ssettag $0x0;
	lr =	simm.s32 $0x1  }
0x2: {  	[smem:$0x3F8F] =	sst lr;
	_ =	strace $0xD0000000  }
0x3: {  	_ = 	snop  }
0x4: {  	_ = 	snop  }
0x5: {  	_ = 	snop  }
0x6: {  	_ = 	snop  }
0x7: {  	_ = 	snop  }
__scs_overlays_trampoline_lowered:
0x8: {  	[smem:$0x3F9E] =	sst s0  }
0x9: {  	[smem:$0x3F9F] =	sst s1  }
0xa: {  	[smem:$0x3FA0] =	sst s2  }
0xb: {  	[smem:$0x3FA1] =	sst s3  }
0xc: {  	[smem:$0x3FA2] =	sst s4  }
0xd: {  	[smem:$0x3FA3] =	sst s5  }
0xe: {  	[smem:$0x3FA4] =	sst s6  }
0xf: {  	[smem:$0x3FA5] =	sst s7  }
0x10: {  	[smem:$0x3FA6] =	sst s8  }
0x11: {  	[smem:$0x3FA7] =	sst s9;
	s0 =	simm.s32 @!p0 $0x0  }
0x12: {  	s1 =	sld [smem:$0x3F8D];
	s0 =	simm.s32 @p0 $0x1  }
0x13: {  	[smem:$0x3FA8] =	sst s0;
	s0 =	simm.s32 @!p1 $0x0  }
0x14: {  	s2 =	sld [smem:$0x3F8C];
	s0 =	simm.s32 @p1 $0x1  }
0x15: {  	[smem:$0x3FA9] =	sst s0;
	s0 =	simm.s32 @!p2 $0x0  }
0x16: {  	s3 =	sld [smem:$0x3FDB];
	s0 =	simm.s32 @p2 $0x1  }
0x17: {  	s4 =	simm.s32 $0x1BF5;
	[smem:$0x3FAB] =	sst s0  }
0x18: {  	s0 =	sld [smem:$0x3F8E];
	_ =	swait.ge [sflag:s4], $0x0  }
0x19: {  	s7 =	sld [smem:$0x3F8F]  }
0x1a: {  	s8 =	sadd.s32 $0xFFFFE003, lr  }
0x1b: {  	s9 =	sadd.s32 $0xFFFFFEF7, lr;
	s5 =	simm.s32 $0xFFFFFFFF;
	p2 =	slt.u32 s8, $0xFFFFF086  }
0x1c: {  	p1 =	slt.u32 s9, $0xF7A;
	s5 =	simm.s32 @!p2 $0x0  }
0x1d: {  	s5 =	simm.s32 @p1 $0x1;
	p0 =	seq.s32 s7, s2  }
0x1e: {  	s7 =	smul.u32 @!p0 $0xF7A, s2;
	p2 =	seq.s32 @!p0 s5, $0x0  }
0x1f: {  	s9 =	smul.u32 $0xF7A, s1;
	s8 =	simm.s32 @!p0 $0x1BF5;
	p2 =	por !p2, p0  }
0x20: {  	[sflag:s8] =	ssyncset.s32 @!p0 $0xFFFFF086;
	s6 =	sadd.s32 @!p0 s3, s7;
	s7 =	simm.s32 @!p0 $0x108  }
0x21: {  	s3 =	sadd.s32 s3, s9;
	s6 =	sadd.s32 @!p0 $0x88, s6;
	s7 =	simm.s32 @p2 $0x1082  }
0x22: {  	[simem:s7], [sflag:s8] =	dma.local @!p0 [hbm:s6], $0xF7A  }
0x23: {  	s9 =	sor.u32 $0xD0000000, s2;
	s6 =	simm.s32 $0x108;
	_ =	swait.ge @!p0 [sflag:s8], $0x0  }
0x24: {  	s3 =	sadd.s32 $0x88, s3;
	s6 =	simm.s32 @!p1 $0x1082;
	[sflag:s4] =	ssyncset.s32 $0xFFFFF086  }
0x25: {  	[simem:s6], [sflag:s4] =	dma.local [hbm:s3], $0xF7A  }
0x26: {  	[smem:$0x3F8F] =	sst s1;
	(tag) =	ssettag s2;
	_ =	strace s9  }
0x27: {  	s1 =	sld [smem:$0x3F9F]  }
0x28: {  	s2 =	sld [smem:$0x3FA0]  }
0x29: {  	s4 =	sld [smem:$0x3FA2]  }
0x2a: {  	p0 =	seq.s32 s5, $0x0;
	s5 =	sld [smem:$0x3FA3]  }
0x2b: {  	s6 =	sld [smem:$0x3FA4]  }
0x2c: {  	s7 =	sld [smem:$0x3FA5]  }
0x2d: {  	s3 =	simm.s32 $0x108;
	s8 =	sld [smem:$0x3FA6]  }
0x2e: {  	s3 =	simm.s32 @!p0 $0x1082;
	s9 =	sld [smem:$0x3FA7]  }
0x2f: {  	lr =	sadd.s32 s0, s3;
	s0 =	sld [smem:$0x3F9E]  }
0x30: {  	s3 =	sld [smem:$0x3FA1]  }
0x31: {  	[smem:$0x3FAA] =	sst s10  }
0x32: {  	s10 =	sld [smem:$0x3FA8];
	_ =	sdelay $0x3  }
0x33: {  	p0 =	seq.s32 s10, $0x1;
	s10 =	sld [smem:$0x3FAA];
	_ =	sdelay $0x3  }
0x34: {  	[smem:$0x3FAA] =	sst s10  }
0x35: {  	s10 =	sld [smem:$0x3FA9];
	_ =	sdelay $0x3  }
0x36: {  	p1 =	seq.s32 s10, $0x1;
	s10 =	sld [smem:$0x3FAA];
	_ =	sdelay $0x3  }
0x37: {  	[smem:$0x3FAA] =	sst s10  }
0x38: {  	s10 =	sld [smem:$0x3FAB]  }
0x39: {  	_ = 	snop;
	(pc) =	sbr.ind lr, $3  }
0x3a: {  	_ = 	snop  }
0x3b: {  	_ = 	snop  }
0x3c: {  	p2 =	seq.s32 s10, $0x1;
	s10 =	sld [smem:$0x3FAA]  }
0x3d: {  	_ =	shalt  }
0x3e: {  	_ =	shalt  }
0x3f: {  	_ =	shalt  }
0x40: {  	_ =	shalt  }
0x41: {  	_ =	shalt  }
0x42: {  	_ =	shalt  }
0x43: {  	_ =	shalt  }
0x44: {  	_ =	shalt  }
0x45: {  	_ =	shalt  }
0x46: {  	_ =	shalt  }
0x47: {  	_ =	shalt  }
0x48: {  	_ =	shalt  }
0x49: {  	_ =	shalt  }
0x4a: {  	_ =	shalt  }
0x4b: {  	_ =	shalt  }
0x4c: {  	_ =	shalt  }
0x4d: {  	_ =	shalt  }
0x4e: {  	_ =	shalt  }
0x4f: {  	_ =	shalt  }
0x50: {  	_ =	shalt  }
0x51: {  	_ =	shalt  }
0x52: {  	_ =	shalt  }
0x53: {  	_ =	shalt  }
0x54: {  	_ =	shalt  }
0x55: {  	_ =	shalt  }
0x56: {  	_ =	shalt  }
0x57: {  	_ =	shalt  }
0x58: {  	_ =	shalt  }
0x59: {  	_ =	shalt  }
0x5a: {  	_ =	shalt  }
0x5b: {  	_ =	shalt  }
0x5c: {  	_ =	shalt  }
0x5d: {  	_ =	shalt  }
0x5e: {  	_ =	shalt  }
0x5f: {  	_ =	shalt  }
0x60: {  	_ =	shalt  }
0x61: {  	_ =	shalt  }
0x62: {  	_ =	shalt  }
0x63: {  	_ =	shalt  }
0x64: {  	_ =	shalt  }
0x65: {  	_ =	shalt  }
0x66: {  	_ =	shalt  }
0x67: {  	_ =	shalt  }
0x68: {  	_ =	shalt  }
0x69: {  	_ =	shalt  }
0x6a: {  	_ =	shalt  }
0x6b: {  	_ =	shalt  }
0x6c: {  	_ =	shalt  }
0x6d: {  	_ =	shalt  }
0x6e: {  	_ =	shalt  }
0x6f: {  	_ =	shalt  }
0x70: {  	_ =	shalt  }
0x71: {  	_ =	shalt  }
0x72: {  	_ =	shalt  }
0x73: {  	_ =	shalt  }
0x74: {  	_ =	shalt  }
0x75: {  	_ =	shalt  }
0x76: {  	_ =	shalt  }
0x77: {  	_ =	shalt  }
0x78: {  	_ =	shalt  }
0x79: {  	_ =	shalt  }
0x7a: {  	_ =	shalt  }
0x7b: {  	_ =	shalt  }
0x7c: {  	_ =	shalt  }
0x7d: {  	_ =	shalt  }
0x7e: {  	_ =	shalt  }
0x7f: {  	_ =	shalt  }
0x80: {  	_ =	shalt  }
0x81: {  	_ =	shalt  }
0x82: {  	_ =	shalt  }
0x83: {  	_ =	shalt  }
0x84: {  	_ =	shalt  }
0x85: {  	_ =	shalt  }
0x86: {  	_ =	shalt  }
0x87: {  	_ =	shalt  }
.Lfunc_end0:
.L_simem_size_0:
called_computation_lowered:
.L_overlay_start_0:
0x88: {  	s2 =	sld [smem:$0x3FD9]  }
0x89: {  	s3 =	sld [smem:$0x3FFE];
	_ =	sdelay $0x1  }
0x8a: {  	s1 =	srdreg.scid  }
0x8b: {  	s0 =	sand.u32 $0x1, s1  }
0x8c: {  	s16 =	sshll.u32 s0, $0xA;
	s2 =	sadd.s32 s3, s2  }
0x8d: {  	s2 =	sadd.s32 s2, s16  }
0x8e: {  	[smem:$0x3FB6] =	sst s2  }
0x8f: {  	_ = 	snop  }
0x90: {  	(tm) =	ssettm $0x1  }
0x91: {  	s17 =	sld [smem:$0x3FFB];
	_ =	sdelay $0x3  }
0x92: {  	_ =	strace s17  }
0x93: {  	s2 =	sld [smem:$0x3FFC];
	_ =	sdelay $0x3  }
0x94: {  	_ =	strace s2  }
0x95: {  	s2 =	sld [smem:$0x3FFD];
	_ =	sdelay $0x3  }
0x96: {  	_ =	strace s2  }
0x97: {  	_ =	strace $0x8FFFFFFF  }
0x98: {  	s18 =	sld [smem:$0x3FDB];
	_ =	sdelay $0x1  }
0x99: {  	s19 =	simm.s32 $_scs_section_size  }
0x9a: {  	s4 =	simm.s32 $_size__tile_overlayer_lowered;
	s5 =	simm.s32 $_tile_overlayer_lowered  }
0x9b: {  	s22 =	simm.s32 $0x1BFF;
	s21 =	sshll.u32 s5, $0x1;
	s2 =	sadd.s32 s19, s18  }
0x9c: {  	s6 =	simm.s32 $0x0;
	s20 =	sshll.u32 s4, $0x1;
	s4 =	sadd.s32 s21, s2  }
0x9d: {  	[timem:s6], [sflag:s22] =	dma.local [hbm:s4], s20  }
0x9e: {  	_ =	swait.ge [sflag:s22], s20  }
0x9f: {  	s3 =	ssub.s32 $0x0, s20;
	[sflag:s22] =	ssyncset.done $0x0  }
0xa0: {  	[sflag:s22] =	ssyncadd.s32 s3;
	_ =	sdelay $0x1  }
0xa1: {  	s23 =	simm.s32 $0x1B8B  }
0xa2: {  	_ =	swait.ge [sflag:s23], $0x1  }
0xa3: {  	[sflag:s23] =	ssyncset.done $0x0  }
0xa4: {  	s25 =	simm.s32 $0x1B8E;
	s24 =	sld [smem:$0x3FFE];
	[sflag:s23] =	ssyncadd.s32 $0xFFFFFFFF  }
0xa5: {  	s26 =	simm.s32 $execute0_lowered;
	[smem:$0x3FD2] =	sst s25  }
0xa6: {  	s4 =	sshll.u32 s26, $0x1;
	_ =	strace $0x80000046;
	[dreg:$0x1] =	wrdreg $0xFFFFFFFF  }
0xa7: {  	s28 =	simm.s32 $_size_execute0_lowered;
	s2 =	sadd.s32 s2, s4;
	[dreg:$0x0] =	wrdreg $0x0  }
0xa8: {  	s4 =	sshll.u32 s28, $0x1;
	[dreg:$0x2] =	wrdreg s2  }
0xa9: {  	[dreg:$0x3] =	wrdreg s4  }
0xaa: {  	[dreg:$0x4] =	wrdreg $0xC0  }
0xab: {  	_ =	task [dreg:s6], $0x5FFFF  }
0xac: {  	[dreg:$0x1] =	wrdreg $0xFFFFFFFF  }
0xad: {  	[dreg:$0x0] =	wrdreg $0x60  }
0xae: {  	[dreg:$0x2] =	wrdreg s24  }
0xaf: {  	[dreg:$0x3] =	wrdreg $0x0  }
0xb0: {  	[dreg:$0x4] =	wrdreg $0x9  }
0xb1: {  	_ =	task.clear_ibuf [dreg:s6], $0x5FFFF;
	_ =	strace $0x90000046  }
0xb2: {  	s29 =	simm.s32 $0x9;
	_ =	strace $0x80000048  }
0xb3: {  	_ =	swait.ge [sflag:s29], $0x1  }
0xb4: {  	[sflag:s29] =	ssyncadd.s32 $0xFFFFFFFF  }
0xb5: {  	_ =	strace $0x90000048  }
0xb6: {  	_ =	sfence  }
0xb7: {  	s30 =	sld [smem:$0x0];
	_ =	sdelay $0x2  }
0xb8: {  	s31 =	sshll.u32 s1, $0xD;
	s1 =	sshrl.u32 s1, $0x2  }
0xb9: {  	s3 =	sand.u32 $0x4000, s31;
	s1 =	sadd.s32 s1, s30  }
0xba: {  	s0 =	sor.u32 s3, s0;
	s1 =	sshll.u32 s1, $0x11  }
0xbb: {  	s0 =	sor.u32 s1, s0  }
0xbc: {  	s0 =	sadd.s32 $0x8F2B, s0  }
0xbd: {  	[sflag:s0] =	ssyncadd.remote.s32 $0x1  }
0xbe: {  	_ =	sfence.sel $0xFFFF  }
0xbf: {  	[dreg:$0x0] =	wrdreg $0xFFFFFFFF;
	(pc) =	sbr.abs _section_cstart, $3  }
0xc0: {  	[dreg:$0x1] =	wrdreg $0xFFFFFFFF  }
0xc1: {  	_ =	task.clear_ibuf [dreg:s6], $0x2FFFF;
	_ =	strace $0x9FFFFFFF  }
0xc2: {  	(tm) =	ssettm $0x7FFFFFFF  }
0xc3: {  	_ =	shalt  }
tec
execute0_lowered:
.L_overlay_start_1:
0x0: {  	(tag) =	ssettag $0x1  }
0x1: {  	s0 =	rddreg [dreg:$0x0];
	s2 =	srdreg.scid  }
0x2: {  	s1 =	rddreg [dreg:$0x1];
	s21 =	stileid.u32  }
0x3: {  	s3 =	simm.s32 $0x0;
	s11 =	simm.s32 $0xB00;
	s12 =	simm.s32 $0x1  }
0x4: {  	s13 =	simm.s32 $0x280;
	s14 =	simm.s32 $0x80;
	s15 =	simm.s32 $0xA80  }
0x5: {  	s16 =	simm.s32 $0x300;
	s17 =	simm.s32 $0x380;
	s18 =	simm.s32 $0x400  }
0x6: {  	s19 =	simm.s32 $0x480;
	s20 =	simm.s32 $0x500;
	s28 =	simm.s32 $0x800  }
0x7: {  	s29 =	simm.s32 $0x880;
	s30 =	simm.s32 $0x900;
	s31 =	simm.s32 $0x980  }
0x8: {  	s4 =	sand.u32 $0x1, s2;
	s6 =	smul.u32 $0x5000, s21;
	[smem:$0x7FF] =	sst s3  }
0x9: {  	s7 =	smul.u32 $0x280, s21;
	s22 =	sadd.s32 $0x800, s1;
	s23 =	sadd.s32 $0x1000, s1  }
0xa: {  	s24 =	sadd.s32 $0x1800, s1;
	_ =	strace $0x80000047;
	[dreg:$0x3] =	wrdreg s22  }
0xb: {  	s25 =	sadd.s32 $0x2000, s1;
	p0 =	sne.s32 s21, $0x0;
	[dreg:$0x4] =	wrdreg s23  }
0xc: {  	s21 =	simm.s32 $0x580;
	s5 =	smul.u32 $0x2800, s4;
	[dreg:$0x5] =	wrdreg s24  }
0xd: {  	s4 =	ssub.s32 $0x2, s4;
	[dreg:$0x6] =	wrdreg s25;
	s22 =	simm.s32 $0x600  }
0xe: {  	s23 =	simm.s32 $0x680;
	s24 =	simm.s32 $0x700;
	s8 =	sshrl.u32 s4, $0x1  }
0xf: {  	s26 =	sadd.s32 s7, s1;
	s6 =	sadd.s32 s5, s6;
	s5 =	sadd.s32 s7, s5  }
0x10: {  	s4 =	ssub.s32 s4, s8;
	s25 =	sshrl.u32 s26, $0x3;
	s26 =	simm.s32 $0x780  }
0x11: {  	s6 =	sshrl.u32 s6, $0x3;
	s5 =	sshrl.u32 s5, $0x3;
	s9 =	smax.u32 s4, $0x1  }
0x12: {  	s4 =	simm.s32 $0x0;
	s6 =	sadd.s32 s6, s0;
	s0 =	sadd.s32 s5, s0  }
0x13: {  	v0 =	vimm.f32 $1.000000000e+00;
	v1 =	vimm.f32 $0.0e+00;
	s8 =	sadd.s32 $0xD800, s0;
	s10 =	sadd.s32 $0x3800, s6;
	s0 =	simm.s32 $0xA00  }
.LBB2_1:
0x14: {  	[tilespmem:$0xA80] =	vst v0  }
0x15: {  	[tilespmem:$0xA90] =	vst v0  }
0x16: {  	[tilespmem:$0xAA0] =	vst v0  }
.Ltmp0:
0x17: {  	[tilespmem:$0xAB0] =	vst v0;
	(pc) =	sbr.rel @p0 .LBB2_5-.Ltmp0, $4  }
0x18: {  	[tilespmem:$0xAC0] =	vst v0  }
0x19: {  	[tilespmem:$0xAD0] =	vst v0  }
0x1a: {  	[tilespmem:$0xAE0] =	vst v0  }
0x1b: {  	[tilespmem:$0xAF0] =	vst v0  }
0x1c: {  	s5 =	simm.s32 $0x40;
	s6 =	simm.s32 $0x0  }
.LBB2_3:
0x1d: {  	p1 =	sne.s32 s5, $0x1FC0;
	[tilespmem:s6+$0xB00] =	vst v1;
	s6 =	smov.u32 s5;
	s5 =	sadd.s32 $0x40, s5  }
.Ltmp1:
0x1e: {  	(pc) =	sbr.rel @p1 .LBB2_3-.Ltmp1, $2  }
0x1f: {  	_ =	sdelay $0x2  }
0x20: {  	s6 =	sshra.s32 s6, $0x2  }
0x21: {  	[tilespmem:s6+$0xB00] =	vst v1  }
0x22: {  	[spmem:s1] =	stream.linear.scatter [tilespmem:s11], [sflag:$0x1], $0x800, $0x38;
	[tilespmem:$0x1300] =	vst v63  }
0x23: {  	_ =	swait.ge [sflag:s12], $0x800  }
0x24: {  	[sflag:s12] =	ssyncset.done $0x0  }
0x25: {  	s2 =	rddreg [dreg:$0x3];
	[sflag:s12] =	ssyncadd.s32 $0xFFFFF800  }
0x26: {  	[spmem:s2] =	stream.linear.scatter [tilespmem:s11], [sflag:$0x1], $0x800, $0x38;
	[tilespmem:$0x1300] =	vst v63  }
0x27: {  	_ =	swait.ge [sflag:s12], $0x800  }
0x28: {  	[sflag:s12] =	ssyncset.done $0x0  }
0x29: {  	s5 =	rddreg [dreg:$0x4];
	[sflag:s12] =	ssyncadd.s32 $0xFFFFF800  }
0x2a: {  	[spmem:s5] =	stream.linear.scatter [tilespmem:s11], [sflag:$0x1], $0x800, $0x38;
	[tilespmem:$0x1300] =	vst v63  }
0x2b: {  	_ =	swait.ge [sflag:s12], $0x800  }
0x2c: {  	[sflag:s12] =	ssyncset.done $0x0  }
0x2d: {  	s6 =	rddreg [dreg:$0x5];
	[sflag:s12] =	ssyncadd.s32 $0xFFFFF800  }
0x2e: {  	[spmem:s6] =	stream.linear.scatter [tilespmem:s11], [sflag:$0x1], $0x800, $0x38;
	[tilespmem:$0x1300] =	vst v63  }
0x2f: {  	_ =	swait.ge [sflag:s12], $0x800  }
0x30: {  	[sflag:s12] =	ssyncset.done $0x0  }
0x31: {  	s7 =	rddreg [dreg:$0x6];
	[sflag:s12] =	ssyncadd.s32 $0xFFFFF800  }
0x32: {  	[spmem:s7] =	stream.linear.scatter [tilespmem:s11], [sflag:$0x1], $0x800, $0x38;
	[tilespmem:$0x1300] =	vst v63  }
0x33: {  	_ =	swait.ge [sflag:s12], $0x800  }
0x34: {  	[sflag:s12] =	ssyncset.done $0x0  }
0x35: {  	[sflag:s12] =	ssyncadd.s32 $0xFFFFF800  }
.LBB2_5:
0x36: {  	[bflag:$0x0] =	sbarrier.arrive $0xFFFF;
	s5 =	sadd.s32 $0x0, s10  }
0x37: {  	[tilespmem:s13], [sflag:$0x1] =	stream.linear.gather [hbm4b:s5+s3], $0x800, $0x38;
	[tilespmem:$0x1300] =	vst v63  }
0x38: {  	_ =	swait.ge [sflag:s12], $0x800  }
0x39: {  	[sflag:s12] =	ssyncset.done $0x0  }
0x3a: {  	[sflag:s12] =	ssyncadd.s32 $0xFFFFF800  }
0x3b: {  	[spmem:s1] =	stream.indirect.scatter.add.f32 [tilespmem:s15], [sflag:$0x1], $0x1, s13, s14, $0xb8;
	[tilespmem:$0x1300] =	vst v63  }
0x3c: {  	_ =	swait.ge [sflag:s12], $0x80  }
0x3d: {  	[sflag:s12] =	ssyncset.done $0x0  }
0x3e: {  	[sflag:s12] =	ssyncadd.s32 $0xFFFFFF80  }
0x3f: {  	[spmem:s1] =	stream.indirect.scatter.add.f32 [tilespmem:s15], [sflag:$0x1], $0x1, s16, s14, $0xb8;
	[tilespmem:$0x1300] =	vst v63  }
0x40: {  	_ =	swait.ge [sflag:s12], $0x80  }
0x41: {  	[sflag:s12] =	ssyncset.done $0x0  }
0x42: {  	[sflag:s12] =	ssyncadd.s32 $0xFFFFFF80  }
0x43: {  	[spmem:s1] =	stream.indirect.scatter.add.f32 [tilespmem:s15], [sflag:$0x1], $0x1, s17, s14, $0xb8;
	[tilespmem:$0x1300] =	vst v63  }
0x44: {  	_ =	swait.ge [sflag:s12], $0x80  }
0x45: {  	[sflag:s12] =	ssyncset.done $0x0  }
0x46: {  	[sflag:s12] =	ssyncadd.s32 $0xFFFFFF80  }
0x47: {  	[spmem:s1] =	stream.indirect.scatter.add.f32 [tilespmem:s15], [sflag:$0x1], $0x1, s18, s14, $0xb8;
	[tilespmem:$0x1300] =	vst v63  }
0x48: {  	_ =	swait.ge [sflag:s12], $0x80  }
0x49: {  	[sflag:s12] =	ssyncset.done $0x0  }
0x4a: {  	[sflag:s12] =	ssyncadd.s32 $0xFFFFFF80  }
0x4b: {  	[spmem:s1] =	stream.indirect.scatter.add.f32 [tilespmem:s15], [sflag:$0x1], $0x1, s19, s14, $0xb8;
	[tilespmem:$0x1300] =	vst v63  }
0x4c: {  	_ =	swait.ge [sflag:s12], $0x80  }
0x4d: {  	[sflag:s12] =	ssyncset.done $0x0  }
0x4e: {  	[sflag:s12] =	ssyncadd.s32 $0xFFFFFF80  }
0x4f: {  	[spmem:s1] =	stream.indirect.scatter.add.f32 [tilespmem:s15], [sflag:$0x1], $0x1, s20, s14, $0xb8;
	[tilespmem:$0x1300] =	vst v63  }
0x50: {  	_ =	swait.ge [sflag:s12], $0x80  }
0x51: {  	[sflag:s12] =	ssyncset.done $0x0  }
0x52: {  	[sflag:s12] =	ssyncadd.s32 $0xFFFFFF80  }
0x53: {  	[spmem:s1] =	stream.indirect.scatter.add.f32 [tilespmem:s15], [sflag:$0x1], $0x1, s21, s14, $0xb8;
	[tilespmem:$0x1300] =	vst v63  }
0x54: {  	_ =	swait.ge [sflag:s12], $0x80  }
0x55: {  	[sflag:s12] =	ssyncset.done $0x0  }
0x56: {  	[sflag:s12] =	ssyncadd.s32 $0xFFFFFF80  }
0x57: {  	[spmem:s1] =	stream.indirect.scatter.add.f32 [tilespmem:s15], [sflag:$0x1], $0x1, s22, s14, $0xb8;
	[tilespmem:$0x1300] =	vst v63  }
0x58: {  	_ =	swait.ge [sflag:s12], $0x80  }
0x59: {  	[sflag:s12] =	ssyncset.done $0x0  }
0x5a: {  	[sflag:s12] =	ssyncadd.s32 $0xFFFFFF80  }
0x5b: {  	[spmem:s1] =	stream.indirect.scatter.add.f32 [tilespmem:s15], [sflag:$0x1], $0x1, s23, s14, $0xb8;
	[tilespmem:$0x1300] =	vst v63  }
0x5c: {  	_ =	swait.ge [sflag:s12], $0x80  }
0x5d: {  	[sflag:s12] =	ssyncset.done $0x0  }
0x5e: {  	[sflag:s12] =	ssyncadd.s32 $0xFFFFFF80  }
0x5f: {  	[spmem:s1] =	stream.indirect.scatter.add.f32 [tilespmem:s15], [sflag:$0x1], $0x1, s24, s14, $0xb8;
	[tilespmem:$0x1300] =	vst v63  }
0x60: {  	_ =	swait.ge [sflag:s12], $0x80  }
0x61: {  	[sflag:s12] =	ssyncset.done $0x0  }
0x62: {  	[sflag:s12] =	ssyncadd.s32 $0xFFFFFF80  }
0x63: {  	[spmem:s1] =	stream.indirect.scatter.add.f32 [tilespmem:s15], [sflag:$0x1], $0x1, s26, s14, $0xb8;
	[tilespmem:$0x1300] =	vst v63  }
0x64: {  	_ =	swait.ge [sflag:s12], $0x80  }
0x65: {  	[sflag:s12] =	ssyncset.done $0x0  }
0x66: {  	[sflag:s12] =	ssyncadd.s32 $0xFFFFFF80  }
0x67: {  	[spmem:s1] =	stream.indirect.scatter.add.f32 [tilespmem:s15], [sflag:$0x1], $0x1, s28, s14, $0xb8;
	[tilespmem:$0x1300] =	vst v63  }
0x68: {  	_ =	swait.ge [sflag:s12], $0x80  }
0x69: {  	[sflag:s12] =	ssyncset.done $0x0  }
0x6a: {  	[sflag:s12] =	ssyncadd.s32 $0xFFFFFF80  }
0x6b: {  	[spmem:s1] =	stream.indirect.scatter.add.f32 [tilespmem:s15], [sflag:$0x1], $0x1, s29, s14, $0xb8;
	[tilespmem:$0x1300] =	vst v63  }
0x6c: {  	_ =	swait.ge [sflag:s12], $0x80  }
0x6d: {  	[sflag:s12] =	ssyncset.done $0x0  }
0x6e: {  	[sflag:s12] =	ssyncadd.s32 $0xFFFFFF80  }
0x6f: {  	[spmem:s1] =	stream.indirect.scatter.add.f32 [tilespmem:s15], [sflag:$0x1], $0x1, s30, s14, $0xb8;
	[tilespmem:$0x1300] =	vst v63  }
0x70: {  	_ =	swait.ge [sflag:s12], $0x80  }
0x71: {  	[sflag:s12] =	ssyncset.done $0x0  }
0x72: {  	[sflag:s12] =	ssyncadd.s32 $0xFFFFFF80  }
0x73: {  	[spmem:s1] =	stream.indirect.scatter.add.f32 [tilespmem:s15], [sflag:$0x1], $0x1, s31, s14, $0xb8;
	[tilespmem:$0x1300] =	vst v63  }
0x74: {  	_ =	swait.ge [sflag:s12], $0x80  }
0x75: {  	[sflag:s12] =	ssyncset.done $0x0  }
0x76: {  	[sflag:s12] =	ssyncadd.s32 $0xFFFFFF80  }
0x77: {  	[spmem:s1] =	stream.indirect.scatter.add.f32 [tilespmem:s15], [sflag:$0x1], $0x1, s0, s14, $0xb8;
	[tilespmem:$0x1300] =	vst v63  }
0x78: {  	_ =	swait.ge [sflag:s12], $0x80  }
0x79: {  	s6 =	simm.s32 $0x200;
	s5 =	simm.s32 $0x100;
	[sflag:s12] =	ssyncset.done $0x0  }
.LBB2_6:
0x7a: {  	s2 =	sadd.s32 s5, s10  }
0x7b: {  	[sflag:s12] =	ssyncadd.s32 $0xFFFFFF80;
	s5 =	smov.u32 s6;
	s7 =	sadd.s32 $0x100, s6  }
0x7c: {  	[tilespmem:s13], [sflag:$0x1] =	stream.linear.gather [hbm4b:s2+s3], $0x800, $0x38;
	[tilespmem:$0x1300] =	vst v63  }
0x7d: {  	p1 =	sne.s32 s6, $0x400;
	_ =	swait.ge [sflag:s12], $0x800  }
0x7e: {  	[sflag:s12] =	ssyncset.done $0x0  }
0x7f: {  	[sflag:s12] =	ssyncadd.s32 $0xFFFFF800  }
0x80: {  	[spmem:s1] =	stream.indirect.scatter.add.f32 [tilespmem:s15], [sflag:$0x1], $0x1, s13, s14, $0xb8;
	[tilespmem:$0x1300] =	vst v63  }
0x81: {  	_ =	swait.ge [sflag:s12], $0x80  }
0x82: {  	[sflag:s12] =	ssyncset.done $0x0  }
0x83: {  	[sflag:s12] =	ssyncadd.s32 $0xFFFFFF80  }
0x84: {  	[spmem:s1] =	stream.indirect.scatter.add.f32 [tilespmem:s15], [sflag:$0x1], $0x1, s16, s14, $0xb8;
	[tilespmem:$0x1300] =	vst v63  }
0x85: {  	_ =	swait.ge [sflag:s12], $0x80  }
0x86: {  	[sflag:s12] =	ssyncset.done $0x0  }
0x87: {  	[sflag:s12] =	ssyncadd.s32 $0xFFFFFF80  }
0x88: {  	[spmem:s1] =	stream.indirect.scatter.add.f32 [tilespmem:s15], [sflag:$0x1], $0x1, s17, s14, $0xb8;
	[tilespmem:$0x1300] =	vst v63  }
0x89: {  	_ =	swait.ge [sflag:s12], $0x80  }
0x8a: {  	[sflag:s12] =	ssyncset.done $0x0  }
0x8b: {  	[sflag:s12] =	ssyncadd.s32 $0xFFFFFF80  }
0x8c: {  	[spmem:s1] =	stream.indirect.scatter.add.f32 [tilespmem:s15], [sflag:$0x1], $0x1, s18, s14, $0xb8;
	[tilespmem:$0x1300] =	vst v63  }
0x8d: {  	_ =	swait.ge [sflag:s12], $0x80  }
0x8e: {  	[sflag:s12] =	ssyncset.done $0x0  }
0x8f: {  	[sflag:s12] =	ssyncadd.s32 $0xFFFFFF80  }
0x90: {  	[spmem:s1] =	stream.indirect.scatter.add.f32 [tilespmem:s15], [sflag:$0x1], $0x1, s19, s14, $0xb8;
	[tilespmem:$0x1300] =	vst v63  }
0x91: {  	_ =	swait.ge [sflag:s12], $0x80  }
0x92: {  	[sflag:s12] =	ssyncset.done $0x0  }
0x93: {  	[sflag:s12] =	ssyncadd.s32 $0xFFFFFF80  }
0x94: {  	[spmem:s1] =	stream.indirect.scatter.add.f32 [tilespmem:s15], [sflag:$0x1], $0x1, s20, s14, $0xb8;
	[tilespmem:$0x1300] =	vst v63  }
0x95: {  	_ =	swait.ge [sflag:s12], $0x80  }
0x96: {  	[sflag:s12] =	ssyncset.done $0x0  }
0x97: {  	[sflag:s12] =	ssyncadd.s32 $0xFFFFFF80  }
0x98: {  	[spmem:s1] =	stream.indirect.scatter.add.f32 [tilespmem:s15], [sflag:$0x1], $0x1, s21, s14, $0xb8;
	[tilespmem:$0x1300] =	vst v63  }
0x99: {  	_ =	swait.ge [sflag:s12], $0x80  }
0x9a: {  	[sflag:s12] =	ssyncset.done $0x0  }
0x9b: {  	[sflag:s12] =	ssyncadd.s32 $0xFFFFFF80  }
0x9c: {  	[spmem:s1] =	stream.indirect.scatter.add.f32 [tilespmem:s15], [sflag:$0x1], $0x1, s22, s14, $0xb8;
	[tilespmem:$0x1300] =	vst v63  }
0x9d: {  	_ =	swait.ge [sflag:s12], $0x80  }
0x9e: {  	[sflag:s12] =	ssyncset.done $0x0  }
0x9f: {  	[sflag:s12] =	ssyncadd.s32 $0xFFFFFF80  }
0xa0: {  	[spmem:s1] =	stream.indirect.scatter.add.f32 [tilespmem:s15], [sflag:$0x1], $0x1, s23, s14, $0xb8;
	[tilespmem:$0x1300] =	vst v63  }
0xa1: {  	_ =	swait.ge [sflag:s12], $0x80  }
0xa2: {  	[sflag:s12] =	ssyncset.done $0x0  }
0xa3: {  	[sflag:s12] =	ssyncadd.s32 $0xFFFFFF80  }
0xa4: {  	[spmem:s1] =	stream.indirect.scatter.add.f32 [tilespmem:s15], [sflag:$0x1], $0x1, s24, s14, $0xb8;
	[tilespmem:$0x1300] =	vst v63  }
0xa5: {  	_ =	swait.ge [sflag:s12], $0x80  }
0xa6: {  	[sflag:s12] =	ssyncset.done $0x0  }
0xa7: {  	[sflag:s12] =	ssyncadd.s32 $0xFFFFFF80  }
0xa8: {  	[spmem:s1] =	stream.indirect.scatter.add.f32 [tilespmem:s15], [sflag:$0x1], $0x1, s26, s14, $0xb8;
	[tilespmem:$0x1300] =	vst v63  }
0xa9: {  	_ =	swait.ge [sflag:s12], $0x80  }
0xaa: {  	[sflag:s12] =	ssyncset.done $0x0  }
0xab: {  	[sflag:s12] =	ssyncadd.s32 $0xFFFFFF80  }
0xac: {  	[spmem:s1] =	stream.indirect.scatter.add.f32 [tilespmem:s15], [sflag:$0x1], $0x1, s28, s14, $0xb8;
	[tilespmem:$0x1300] =	vst v63  }
0xad: {  	_ =	swait.ge [sflag:s12], $0x80  }
0xae: {  	[sflag:s12] =	ssyncset.done $0x0  }
0xaf: {  	[sflag:s12] =	ssyncadd.s32 $0xFFFFFF80  }
0xb0: {  	[spmem:s1] =	stream.indirect.scatter.add.f32 [tilespmem:s15], [sflag:$0x1], $0x1, s29, s14, $0xb8;
	[tilespmem:$0x1300] =	vst v63  }
0xb1: {  	_ =	swait.ge [sflag:s12], $0x80  }
0xb2: {  	[sflag:s12] =	ssyncset.done $0x0  }
0xb3: {  	[sflag:s12] =	ssyncadd.s32 $0xFFFFFF80  }
0xb4: {  	[spmem:s1] =	stream.indirect.scatter.add.f32 [tilespmem:s15], [sflag:$0x1], $0x1, s30, s14, $0xb8;
	[tilespmem:$0x1300] =	vst v63  }
0xb5: {  	_ =	swait.ge [sflag:s12], $0x80  }
0xb6: {  	[sflag:s12] =	ssyncset.done $0x0  }
0xb7: {  	[sflag:s12] =	ssyncadd.s32 $0xFFFFFF80  }
0xb8: {  	[spmem:s1] =	stream.indirect.scatter.add.f32 [tilespmem:s15], [sflag:$0x1], $0x1, s31, s14, $0xb8;
	[tilespmem:$0x1300] =	vst v63  }
0xb9: {  	_ =	swait.ge [sflag:s12], $0x80  }
.Ltmp2:
0xba: {  	[sflag:s12] =	ssyncset.done $0x0;
	(pc) =	sbr.rel @p1 .LBB2_6-.Ltmp2, $4  }
0xbb: {  	[sflag:s12] =	ssyncadd.s32 $0xFFFFFF80  }
0xbc: {  	[spmem:s1] =	stream.indirect.scatter.add.f32 [tilespmem:s15], [sflag:$0x1], $0x1, s0, s14, $0xb8;
	[tilespmem:$0x1300] =	vst v63  }
0xbd: {  	_ =	swait.ge [sflag:s12], $0x80  }
0xbe: {  	s6 =	smov.u32 s7;
	[sflag:s12] =	ssyncset.done $0x0  }
0xbf: {  	s2 =	sadd.s32 s5, s10;
	[sflag:s12] =	ssyncadd.s32 $0xFFFFFF80  }
0xc0: {  	[tilespmem:s13], [sflag:$0x1] =	stream.linear.gather [hbm4b:s2+s3], $0x800, $0x38;
	[tilespmem:$0x1300] =	vst v63  }
0xc1: {  	_ =	swait.ge [sflag:s12], $0x800  }
0xc2: {  	[sflag:s12] =	ssyncset.done $0x0  }
0xc3: {  	[sflag:s12] =	ssyncadd.s32 $0xFFFFF800  }
0xc4: {  	[spmem:s1] =	stream.indirect.scatter.add.f32 [tilespmem:s15], [sflag:$0x1], $0x1, s13, s14, $0xb8;
	[tilespmem:$0x1300] =	vst v63  }
0xc5: {  	_ =	swait.ge [sflag:s12], $0x80  }
0xc6: {  	[sflag:s12] =	ssyncset.done $0x0  }
0xc7: {  	[sflag:s12] =	ssyncadd.s32 $0xFFFFFF80  }
0xc8: {  	[spmem:s1] =	stream.indirect.scatter.add.f32 [tilespmem:s15], [sflag:$0x1], $0x1, s16, s14, $0xb8;
	[tilespmem:$0x1300] =	vst v63  }
0xc9: {  	_ =	swait.ge [sflag:s12], $0x80  }
0xca: {  	[sflag:s12] =	ssyncset.done $0x0  }
0xcb: {  	[sflag:s12] =	ssyncadd.s32 $0xFFFFFF80  }
0xcc: {  	[spmem:s1] =	stream.indirect.scatter.add.f32 [tilespmem:s15], [sflag:$0x1], $0x1, s17, s14, $0xb8;
	[tilespmem:$0x1300] =	vst v63  }
0xcd: {  	_ =	swait.ge [sflag:s12], $0x80  }
0xce: {  	[sflag:s12] =	ssyncset.done $0x0  }
0xcf: {  	[sflag:s12] =	ssyncadd.s32 $0xFFFFFF80  }
0xd0: {  	[spmem:s1] =	stream.indirect.scatter.add.f32 [tilespmem:s15], [sflag:$0x1], $0x1, s18, s14, $0xb8;
	[tilespmem:$0x1300] =	vst v63  }
0xd1: {  	_ =	swait.ge [sflag:s12], $0x80  }
0xd2: {  	[sflag:s12] =	ssyncset.done $0x0  }
0xd3: {  	[sflag:s12] =	ssyncadd.s32 $0xFFFFFF80  }
0xd4: {  	[spmem:s1] =	stream.indirect.scatter.add.f32 [tilespmem:s15], [sflag:$0x1], $0x1, s19, s14, $0xb8;
	[tilespmem:$0x1300] =	vst v63  }
0xd5: {  	_ =	swait.ge [sflag:s12], $0x80  }
0xd6: {  	[sflag:s12] =	ssyncset.done $0x0  }
0xd7: {  	[sflag:s12] =	ssyncadd.s32 $0xFFFFFF80  }
0xd8: {  	[spmem:s1] =	stream.indirect.scatter.add.f32 [tilespmem:s15], [sflag:$0x1], $0x1, s20, s14, $0xb8;
	[tilespmem:$0x1300] =	vst v63  }
0xd9: {  	_ =	swait.ge [sflag:s12], $0x80  }
0xda: {  	[sflag:s12] =	ssyncset.done $0x0  }
0xdb: {  	[sflag:s12] =	ssyncadd.s32 $0xFFFFFF80  }
0xdc: {  	[spmem:s1] =	stream.indirect.scatter.add.f32 [tilespmem:s15], [sflag:$0x1], $0x1, s21, s14, $0xb8;
	[tilespmem:$0x1300] =	vst v63  }
0xdd: {  	_ =	swait.ge [sflag:s12], $0x80  }
0xde: {  	[sflag:s12] =	ssyncset.done $0x0  }
0xdf: {  	[sflag:s12] =	ssyncadd.s32 $0xFFFFFF80  }
0xe0: {  	[spmem:s1] =	stream.indirect.scatter.add.f32 [tilespmem:s15], [sflag:$0x1], $0x1, s22, s14, $0xb8;
	[tilespmem:$0x1300] =	vst v63  }
0xe1: {  	_ =	swait.ge [sflag:s12], $0x80  }
0xe2: {  	[sflag:s12] =	ssyncset.done $0x0  }
0xe3: {  	[sflag:s12] =	ssyncadd.s32 $0xFFFFFF80  }
0xe4: {  	[spmem:s1] =	stream.indirect.scatter.add.f32 [tilespmem:s15], [sflag:$0x1], $0x1, s23, s14, $0xb8;
	[tilespmem:$0x1300] =	vst v63  }
0xe5: {  	_ =	swait.ge [sflag:s12], $0x80  }
0xe6: {  	[sflag:s12] =	ssyncset.done $0x0  }
0xe7: {  	[sflag:s12] =	ssyncadd.s32 $0xFFFFFF80  }
0xe8: {  	[spmem:s1] =	stream.indirect.scatter.add.f32 [tilespmem:s15], [sflag:$0x1], $0x1, s24, s14, $0xb8;
	[tilespmem:$0x1300] =	vst v63  }
0xe9: {  	_ =	swait.ge [sflag:s12], $0x80  }
0xea: {  	[sflag:s12] =	ssyncset.done $0x0  }
0xeb: {  	[sflag:s12] =	ssyncadd.s32 $0xFFFFFF80  }
0xec: {  	[spmem:s1] =	stream.indirect.scatter.add.f32 [tilespmem:s15], [sflag:$0x1], $0x1, s26, s14, $0xb8;
	[tilespmem:$0x1300] =	vst v63  }
0xed: {  	_ =	swait.ge [sflag:s12], $0x80  }
0xee: {  	[sflag:s12] =	ssyncset.done $0x0  }
0xef: {  	[sflag:s12] =	ssyncadd.s32 $0xFFFFFF80  }
0xf0: {  	[spmem:s1] =	stream.indirect.scatter.add.f32 [tilespmem:s15], [sflag:$0x1], $0x1, s28, s14, $0xb8;
	[tilespmem:$0x1300] =	vst v63  }
0xf1: {  	_ =	swait.ge [sflag:s12], $0x80  }
0xf2: {  	[sflag:s12] =	ssyncset.done $0x0  }
0xf3: {  	[sflag:s12] =	ssyncadd.s32 $0xFFFFFF80  }
0xf4: {  	[spmem:s1] =	stream.indirect.scatter.add.f32 [tilespmem:s15], [sflag:$0x1], $0x1, s29, s14, $0xb8;
	[tilespmem:$0x1300] =	vst v63  }
0xf5: {  	_ =	swait.ge [sflag:s12], $0x80  }
0xf6: {  	[sflag:s12] =	ssyncset.done $0x0  }
0xf7: {  	[sflag:s12] =	ssyncadd.s32 $0xFFFFFF80  }
0xf8: {  	[spmem:s1] =	stream.indirect.scatter.add.f32 [tilespmem:s15], [sflag:$0x1], $0x1, s30, s14, $0xb8;
	[tilespmem:$0x1300] =	vst v63  }
0xf9: {  	_ =	swait.ge [sflag:s12], $0x80  }
0xfa: {  	[sflag:s12] =	ssyncset.done $0x0  }
0xfb: {  	[sflag:s12] =	ssyncadd.s32 $0xFFFFFF80  }
0xfc: {  	[spmem:s1] =	stream.indirect.scatter.add.f32 [tilespmem:s15], [sflag:$0x1], $0x1, s31, s14, $0xb8;
	[tilespmem:$0x1300] =	vst v63  }
0xfd: {  	_ =	swait.ge [sflag:s12], $0x80  }
0xfe: {  	[sflag:s12] =	ssyncset.done $0x0  }
0xff: {  	[sflag:s12] =	ssyncadd.s32 $0xFFFFFF80  }
0x100: {  	[spmem:s1] =	stream.indirect.scatter.add.f32 [tilespmem:s15], [sflag:$0x1], $0x1, s0, s14, $0xb8;
	[tilespmem:$0x1300] =	vst v63  }
0x101: {  	_ =	swait.ge [sflag:s12], $0x80  }
0x102: {  	s7 =	stileid.u32;
	s4 =	sadd.s32 $0x1, s4;
	[sflag:s12] =	ssyncset.done $0x0  }
0x103: {  	s2 =	sshll.u32 s7, $0x6;
	p1 =	sne.s32 s4, s9;
	[sflag:s12] =	ssyncadd.s32 $0xFFFFFF80  }
.Ltmp3:
0x104: {  	s2 =	sor.u32 $0x1C01, s2;
	[bflag:$0x0] =	sbarrier.arrive $0xFFFF;
	(pc) =	sbr.rel @p1 .LBB2_1-.Ltmp3, $4  }
0x105: {  	[hbm:s8], [sflag:s2] =	dma.local [spmem:s25], $0x50  }
0x106: {  	_ =	swait.ge [sflag:s12], $0x50  }
0x107: {  	[sflag:s12] =	ssyncset.done $0x0  }
0x108: {  	[sflag:s12] =	ssyncadd.s32 $0xFFFFFFB0  }
0x109: {  	_ =	sfence.sel $0x180000  }
0x10a: {  	[bflag:$0x0] =	sbarrier.arrive $0xFFFF  }
0x10b: {  	_ =	strace $0x90000047  }
0x10c: {  	[bflag:$0x2] =	sbarrier.arrive $0xFFFF  }
0x10d: {  	s0 =	rddreg [dreg:$0x2]  }
0x10e: {  	s0 =	sadd.s32 @!p0 $0x100000, s0  }
0x10f: {  	[sflag:s0] =	ssyncadd.tile.s32 @!p0 $0x1;
	_ =	shalt  }
.Lfunc_end2:
_tile_overlayer_lowered:
.L_overlay_start_2:
0x110: {  	(tag) =	ssettag $0x2  }
0x111: {  	s0 =	rddreg [dreg:$0x0];
	s2 =	stileid.u32  }
0x112: {  	s1 =	rddreg [dreg:$0x1];
	p0 =	sne.s32 s2, $0x0  }
0x113: {  	s3 =	rddreg [dreg:$0x2];
	[bflag:$0x3] =	sbarrier.arrive $0xFFFF;
	s2 =	simm.s32 @!p0 $0x1C01  }
0x114: {  	[timem:s3], [sflag:s2] =	dma.local @!p0 [hbm:s0], s1  }
0x115: {  	s0 =	simm.s32 @!p0 $0x1  }
0x116: {  	_ =	swait.ge @!p0 [sflag:s0], s1  }
0x117: {  	s1 =	ssub.s32 @!p0 $0x0, s1;
	[sflag:s0] =	ssyncset.done @!p0 $0x0  }
0x118: {  	[sflag:s0] =	ssyncadd.s32 @!p0 s1  }
0x119: {  	[bflag:$0x3] =	sbarrier.arrive $0xFFFF  }
0x11a: {  	_ =	shalt  }

</sc_bundles>
